<compile_context>
chip_gen: v7x
topology: tpu7x:2x2x1
jax: 0.10.2.dev20260603
libtpu: 0.0.44.dev20260713+nightly
codegen_flags: <defaults>
</compile_context>

<pallas_src>
import functools

import jax
import jax.numpy as jnp
from jax import lax
from jax.experimental import pallas as pl
from jax.experimental.pallas import tpu as pltpu
from jax.experimental.pallas import tpu_sc as plsc

N = 10000
E = 160000
F_IN = 256
H1 = 64
H2 = 128
C = 10
B = 64

NC = 2
NS = 16
NW = NC * NS
K = 128
EPW = 5120
CHUNKS = EPW // K
E_PAD = NW * EPW
N_PAD = 10240
RPT = N_PAD // NS
R = 1024
GRID = N_PAD // R


CPT = E_PAD // NS // K


def _make_sc_scatter(H, NB, NA=1, G=1, tc_tiling=False):
  Hh = H // NC
  SN = CPT // G
  mesh = plsc.VectorSubcoreMesh(core_axis_name="c", subcore_axis_name="s")

  @functools.partial(
      pl.kernel,
      out_type=jax.ShapeDtypeStruct((NC, NA, N_PAD, Hh), jnp.float32),
      mesh=mesh,
      scratch_types=[
          pltpu.VMEM((CPT, K), jnp.int32),
          pltpu.VMEM((CPT, K), jnp.int32),
          pltpu.VMEM((NB, K, Hh) if G == 1 else (NB, G, K, Hh),
                     jnp.float32),
          pltpu.VMEM_SHARED((NA, N_PAD, Hh), jnp.float32),
          pltpu.SemaphoreType.DMA,
          pltpu.SemaphoreType.DMA,
          pltpu.SemaphoreType.DMA,
      ],
      compiler_params=pltpu.CompilerParams(use_tc_tiling_on_sc=tc_tiling),
  )
  def scat(table_hbm, src_hbm, dst_hbm, zeros_hbm, out_hbm,
           src_v, dst_v, rows_v, acc_sh, gsem, ssem, psem):
    c = lax.axis_index("c")
    s = lax.axis_index("s")
    part = s % NA
    for a in range(NA):
      pltpu.async_copy(zeros_hbm.at[pl.ds(s * RPT, RPT)],
                       acc_sh.at[a, pl.ds(s * RPT, RPT)], psem)
    isrc = pltpu.async_copy(src_hbm.at[s], src_v, gsem)
    idst = pltpu.async_copy(dst_hbm.at[s], dst_v, gsem)

    def _idx(ref, j):
      return ref.at[j] if G == 1 else ref.at[pl.ds(j * G, G)]

    def g_start(j, b):
      pltpu.async_copy(table_hbm.at[c].at[_idx(src_v, j)],
                       rows_v.at[b], gsem)

    def g_wait(b):
      pltpu.make_async_copy(table_hbm.at[c].at[_idx(src_v, 0)],
                            rows_v.at[b], gsem).wait()

    def s_start(j, b):
      pltpu.async_copy(rows_v.at[b],
                       acc_sh.at[part].at[_idx(dst_v, j)],
                       ssem, add=True)

    def s_wait(b):
      pltpu.make_async_copy(rows_v.at[b],
                            acc_sh.at[part].at[_idx(dst_v, 0)],
                            ssem).wait()

    isrc.wait()
    idst.wait()
    for b in range(NB):
      g_start(b, b)
    for a in range(NA):
      pltpu.make_async_copy(
          zeros_hbm.at[pl.ds(s * RPT, RPT)],
          acc_sh.at[a, pl.ds(s * RPT, RPT)], psem).wait()
    plsc.subcore_barrier()

    @pl.loop(0, SN - NB, step=NB)
    def _group(i):
      for b in range(NB):
        g_wait(b)
        s_start(i + b, b)
      for b in range(NB):
        s_wait(b)
        g_start(i + NB + b, b)

    for b in range(NB):
      g_wait(b)
      s_start(SN - NB + b, b)
    for b in range(NB):
      s_wait(b)

    plsc.subcore_barrier()
    for a in range(NA):
      pltpu.sync_copy(acc_sh.at[a, pl.ds(s * RPT, RPT)],
                      out_hbm.at[c, a, pl.ds(s * RPT, RPT)])

  return scat


NA1 = 1
NA2 = 1
_sc_scatter_h1 = _make_sc_scatter(H1, 8, NA1, 1)


def _make_sc_scatter_full(H, NB):
  mesh = plsc.VectorSubcoreMesh(core_axis_name="c", subcore_axis_name="s")

  @functools.partial(
      pl.kernel,
      out_type=jax.ShapeDtypeStruct((NC, N_PAD, H), jnp.float32),
      mesh=mesh,
      scratch_types=[
          pltpu.VMEM((CHUNKS, K), jnp.int32),
          pltpu.VMEM((CHUNKS, K), jnp.int32),
          pltpu.VMEM((NB, K, H), jnp.float32),
          pltpu.VMEM_SHARED((N_PAD, H), jnp.float32),
          pltpu.SemaphoreType.DMA,
          pltpu.SemaphoreType.DMA,
          pltpu.SemaphoreType.DMA,
      ],
      compiler_params=pltpu.CompilerParams(use_tc_tiling_on_sc=True),
  )
  def scat(table_hbm, src_hbm, dst_hbm, zeros_hbm, out_hbm,
           src_v, dst_v, rows_v, acc_sh, gsem, ssem, psem):
    c = lax.axis_index("c")
    s = lax.axis_index("s")
    wid = s * NC + c
    pltpu.async_copy(zeros_hbm.at[pl.ds(s * RPT, RPT)],
                     acc_sh.at[pl.ds(s * RPT, RPT)], psem)
    isrc = pltpu.async_copy(src_hbm.at[wid], src_v, gsem)
    idst = pltpu.async_copy(dst_hbm.at[wid], dst_v, gsem)

    def g_start(j, b):
      pltpu.async_copy(table_hbm.at[src_v.at[j]], rows_v.at[b], gsem)

    def g_wait(b):
      pltpu.make_async_copy(table_hbm.at[src_v.at[0]], rows_v.at[b],
                            gsem).wait()

    def s_start(j, b):
      pltpu.async_copy(rows_v.at[b], acc_sh.at[dst_v.at[j]], ssem, add=True)

    def s_wait(b):
      pltpu.make_async_copy(rows_v.at[b], acc_sh.at[dst_v.at[0]],
                            ssem).wait()

    isrc.wait()
    idst.wait()
    for b in range(NB):
      g_start(b, b)
    pltpu.make_async_copy(zeros_hbm.at[pl.ds(s * RPT, RPT)],
                          acc_sh.at[pl.ds(s * RPT, RPT)], psem).wait()
    plsc.subcore_barrier()

    @pl.loop(0, CHUNKS - NB, step=NB)
    def _group(i):
      for b in range(NB):
        g_wait(b)
        s_start(i + b, b)
      for b in range(NB):
        s_wait(b)
        g_start(i + NB + b, b)

    for b in range(NB):
      g_wait(b)
      s_start(CHUNKS - NB + b, b)
    for b in range(NB):
      s_wait(b)

    plsc.subcore_barrier()
    pltpu.sync_copy(acc_sh.at[pl.ds(s * RPT, RPT)],
                    out_hbm.at[c, pl.ds(s * RPT, RPT)])

  return scat


_sc_scatter_h2 = _make_sc_scatter(H2, 5, NA2, 1)

DEGW = 16


def _make_sc_degree():
  mesh = plsc.VectorSubcoreMesh(core_axis_name="c", subcore_axis_name="s")

  @functools.partial(
      pl.kernel,
      out_type=jax.ShapeDtypeStruct((NC, N_PAD, DEGW), jnp.float32),
      mesh=mesh,
      scratch_types=[
          pltpu.VMEM((CHUNKS, K), jnp.int32),
          pltpu.VMEM((K, DEGW), jnp.float32),
          pltpu.VMEM_SHARED((N_PAD, DEGW), jnp.float32),
      ],
      compiler_params=pltpu.CompilerParams(use_tc_tiling_on_sc=False),
  )
  def deg(dst_hbm, ones_hbm, zeros_hbm, out_hbm, dst_v, ones_v, acc_sh):
    c = lax.axis_index("c")
    s = lax.axis_index("s")
    wid = s * NC + c
    pltpu.sync_copy(dst_hbm.at[wid], dst_v)
    pltpu.sync_copy(ones_hbm, ones_v)
    pltpu.sync_copy(zeros_hbm.at[pl.ds(s * RPT, RPT)],
                    acc_sh.at[pl.ds(s * RPT, RPT)])
    plsc.subcore_barrier()

    def body(j, carry):
      pltpu.sync_copy(ones_v, acc_sh.at[dst_v.at[j]], add=True)
      return carry

    lax.fori_loop(0, CHUNKS, body, 0)
    plsc.subcore_barrier()
    pltpu.sync_copy(acc_sh.at[pl.ds(s * RPT, RPT)],
                    out_hbm.at[c, pl.ds(s * RPT, RPT)])

  return deg


_sc_degree = _make_sc_degree()


HH1 = H1 // NC
HH2 = H2 // NC


def _split(y, hh, out_ref):
  out_ref[0] = y[:, :hh]
  out_ref[1] = y[:, hh:]


def _tc1_body(x_ref, w1_ref, d0_ref, d1_ref, y1_ref):
  dinv = lax.rsqrt(1.0 + d0_ref[...] + d1_ref[...])
  y1 = dinv * jnp.dot(x_ref[...], w1_ref[...],
                      preferred_element_type=jnp.float32)
  _split(y1, HH1, y1_ref)


def _tc1(x_p, W1, d0, d1):
  return pl.pallas_call(
      _tc1_body,
      grid=(GRID,),
      in_specs=[
          pl.BlockSpec((R, F_IN), lambda i: (i, 0)),
          pl.BlockSpec((F_IN, H1), lambda i: (0, 0)),
          pl.BlockSpec((R, 1), lambda i: (i, 0)),
          pl.BlockSpec((R, 1), lambda i: (i, 0)),
      ],
      out_specs=pl.BlockSpec((NC, R, HH1), lambda i: (0, i, 0)),
      out_shape=jax.ShapeDtypeStruct((NC, N_PAD, HH1), jnp.float32),
  )(x_p, W1, d0, d1)


def _tc2_body(p_ref, y1_ref, d0_ref, d1_ref, w2_ref, b1_ref, y2_ref):
  dinv = lax.rsqrt(1.0 + d0_ref[...] + d1_ref[...])
  pp = p_ref[...]
  t = y1_ref[...]
  for a in range(NA1):
    t = t + pp[:, a]
  h1 = jnp.maximum(
      dinv * jnp.concatenate([t[0], t[1]], axis=1) + b1_ref[...], 0.0)
  y2 = dinv * jnp.dot(h1, w2_ref[...], preferred_element_type=jnp.float32)
  _split(y2, HH2, y2_ref)


def _tc2(p, y1, d0, d1, W2, b1_2d):
  return pl.pallas_call(
      _tc2_body,
      grid=(GRID,),
      in_specs=[
          pl.BlockSpec((NC, NA1, R, HH1), lambda i: (0, 0, i, 0)),
          pl.BlockSpec((NC, R, HH1), lambda i: (0, i, 0)),
          pl.BlockSpec((R, 1), lambda i: (i, 0)),
          pl.BlockSpec((R, 1), lambda i: (i, 0)),
          pl.BlockSpec((H1, H2), lambda i: (0, 0)),
          pl.BlockSpec((1, H1), lambda i: (0, 0)),
      ],
      out_specs=pl.BlockSpec((NC, R, HH2), lambda i: (0, i, 0)),
      out_shape=jax.ShapeDtypeStruct((NC, N_PAD, HH2), jnp.float32),
  )(p, y1, d0, d1, W2, b1_2d)


def _tc3_body(q_ref, y2_ref, d0_ref, d1_ref, b2_ref, batch_ref,
              wfc_ref, bfc_ref, out_ref, acc_ref, cnt_ref):
  i = pl.program_id(0)

  @pl.when(i == 0)
  def _init():
    acc_ref[...] = jnp.zeros_like(acc_ref)
    cnt_ref[...] = jnp.zeros_like(cnt_ref)

  dinv = lax.rsqrt(1.0 + d0_ref[...] + d1_ref[...])
  qq = q_ref[...]
  t = y2_ref[...]
  for a in range(NA2):
    t = t + qq[:, a]
  h2 = jnp.maximum(
      dinv * jnp.concatenate([t[0], t[1]], axis=1) + b2_ref[...], 0.0)
  oh = (batch_ref[...] == lax.broadcasted_iota(jnp.int32, (R, B), 1)
        ).astype(jnp.float32)
  dn = (((0,), (0,)), ((), ()))
  acc_ref[...] += lax.dot_general(oh, h2, dn,
                                  preferred_element_type=jnp.float32)
  cnt_ref[...] += lax.dot_general(oh, jnp.ones((R, 1), jnp.float32), dn,
                                  preferred_element_type=jnp.float32)

  @pl.when(i == GRID - 1)
  def _finish():
    pooled = acc_ref[...] / jnp.maximum(cnt_ref[...], 1.0)
    logits = jnp.dot(pooled, wfc_ref[...],
                     preferred_element_type=jnp.float32) + bfc_ref[...]
    m = jnp.max(logits, axis=1, keepdims=True)
    sh = logits - m
    lse = jnp.log(jnp.sum(jnp.exp(sh), axis=1, keepdims=True))
    out_ref[...] = sh - lse


def _tc3(q, y2, d0, d1, b2_2d, batch_p, Wfc, bfc_2d):
  return pl.pallas_call(
      _tc3_body,
      grid=(GRID,),
      in_specs=[
          pl.BlockSpec((NC, NA2, R, HH2), lambda i: (0, 0, i, 0)),
          pl.BlockSpec((NC, R, HH2), lambda i: (0, i, 0)),
          pl.BlockSpec((R, 1), lambda i: (i, 0)),
          pl.BlockSpec((R, 1), lambda i: (i, 0)),
          pl.BlockSpec((1, H2), lambda i: (0, 0)),
          pl.BlockSpec((R, 1), lambda i: (i, 0)),
          pl.BlockSpec((H2, C), lambda i: (0, 0)),
          pl.BlockSpec((1, C), lambda i: (0, 0)),
      ],
      out_specs=pl.BlockSpec((B, C), lambda i: (0, 0)),
      out_shape=jax.ShapeDtypeStruct((B, C), jnp.float32),
      scratch_shapes=[
          pltpu.VMEM((B, H2), jnp.float32),
          pltpu.VMEM((B, 1), jnp.float32),
      ],
  )(q, y2, d0, d1, b2_2d, batch_p, Wfc, bfc_2d)


def kernel(x, edge_index, batch, W1, b1, W2, b2, Wfc, bfc):
  f32, i32 = jnp.float32, jnp.int32
  src = edge_index[0].astype(i32)
  dst = edge_index[1].astype(i32)
  pad_e = E_PAD - E
  src_p = jnp.concatenate([src, jnp.full((pad_e,), N, i32)]).reshape(
      NS, CPT, K)
  dst_p = jnp.concatenate([dst, jnp.full((pad_e,), N, i32)]).reshape(
      NS, CPT, K)
  src_w = src_p.reshape(NW, CHUNKS, K)
  dst_w = dst_p.reshape(NW, CHUNKS, K)
  x_p = jnp.concatenate([x.astype(f32),
                         jnp.zeros((N_PAD - N, F_IN), f32)], axis=0)
  batch_p = jnp.concatenate([batch.astype(i32),
                             jnp.full((N_PAD - N,), B, i32)]).reshape(
      N_PAD, 1)

  degp = _sc_degree(dst_w, jnp.ones((K, DEGW), f32),
                    jnp.zeros((N_PAD, DEGW), f32))
  d0, d1 = degp[0, :, :1], degp[1, :, :1]

  y1 = _tc1(x_p, W1.astype(f32), d0, d1)
  p = _sc_scatter_h1(y1, src_p, dst_p, jnp.zeros((N_PAD, HH1), f32))
  y2 = _tc2(p, y1, d0, d1, W2.astype(f32), b1.reshape(1, H1))
  q = _sc_scatter_h2(y2, src_p, dst_p, jnp.zeros((N_PAD, HH2), f32))
  return _tc3(q, y2, d0, d1, b2.reshape(1, H2), batch_p,
              Wfc.astype(f32), bfc.reshape(1, C))

# --- scband reference (transcript-rebuilt; emitter-appended) ---
"""Pipeline reference for scband-gcn-44324062494959 (READ-ONLY COPY).

The authoritative reference and input builder live on the scoring server;
editing this copy changes nothing except your own understanding.
"""

import jax, jax.numpy as jnp
import numpy as np

N = 10000
E = 160000
F_IN = 256
H1 = 64
H2 = 128
C = 10
B = 64


def setup_inputs(seed: int = 0) -> dict:
    key = jax.random.key(seed)
    ks = jax.random.split(key, 9)
    x = jax.random.normal(ks[0], (N, F_IN), dtype=jnp.float32)
    edge_index = jax.random.randint(ks[1], (2, E), 0, N, dtype=jnp.int64)
    batch = jnp.sort(jax.random.randint(ks[2], (N,), 0, B, dtype=jnp.int64))
    W1 = jax.random.normal(ks[3], (F_IN, H1), dtype=jnp.float32) * (1.0 / np.sqrt(F_IN))
    b1 = jnp.zeros((H1,), dtype=jnp.float32)
    W2 = jax.random.normal(ks[4], (H1, H2), dtype=jnp.float32) * (1.0 / np.sqrt(H1))
    b2 = jnp.zeros((H2,), dtype=jnp.float32)
    Wfc = jax.random.normal(ks[5], (H2, C), dtype=jnp.float32) * (1.0 / np.sqrt(H2))
    bfc = jnp.zeros((C,), dtype=jnp.float32)
    return {"x": x, "edge_index": edge_index, "batch": batch,
            "W1": W1, "b1": b1, "W2": W2, "b2": b2, "Wfc": Wfc, "bfc": bfc}


def _gcn_conv(x, edge_index, W, b, num_nodes):
    # GCNConv: D^{-1/2} (A + I) D^{-1/2} X W + b  with added self-loops
    loop = jnp.arange(num_nodes, dtype=edge_index.dtype)
    src = jnp.concatenate([edge_index[0], loop])
    dst = jnp.concatenate([edge_index[1], loop])
    deg = jnp.zeros((num_nodes,), dtype=x.dtype).at[dst].add(1.0)
    dinv = jnp.where(deg > 0, jax.lax.rsqrt(deg), 0.0)
    norm = dinv[src] * dinv[dst]
    xw = x @ W
    msg = xw[src] * norm[:, None]
    out = jnp.zeros((num_nodes, W.shape[1]), dtype=x.dtype).at[dst].add(msg)
    return out + b


def reference(x, edge_index, batch, W1, b1, W2, b2, Wfc, bfc):
    h = jax.nn.relu(_gcn_conv(x, edge_index, W1, b1, N))
    h = jax.nn.relu(_gcn_conv(h, edge_index, W2, b2, N))
    # global mean pool over graphs in the batch
    sums = jax.ops.segment_sum(h, batch, num_segments=B)
    counts = jax.ops.segment_sum(jnp.ones((N,), dtype=h.dtype), batch, num_segments=B)
    pooled = sums / jnp.clip(counts, 1.0)[:, None]
    logits = pooled @ Wfc + bfc
    return jax.nn.log_softmax(logits, axis=1)

if __name__ == "__main__":
    import jax
    _d = setup_inputs()
    print(jax.jit(kernel)(*tuple(_d.values())))

</pallas_src>

<mosaic_0001>
#map = affine_map<(d0, d1) -> (0, 0, 0)>
#map1 = affine_map<(d0, d1) -> (0, 0)>
#map2 = affine_map<(d0, d1) -> (0, 0, 0, 0)>
module attributes {stable_mosaic.version = 14 : i64} {
  func.func @scat(%arg0: i32, %arg1: i32, %arg2: memref<2x10240x32xf32, #tpu.memory_space<hbm>>, %arg3: memref<16x80x128xi32, #tpu.memory_space<hbm>>, %arg4: memref<16x80x128xi32, #tpu.memory_space<hbm>>, %arg5: memref<10240x32xf32, #tpu.memory_space<hbm>>, %arg6: memref<2x1x10240x32xf32, #tpu.memory_space<hbm>>, %arg7: memref<80x128xi32, #tpu.memory_space<vmem>>, %arg8: memref<80x128xi32, #tpu.memory_space<vmem>>, %arg9: memref<8x128x32xf32, #tpu.memory_space<vmem>>, %arg10: memref<1x10240x32xf32, #tpu.memory_space<vmem_shared>>, %arg11: memref<!tpu.dma_semaphore, #tpu.memory_space<semaphore_mem>>, %arg12: memref<!tpu.dma_semaphore, #tpu.memory_space<semaphore_mem>>, %arg13: memref<!tpu.dma_semaphore, #tpu.memory_space<semaphore_mem>>) attributes {dimension_semantics = [#tpu.dimension_semantics<core_parallel>, #tpu.dimension_semantics<subcore_parallel>], iteration_bounds = array<i64: 2, 16>, scalar_prefetch = 0 : i64, scratch_operands = 7 : i64, tpu.core_type = #tpu.core_type<sc_vector_subcore>, window_params = [{transform_indices = #map}, {transform_indices = #map}, {transform_indices = #map}, {transform_indices = #map1}, {transform_indices = #map2}]} {
    %jit3A = arith.constant 1 : i32
    %eq3A = arith.constant 0 : i32
    %eq3A_0 = arith.cmpi eq, %jit3A, %eq3A : i32
    %jit3A_1 = arith.constant 1 : i32
    %select_n3A = arith.select %eq3A_0, %jit3A_1, %jit3A : i32
    %rem3A = arith.remsi %arg1, %select_n3A : i32
    %ne3A = arith.constant 0 : i32
    %ne3A_2 = arith.cmpi ne, %rem3A, %ne3A : i32
    %lt3A = arith.constant 0 : i32
    %lt3A_3 = arith.cmpi slt, %rem3A, %lt3A : i32
    %lt3A_4 = arith.constant 0 : i32
    %lt3A_5 = arith.cmpi slt, %select_n3A, %lt3A_4 : i32
    %ne3A_6 = arith.xori %lt3A_3, %lt3A_5 : i1
    %and3A = arith.andi %ne3A_6, %ne3A_2 : i1
    %add3A = arith.addi %rem3A, %select_n3A : i32
    %select_n3A_7 = arith.select %and3A, %add3A, %rem3A : i32
    %mul3A = arith.constant 640 : i32
    %mul3A_8 = arith.muli %arg1, %mul3A : i32
    %mul3A_9 = arith.constant 640 : i32
    %mul3A_10 = arith.muli %arg1, %mul3A_9 : i32
    %dma_start3A = arith.constant 0 : i32
    %dma_start3A_11 = arith.constant 0 : i32
    %dma_start3A_12 = tpu.memref_slice %arg10[%dma_start3A, %mul3A_10, %dma_start3A_11] : memref<1x10240x32xf32, #tpu.memory_space<vmem_shared>> -> memref<1x640x32xf32, #tpu.memory_space<vmem_shared>>
    %dma_start3A_13 = tpu.memref_squeeze %dma_start3A_12 : memref<1x640x32xf32, #tpu.memory_space<vmem_shared>> -> memref<640x32xf32, #tpu.memory_space<vmem_shared>>
    %dma_start3A_14 = arith.constant 0 : i32
    %dma_start3A_15 = tpu.memref_slice %arg5[%mul3A_8, %dma_start3A_14] : memref<10240x32xf32, #tpu.memory_space<hbm>> -> memref<640x32xf32, #tpu.memory_space<hbm>>
    tpu.enqueue_dma source(%dma_start3A_15 : memref<640x32xf32, #tpu.memory_space<hbm>>) target(%dma_start3A_13 : memref<640x32xf32, #tpu.memory_space<vmem_shared>>) target_semaphore(%arg13 : memref<!tpu.dma_semaphore, #tpu.memory_space<semaphore_mem>>)
    %dma_start3A_16 = arith.constant 0 : i32
    %dma_start3A_17 = arith.constant 0 : i32
    %dma_start3A_18 = tpu.memref_slice %arg3[%arg1, %dma_start3A_16, %dma_start3A_17] : memref<16x80x128xi32, #tpu.memory_space<hbm>> -> memref<1x80x128xi32, #tpu.memory_space<hbm>>
    %dma_start3A_19 = tpu.memref_squeeze %dma_start3A_18 : memref<1x80x128xi32, #tpu.memory_space<hbm>> -> memref<80x128xi32, #tpu.memory_space<hbm>>
    %dma_start3A_20 = arith.constant 0 : i32
    %dma_start3A_21 = arith.constant 0 : i32
    %dma_start3A_22 = tpu.memref_slice %arg3[%arg1, %dma_start3A_20, %dma_start3A_21] : memref<16x80x128xi32, #tpu.memory_space<hbm>> -> memref<1x80x128xi32, #tpu.memory_space<hbm>>
    %dma_start3A_23 = tpu.memref_squeeze %dma_start3A_22 : memref<1x80x128xi32, #tpu.memory_space<hbm>> -> memref<80x128xi32, #tpu.memory_space<hbm>>
    tpu.enqueue_dma source(%dma_start3A_23 : memref<80x128xi32, #tpu.memory_space<hbm>>) target(%arg7 : memref<80x128xi32, #tpu.memory_space<vmem>>) target_semaphore(%arg11 : memref<!tpu.dma_semaphore, #tpu.memory_space<semaphore_mem>>)
    %dma_start3A_24 = arith.constant 0 : i32
    %dma_start3A_25 = arith.constant 0 : i32
    %dma_start3A_26 = tpu.memref_slice %arg4[%arg1, %dma_start3A_24, %dma_start3A_25] : memref<16x80x128xi32, #tpu.memory_space<hbm>> -> memref<1x80x128xi32, #tpu.memory_space<hbm>>
    %dma_start3A_27 = tpu.memref_squeeze %dma_start3A_26 : memref<1x80x128xi32, #tpu.memory_space<hbm>> -> memref<80x128xi32, #tpu.memory_space<hbm>>
    %dma_start3A_28 = arith.constant 0 : i32
    %dma_start3A_29 = arith.constant 0 : i32
    %dma_start3A_30 = tpu.memref_slice %arg4[%arg1, %dma_start3A_28, %dma_start3A_29] : memref<16x80x128xi32, #tpu.memory_space<hbm>> -> memref<1x80x128xi32, #tpu.memory_space<hbm>>
    %dma_start3A_31 = tpu.memref_squeeze %dma_start3A_30 : memref<1x80x128xi32, #tpu.memory_space<hbm>> -> memref<80x128xi32, #tpu.memory_space<hbm>>
    tpu.enqueue_dma source(%dma_start3A_31 : memref<80x128xi32, #tpu.memory_space<hbm>>) target(%arg8 : memref<80x128xi32, #tpu.memory_space<vmem>>) target_semaphore(%arg11 : memref<!tpu.dma_semaphore, #tpu.memory_space<semaphore_mem>>)
    %dma_wait3A = arith.constant 0 : i32
    %dma_wait3A_32 = arith.constant 0 : i32
    %dma_wait3A_33 = tpu.memref_slice %arg3[%arg1, %dma_wait3A, %dma_wait3A_32] : memref<16x80x128xi32, #tpu.memory_space<hbm>> -> memref<1x80x128xi32, #tpu.memory_space<hbm>>
    %dma_wait3A_34 = tpu.memref_squeeze %dma_wait3A_33 : memref<1x80x128xi32, #tpu.memory_space<hbm>> -> memref<80x128xi32, #tpu.memory_space<hbm>>
    %dma_wait3A_35 = arith.constant 0 : i32
    %dma_wait3A_36 = arith.constant 0 : i32
    %dma_wait3A_37 = tpu.memref_slice %arg3[%arg1, %dma_wait3A_35, %dma_wait3A_36] : memref<16x80x128xi32, #tpu.memory_space<hbm>> -> memref<1x80x128xi32, #tpu.memory_space<hbm>>
    %dma_wait3A_38 = tpu.memref_squeeze %dma_wait3A_37 : memref<1x80x128xi32, #tpu.memory_space<hbm>> -> memref<80x128xi32, #tpu.memory_space<hbm>>
    tpu.wait_dma2 semaphore(%arg11 : memref<!tpu.dma_semaphore, #tpu.memory_space<semaphore_mem>>) src(%dma_wait3A_38 : memref<80x128xi32, #tpu.memory_space<hbm>>) dst(%arg7 : memref<80x128xi32, #tpu.memory_space<vmem>>)
    %dma_wait3A_39 = arith.constant 0 : i32
    %dma_wait3A_40 = arith.constant 0 : i32
    %dma_wait3A_41 = tpu.memref_slice %arg4[%arg1, %dma_wait3A_39, %dma_wait3A_40] : memref<16x80x128xi32, #tpu.memory_space<hbm>> -> memref<1x80x128xi32, #tpu.memory_space<hbm>>
    %dma_wait3A_42 = tpu.memref_squeeze %dma_wait3A_41 : memref<1x80x128xi32, #tpu.memory_space<hbm>> -> memref<80x128xi32, #tpu.memory_space<hbm>>
    %dma_wait3A_43 = arith.constant 0 : i32
    %dma_wait3A_44 = arith.constant 0 : i32
    %dma_wait3A_45 = tpu.memref_slice %arg4[%arg1, %dma_wait3A_43, %dma_wait3A_44] : memref<16x80x128xi32, #tpu.memory_space<hbm>> -> memref<1x80x128xi32, #tpu.memory_space<hbm>>
    %dma_wait3A_46 = tpu.memref_squeeze %dma_wait3A_45 : memref<1x80x128xi32, #tpu.memory_space<hbm>> -> memref<80x128xi32, #tpu.memory_space<hbm>>
    tpu.wait_dma2 semaphore(%arg11 : memref<!tpu.dma_semaphore, #tpu.memory_space<semaphore_mem>>) src(%dma_wait3A_46 : memref<80x128xi32, #tpu.memory_space<hbm>>) dst(%arg8 : memref<80x128xi32, #tpu.memory_space<vmem>>)
    %dma_start3A_47 = arith.constant 0 : i32
    %dma_start3A_48 = arith.constant 0 : i32
    %dma_start3A_49 = arith.constant 0 : i32
    %dma_start3A_50 = arith.constant 0 : i32
    %dma_start3A_51 = tpu.memref_slice %arg9[%dma_start3A_48, %dma_start3A_49, %dma_start3A_50] : memref<8x128x32xf32, #tpu.memory_space<vmem>> -> memref<1x128x32xf32, #tpu.memory_space<vmem>>
    %dma_start3A_52 = tpu.memref_squeeze %dma_start3A_51 : memref<1x128x32xf32, #tpu.memory_space<vmem>> -> memref<128x32xf32, #tpu.memory_space<vmem>>
    %dma_start3A_53 = arith.constant 0 : i32
    %dma_start3A_54 = tpu.memref_slice %arg7[%dma_start3A_47, %dma_start3A_53] : memref<80x128xi32, #tpu.memory_space<vmem>> -> memref<1x128xi32, #tpu.memory_space<vmem>>
    %dma_start3A_55 = tpu.memref_squeeze %dma_start3A_54 : memref<1x128xi32, #tpu.memory_space<vmem>> -> memref<128xi32, #tpu.memory_space<vmem>>
    %dma_start3A_56 = arith.constant 0 : i32
    %dma_start3A_57 = arith.constant 0 : i32
    %dma_start3A_58 = tpu.memref_slice %arg2[%arg0, %dma_start3A_56, %dma_start3A_57] : memref<2x10240x32xf32, #tpu.memory_space<hbm>> -> memref<1x10240x32xf32, #tpu.memory_space<hbm>>
    %dma_start3A_59 = tpu.memref_squeeze %dma_start3A_58 : memref<1x10240x32xf32, #tpu.memory_space<hbm>> -> memref<10240x32xf32, #tpu.memory_space<hbm>>
    %dma_start3A_60 = arith.constant 0 : i32
    %dma_start3A_61 = arith.constant 0 : i32
    %dma_start3A_62 = tpu.memref_slice %dma_start3A_59[%dma_start3A_60, %dma_start3A_61] : memref<10240x32xf32, #tpu.memory_space<hbm>> -> memref<10240x32xf32, #tpu.memory_space<hbm>>
    tpu.enqueue_indirect_dma source(%dma_start3A_62 : memref<10240x32xf32, #tpu.memory_space<hbm>>) target(%dma_start3A_52 : memref<128x32xf32, #tpu.memory_space<vmem>>) offsets(%dma_start3A_55 : memref<128xi32, #tpu.memory_space<vmem>>) semaphore(%arg11 : memref<!tpu.dma_semaphore, #tpu.memory_space<semaphore_mem>>)
    %dma_start3A_63 = arith.constant 1 : i32
    %dma_start3A_64 = arith.constant 1 : i32
    %dma_start3A_65 = arith.constant 0 : i32
    %dma_start3A_66 = arith.constant 0 : i32
    %dma_start3A_67 = tpu.memref_slice %arg9[%dma_start3A_64, %dma_start3A_65, %dma_start3A_66] : memref<8x128x32xf32, #tpu.memory_space<vmem>> -> memref<1x128x32xf32, #tpu.memory_space<vmem>>
    %dma_start3A_68 = tpu.memref_squeeze %dma_start3A_67 : memref<1x128x32xf32, #tpu.memory_space<vmem>> -> memref<128x32xf32, #tpu.memory_space<vmem>>
    %dma_start3A_69 = arith.constant 0 : i32
    %dma_start3A_70 = tpu.memref_slice %arg7[%dma_start3A_63, %dma_start3A_69] : memref<80x128xi32, #tpu.memory_space<vmem>> -> memref<1x128xi32, #tpu.memory_space<vmem>>
    %dma_start3A_71 = tpu.memref_squeeze %dma_start3A_70 : memref<1x128xi32, #tpu.memory_space<vmem>> -> memref<128xi32, #tpu.memory_space<vmem>>
    %dma_start3A_72 = arith.constant 0 : i32
    %dma_start3A_73 = arith.constant 0 : i32
    %dma_start3A_74 = tpu.memref_slice %arg2[%arg0, %dma_start3A_72, %dma_start3A_73] : memref<2x10240x32xf32, #tpu.memory_space<hbm>> -> memref<1x10240x32xf32, #tpu.memory_space<hbm>>
    %dma_start3A_75 = tpu.memref_squeeze %dma_start3A_74 : memref<1x10240x32xf32, #tpu.memory_space<hbm>> -> memref<10240x32xf32, #tpu.memory_space<hbm>>
    %dma_start3A_76 = arith.constant 0 : i32
    %dma_start3A_77 = arith.constant 0 : i32
    %dma_start3A_78 = tpu.memref_slice %dma_start3A_75[%dma_start3A_76, %dma_start3A_77] : memref<10240x32xf32, #tpu.memory_space<hbm>> -> memref<10240x32xf32, #tpu.memory_space<hbm>>
    tpu.enqueue_indirect_dma source(%dma_start3A_78 : memref<10240x32xf32, #tpu.memory_space<hbm>>) target(%dma_start3A_68 : memref<128x32xf32, #tpu.memory_space<vmem>>) offsets(%dma_start3A_71 : memref<128xi32, #tpu.memory_space<vmem>>) semaphore(%arg11 : memref<!tpu.dma_semaphore, #tpu.memory_space<semaphore_mem>>)
    %dma_start3A_79 = arith.constant 2 : i32
    %dma_start3A_80 = arith.constant 2 : i32
    %dma_start3A_81 = arith.constant 0 : i32
    %dma_start3A_82 = arith.constant 0 : i32
    %dma_start3A_83 = tpu.memref_slice %arg9[%dma_start3A_80, %dma_start3A_81, %dma_start3A_82] : memref<8x128x32xf32, #tpu.memory_space<vmem>> -> memref<1x128x32xf32, #tpu.memory_space<vmem>>
    %dma_start3A_84 = tpu.memref_squeeze %dma_start3A_83 : memref<1x128x32xf32, #tpu.memory_space<vmem>> -> memref<128x32xf32, #tpu.memory_space<vmem>>
    %dma_start3A_85 = arith.constant 0 : i32
    %dma_start3A_86 = tpu.memref_slice %arg7[%dma_start3A_79, %dma_start3A_85] : memref<80x128xi32, #tpu.memory_space<vmem>> -> memref<1x128xi32, #tpu.memory_space<vmem>>
    %dma_start3A_87 = tpu.memref_squeeze %dma_start3A_86 : memref<1x128xi32, #tpu.memory_space<vmem>> -> memref<128xi32, #tpu.memory_space<vmem>>
    %dma_start3A_88 = arith.constant 0 : i32
    %dma_start3A_89 = arith.constant 0 : i32
    %dma_start3A_90 = tpu.memref_slice %arg2[%arg0, %dma_start3A_88, %dma_start3A_89] : memref<2x10240x32xf32, #tpu.memory_space<hbm>> -> memref<1x10240x32xf32, #tpu.memory_space<hbm>>
    %dma_start3A_91 = tpu.memref_squeeze %dma_start3A_90 : memref<1x10240x32xf32, #tpu.memory_space<hbm>> -> memref<10240x32xf32, #tpu.memory_space<hbm>>
    %dma_start3A_92 = arith.constant 0 : i32
    %dma_start3A_93 = arith.constant 0 : i32
    %dma_start3A_94 = tpu.memref_slice %dma_start3A_91[%dma_start3A_92, %dma_start3A_93] : memref<10240x32xf32, #tpu.memory_space<hbm>> -> memref<10240x32xf32, #tpu.memory_space<hbm>>
    tpu.enqueue_indirect_dma source(%dma_start3A_94 : memref<10240x32xf32, #tpu.memory_space<hbm>>) target(%dma_start3A_84 : memref<128x32xf32, #tpu.memory_space<vmem>>) offsets(%dma_start3A_87 : memref<128xi32, #tpu.memory_space<vmem>>) semaphore(%arg11 : memref<!tpu.dma_semaphore, #tpu.memory_space<semaphore_mem>>)
    %dma_start3A_95 = arith.constant 3 : i32
    %dma_start3A_96 = arith.constant 3 : i32
    %dma_start3A_97 = arith.constant 0 : i32
    %dma_start3A_98 = arith.constant 0 : i32
    %dma_start3A_99 = tpu.memref_slice %arg9[%dma_start3A_96, %dma_start3A_97, %dma_start3A_98] : memref<8x128x32xf32, #tpu.memory_space<vmem>> -> memref<1x128x32xf32, #tpu.memory_space<vmem>>
    %dma_start3A_100 = tpu.memref_squeeze %dma_start3A_99 : memref<1x128x32xf32, #tpu.memory_space<vmem>> -> memref<128x32xf32, #tpu.memory_space<vmem>>
    %dma_start3A_101 = arith.constant 0 : i32
    %dma_start3A_102 = tpu.memref_slice %arg7[%dma_start3A_95, %dma_start3A_101] : memref<80x128xi32, #tpu.memory_space<vmem>> -> memref<1x128xi32, #tpu.memory_space<vmem>>
    %dma_start3A_103 = tpu.memref_squeeze %dma_start3A_102 : memref<1x128xi32, #tpu.memory_space<vmem>> -> memref<128xi32, #tpu.memory_space<vmem>>
    %dma_start3A_104 = arith.constant 0 : i32
    %dma_start3A_105 = arith.constant 0 : i32
    %dma_start3A_106 = tpu.memref_slice %arg2[%arg0, %dma_start3A_104, %dma_start3A_105] : memref<2x10240x32xf32, #tpu.memory_space<hbm>> -> memref<1x10240x32xf32, #tpu.memory_space<hbm>>
    %dma_start3A_107 = tpu.memref_squeeze %dma_start3A_106 : memref<1x10240x32xf32, #tpu.memory_space<hbm>> -> memref<10240x32xf32, #tpu.memory_space<hbm>>
    %dma_start3A_108 = arith.constant 0 : i32
    %dma_start3A_109 = arith.constant 0 : i32
    %dma_start3A_110 = tpu.memref_slice %dma_start3A_107[%dma_start3A_108, %dma_start3A_109] : memref<10240x32xf32, #tpu.memory_space<hbm>> -> memref<10240x32xf32, #tpu.memory_space<hbm>>
    tpu.enqueue_indirect_dma source(%dma_start3A_110 : memref<10240x32xf32, #tpu.memory_space<hbm>>) target(%dma_start3A_100 : memref<128x32xf32, #tpu.memory_space<vmem>>) offsets(%dma_start3A_103 : memref<128xi32, #tpu.memory_space<vmem>>) semaphore(%arg11 : memref<!tpu.dma_semaphore, #tpu.memory_space<semaphore_mem>>)
    %dma_start3A_111 = arith.constant 4 : i32
    %dma_start3A_112 = arith.constant 4 : i32
    %dma_start3A_113 = arith.constant 0 : i32
    %dma_start3A_114 = arith.constant 0 : i32
    %dma_start3A_115 = tpu.memref_slice %arg9[%dma_start3A_112, %dma_start3A_113, %dma_start3A_114] : memref<8x128x32xf32, #tpu.memory_space<vmem>> -> memref<1x128x32xf32, #tpu.memory_space<vmem>>
    %dma_start3A_116 = tpu.memref_squeeze %dma_start3A_115 : memref<1x128x32xf32, #tpu.memory_space<vmem>> -> memref<128x32xf32, #tpu.memory_space<vmem>>
    %dma_start3A_117 = arith.constant 0 : i32
    %dma_start3A_118 = tpu.memref_slice %arg7[%dma_start3A_111, %dma_start3A_117] : memref<80x128xi32, #tpu.memory_space<vmem>> -> memref<1x128xi32, #tpu.memory_space<vmem>>
    %dma_start3A_119 = tpu.memref_squeeze %dma_start3A_118 : memref<1x128xi32, #tpu.memory_space<vmem>> -> memref<128xi32, #tpu.memory_space<vmem>>
    %dma_start3A_120 = arith.constant 0 : i32
    %dma_start3A_121 = arith.constant 0 : i32
    %dma_start3A_122 = tpu.memref_slice %arg2[%arg0, %dma_start3A_120, %dma_start3A_121] : memref<2x10240x32xf32, #tpu.memory_space<hbm>> -> memref<1x10240x32xf32, #tpu.memory_space<hbm>>
    %dma_start3A_123 = tpu.memref_squeeze %dma_start3A_122 : memref<1x10240x32xf32, #tpu.memory_space<hbm>> -> memref<10240x32xf32, #tpu.memory_space<hbm>>
    %dma_start3A_124 = arith.constant 0 : i32
    %dma_start3A_125 = arith.constant 0 : i32
    %dma_start3A_126 = tpu.memref_slice %dma_start3A_123[%dma_start3A_124, %dma_start3A_125] : memref<10240x32xf32, #tpu.memory_space<hbm>> -> memref<10240x32xf32, #tpu.memory_space<hbm>>
    tpu.enqueue_indirect_dma source(%dma_start3A_126 : memref<10240x32xf32, #tpu.memory_space<hbm>>) target(%dma_start3A_116 : memref<128x32xf32, #tpu.memory_space<vmem>>) offsets(%dma_start3A_119 : memref<128xi32, #tpu.memory_space<vmem>>) semaphore(%arg11 : memref<!tpu.dma_semaphore, #tpu.memory_space<semaphore_mem>>)
    %dma_start3A_127 = arith.constant 5 : i32
    %dma_start3A_128 = arith.constant 5 : i32
    %dma_start3A_129 = arith.constant 0 : i32
    %dma_start3A_130 = arith.constant 0 : i32
    %dma_start3A_131 = tpu.memref_slice %arg9[%dma_start3A_128, %dma_start3A_129, %dma_start3A_130] : memref<8x128x32xf32, #tpu.memory_space<vmem>> -> memref<1x128x32xf32, #tpu.memory_space<vmem>>
    %dma_start3A_132 = tpu.memref_squeeze %dma_start3A_131 : memref<1x128x32xf32, #tpu.memory_space<vmem>> -> memref<128x32xf32, #tpu.memory_space<vmem>>
    %dma_start3A_133 = arith.constant 0 : i32
    %dma_start3A_134 = tpu.memref_slice %arg7[%dma_start3A_127, %dma_start3A_133] : memref<80x128xi32, #tpu.memory_space<vmem>> -> memref<1x128xi32, #tpu.memory_space<vmem>>
    %dma_start3A_135 = tpu.memref_squeeze %dma_start3A_134 : memref<1x128xi32, #tpu.memory_space<vmem>> -> memref<128xi32, #tpu.memory_space<vmem>>
    %dma_start3A_136 = arith.constant 0 : i32
    %dma_start3A_137 = arith.constant 0 : i32
    %dma_start3A_138 = tpu.memref_slice %arg2[%arg0, %dma_start3A_136, %dma_start3A_137] : memref<2x10240x32xf32, #tpu.memory_space<hbm>> -> memref<1x10240x32xf32, #tpu.memory_space<hbm>>
    %dma_start3A_139 = tpu.memref_squeeze %dma_start3A_138 : memref<1x10240x32xf32, #tpu.memory_space<hbm>> -> memref<10240x32xf32, #tpu.memory_space<hbm>>
    %dma_start3A_140 = arith.constant 0 : i32
    %dma_start3A_141 = arith.constant 0 : i32
    %dma_start3A_142 = tpu.memref_slice %dma_start3A_139[%dma_start3A_140, %dma_start3A_141] : memref<10240x32xf32, #tpu.memory_space<hbm>> -> memref<10240x32xf32, #tpu.memory_space<hbm>>
    tpu.enqueue_indirect_dma source(%dma_start3A_142 : memref<10240x32xf32, #tpu.memory_space<hbm>>) target(%dma_start3A_132 : memref<128x32xf32, #tpu.memory_space<vmem>>) offsets(%dma_start3A_135 : memref<128xi32, #tpu.memory_space<vmem>>) semaphore(%arg11 : memref<!tpu.dma_semaphore, #tpu.memory_space<semaphore_mem>>)
    %dma_start3A_143 = arith.constant 6 : i32
    %dma_start3A_144 = arith.constant 6 : i32
    %dma_start3A_145 = arith.constant 0 : i32
    %dma_start3A_146 = arith.constant 0 : i32
    %dma_start3A_147 = tpu.memref_slice %arg9[%dma_start3A_144, %dma_start3A_145, %dma_start3A_146] : memref<8x128x32xf32, #tpu.memory_space<vmem>> -> memref<1x128x32xf32, #tpu.memory_space<vmem>>
    %dma_start3A_148 = tpu.memref_squeeze %dma_start3A_147 : memref<1x128x32xf32, #tpu.memory_space<vmem>> -> memref<128x32xf32, #tpu.memory_space<vmem>>
    %dma_start3A_149 = arith.constant 0 : i32
    %dma_start3A_150 = tpu.memref_slice %arg7[%dma_start3A_143, %dma_start3A_149] : memref<80x128xi32, #tpu.memory_space<vmem>> -> memref<1x128xi32, #tpu.memory_space<vmem>>
    %dma_start3A_151 = tpu.memref_squeeze %dma_start3A_150 : memref<1x128xi32, #tpu.memory_space<vmem>> -> memref<128xi32, #tpu.memory_space<vmem>>
    %dma_start3A_152 = arith.constant 0 : i32
    %dma_start3A_153 = arith.constant 0 : i32
    %dma_start3A_154 = tpu.memref_slice %arg2[%arg0, %dma_start3A_152, %dma_start3A_153] : memref<2x10240x32xf32, #tpu.memory_space<hbm>> -> memref<1x10240x32xf32, #tpu.memory_space<hbm>>
    %dma_start3A_155 = tpu.memref_squeeze %dma_start3A_154 : memref<1x10240x32xf32, #tpu.memory_space<hbm>> -> memref<10240x32xf32, #tpu.memory_space<hbm>>
    %dma_start3A_156 = arith.constant 0 : i32
    %dma_start3A_157 = arith.constant 0 : i32
    %dma_start3A_158 = tpu.memref_slice %dma_start3A_155[%dma_start3A_156, %dma_start3A_157] : memref<10240x32xf32, #tpu.memory_space<hbm>> -> memref<10240x32xf32, #tpu.memory_space<hbm>>
    tpu.enqueue_indirect_dma source(%dma_start3A_158 : memref<10240x32xf32, #tpu.memory_space<hbm>>) target(%dma_start3A_148 : memref<128x32xf32, #tpu.memory_space<vmem>>) offsets(%dma_start3A_151 : memref<128xi32, #tpu.memory_space<vmem>>) semaphore(%arg11 : memref<!tpu.dma_semaphore, #tpu.memory_space<semaphore_mem>>)
    %dma_start3A_159 = arith.constant 7 : i32
    %dma_start3A_160 = arith.constant 7 : i32
    %dma_start3A_161 = arith.constant 0 : i32
    %dma_start3A_162 = arith.constant 0 : i32
    %dma_start3A_163 = tpu.memref_slice %arg9[%dma_start3A_160, %dma_start3A_161, %dma_start3A_162] : memref<8x128x32xf32, #tpu.memory_space<vmem>> -> memref<1x128x32xf32, #tpu.memory_space<vmem>>
    %dma_start3A_164 = tpu.memref_squeeze %dma_start3A_163 : memref<1x128x32xf32, #tpu.memory_space<vmem>> -> memref<128x32xf32, #tpu.memory_space<vmem>>
    %dma_start3A_165 = arith.constant 0 : i32
    %dma_start3A_166 = tpu.memref_slice %arg7[%dma_start3A_159, %dma_start3A_165] : memref<80x128xi32, #tpu.memory_space<vmem>> -> memref<1x128xi32, #tpu.memory_space<vmem>>
    %dma_start3A_167 = tpu.memref_squeeze %dma_start3A_166 : memref<1x128xi32, #tpu.memory_space<vmem>> -> memref<128xi32, #tpu.memory_space<vmem>>
    %dma_start3A_168 = arith.constant 0 : i32
    %dma_start3A_169 = arith.constant 0 : i32
    %dma_start3A_170 = tpu.memref_slice %arg2[%arg0, %dma_start3A_168, %dma_start3A_169] : memref<2x10240x32xf32, #tpu.memory_space<hbm>> -> memref<1x10240x32xf32, #tpu.memory_space<hbm>>
    %dma_start3A_171 = tpu.memref_squeeze %dma_start3A_170 : memref<1x10240x32xf32, #tpu.memory_space<hbm>> -> memref<10240x32xf32, #tpu.memory_space<hbm>>
    %dma_start3A_172 = arith.constant 0 : i32
    %dma_start3A_173 = arith.constant 0 : i32
    %dma_start3A_174 = tpu.memref_slice %dma_start3A_171[%dma_start3A_172, %dma_start3A_173] : memref<10240x32xf32, #tpu.memory_space<hbm>> -> memref<10240x32xf32, #tpu.memory_space<hbm>>
    tpu.enqueue_indirect_dma source(%dma_start3A_174 : memref<10240x32xf32, #tpu.memory_space<hbm>>) target(%dma_start3A_164 : memref<128x32xf32, #tpu.memory_space<vmem>>) offsets(%dma_start3A_167 : memref<128xi32, #tpu.memory_space<vmem>>) semaphore(%arg11 : memref<!tpu.dma_semaphore, #tpu.memory_space<semaphore_mem>>)
    %mul3A_175 = arith.constant 640 : i32
    %mul3A_176 = arith.muli %arg1, %mul3A_175 : i32
    %mul3A_177 = arith.constant 640 : i32
    %mul3A_178 = arith.muli %arg1, %mul3A_177 : i32
    %dma_wait3A_179 = arith.constant 0 : i32
    %dma_wait3A_180 = arith.constant 0 : i32
    %dma_wait3A_181 = tpu.memref_slice %arg10[%dma_wait3A_179, %mul3A_178, %dma_wait3A_180] : memref<1x10240x32xf32, #tpu.memory_space<vmem_shared>> -> memref<1x640x32xf32, #tpu.memory_space<vmem_shared>>
    %dma_wait3A_182 = tpu.memref_squeeze %dma_wait3A_181 : memref<1x640x32xf32, #tpu.memory_space<vmem_shared>> -> memref<640x32xf32, #tpu.memory_space<vmem_shared>>
    %dma_wait3A_183 = arith.constant 0 : i32
    %dma_wait3A_184 = tpu.memref_slice %arg5[%mul3A_176, %dma_wait3A_183] : memref<10240x32xf32, #tpu.memory_space<hbm>> -> memref<640x32xf32, #tpu.memory_space<hbm>>
    tpu.wait_dma2 semaphore(%arg13 : memref<!tpu.dma_semaphore, #tpu.memory_space<semaphore_mem>>) src(%dma_wait3A_184 : memref<640x32xf32, #tpu.memory_space<hbm>>) dst(%dma_wait3A_182 : memref<640x32xf32, #tpu.memory_space<vmem_shared>>)
    %barrier3A = arith.constant 0 : index
    tpu.barrier barrier_id(%barrier3A)
    %scan3A = arith.constant 0 : i32
    %scan3A_185 = arith.constant 9 : i32
    %scan3A_186 = arith.addi %scan3A, %scan3A_185 : i32
    %scan3A_187 = arith.constant 1 : i32
    scf.for %scan3A_579 = %scan3A to %scan3A_186 step %scan3A_187  : i32 {
      %mul3A_580 = arith.constant 8 : i32
      %mul3A_581 = arith.muli %scan3A_579, %mul3A_580 : i32
      %add3A_582 = arith.constant 0 : i32
      %add3A_583 = arith.addi %add3A_582, %mul3A_581 : i32
      %dma_wait3A_584 = arith.constant 0 : i32
      %dma_wait3A_585 = arith.constant 0 : i32
      %dma_wait3A_586 = arith.constant 0 : i32
      %dma_wait3A_587 = arith.constant 0 : i32
      %dma_wait3A_588 = tpu.memref_slice %arg9[%dma_wait3A_585, %dma_wait3A_586, %dma_wait3A_587] : memref<8x128x32xf32, #tpu.memory_space<vmem>> -> memref<1x128x32xf32, #tpu.memory_space<vmem>>
      %dma_wait3A_589 = tpu.memref_squeeze %dma_wait3A_588 : memref<1x128x32xf32, #tpu.memory_space<vmem>> -> memref<128x32xf32, #tpu.memory_space<vmem>>
      %dma_wait3A_590 = arith.constant 0 : i32
      %dma_wait3A_591 = tpu.memref_slice %arg7[%dma_wait3A_584, %dma_wait3A_590] : memref<80x128xi32, #tpu.memory_space<vmem>> -> memref<1x128xi32, #tpu.memory_space<vmem>>
      %dma_wait3A_592 = tpu.memref_squeeze %dma_wait3A_591 : memref<1x128xi32, #tpu.memory_space<vmem>> -> memref<128xi32, #tpu.memory_space<vmem>>
      %dma_wait3A_593 = arith.constant 0 : i32
      %dma_wait3A_594 = arith.constant 0 : i32
      %dma_wait3A_595 = tpu.memref_slice %arg2[%arg0, %dma_wait3A_593, %dma_wait3A_594] : memref<2x10240x32xf32, #tpu.memory_space<hbm>> -> memref<1x10240x32xf32, #tpu.memory_space<hbm>>
      %dma_wait3A_596 = tpu.memref_squeeze %dma_wait3A_595 : memref<1x10240x32xf32, #tpu.memory_space<hbm>> -> memref<10240x32xf32, #tpu.memory_space<hbm>>
      %dma_wait3A_597 = arith.constant 0 : i32
      %dma_wait3A_598 = arith.constant 0 : i32
      %dma_wait3A_599 = tpu.memref_slice %dma_wait3A_596[%dma_wait3A_597, %dma_wait3A_598] : memref<10240x32xf32, #tpu.memory_space<hbm>> -> memref<10240x32xf32, #tpu.memory_space<hbm>>
      tpu.wait_indirect_dma semaphore(%arg11 : memref<!tpu.dma_semaphore, #tpu.memory_space<semaphore_mem>>) src(%dma_wait3A_599 : memref<10240x32xf32, #tpu.memory_space<hbm>>) dst(%dma_wait3A_589 : memref<128x32xf32, #tpu.memory_space<vmem>>)
      %add3A_600 = arith.constant 0 : i32
      %add3A_601 = arith.addi %add3A_583, %add3A_600 : i32
      %dma_start3A_602 = arith.constant 0 : i32
      %dma_start3A_603 = arith.constant 0 : i32
      %dma_start3A_604 = arith.constant 0 : i32
      %dma_start3A_605 = tpu.memref_slice %arg9[%dma_start3A_602, %dma_start3A_603, %dma_start3A_604] : memref<8x128x32xf32, #tpu.memory_space<vmem>> -> memref<1x128x32xf32, #tpu.memory_space<vmem>>
      %dma_start3A_606 = tpu.memref_squeeze %dma_start3A_605 : memref<1x128x32xf32, #tpu.memory_space<vmem>> -> memref<128x32xf32, #tpu.memory_space<vmem>>
      %dma_start3A_607 = arith.constant 0 : i32
      %dma_start3A_608 = tpu.memref_slice %arg8[%add3A_601, %dma_start3A_607] : memref<80x128xi32, #tpu.memory_space<vmem>> -> memref<1x128xi32, #tpu.memory_space<vmem>>
      %dma_start3A_609 = tpu.memref_squeeze %dma_start3A_608 : memref<1x128xi32, #tpu.memory_space<vmem>> -> memref<128xi32, #tpu.memory_space<vmem>>
      %dma_start3A_610 = arith.constant 0 : i32
      %dma_start3A_611 = arith.constant 0 : i32
      %dma_start3A_612 = tpu.memref_slice %arg10[%select_n3A_7, %dma_start3A_610, %dma_start3A_611] : memref<1x10240x32xf32, #tpu.memory_space<vmem_shared>> -> memref<1x10240x32xf32, #tpu.memory_space<vmem_shared>>
      %dma_start3A_613 = tpu.memref_squeeze %dma_start3A_612 : memref<1x10240x32xf32, #tpu.memory_space<vmem_shared>> -> memref<10240x32xf32, #tpu.memory_space<vmem_shared>>
      %dma_start3A_614 = arith.constant 0 : i32
      %dma_start3A_615 = arith.constant 0 : i32
      %dma_start3A_616 = tpu.memref_slice %dma_start3A_613[%dma_start3A_614, %dma_start3A_615] : memref<10240x32xf32, #tpu.memory_space<vmem_shared>> -> memref<10240x32xf32, #tpu.memory_space<vmem_shared>>
      tpu.enqueue_indirect_dma source(%dma_start3A_606 : memref<128x32xf32, #tpu.memory_space<vmem>>) target(%dma_start3A_616 : memref<10240x32xf32, #tpu.memory_space<vmem_shared>>) offsets(%dma_start3A_609 : memref<128xi32, #tpu.memory_space<vmem>>) semaphore(%arg12 : memref<!tpu.dma_semaphore, #tpu.memory_space<semaphore_mem>>) {add = true}
      %dma_wait3A_617 = arith.constant 0 : i32
      %dma_wait3A_618 = arith.constant 1 : i32
      %dma_wait3A_619 = arith.constant 0 : i32
      %dma_wait3A_620 = arith.constant 0 : i32
      %dma_wait3A_621 = tpu.memref_slice %arg9[%dma_wait3A_618, %dma_wait3A_619, %dma_wait3A_620] : memref<8x128x32xf32, #tpu.memory_space<vmem>> -> memref<1x128x32xf32, #tpu.memory_space<vmem>>
      %dma_wait3A_622 = tpu.memref_squeeze %dma_wait3A_621 : memref<1x128x32xf32, #tpu.memory_space<vmem>> -> memref<128x32xf32, #tpu.memory_space<vmem>>
      %dma_wait3A_623 = arith.constant 0 : i32
      %dma_wait3A_624 = tpu.memref_slice %arg7[%dma_wait3A_617, %dma_wait3A_623] : memref<80x128xi32, #tpu.memory_space<vmem>> -> memref<1x128xi32, #tpu.memory_space<vmem>>
      %dma_wait3A_625 = tpu.memref_squeeze %dma_wait3A_624 : memref<1x128xi32, #tpu.memory_space<vmem>> -> memref<128xi32, #tpu.memory_space<vmem>>
      %dma_wait3A_626 = arith.constant 0 : i32
      %dma_wait3A_627 = arith.constant 0 : i32
      %dma_wait3A_628 = tpu.memref_slice %arg2[%arg0, %dma_wait3A_626, %dma_wait3A_627] : memref<2x10240x32xf32, #tpu.memory_space<hbm>> -> memref<1x10240x32xf32, #tpu.memory_space<hbm>>
      %dma_wait3A_629 = tpu.memref_squeeze %dma_wait3A_628 : memref<1x10240x32xf32, #tpu.memory_space<hbm>> -> memref<10240x32xf32, #tpu.memory_space<hbm>>
      %dma_wait3A_630 = arith.constant 0 : i32
      %dma_wait3A_631 = arith.constant 0 : i32
      %dma_wait3A_632 = tpu.memref_slice %dma_wait3A_629[%dma_wait3A_630, %dma_wait3A_631] : memref<10240x32xf32, #tpu.memory_space<hbm>> -> memref<10240x32xf32, #tpu.memory_space<hbm>>
      tpu.wait_indirect_dma semaphore(%arg11 : memref<!tpu.dma_semaphore, #tpu.memory_space<semaphore_mem>>) src(%dma_wait3A_632 : memref<10240x32xf32, #tpu.memory_space<hbm>>) dst(%dma_wait3A_622 : memref<128x32xf32, #tpu.memory_space<vmem>>)
      %add3A_633 = arith.constant 1 : i32
      %add3A_634 = arith.addi %add3A_583, %add3A_633 : i32
      %dma_start3A_635 = arith.constant 1 : i32
      %dma_start3A_636 = arith.constant 0 : i32
      %dma_start3A_637 = arith.constant 0 : i32
      %dma_start3A_638 = tpu.memref_slice %arg9[%dma_start3A_635, %dma_start3A_636, %dma_start3A_637] : memref<8x128x32xf32, #tpu.memory_space<vmem>> -> memref<1x128x32xf32, #tpu.memory_space<vmem>>
      %dma_start3A_639 = tpu.memref_squeeze %dma_start3A_638 : memref<1x128x32xf32, #tpu.memory_space<vmem>> -> memref<128x32xf32, #tpu.memory_space<vmem>>
      %dma_start3A_640 = arith.constant 0 : i32
      %dma_start3A_641 = tpu.memref_slice %arg8[%add3A_634, %dma_start3A_640] : memref<80x128xi32, #tpu.memory_space<vmem>> -> memref<1x128xi32, #tpu.memory_space<vmem>>
      %dma_start3A_642 = tpu.memref_squeeze %dma_start3A_641 : memref<1x128xi32, #tpu.memory_space<vmem>> -> memref<128xi32, #tpu.memory_space<vmem>>
      %dma_start3A_643 = arith.constant 0 : i32
      %dma_start3A_644 = arith.constant 0 : i32
      %dma_start3A_645 = tpu.memref_slice %arg10[%select_n3A_7, %dma_start3A_643, %dma_start3A_644] : memref<1x10240x32xf32, #tpu.memory_space<vmem_shared>> -> memref<1x10240x32xf32, #tpu.memory_space<vmem_shared>>
      %dma_start3A_646 = tpu.memref_squeeze %dma_start3A_645 : memref<1x10240x32xf32, #tpu.memory_space<vmem_shared>> -> memref<10240x32xf32, #tpu.memory_space<vmem_shared>>
      %dma_start3A_647 = arith.constant 0 : i32
      %dma_start3A_648 = arith.constant 0 : i32
      %dma_start3A_649 = tpu.memref_slice %dma_start3A_646[%dma_start3A_647, %dma_start3A_648] : memref<10240x32xf32, #tpu.memory_space<vmem_shared>> -> memref<10240x32xf32, #tpu.memory_space<vmem_shared>>
      tpu.enqueue_indirect_dma source(%dma_start3A_639 : memref<128x32xf32, #tpu.memory_space<vmem>>) target(%dma_start3A_649 : memref<10240x32xf32, #tpu.memory_space<vmem_shared>>) offsets(%dma_start3A_642 : memref<128xi32, #tpu.memory_space<vmem>>) semaphore(%arg12 : memref<!tpu.dma_semaphore, #tpu.memory_space<semaphore_mem>>) {add = true}
      %dma_wait3A_650 = arith.constant 0 : i32
      %dma_wait3A_651 = arith.constant 2 : i32
      %dma_wait3A_652 = arith.constant 0 : i32
      %dma_wait3A_653 = arith.constant 0 : i32
      %dma_wait3A_654 = tpu.memref_slice %arg9[%dma_wait3A_651, %dma_wait3A_652, %dma_wait3A_653] : memref<8x128x32xf32, #tpu.memory_space<vmem>> -> memref<1x128x32xf32, #tpu.memory_space<vmem>>
      %dma_wait3A_655 = tpu.memref_squeeze %dma_wait3A_654 : memref<1x128x32xf32, #tpu.memory_space<vmem>> -> memref<128x32xf32, #tpu.memory_space<vmem>>
      %dma_wait3A_656 = arith.constant 0 : i32
      %dma_wait3A_657 = tpu.memref_slice %arg7[%dma_wait3A_650, %dma_wait3A_656] : memref<80x128xi32, #tpu.memory_space<vmem>> -> memref<1x128xi32, #tpu.memory_space<vmem>>
      %dma_wait3A_658 = tpu.memref_squeeze %dma_wait3A_657 : memref<1x128xi32, #tpu.memory_space<vmem>> -> memref<128xi32, #tpu.memory_space<vmem>>
      %dma_wait3A_659 = arith.constant 0 : i32
      %dma_wait3A_660 = arith.constant 0 : i32
      %dma_wait3A_661 = tpu.memref_slice %arg2[%arg0, %dma_wait3A_659, %dma_wait3A_660] : memref<2x10240x32xf32, #tpu.memory_space<hbm>> -> memref<1x10240x32xf32, #tpu.memory_space<hbm>>
      %dma_wait3A_662 = tpu.memref_squeeze %dma_wait3A_661 : memref<1x10240x32xf32, #tpu.memory_space<hbm>> -> memref<10240x32xf32, #tpu.memory_space<hbm>>
      %dma_wait3A_663 = arith.constant 0 : i32
      %dma_wait3A_664 = arith.constant 0 : i32
      %dma_wait3A_665 = tpu.memref_slice %dma_wait3A_662[%dma_wait3A_663, %dma_wait3A_664] : memref<10240x32xf32, #tpu.memory_space<hbm>> -> memref<10240x32xf32, #tpu.memory_space<hbm>>
      tpu.wait_indirect_dma semaphore(%arg11 : memref<!tpu.dma_semaphore, #tpu.memory_space<semaphore_mem>>) src(%dma_wait3A_665 : memref<10240x32xf32, #tpu.memory_space<hbm>>) dst(%dma_wait3A_655 : memref<128x32xf32, #tpu.memory_space<vmem>>)
      %add3A_666 = arith.constant 2 : i32
      %add3A_667 = arith.addi %add3A_583, %add3A_666 : i32
      %dma_start3A_668 = arith.constant 2 : i32
      %dma_start3A_669 = arith.constant 0 : i32
      %dma_start3A_670 = arith.constant 0 : i32
      %dma_start3A_671 = tpu.memref_slice %arg9[%dma_start3A_668, %dma_start3A_669, %dma_start3A_670] : memref<8x128x32xf32, #tpu.memory_space<vmem>> -> memref<1x128x32xf32, #tpu.memory_space<vmem>>
      %dma_start3A_672 = tpu.memref_squeeze %dma_start3A_671 : memref<1x128x32xf32, #tpu.memory_space<vmem>> -> memref<128x32xf32, #tpu.memory_space<vmem>>
      %dma_start3A_673 = arith.constant 0 : i32
      %dma_start3A_674 = tpu.memref_slice %arg8[%add3A_667, %dma_start3A_673] : memref<80x128xi32, #tpu.memory_space<vmem>> -> memref<1x128xi32, #tpu.memory_space<vmem>>
      %dma_start3A_675 = tpu.memref_squeeze %dma_start3A_674 : memref<1x128xi32, #tpu.memory_space<vmem>> -> memref<128xi32, #tpu.memory_space<vmem>>
      %dma_start3A_676 = arith.constant 0 : i32
      %dma_start3A_677 = arith.constant 0 : i32
      %dma_start3A_678 = tpu.memref_slice %arg10[%select_n3A_7, %dma_start3A_676, %dma_start3A_677] : memref<1x10240x32xf32, #tpu.memory_space<vmem_shared>> -> memref<1x10240x32xf32, #tpu.memory_space<vmem_shared>>
      %dma_start3A_679 = tpu.memref_squeeze %dma_start3A_678 : memref<1x10240x32xf32, #tpu.memory_space<vmem_shared>> -> memref<10240x32xf32, #tpu.memory_space<vmem_shared>>
      %dma_start3A_680 = arith.constant 0 : i32
      %dma_start3A_681 = arith.constant 0 : i32
      %dma_start3A_682 = tpu.memref_slice %dma_start3A_679[%dma_start3A_680, %dma_start3A_681] : memref<10240x32xf32, #tpu.memory_space<vmem_shared>> -> memref<10240x32xf32, #tpu.memory_space<vmem_shared>>
      tpu.enqueue_indirect_dma source(%dma_start3A_672 : memref<128x32xf32, #tpu.memory_space<vmem>>) target(%dma_start3A_682 : memref<10240x32xf32, #tpu.memory_space<vmem_shared>>) offsets(%dma_start3A_675 : memref<128xi32, #tpu.memory_space<vmem>>) semaphore(%arg12 : memref<!tpu.dma_semaphore, #tpu.memory_space<semaphore_mem>>) {add = true}
      %dma_wait3A_683 = arith.constant 0 : i32
      %dma_wait3A_684 = arith.constant 3 : i32
      %dma_wait3A_685 = arith.constant 0 : i32
      %dma_wait3A_686 = arith.constant 0 : i32
      %dma_wait3A_687 = tpu.memref_slice %arg9[%dma_wait3A_684, %dma_wait3A_685, %dma_wait3A_686] : memref<8x128x32xf32, #tpu.memory_space<vmem>> -> memref<1x128x32xf32, #tpu.memory_space<vmem>>
      %dma_wait3A_688 = tpu.memref_squeeze %dma_wait3A_687 : memref<1x128x32xf32, #tpu.memory_space<vmem>> -> memref<128x32xf32, #tpu.memory_space<vmem>>
      %dma_wait3A_689 = arith.constant 0 : i32
      %dma_wait3A_690 = tpu.memref_slice %arg7[%dma_wait3A_683, %dma_wait3A_689] : memref<80x128xi32, #tpu.memory_space<vmem>> -> memref<1x128xi32, #tpu.memory_space<vmem>>
      %dma_wait3A_691 = tpu.memref_squeeze %dma_wait3A_690 : memref<1x128xi32, #tpu.memory_space<vmem>> -> memref<128xi32, #tpu.memory_space<vmem>>
      %dma_wait3A_692 = arith.constant 0 : i32
      %dma_wait3A_693 = arith.constant 0 : i32
      %dma_wait3A_694 = tpu.memref_slice %arg2[%arg0, %dma_wait3A_692, %dma_wait3A_693] : memref<2x10240x32xf32, #tpu.memory_space<hbm>> -> memref<1x10240x32xf32, #tpu.memory_space<hbm>>
      %dma_wait3A_695 = tpu.memref_squeeze %dma_wait3A_694 : memref<1x10240x32xf32, #tpu.memory_space<hbm>> -> memref<10240x32xf32, #tpu.memory_space<hbm>>
      %dma_wait3A_696 = arith.constant 0 : i32
      %dma_wait3A_697 = arith.constant 0 : i32
      %dma_wait3A_698 = tpu.memref_slice %dma_wait3A_695[%dma_wait3A_696, %dma_wait3A_697] : memref<10240x32xf32, #tpu.memory_space<hbm>> -> memref<10240x32xf32, #tpu.memory_space<hbm>>
      tpu.wait_indirect_dma semaphore(%arg11 : memref<!tpu.dma_semaphore, #tpu.memory_space<semaphore_mem>>) src(%dma_wait3A_698 : memref<10240x32xf32, #tpu.memory_space<hbm>>) dst(%dma_wait3A_688 : memref<128x32xf32, #tpu.memory_space<vmem>>)
      %add3A_699 = arith.constant 3 : i32
      %add3A_700 = arith.addi %add3A_583, %add3A_699 : i32
      %dma_start3A_701 = arith.constant 3 : i32
      %dma_start3A_702 = arith.constant 0 : i32
      %dma_start3A_703 = arith.constant 0 : i32
      %dma_start3A_704 = tpu.memref_slice %arg9[%dma_start3A_701, %dma_start3A_702, %dma_start3A_703] : memref<8x128x32xf32, #tpu.memory_space<vmem>> -> memref<1x128x32xf32, #tpu.memory_space<vmem>>
      %dma_start3A_705 = tpu.memref_squeeze %dma_start3A_704 : memref<1x128x32xf32, #tpu.memory_space<vmem>> -> memref<128x32xf32, #tpu.memory_space<vmem>>
      %dma_start3A_706 = arith.constant 0 : i32
      %dma_start3A_707 = tpu.memref_slice %arg8[%add3A_700, %dma_start3A_706] : memref<80x128xi32, #tpu.memory_space<vmem>> -> memref<1x128xi32, #tpu.memory_space<vmem>>
      %dma_start3A_708 = tpu.memref_squeeze %dma_start3A_707 : memref<1x128xi32, #tpu.memory_space<vmem>> -> memref<128xi32, #tpu.memory_space<vmem>>
      %dma_start3A_709 = arith.constant 0 : i32
      %dma_start3A_710 = arith.constant 0 : i32
      %dma_start3A_711 = tpu.memref_slice %arg10[%select_n3A_7, %dma_start3A_709, %dma_start3A_710] : memref<1x10240x32xf32, #tpu.memory_space<vmem_shared>> -> memref<1x10240x32xf32, #tpu.memory_space<vmem_shared>>
      %dma_start3A_712 = tpu.memref_squeeze %dma_start3A_711 : memref<1x10240x32xf32, #tpu.memory_space<vmem_shared>> -> memref<10240x32xf32, #tpu.memory_space<vmem_shared>>
      %dma_start3A_713 = arith.constant 0 : i32
      %dma_start3A_714 = arith.constant 0 : i32
      %dma_start3A_715 = tpu.memref_slice %dma_start3A_712[%dma_start3A_713, %dma_start3A_714] : memref<10240x32xf32, #tpu.memory_space<vmem_shared>> -> memref<10240x32xf32, #tpu.memory_space<vmem_shared>>
      tpu.enqueue_indirect_dma source(%dma_start3A_705 : memref<128x32xf32, #tpu.memory_space<vmem>>) target(%dma_start3A_715 : memref<10240x32xf32, #tpu.memory_space<vmem_shared>>) offsets(%dma_start3A_708 : memref<128xi32, #tpu.memory_space<vmem>>) semaphore(%arg12 : memref<!tpu.dma_semaphore, #tpu.memory_space<semaphore_mem>>) {add = true}
      %dma_wait3A_716 = arith.constant 0 : i32
      %dma_wait3A_717 = arith.constant 4 : i32
      %dma_wait3A_718 = arith.constant 0 : i32
      %dma_wait3A_719 = arith.constant 0 : i32
      %dma_wait3A_720 = tpu.memref_slice %arg9[%dma_wait3A_717, %dma_wait3A_718, %dma_wait3A_719] : memref<8x128x32xf32, #tpu.memory_space<vmem>> -> memref<1x128x32xf32, #tpu.memory_space<vmem>>
      %dma_wait3A_721 = tpu.memref_squeeze %dma_wait3A_720 : memref<1x128x32xf32, #tpu.memory_space<vmem>> -> memref<128x32xf32, #tpu.memory_space<vmem>>
      %dma_wait3A_722 = arith.constant 0 : i32
      %dma_wait3A_723 = tpu.memref_slice %arg7[%dma_wait3A_716, %dma_wait3A_722] : memref<80x128xi32, #tpu.memory_space<vmem>> -> memref<1x128xi32, #tpu.memory_space<vmem>>
      %dma_wait3A_724 = tpu.memref_squeeze %dma_wait3A_723 : memref<1x128xi32, #tpu.memory_space<vmem>> -> memref<128xi32, #tpu.memory_space<vmem>>
      %dma_wait3A_725 = arith.constant 0 : i32
      %dma_wait3A_726 = arith.constant 0 : i32
      %dma_wait3A_727 = tpu.memref_slice %arg2[%arg0, %dma_wait3A_725, %dma_wait3A_726] : memref<2x10240x32xf32, #tpu.memory_space<hbm>> -> memref<1x10240x32xf32, #tpu.memory_space<hbm>>
      %dma_wait3A_728 = tpu.memref_squeeze %dma_wait3A_727 : memref<1x10240x32xf32, #tpu.memory_space<hbm>> -> memref<10240x32xf32, #tpu.memory_space<hbm>>
      %dma_wait3A_729 = arith.constant 0 : i32
      %dma_wait3A_730 = arith.constant 0 : i32
      %dma_wait3A_731 = tpu.memref_slice %dma_wait3A_728[%dma_wait3A_729, %dma_wait3A_730] : memref<10240x32xf32, #tpu.memory_space<hbm>> -> memref<10240x32xf32, #tpu.memory_space<hbm>>
      tpu.wait_indirect_dma semaphore(%arg11 : memref<!tpu.dma_semaphore, #tpu.memory_space<semaphore_mem>>) src(%dma_wait3A_731 : memref<10240x32xf32, #tpu.memory_space<hbm>>) dst(%dma_wait3A_721 : memref<128x32xf32, #tpu.memory_space<vmem>>)
      %add3A_732 = arith.constant 4 : i32
      %add3A_733 = arith.addi %add3A_583, %add3A_732 : i32
      %dma_start3A_734 = arith.constant 4 : i32
      %dma_start3A_735 = arith.constant 0 : i32
      %dma_start3A_736 = arith.constant 0 : i32
      %dma_start3A_737 = tpu.memref_slice %arg9[%dma_start3A_734, %dma_start3A_735, %dma_start3A_736] : memref<8x128x32xf32, #tpu.memory_space<vmem>> -> memref<1x128x32xf32, #tpu.memory_space<vmem>>
      %dma_start3A_738 = tpu.memref_squeeze %dma_start3A_737 : memref<1x128x32xf32, #tpu.memory_space<vmem>> -> memref<128x32xf32, #tpu.memory_space<vmem>>
      %dma_start3A_739 = arith.constant 0 : i32
      %dma_start3A_740 = tpu.memref_slice %arg8[%add3A_733, %dma_start3A_739] : memref<80x128xi32, #tpu.memory_space<vmem>> -> memref<1x128xi32, #tpu.memory_space<vmem>>
      %dma_start3A_741 = tpu.memref_squeeze %dma_start3A_740 : memref<1x128xi32, #tpu.memory_space<vmem>> -> memref<128xi32, #tpu.memory_space<vmem>>
      %dma_start3A_742 = arith.constant 0 : i32
      %dma_start3A_743 = arith.constant 0 : i32
      %dma_start3A_744 = tpu.memref_slice %arg10[%select_n3A_7, %dma_start3A_742, %dma_start3A_743] : memref<1x10240x32xf32, #tpu.memory_space<vmem_shared>> -> memref<1x10240x32xf32, #tpu.memory_space<vmem_shared>>
      %dma_start3A_745 = tpu.memref_squeeze %dma_start3A_744 : memref<1x10240x32xf32, #tpu.memory_space<vmem_shared>> -> memref<10240x32xf32, #tpu.memory_space<vmem_shared>>
      %dma_start3A_746 = arith.constant 0 : i32
      %dma_start3A_747 = arith.constant 0 : i32
      %dma_start3A_748 = tpu.memref_slice %dma_start3A_745[%dma_start3A_746, %dma_start3A_747] : memref<10240x32xf32, #tpu.memory_space<vmem_shared>> -> memref<10240x32xf32, #tpu.memory_space<vmem_shared>>
      tpu.enqueue_indirect_dma source(%dma_start3A_738 : memref<128x32xf32, #tpu.memory_space<vmem>>) target(%dma_start3A_748 : memref<10240x32xf32, #tpu.memory_space<vmem_shared>>) offsets(%dma_start3A_741 : memref<128xi32, #tpu.memory_space<vmem>>) semaphore(%arg12 : memref<!tpu.dma_semaphore, #tpu.memory_space<semaphore_mem>>) {add = true}
      %dma_wait3A_749 = arith.constant 0 : i32
      %dma_wait3A_750 = arith.constant 5 : i32
      %dma_wait3A_751 = arith.constant 0 : i32
      %dma_wait3A_752 = arith.constant 0 : i32
      %dma_wait3A_753 = tpu.memref_slice %arg9[%dma_wait3A_750, %dma_wait3A_751, %dma_wait3A_752] : memref<8x128x32xf32, #tpu.memory_space<vmem>> -> memref<1x128x32xf32, #tpu.memory_space<vmem>>
      %dma_wait3A_754 = tpu.memref_squeeze %dma_wait3A_753 : memref<1x128x32xf32, #tpu.memory_space<vmem>> -> memref<128x32xf32, #tpu.memory_space<vmem>>
      %dma_wait3A_755 = arith.constant 0 : i32
      %dma_wait3A_756 = tpu.memref_slice %arg7[%dma_wait3A_749, %dma_wait3A_755] : memref<80x128xi32, #tpu.memory_space<vmem>> -> memref<1x128xi32, #tpu.memory_space<vmem>>
      %dma_wait3A_757 = tpu.memref_squeeze %dma_wait3A_756 : memref<1x128xi32, #tpu.memory_space<vmem>> -> memref<128xi32, #tpu.memory_space<vmem>>
      %dma_wait3A_758 = arith.constant 0 : i32
      %dma_wait3A_759 = arith.constant 0 : i32
      %dma_wait3A_760 = tpu.memref_slice %arg2[%arg0, %dma_wait3A_758, %dma_wait3A_759] : memref<2x10240x32xf32, #tpu.memory_space<hbm>> -> memref<1x10240x32xf32, #tpu.memory_space<hbm>>
      %dma_wait3A_761 = tpu.memref_squeeze %dma_wait3A_760 : memref<1x10240x32xf32, #tpu.memory_space<hbm>> -> memref<10240x32xf32, #tpu.memory_space<hbm>>
      %dma_wait3A_762 = arith.constant 0 : i32
      %dma_wait3A_763 = arith.constant 0 : i32
      %dma_wait3A_764 = tpu.memref_slice %dma_wait3A_761[%dma_wait3A_762, %dma_wait3A_763] : memref<10240x32xf32, #tpu.memory_space<hbm>> -> memref<10240x32xf32, #tpu.memory_space<hbm>>
      tpu.wait_indirect_dma semaphore(%arg11 : memref<!tpu.dma_semaphore, #tpu.memory_space<semaphore_mem>>) src(%dma_wait3A_764 : memref<10240x32xf32, #tpu.memory_space<hbm>>) dst(%dma_wait3A_754 : memref<128x32xf32, #tpu.memory_space<vmem>>)
      %add3A_765 = arith.constant 5 : i32
      %add3A_766 = arith.addi %add3A_583, %add3A_765 : i32
      %dma_start3A_767 = arith.constant 5 : i32
      %dma_start3A_768 = arith.constant 0 : i32
      %dma_start3A_769 = arith.constant 0 : i32
      %dma_start3A_770 = tpu.memref_slice %arg9[%dma_start3A_767, %dma_start3A_768, %dma_start3A_769] : memref<8x128x32xf32, #tpu.memory_space<vmem>> -> memref<1x128x32xf32, #tpu.memory_space<vmem>>
      %dma_start3A_771 = tpu.memref_squeeze %dma_start3A_770 : memref<1x128x32xf32, #tpu.memory_space<vmem>> -> memref<128x32xf32, #tpu.memory_space<vmem>>
      %dma_start3A_772 = arith.constant 0 : i32
      %dma_start3A_773 = tpu.memref_slice %arg8[%add3A_766, %dma_start3A_772] : memref<80x128xi32, #tpu.memory_space<vmem>> -> memref<1x128xi32, #tpu.memory_space<vmem>>
      %dma_start3A_774 = tpu.memref_squeeze %dma_start3A_773 : memref<1x128xi32, #tpu.memory_space<vmem>> -> memref<128xi32, #tpu.memory_space<vmem>>
      %dma_start3A_775 = arith.constant 0 : i32
      %dma_start3A_776 = arith.constant 0 : i32
      %dma_start3A_777 = tpu.memref_slice %arg10[%select_n3A_7, %dma_start3A_775, %dma_start3A_776] : memref<1x10240x32xf32, #tpu.memory_space<vmem_shared>> -> memref<1x10240x32xf32, #tpu.memory_space<vmem_shared>>
      %dma_start3A_778 = tpu.memref_squeeze %dma_start3A_777 : memref<1x10240x32xf32, #tpu.memory_space<vmem_shared>> -> memref<10240x32xf32, #tpu.memory_space<vmem_shared>>
      %dma_start3A_779 = arith.constant 0 : i32
      %dma_start3A_780 = arith.constant 0 : i32
      %dma_start3A_781 = tpu.memref_slice %dma_start3A_778[%dma_start3A_779, %dma_start3A_780] : memref<10240x32xf32, #tpu.memory_space<vmem_shared>> -> memref<10240x32xf32, #tpu.memory_space<vmem_shared>>
      tpu.enqueue_indirect_dma source(%dma_start3A_771 : memref<128x32xf32, #tpu.memory_space<vmem>>) target(%dma_start3A_781 : memref<10240x32xf32, #tpu.memory_space<vmem_shared>>) offsets(%dma_start3A_774 : memref<128xi32, #tpu.memory_space<vmem>>) semaphore(%arg12 : memref<!tpu.dma_semaphore, #tpu.memory_space<semaphore_mem>>) {add = true}
      %dma_wait3A_782 = arith.constant 0 : i32
      %dma_wait3A_783 = arith.constant 6 : i32
      %dma_wait3A_784 = arith.constant 0 : i32
      %dma_wait3A_785 = arith.constant 0 : i32
      %dma_wait3A_786 = tpu.memref_slice %arg9[%dma_wait3A_783, %dma_wait3A_784, %dma_wait3A_785] : memref<8x128x32xf32, #tpu.memory_space<vmem>> -> memref<1x128x32xf32, #tpu.memory_space<vmem>>
      %dma_wait3A_787 = tpu.memref_squeeze %dma_wait3A_786 : memref<1x128x32xf32, #tpu.memory_space<vmem>> -> memref<128x32xf32, #tpu.memory_space<vmem>>
      %dma_wait3A_788 = arith.constant 0 : i32
      %dma_wait3A_789 = tpu.memref_slice %arg7[%dma_wait3A_782, %dma_wait3A_788] : memref<80x128xi32, #tpu.memory_space<vmem>> -> memref<1x128xi32, #tpu.memory_space<vmem>>
      %dma_wait3A_790 = tpu.memref_squeeze %dma_wait3A_789 : memref<1x128xi32, #tpu.memory_space<vmem>> -> memref<128xi32, #tpu.memory_space<vmem>>
      %dma_wait3A_791 = arith.constant 0 : i32
      %dma_wait3A_792 = arith.constant 0 : i32
      %dma_wait3A_793 = tpu.memref_slice %arg2[%arg0, %dma_wait3A_791, %dma_wait3A_792] : memref<2x10240x32xf32, #tpu.memory_space<hbm>> -> memref<1x10240x32xf32, #tpu.memory_space<hbm>>
      %dma_wait3A_794 = tpu.memref_squeeze %dma_wait3A_793 : memref<1x10240x32xf32, #tpu.memory_space<hbm>> -> memref<10240x32xf32, #tpu.memory_space<hbm>>
      %dma_wait3A_795 = arith.constant 0 : i32
      %dma_wait3A_796 = arith.constant 0 : i32
      %dma_wait3A_797 = tpu.memref_slice %dma_wait3A_794[%dma_wait3A_795, %dma_wait3A_796] : memref<10240x32xf32, #tpu.memory_space<hbm>> -> memref<10240x32xf32, #tpu.memory_space<hbm>>
      tpu.wait_indirect_dma semaphore(%arg11 : memref<!tpu.dma_semaphore, #tpu.memory_space<semaphore_mem>>) src(%dma_wait3A_797 : memref<10240x32xf32, #tpu.memory_space<hbm>>) dst(%dma_wait3A_787 : memref<128x32xf32, #tpu.memory_space<vmem>>)
      %add3A_798 = arith.constant 6 : i32
      %add3A_799 = arith.addi %add3A_583, %add3A_798 : i32
      %dma_start3A_800 = arith.constant 6 : i32
      %dma_start3A_801 = arith.constant 0 : i32
      %dma_start3A_802 = arith.constant 0 : i32
      %dma_start3A_803 = tpu.memref_slice %arg9[%dma_start3A_800, %dma_start3A_801, %dma_start3A_802] : memref<8x128x32xf32, #tpu.memory_space<vmem>> -> memref<1x128x32xf32, #tpu.memory_space<vmem>>
      %dma_start3A_804 = tpu.memref_squeeze %dma_start3A_803 : memref<1x128x32xf32, #tpu.memory_space<vmem>> -> memref<128x32xf32, #tpu.memory_space<vmem>>
      %dma_start3A_805 = arith.constant 0 : i32
      %dma_start3A_806 = tpu.memref_slice %arg8[%add3A_799, %dma_start3A_805] : memref<80x128xi32, #tpu.memory_space<vmem>> -> memref<1x128xi32, #tpu.memory_space<vmem>>
      %dma_start3A_807 = tpu.memref_squeeze %dma_start3A_806 : memref<1x128xi32, #tpu.memory_space<vmem>> -> memref<128xi32, #tpu.memory_space<vmem>>
      %dma_start3A_808 = arith.constant 0 : i32
      %dma_start3A_809 = arith.constant 0 : i32
      %dma_start3A_810 = tpu.memref_slice %arg10[%select_n3A_7, %dma_start3A_808, %dma_start3A_809] : memref<1x10240x32xf32, #tpu.memory_space<vmem_shared>> -> memref<1x10240x32xf32, #tpu.memory_space<vmem_shared>>
      %dma_start3A_811 = tpu.memref_squeeze %dma_start3A_810 : memref<1x10240x32xf32, #tpu.memory_space<vmem_shared>> -> memref<10240x32xf32, #tpu.memory_space<vmem_shared>>
      %dma_start3A_812 = arith.constant 0 : i32
      %dma_start3A_813 = arith.constant 0 : i32
      %dma_start3A_814 = tpu.memref_slice %dma_start3A_811[%dma_start3A_812, %dma_start3A_813] : memref<10240x32xf32, #tpu.memory_space<vmem_shared>> -> memref<10240x32xf32, #tpu.memory_space<vmem_shared>>
      tpu.enqueue_indirect_dma source(%dma_start3A_804 : memref<128x32xf32, #tpu.memory_space<vmem>>) target(%dma_start3A_814 : memref<10240x32xf32, #tpu.memory_space<vmem_shared>>) offsets(%dma_start3A_807 : memref<128xi32, #tpu.memory_space<vmem>>) semaphore(%arg12 : memref<!tpu.dma_semaphore, #tpu.memory_space<semaphore_mem>>) {add = true}
      %dma_wait3A_815 = arith.constant 0 : i32
      %dma_wait3A_816 = arith.constant 7 : i32
      %dma_wait3A_817 = arith.constant 0 : i32
      %dma_wait3A_818 = arith.constant 0 : i32
      %dma_wait3A_819 = tpu.memref_slice %arg9[%dma_wait3A_816, %dma_wait3A_817, %dma_wait3A_818] : memref<8x128x32xf32, #tpu.memory_space<vmem>> -> memref<1x128x32xf32, #tpu.memory_space<vmem>>
      %dma_wait3A_820 = tpu.memref_squeeze %dma_wait3A_819 : memref<1x128x32xf32, #tpu.memory_space<vmem>> -> memref<128x32xf32, #tpu.memory_space<vmem>>
      %dma_wait3A_821 = arith.constant 0 : i32
      %dma_wait3A_822 = tpu.memref_slice %arg7[%dma_wait3A_815, %dma_wait3A_821] : memref<80x128xi32, #tpu.memory_space<vmem>> -> memref<1x128xi32, #tpu.memory_space<vmem>>
      %dma_wait3A_823 = tpu.memref_squeeze %dma_wait3A_822 : memref<1x128xi32, #tpu.memory_space<vmem>> -> memref<128xi32, #tpu.memory_space<vmem>>
      %dma_wait3A_824 = arith.constant 0 : i32
      %dma_wait3A_825 = arith.constant 0 : i32
      %dma_wait3A_826 = tpu.memref_slice %arg2[%arg0, %dma_wait3A_824, %dma_wait3A_825] : memref<2x10240x32xf32, #tpu.memory_space<hbm>> -> memref<1x10240x32xf32, #tpu.memory_space<hbm>>
      %dma_wait3A_827 = tpu.memref_squeeze %dma_wait3A_826 : memref<1x10240x32xf32, #tpu.memory_space<hbm>> -> memref<10240x32xf32, #tpu.memory_space<hbm>>
      %dma_wait3A_828 = arith.constant 0 : i32
      %dma_wait3A_829 = arith.constant 0 : i32
      %dma_wait3A_830 = tpu.memref_slice %dma_wait3A_827[%dma_wait3A_828, %dma_wait3A_829] : memref<10240x32xf32, #tpu.memory_space<hbm>> -> memref<10240x32xf32, #tpu.memory_space<hbm>>
      tpu.wait_indirect_dma semaphore(%arg11 : memref<!tpu.dma_semaphore, #tpu.memory_space<semaphore_mem>>) src(%dma_wait3A_830 : memref<10240x32xf32, #tpu.memory_space<hbm>>) dst(%dma_wait3A_820 : memref<128x32xf32, #tpu.memory_space<vmem>>)
      %add3A_831 = arith.constant 7 : i32
      %add3A_832 = arith.addi %add3A_583, %add3A_831 : i32
      %dma_start3A_833 = arith.constant 7 : i32
      %dma_start3A_834 = arith.constant 0 : i32
      %dma_start3A_835 = arith.constant 0 : i32
      %dma_start3A_836 = tpu.memref_slice %arg9[%dma_start3A_833, %dma_start3A_834, %dma_start3A_835] : memref<8x128x32xf32, #tpu.memory_space<vmem>> -> memref<1x128x32xf32, #tpu.memory_space<vmem>>
      %dma_start3A_837 = tpu.memref_squeeze %dma_start3A_836 : memref<1x128x32xf32, #tpu.memory_space<vmem>> -> memref<128x32xf32, #tpu.memory_space<vmem>>
      %dma_start3A_838 = arith.constant 0 : i32
      %dma_start3A_839 = tpu.memref_slice %arg8[%add3A_832, %dma_start3A_838] : memref<80x128xi32, #tpu.memory_space<vmem>> -> memref<1x128xi32, #tpu.memory_space<vmem>>
      %dma_start3A_840 = tpu.memref_squeeze %dma_start3A_839 : memref<1x128xi32, #tpu.memory_space<vmem>> -> memref<128xi32, #tpu.memory_space<vmem>>
      %dma_start3A_841 = arith.constant 0 : i32
      %dma_start3A_842 = arith.constant 0 : i32
      %dma_start3A_843 = tpu.memref_slice %arg10[%select_n3A_7, %dma_start3A_841, %dma_start3A_842] : memref<1x10240x32xf32, #tpu.memory_space<vmem_shared>> -> memref<1x10240x32xf32, #tpu.memory_space<vmem_shared>>
      %dma_start3A_844 = tpu.memref_squeeze %dma_start3A_843 : memref<1x10240x32xf32, #tpu.memory_space<vmem_shared>> -> memref<10240x32xf32, #tpu.memory_space<vmem_shared>>
      %dma_start3A_845 = arith.constant 0 : i32
      %dma_start3A_846 = arith.constant 0 : i32
      %dma_start3A_847 = tpu.memref_slice %dma_start3A_844[%dma_start3A_845, %dma_start3A_846] : memref<10240x32xf32, #tpu.memory_space<vmem_shared>> -> memref<10240x32xf32, #tpu.memory_space<vmem_shared>>
      tpu.enqueue_indirect_dma source(%dma_start3A_837 : memref<128x32xf32, #tpu.memory_space<vmem>>) target(%dma_start3A_847 : memref<10240x32xf32, #tpu.memory_space<vmem_shared>>) offsets(%dma_start3A_840 : memref<128xi32, #tpu.memory_space<vmem>>) semaphore(%arg12 : memref<!tpu.dma_semaphore, #tpu.memory_space<semaphore_mem>>) {add = true}
      %dma_wait3A_848 = arith.constant 0 : i32
      %dma_wait3A_849 = arith.constant 0 : i32
      %dma_wait3A_850 = arith.constant 0 : i32
      %dma_wait3A_851 = arith.constant 0 : i32
      %dma_wait3A_852 = tpu.memref_slice %arg9[%dma_wait3A_848, %dma_wait3A_850, %dma_wait3A_851] : memref<8x128x32xf32, #tpu.memory_space<vmem>> -> memref<1x128x32xf32, #tpu.memory_space<vmem>>
      %dma_wait3A_853 = tpu.memref_squeeze %dma_wait3A_852 : memref<1x128x32xf32, #tpu.memory_space<vmem>> -> memref<128x32xf32, #tpu.memory_space<vmem>>
      %dma_wait3A_854 = arith.constant 0 : i32
      %dma_wait3A_855 = tpu.memref_slice %arg8[%dma_wait3A_849, %dma_wait3A_854] : memref<80x128xi32, #tpu.memory_space<vmem>> -> memref<1x128xi32, #tpu.memory_space<vmem>>
      %dma_wait3A_856 = tpu.memref_squeeze %dma_wait3A_855 : memref<1x128xi32, #tpu.memory_space<vmem>> -> memref<128xi32, #tpu.memory_space<vmem>>
      %dma_wait3A_857 = arith.constant 0 : i32
      %dma_wait3A_858 = arith.constant 0 : i32
      %dma_wait3A_859 = tpu.memref_slice %arg10[%select_n3A_7, %dma_wait3A_857, %dma_wait3A_858] : memref<1x10240x32xf32, #tpu.memory_space<vmem_shared>> -> memref<1x10240x32xf32, #tpu.memory_space<vmem_shared>>
      %dma_wait3A_860 = tpu.memref_squeeze %dma_wait3A_859 : memref<1x10240x32xf32, #tpu.memory_space<vmem_shared>> -> memref<10240x32xf32, #tpu.memory_space<vmem_shared>>
      %dma_wait3A_861 = arith.constant 0 : i32
      %dma_wait3A_862 = arith.constant 0 : i32
      %dma_wait3A_863 = tpu.memref_slice %dma_wait3A_860[%dma_wait3A_861, %dma_wait3A_862] : memref<10240x32xf32, #tpu.memory_space<vmem_shared>> -> memref<10240x32xf32, #tpu.memory_space<vmem_shared>>
      tpu.wait_indirect_dma semaphore(%arg12 : memref<!tpu.dma_semaphore, #tpu.memory_space<semaphore_mem>>) src(%dma_wait3A_853 : memref<128x32xf32, #tpu.memory_space<vmem>>) dst(%dma_wait3A_863 : memref<10240x32xf32, #tpu.memory_space<vmem_shared>>)
      %add3A_864 = arith.constant 8 : i32
      %add3A_865 = arith.addi %add3A_583, %add3A_864 : i32
      %add3A_866 = arith.constant 0 : i32
      %add3A_867 = arith.addi %add3A_865, %add3A_866 : i32
      %dma_start3A_868 = arith.constant 0 : i32
      %dma_start3A_869 = arith.constant 0 : i32
      %dma_start3A_870 = arith.constant 0 : i32
      %dma_start3A_871 = tpu.memref_slice %arg9[%dma_start3A_868, %dma_start3A_869, %dma_start3A_870] : memref<8x128x32xf32, #tpu.memory_space<vmem>> -> memref<1x128x32xf32, #tpu.memory_space<vmem>>
      %dma_start3A_872 = tpu.memref_squeeze %dma_start3A_871 : memref<1x128x32xf32, #tpu.memory_space<vmem>> -> memref<128x32xf32, #tpu.memory_space<vmem>>
      %dma_start3A_873 = arith.constant 0 : i32
      %dma_start3A_874 = tpu.memref_slice %arg7[%add3A_867, %dma_start3A_873] : memref<80x128xi32, #tpu.memory_space<vmem>> -> memref<1x128xi32, #tpu.memory_space<vmem>>
      %dma_start3A_875 = tpu.memref_squeeze %dma_start3A_874 : memref<1x128xi32, #tpu.memory_space<vmem>> -> memref<128xi32, #tpu.memory_space<vmem>>
      %dma_start3A_876 = arith.constant 0 : i32
      %dma_start3A_877 = arith.constant 0 : i32
      %dma_start3A_878 = tpu.memref_slice %arg2[%arg0, %dma_start3A_876, %dma_start3A_877] : memref<2x10240x32xf32, #tpu.memory_space<hbm>> -> memref<1x10240x32xf32, #tpu.memory_space<hbm>>
      %dma_start3A_879 = tpu.memref_squeeze %dma_start3A_878 : memref<1x10240x32xf32, #tpu.memory_space<hbm>> -> memref<10240x32xf32, #tpu.memory_space<hbm>>
      %dma_start3A_880 = arith.constant 0 : i32
      %dma_start3A_881 = arith.constant 0 : i32
      %dma_start3A_882 = tpu.memref_slice %dma_start3A_879[%dma_start3A_880, %dma_start3A_881] : memref<10240x32xf32, #tpu.memory_space<hbm>> -> memref<10240x32xf32, #tpu.memory_space<hbm>>
      tpu.enqueue_indirect_dma source(%dma_start3A_882 : memref<10240x32xf32, #tpu.memory_space<hbm>>) target(%dma_start3A_872 : memref<128x32xf32, #tpu.memory_space<vmem>>) offsets(%dma_start3A_875 : memref<128xi32, #tpu.memory_space<vmem>>) semaphore(%arg11 : memref<!tpu.dma_semaphore, #tpu.memory_space<semaphore_mem>>)
      %dma_wait3A_883 = arith.constant 1 : i32
      %dma_wait3A_884 = arith.constant 0 : i32
      %dma_wait3A_885 = arith.constant 0 : i32
      %dma_wait3A_886 = arith.constant 0 : i32
      %dma_wait3A_887 = tpu.memref_slice %arg9[%dma_wait3A_883, %dma_wait3A_885, %dma_wait3A_886] : memref<8x128x32xf32, #tpu.memory_space<vmem>> -> memref<1x128x32xf32, #tpu.memory_space<vmem>>
      %dma_wait3A_888 = tpu.memref_squeeze %dma_wait3A_887 : memref<1x128x32xf32, #tpu.memory_space<vmem>> -> memref<128x32xf32, #tpu.memory_space<vmem>>
      %dma_wait3A_889 = arith.constant 0 : i32
      %dma_wait3A_890 = tpu.memref_slice %arg8[%dma_wait3A_884, %dma_wait3A_889] : memref<80x128xi32, #tpu.memory_space<vmem>> -> memref<1x128xi32, #tpu.memory_space<vmem>>
      %dma_wait3A_891 = tpu.memref_squeeze %dma_wait3A_890 : memref<1x128xi32, #tpu.memory_space<vmem>> -> memref<128xi32, #tpu.memory_space<vmem>>
      %dma_wait3A_892 = arith.constant 0 : i32
      %dma_wait3A_893 = arith.constant 0 : i32
      %dma_wait3A_894 = tpu.memref_slice %arg10[%select_n3A_7, %dma_wait3A_892, %dma_wait3A_893] : memref<1x10240x32xf32, #tpu.memory_space<vmem_shared>> -> memref<1x10240x32xf32, #tpu.memory_space<vmem_shared>>
      %dma_wait3A_895 = tpu.memref_squeeze %dma_wait3A_894 : memref<1x10240x32xf32, #tpu.memory_space<vmem_shared>> -> memref<10240x32xf32, #tpu.memory_space<vmem_shared>>
      %dma_wait3A_896 = arith.constant 0 : i32
      %dma_wait3A_897 = arith.constant 0 : i32
      %dma_wait3A_898 = tpu.memref_slice %dma_wait3A_895[%dma_wait3A_896, %dma_wait3A_897] : memref<10240x32xf32, #tpu.memory_space<vmem_shared>> -> memref<10240x32xf32, #tpu.memory_space<vmem_shared>>
      tpu.wait_indirect_dma semaphore(%arg12 : memref<!tpu.dma_semaphore, #tpu.memory_space<semaphore_mem>>) src(%dma_wait3A_888 : memref<128x32xf32, #tpu.memory_space<vmem>>) dst(%dma_wait3A_898 : memref<10240x32xf32, #tpu.memory_space<vmem_shared>>)
      %add3A_899 = arith.constant 8 : i32
      %add3A_900 = arith.addi %add3A_583, %add3A_899 : i32
      %add3A_901 = arith.constant 1 : i32
      %add3A_902 = arith.addi %add3A_900, %add3A_901 : i32
      %dma_start3A_903 = arith.constant 1 : i32
      %dma_start3A_904 = arith.constant 0 : i32
      %dma_start3A_905 = arith.constant 0 : i32
      %dma_start3A_906 = tpu.memref_slice %arg9[%dma_start3A_903, %dma_start3A_904, %dma_start3A_905] : memref<8x128x32xf32, #tpu.memory_space<vmem>> -> memref<1x128x32xf32, #tpu.memory_space<vmem>>
      %dma_start3A_907 = tpu.memref_squeeze %dma_start3A_906 : memref<1x128x32xf32, #tpu.memory_space<vmem>> -> memref<128x32xf32, #tpu.memory_space<vmem>>
      %dma_start3A_908 = arith.constant 0 : i32
      %dma_start3A_909 = tpu.memref_slice %arg7[%add3A_902, %dma_start3A_908] : memref<80x128xi32, #tpu.memory_space<vmem>> -> memref<1x128xi32, #tpu.memory_space<vmem>>
      %dma_start3A_910 = tpu.memref_squeeze %dma_start3A_909 : memref<1x128xi32, #tpu.memory_space<vmem>> -> memref<128xi32, #tpu.memory_space<vmem>>
      %dma_start3A_911 = arith.constant 0 : i32
      %dma_start3A_912 = arith.constant 0 : i32
      %dma_start3A_913 = tpu.memref_slice %arg2[%arg0, %dma_start3A_911, %dma_start3A_912] : memref<2x10240x32xf32, #tpu.memory_space<hbm>> -> memref<1x10240x32xf32, #tpu.memory_space<hbm>>
      %dma_start3A_914 = tpu.memref_squeeze %dma_start3A_913 : memref<1x10240x32xf32, #tpu.memory_space<hbm>> -> memref<10240x32xf32, #tpu.memory_space<hbm>>
      %dma_start3A_915 = arith.constant 0 : i32
      %dma_start3A_916 = arith.constant 0 : i32
      %dma_start3A_917 = tpu.memref_slice %dma_start3A_914[%dma_start3A_915, %dma_start3A_916] : memref<10240x32xf32, #tpu.memory_space<hbm>> -> memref<10240x32xf32, #tpu.memory_space<hbm>>
      tpu.enqueue_indirect_dma source(%dma_start3A_917 : memref<10240x32xf32, #tpu.memory_space<hbm>>) target(%dma_start3A_907 : memref<128x32xf32, #tpu.memory_space<vmem>>) offsets(%dma_start3A_910 : memref<128xi32, #tpu.memory_space<vmem>>) semaphore(%arg11 : memref<!tpu.dma_semaphore, #tpu.memory_space<semaphore_mem>>)
      %dma_wait3A_918 = arith.constant 2 : i32
      %dma_wait3A_919 = arith.constant 0 : i32
      %dma_wait3A_920 = arith.constant 0 : i32
      %dma_wait3A_921 = arith.constant 0 : i32
      %dma_wait3A_922 = tpu.memref_slice %arg9[%dma_wait3A_918, %dma_wait3A_920, %dma_wait3A_921] : memref<8x128x32xf32, #tpu.memory_space<vmem>> -> memref<1x128x32xf32, #tpu.memory_space<vmem>>
      %dma_wait3A_923 = tpu.memref_squeeze %dma_wait3A_922 : memref<1x128x32xf32, #tpu.memory_space<vmem>> -> memref<128x32xf32, #tpu.memory_space<vmem>>
      %dma_wait3A_924 = arith.constant 0 : i32
      %dma_wait3A_925 = tpu.memref_slice %arg8[%dma_wait3A_919, %dma_wait3A_924] : memref<80x128xi32, #tpu.memory_space<vmem>> -> memref<1x128xi32, #tpu.memory_space<vmem>>
      %dma_wait3A_926 = tpu.memref_squeeze %dma_wait3A_925 : memref<1x128xi32, #tpu.memory_space<vmem>> -> memref<128xi32, #tpu.memory_space<vmem>>
      %dma_wait3A_927 = arith.constant 0 : i32
      %dma_wait3A_928 = arith.constant 0 : i32
      %dma_wait3A_929 = tpu.memref_slice %arg10[%select_n3A_7, %dma_wait3A_927, %dma_wait3A_928] : memref<1x10240x32xf32, #tpu.memory_space<vmem_shared>> -> memref<1x10240x32xf32, #tpu.memory_space<vmem_shared>>
      %dma_wait3A_930 = tpu.memref_squeeze %dma_wait3A_929 : memref<1x10240x32xf32, #tpu.memory_space<vmem_shared>> -> memref<10240x32xf32, #tpu.memory_space<vmem_shared>>
      %dma_wait3A_931 = arith.constant 0 : i32
      %dma_wait3A_932 = arith.constant 0 : i32
      %dma_wait3A_933 = tpu.memref_slice %dma_wait3A_930[%dma_wait3A_931, %dma_wait3A_932] : memref<10240x32xf32, #tpu.memory_space<vmem_shared>> -> memref<10240x32xf32, #tpu.memory_space<vmem_shared>>
      tpu.wait_indirect_dma semaphore(%arg12 : memref<!tpu.dma_semaphore, #tpu.memory_space<semaphore_mem>>) src(%dma_wait3A_923 : memref<128x32xf32, #tpu.memory_space<vmem>>) dst(%dma_wait3A_933 : memref<10240x32xf32, #tpu.memory_space<vmem_shared>>)
      %add3A_934 = arith.constant 8 : i32
      %add3A_935 = arith.addi %add3A_583, %add3A_934 : i32
      %add3A_936 = arith.constant 2 : i32
      %add3A_937 = arith.addi %add3A_935, %add3A_936 : i32
      %dma_start3A_938 = arith.constant 2 : i32
      %dma_start3A_939 = arith.constant 0 : i32
      %dma_start3A_940 = arith.constant 0 : i32
      %dma_start3A_941 = tpu.memref_slice %arg9[%dma_start3A_938, %dma_start3A_939, %dma_start3A_940] : memref<8x128x32xf32, #tpu.memory_space<vmem>> -> memref<1x128x32xf32, #tpu.memory_space<vmem>>
      %dma_start3A_942 = tpu.memref_squeeze %dma_start3A_941 : memref<1x128x32xf32, #tpu.memory_space<vmem>> -> memref<128x32xf32, #tpu.memory_space<vmem>>
      %dma_start3A_943 = arith.constant 0 : i32
      %dma_start3A_944 = tpu.memref_slice %arg7[%add3A_937, %dma_start3A_943] : memref<80x128xi32, #tpu.memory_space<vmem>> -> memref<1x128xi32, #tpu.memory_space<vmem>>
      %dma_start3A_945 = tpu.memref_squeeze %dma_start3A_944 : memref<1x128xi32, #tpu.memory_space<vmem>> -> memref<128xi32, #tpu.memory_space<vmem>>
      %dma_start3A_946 = arith.constant 0 : i32
      %dma_start3A_947 = arith.constant 0 : i32
      %dma_start3A_948 = tpu.memref_slice %arg2[%arg0, %dma_start3A_946, %dma_start3A_947] : memref<2x10240x32xf32, #tpu.memory_space<hbm>> -> memref<1x10240x32xf32, #tpu.memory_space<hbm>>
      %dma_start3A_949 = tpu.memref_squeeze %dma_start3A_948 : memref<1x10240x32xf32, #tpu.memory_space<hbm>> -> memref<10240x32xf32, #tpu.memory_space<hbm>>
      %dma_start3A_950 = arith.constant 0 : i32
      %dma_start3A_951 = arith.constant 0 : i32
      %dma_start3A_952 = tpu.memref_slice %dma_start3A_949[%dma_start3A_950, %dma_start3A_951] : memref<10240x32xf32, #tpu.memory_space<hbm>> -> memref<10240x32xf32, #tpu.memory_space<hbm>>
      tpu.enqueue_indirect_dma source(%dma_start3A_952 : memref<10240x32xf32, #tpu.memory_space<hbm>>) target(%dma_start3A_942 : memref<128x32xf32, #tpu.memory_space<vmem>>) offsets(%dma_start3A_945 : memref<128xi32, #tpu.memory_space<vmem>>) semaphore(%arg11 : memref<!tpu.dma_semaphore, #tpu.memory_space<semaphore_mem>>)
      %dma_wait3A_953 = arith.constant 3 : i32
      %dma_wait3A_954 = arith.constant 0 : i32
      %dma_wait3A_955 = arith.constant 0 : i32
      %dma_wait3A_956 = arith.constant 0 : i32
      %dma_wait3A_957 = tpu.memref_slice %arg9[%dma_wait3A_953, %dma_wait3A_955, %dma_wait3A_956] : memref<8x128x32xf32, #tpu.memory_space<vmem>> -> memref<1x128x32xf32, #tpu.memory_space<vmem>>
      %dma_wait3A_958 = tpu.memref_squeeze %dma_wait3A_957 : memref<1x128x32xf32, #tpu.memory_space<vmem>> -> memref<128x32xf32, #tpu.memory_space<vmem>>
      %dma_wait3A_959 = arith.constant 0 : i32
      %dma_wait3A_960 = tpu.memref_slice %arg8[%dma_wait3A_954, %dma_wait3A_959] : memref<80x128xi32, #tpu.memory_space<vmem>> -> memref<1x128xi32, #tpu.memory_space<vmem>>
      %dma_wait3A_961 = tpu.memref_squeeze %dma_wait3A_960 : memref<1x128xi32, #tpu.memory_space<vmem>> -> memref<128xi32, #tpu.memory_space<vmem>>
      %dma_wait3A_962 = arith.constant 0 : i32
      %dma_wait3A_963 = arith.constant 0 : i32
      %dma_wait3A_964 = tpu.memref_slice %arg10[%select_n3A_7, %dma_wait3A_962, %dma_wait3A_963] : memref<1x10240x32xf32, #tpu.memory_space<vmem_shared>> -> memref<1x10240x32xf32, #tpu.memory_space<vmem_shared>>
      %dma_wait3A_965 = tpu.memref_squeeze %dma_wait3A_964 : memref<1x10240x32xf32, #tpu.memory_space<vmem_shared>> -> memref<10240x32xf32, #tpu.memory_space<vmem_shared>>
      %dma_wait3A_966 = arith.constant 0 : i32
      %dma_wait3A_967 = arith.constant 0 : i32
      %dma_wait3A_968 = tpu.memref_slice %dma_wait3A_965[%dma_wait3A_966, %dma_wait3A_967] : memref<10240x32xf32, #tpu.memory_space<vmem_shared>> -> memref<10240x32xf32, #tpu.memory_space<vmem_shared>>
      tpu.wait_indirect_dma semaphore(%arg12 : memref<!tpu.dma_semaphore, #tpu.memory_space<semaphore_mem>>) src(%dma_wait3A_958 : memref<128x32xf32, #tpu.memory_space<vmem>>) dst(%dma_wait3A_968 : memref<10240x32xf32, #tpu.memory_space<vmem_shared>>)
      %add3A_969 = arith.constant 8 : i32
      %add3A_970 = arith.addi %add3A_583, %add3A_969 : i32
      %add3A_971 = arith.constant 3 : i32
      %add3A_972 = arith.addi %add3A_970, %add3A_971 : i32
      %dma_start3A_973 = arith.constant 3 : i32
      %dma_start3A_974 = arith.constant 0 : i32
      %dma_start3A_975 = arith.constant 0 : i32
      %dma_start3A_976 = tpu.memref_slice %arg9[%dma_start3A_973, %dma_start3A_974, %dma_start3A_975] : memref<8x128x32xf32, #tpu.memory_space<vmem>> -> memref<1x128x32xf32, #tpu.memory_space<vmem>>
      %dma_start3A_977 = tpu.memref_squeeze %dma_start3A_976 : memref<1x128x32xf32, #tpu.memory_space<vmem>> -> memref<128x32xf32, #tpu.memory_space<vmem>>
      %dma_start3A_978 = arith.constant 0 : i32
      %dma_start3A_979 = tpu.memref_slice %arg7[%add3A_972, %dma_start3A_978] : memref<80x128xi32, #tpu.memory_space<vmem>> -> memref<1x128xi32, #tpu.memory_space<vmem>>
      %dma_start3A_980 = tpu.memref_squeeze %dma_start3A_979 : memref<1x128xi32, #tpu.memory_space<vmem>> -> memref<128xi32, #tpu.memory_space<vmem>>
      %dma_start3A_981 = arith.constant 0 : i32
      %dma_start3A_982 = arith.constant 0 : i32
      %dma_start3A_983 = tpu.memref_slice %arg2[%arg0, %dma_start3A_981, %dma_start3A_982] : memref<2x10240x32xf32, #tpu.memory_space<hbm>> -> memref<1x10240x32xf32, #tpu.memory_space<hbm>>
      %dma_start3A_984 = tpu.memref_squeeze %dma_start3A_983 : memref<1x10240x32xf32, #tpu.memory_space<hbm>> -> memref<10240x32xf32, #tpu.memory_space<hbm>>
      %dma_start3A_985 = arith.constant 0 : i32
      %dma_start3A_986 = arith.constant 0 : i32
      %dma_start3A_987 = tpu.memref_slice %dma_start3A_984[%dma_start3A_985, %dma_start3A_986] : memref<10240x32xf32, #tpu.memory_space<hbm>> -> memref<10240x32xf32, #tpu.memory_space<hbm>>
      tpu.enqueue_indirect_dma source(%dma_start3A_987 : memref<10240x32xf32, #tpu.memory_space<hbm>>) target(%dma_start3A_977 : memref<128x32xf32, #tpu.memory_space<vmem>>) offsets(%dma_start3A_980 : memref<128xi32, #tpu.memory_space<vmem>>) semaphore(%arg11 : memref<!tpu.dma_semaphore, #tpu.memory_space<semaphore_mem>>)
      %dma_wait3A_988 = arith.constant 4 : i32
      %dma_wait3A_989 = arith.constant 0 : i32
      %dma_wait3A_990 = arith.constant 0 : i32
      %dma_wait3A_991 = arith.constant 0 : i32
      %dma_wait3A_992 = tpu.memref_slice %arg9[%dma_wait3A_988, %dma_wait3A_990, %dma_wait3A_991] : memref<8x128x32xf32, #tpu.memory_space<vmem>> -> memref<1x128x32xf32, #tpu.memory_space<vmem>>
      %dma_wait3A_993 = tpu.memref_squeeze %dma_wait3A_992 : memref<1x128x32xf32, #tpu.memory_space<vmem>> -> memref<128x32xf32, #tpu.memory_space<vmem>>
      %dma_wait3A_994 = arith.constant 0 : i32
      %dma_wait3A_995 = tpu.memref_slice %arg8[%dma_wait3A_989, %dma_wait3A_994] : memref<80x128xi32, #tpu.memory_space<vmem>> -> memref<1x128xi32, #tpu.memory_space<vmem>>
      %dma_wait3A_996 = tpu.memref_squeeze %dma_wait3A_995 : memref<1x128xi32, #tpu.memory_space<vmem>> -> memref<128xi32, #tpu.memory_space<vmem>>
      %dma_wait3A_997 = arith.constant 0 : i32
      %dma_wait3A_998 = arith.constant 0 : i32
      %dma_wait3A_999 = tpu.memref_slice %arg10[%select_n3A_7, %dma_wait3A_997, %dma_wait3A_998] : memref<1x10240x32xf32, #tpu.memory_space<vmem_shared>> -> memref<1x10240x32xf32, #tpu.memory_space<vmem_shared>>
      %dma_wait3A_1000 = tpu.memref_squeeze %dma_wait3A_999 : memref<1x10240x32xf32, #tpu.memory_space<vmem_shared>> -> memref<10240x32xf32, #tpu.memory_space<vmem_shared>>
      %dma_wait3A_1001 = arith.constant 0 : i32
      %dma_wait3A_1002 = arith.constant 0 : i32
      %dma_wait3A_1003 = tpu.memref_slice %dma_wait3A_1000[%dma_wait3A_1001, %dma_wait3A_1002] : memref<10240x32xf32, #tpu.memory_space<vmem_shared>> -> memref<10240x32xf32, #tpu.memory_space<vmem_shared>>
      tpu.wait_indirect_dma semaphore(%arg12 : memref<!tpu.dma_semaphore, #tpu.memory_space<semaphore_mem>>) src(%dma_wait3A_993 : memref<128x32xf32, #tpu.memory_space<vmem>>) dst(%dma_wait3A_1003 : memref<10240x32xf32, #tpu.memory_space<vmem_shared>>)
      %add3A_1004 = arith.constant 8 : i32
      %add3A_1005 = arith.addi %add3A_583, %add3A_1004 : i32
      %add3A_1006 = arith.constant 4 : i32
      %add3A_1007 = arith.addi %add3A_1005, %add3A_1006 : i32
      %dma_start3A_1008 = arith.constant 4 : i32
      %dma_start3A_1009 = arith.constant 0 : i32
      %dma_start3A_1010 = arith.constant 0 : i32
      %dma_start3A_1011 = tpu.memref_slice %arg9[%dma_start3A_1008, %dma_start3A_1009, %dma_start3A_1010] : memref<8x128x32xf32, #tpu.memory_space<vmem>> -> memref<1x128x32xf32, #tpu.memory_space<vmem>>
      %dma_start3A_1012 = tpu.memref_squeeze %dma_start3A_1011 : memref<1x128x32xf32, #tpu.memory_space<vmem>> -> memref<128x32xf32, #tpu.memory_space<vmem>>
      %dma_start3A_1013 = arith.constant 0 : i32
      %dma_start3A_1014 = tpu.memref_slice %arg7[%add3A_1007, %dma_start3A_1013] : memref<80x128xi32, #tpu.memory_space<vmem>> -> memref<1x128xi32, #tpu.memory_space<vmem>>
      %dma_start3A_1015 = tpu.memref_squeeze %dma_start3A_1014 : memref<1x128xi32, #tpu.memory_space<vmem>> -> memref<128xi32, #tpu.memory_space<vmem>>
      %dma_start3A_1016 = arith.constant 0 : i32
      %dma_start3A_1017 = arith.constant 0 : i32
      %dma_start3A_1018 = tpu.memref_slice %arg2[%arg0, %dma_start3A_1016, %dma_start3A_1017] : memref<2x10240x32xf32, #tpu.memory_space<hbm>> -> memref<1x10240x32xf32, #tpu.memory_space<hbm>>
      %dma_start3A_1019 = tpu.memref_squeeze %dma_start3A_1018 : memref<1x10240x32xf32, #tpu.memory_space<hbm>> -> memref<10240x32xf32, #tpu.memory_space<hbm>>
      %dma_start3A_1020 = arith.constant 0 : i32
      %dma_start3A_1021 = arith.constant 0 : i32
      %dma_start3A_1022 = tpu.memref_slice %dma_start3A_1019[%dma_start3A_1020, %dma_start3A_1021] : memref<10240x32xf32, #tpu.memory_space<hbm>> -> memref<10240x32xf32, #tpu.memory_space<hbm>>
      tpu.enqueue_indirect_dma source(%dma_start3A_1022 : memref<10240x32xf32, #tpu.memory_space<hbm>>) target(%dma_start3A_1012 : memref<128x32xf32, #tpu.memory_space<vmem>>) offsets(%dma_start3A_1015 : memref<128xi32, #tpu.memory_space<vmem>>) semaphore(%arg11 : memref<!tpu.dma_semaphore, #tpu.memory_space<semaphore_mem>>)
      %dma_wait3A_1023 = arith.constant 5 : i32
      %dma_wait3A_1024 = arith.constant 0 : i32
      %dma_wait3A_1025 = arith.constant 0 : i32
      %dma_wait3A_1026 = arith.constant 0 : i32
      %dma_wait3A_1027 = tpu.memref_slice %arg9[%dma_wait3A_1023, %dma_wait3A_1025, %dma_wait3A_1026] : memref<8x128x32xf32, #tpu.memory_space<vmem>> -> memref<1x128x32xf32, #tpu.memory_space<vmem>>
      %dma_wait3A_1028 = tpu.memref_squeeze %dma_wait3A_1027 : memref<1x128x32xf32, #tpu.memory_space<vmem>> -> memref<128x32xf32, #tpu.memory_space<vmem>>
      %dma_wait3A_1029 = arith.constant 0 : i32
      %dma_wait3A_1030 = tpu.memref_slice %arg8[%dma_wait3A_1024, %dma_wait3A_1029] : memref<80x128xi32, #tpu.memory_space<vmem>> -> memref<1x128xi32, #tpu.memory_space<vmem>>
      %dma_wait3A_1031 = tpu.memref_squeeze %dma_wait3A_1030 : memref<1x128xi32, #tpu.memory_space<vmem>> -> memref<128xi32, #tpu.memory_space<vmem>>
      %dma_wait3A_1032 = arith.constant 0 : i32
      %dma_wait3A_1033 = arith.constant 0 : i32
      %dma_wait3A_1034 = tpu.memref_slice %arg10[%select_n3A_7, %dma_wait3A_1032, %dma_wait3A_1033] : memref<1x10240x32xf32, #tpu.memory_space<vmem_shared>> -> memref<1x10240x32xf32, #tpu.memory_space<vmem_shared>>
      %dma_wait3A_1035 = tpu.memref_squeeze %dma_wait3A_1034 : memref<1x10240x32xf32, #tpu.memory_space<vmem_shared>> -> memref<10240x32xf32, #tpu.memory_space<vmem_shared>>
      %dma_wait3A_1036 = arith.constant 0 : i32
      %dma_wait3A_1037 = arith.constant 0 : i32
      %dma_wait3A_1038 = tpu.memref_slice %dma_wait3A_1035[%dma_wait3A_1036, %dma_wait3A_1037] : memref<10240x32xf32, #tpu.memory_space<vmem_shared>> -> memref<10240x32xf32, #tpu.memory_space<vmem_shared>>
      tpu.wait_indirect_dma semaphore(%arg12 : memref<!tpu.dma_semaphore, #tpu.memory_space<semaphore_mem>>) src(%dma_wait3A_1028 : memref<128x32xf32, #tpu.memory_space<vmem>>) dst(%dma_wait3A_1038 : memref<10240x32xf32, #tpu.memory_space<vmem_shared>>)
      %add3A_1039 = arith.constant 8 : i32
      %add3A_1040 = arith.addi %add3A_583, %add3A_1039 : i32
      %add3A_1041 = arith.constant 5 : i32
      %add3A_1042 = arith.addi %add3A_1040, %add3A_1041 : i32
      %dma_start3A_1043 = arith.constant 5 : i32
      %dma_start3A_1044 = arith.constant 0 : i32
      %dma_start3A_1045 = arith.constant 0 : i32
      %dma_start3A_1046 = tpu.memref_slice %arg9[%dma_start3A_1043, %dma_start3A_1044, %dma_start3A_1045] : memref<8x128x32xf32, #tpu.memory_space<vmem>> -> memref<1x128x32xf32, #tpu.memory_space<vmem>>
      %dma_start3A_1047 = tpu.memref_squeeze %dma_start3A_1046 : memref<1x128x32xf32, #tpu.memory_space<vmem>> -> memref<128x32xf32, #tpu.memory_space<vmem>>
      %dma_start3A_1048 = arith.constant 0 : i32
      %dma_start3A_1049 = tpu.memref_slice %arg7[%add3A_1042, %dma_start3A_1048] : memref<80x128xi32, #tpu.memory_space<vmem>> -> memref<1x128xi32, #tpu.memory_space<vmem>>
      %dma_start3A_1050 = tpu.memref_squeeze %dma_start3A_1049 : memref<1x128xi32, #tpu.memory_space<vmem>> -> memref<128xi32, #tpu.memory_space<vmem>>
      %dma_start3A_1051 = arith.constant 0 : i32
      %dma_start3A_1052 = arith.constant 0 : i32
      %dma_start3A_1053 = tpu.memref_slice %arg2[%arg0, %dma_start3A_1051, %dma_start3A_1052] : memref<2x10240x32xf32, #tpu.memory_space<hbm>> -> memref<1x10240x32xf32, #tpu.memory_space<hbm>>
      %dma_start3A_1054 = tpu.memref_squeeze %dma_start3A_1053 : memref<1x10240x32xf32, #tpu.memory_space<hbm>> -> memref<10240x32xf32, #tpu.memory_space<hbm>>
      %dma_start3A_1055 = arith.constant 0 : i32
      %dma_start3A_1056 = arith.constant 0 : i32
      %dma_start3A_1057 = tpu.memref_slice %dma_start3A_1054[%dma_start3A_1055, %dma_start3A_1056] : memref<10240x32xf32, #tpu.memory_space<hbm>> -> memref<10240x32xf32, #tpu.memory_space<hbm>>
      tpu.enqueue_indirect_dma source(%dma_start3A_1057 : memref<10240x32xf32, #tpu.memory_space<hbm>>) target(%dma_start3A_1047 : memref<128x32xf32, #tpu.memory_space<vmem>>) offsets(%dma_start3A_1050 : memref<128xi32, #tpu.memory_space<vmem>>) semaphore(%arg11 : memref<!tpu.dma_semaphore, #tpu.memory_space<semaphore_mem>>)
      %dma_wait3A_1058 = arith.constant 6 : i32
      %dma_wait3A_1059 = arith.constant 0 : i32
      %dma_wait3A_1060 = arith.constant 0 : i32
      %dma_wait3A_1061 = arith.constant 0 : i32
      %dma_wait3A_1062 = tpu.memref_slice %arg9[%dma_wait3A_1058, %dma_wait3A_1060, %dma_wait3A_1061] : memref<8x128x32xf32, #tpu.memory_space<vmem>> -> memref<1x128x32xf32, #tpu.memory_space<vmem>>
      %dma_wait3A_1063 = tpu.memref_squeeze %dma_wait3A_1062 : memref<1x128x32xf32, #tpu.memory_space<vmem>> -> memref<128x32xf32, #tpu.memory_space<vmem>>
      %dma_wait3A_1064 = arith.constant 0 : i32
      %dma_wait3A_1065 = tpu.memref_slice %arg8[%dma_wait3A_1059, %dma_wait3A_1064] : memref<80x128xi32, #tpu.memory_space<vmem>> -> memref<1x128xi32, #tpu.memory_space<vmem>>
      %dma_wait3A_1066 = tpu.memref_squeeze %dma_wait3A_1065 : memref<1x128xi32, #tpu.memory_space<vmem>> -> memref<128xi32, #tpu.memory_space<vmem>>
      %dma_wait3A_1067 = arith.constant 0 : i32
      %dma_wait3A_1068 = arith.constant 0 : i32
      %dma_wait3A_1069 = tpu.memref_slice %arg10[%select_n3A_7, %dma_wait3A_1067, %dma_wait3A_1068] : memref<1x10240x32xf32, #tpu.memory_space<vmem_shared>> -> memref<1x10240x32xf32, #tpu.memory_space<vmem_shared>>
      %dma_wait3A_1070 = tpu.memref_squeeze %dma_wait3A_1069 : memref<1x10240x32xf32, #tpu.memory_space<vmem_shared>> -> memref<10240x32xf32, #tpu.memory_space<vmem_shared>>
      %dma_wait3A_1071 = arith.constant 0 : i32
      %dma_wait3A_1072 = arith.constant 0 : i32
      %dma_wait3A_1073 = tpu.memref_slice %dma_wait3A_1070[%dma_wait3A_1071, %dma_wait3A_1072] : memref<10240x32xf32, #tpu.memory_space<vmem_shared>> -> memref<10240x32xf32, #tpu.memory_space<vmem_shared>>
      tpu.wait_indirect_dma semaphore(%arg12 : memref<!tpu.dma_semaphore, #tpu.memory_space<semaphore_mem>>) src(%dma_wait3A_1063 : memref<128x32xf32, #tpu.memory_space<vmem>>) dst(%dma_wait3A_1073 : memref<10240x32xf32, #tpu.memory_space<vmem_shared>>)
      %add3A_1074 = arith.constant 8 : i32
      %add3A_1075 = arith.addi %add3A_583, %add3A_1074 : i32
      %add3A_1076 = arith.constant 6 : i32
      %add3A_1077 = arith.addi %add3A_1075, %add3A_1076 : i32
      %dma_start3A_1078 = arith.constant 6 : i32
      %dma_start3A_1079 = arith.constant 0 : i32
      %dma_start3A_1080 = arith.constant 0 : i32
      %dma_start3A_1081 = tpu.memref_slice %arg9[%dma_start3A_1078, %dma_start3A_1079, %dma_start3A_1080] : memref<8x128x32xf32, #tpu.memory_space<vmem>> -> memref<1x128x32xf32, #tpu.memory_space<vmem>>
      %dma_start3A_1082 = tpu.memref_squeeze %dma_start3A_1081 : memref<1x128x32xf32, #tpu.memory_space<vmem>> -> memref<128x32xf32, #tpu.memory_space<vmem>>
      %dma_start3A_1083 = arith.constant 0 : i32
      %dma_start3A_1084 = tpu.memref_slice %arg7[%add3A_1077, %dma_start3A_1083] : memref<80x128xi32, #tpu.memory_space<vmem>> -> memref<1x128xi32, #tpu.memory_space<vmem>>
      %dma_start3A_1085 = tpu.memref_squeeze %dma_start3A_1084 : memref<1x128xi32, #tpu.memory_space<vmem>> -> memref<128xi32, #tpu.memory_space<vmem>>
      %dma_start3A_1086 = arith.constant 0 : i32
      %dma_start3A_1087 = arith.constant 0 : i32
      %dma_start3A_1088 = tpu.memref_slice %arg2[%arg0, %dma_start3A_1086, %dma_start3A_1087] : memref<2x10240x32xf32, #tpu.memory_space<hbm>> -> memref<1x10240x32xf32, #tpu.memory_space<hbm>>
      %dma_start3A_1089 = tpu.memref_squeeze %dma_start3A_1088 : memref<1x10240x32xf32, #tpu.memory_space<hbm>> -> memref<10240x32xf32, #tpu.memory_space<hbm>>
      %dma_start3A_1090 = arith.constant 0 : i32
      %dma_start3A_1091 = arith.constant 0 : i32
      %dma_start3A_1092 = tpu.memref_slice %dma_start3A_1089[%dma_start3A_1090, %dma_start3A_1091] : memref<10240x32xf32, #tpu.memory_space<hbm>> -> memref<10240x32xf32, #tpu.memory_space<hbm>>
      tpu.enqueue_indirect_dma source(%dma_start3A_1092 : memref<10240x32xf32, #tpu.memory_space<hbm>>) target(%dma_start3A_1082 : memref<128x32xf32, #tpu.memory_space<vmem>>) offsets(%dma_start3A_1085 : memref<128xi32, #tpu.memory_space<vmem>>) semaphore(%arg11 : memref<!tpu.dma_semaphore, #tpu.memory_space<semaphore_mem>>)
      %dma_wait3A_1093 = arith.constant 7 : i32
      %dma_wait3A_1094 = arith.constant 0 : i32
      %dma_wait3A_1095 = arith.constant 0 : i32
      %dma_wait3A_1096 = arith.constant 0 : i32
      %dma_wait3A_1097 = tpu.memref_slice %arg9[%dma_wait3A_1093, %dma_wait3A_1095, %dma_wait3A_1096] : memref<8x128x32xf32, #tpu.memory_space<vmem>> -> memref<1x128x32xf32, #tpu.memory_space<vmem>>
      %dma_wait3A_1098 = tpu.memref_squeeze %dma_wait3A_1097 : memref<1x128x32xf32, #tpu.memory_space<vmem>> -> memref<128x32xf32, #tpu.memory_space<vmem>>
      %dma_wait3A_1099 = arith.constant 0 : i32
      %dma_wait3A_1100 = tpu.memref_slice %arg8[%dma_wait3A_1094, %dma_wait3A_1099] : memref<80x128xi32, #tpu.memory_space<vmem>> -> memref<1x128xi32, #tpu.memory_space<vmem>>
      %dma_wait3A_1101 = tpu.memref_squeeze %dma_wait3A_1100 : memref<1x128xi32, #tpu.memory_space<vmem>> -> memref<128xi32, #tpu.memory_space<vmem>>
      %dma_wait3A_1102 = arith.constant 0 : i32
      %dma_wait3A_1103 = arith.constant 0 : i32
      %dma_wait3A_1104 = tpu.memref_slice %arg10[%select_n3A_7, %dma_wait3A_1102, %dma_wait3A_1103] : memref<1x10240x32xf32, #tpu.memory_space<vmem_shared>> -> memref<1x10240x32xf32, #tpu.memory_space<vmem_shared>>
      %dma_wait3A_1105 = tpu.memref_squeeze %dma_wait3A_1104 : memref<1x10240x32xf32, #tpu.memory_space<vmem_shared>> -> memref<10240x32xf32, #tpu.memory_space<vmem_shared>>
      %dma_wait3A_1106 = arith.constant 0 : i32
      %dma_wait3A_1107 = arith.constant 0 : i32
      %dma_wait3A_1108 = tpu.memref_slice %dma_wait3A_1105[%dma_wait3A_1106, %dma_wait3A_1107] : memref<10240x32xf32, #tpu.memory_space<vmem_shared>> -> memref<10240x32xf32, #tpu.memory_space<vmem_shared>>
      tpu.wait_indirect_dma semaphore(%arg12 : memref<!tpu.dma_semaphore, #tpu.memory_space<semaphore_mem>>) src(%dma_wait3A_1098 : memref<128x32xf32, #tpu.memory_space<vmem>>) dst(%dma_wait3A_1108 : memref<10240x32xf32, #tpu.memory_space<vmem_shared>>)
      %add3A_1109 = arith.constant 8 : i32
      %add3A_1110 = arith.addi %add3A_583, %add3A_1109 : i32
      %add3A_1111 = arith.constant 7 : i32
      %add3A_1112 = arith.addi %add3A_1110, %add3A_1111 : i32
      %dma_start3A_1113 = arith.constant 7 : i32
      %dma_start3A_1114 = arith.constant 0 : i32
      %dma_start3A_1115 = arith.constant 0 : i32
      %dma_start3A_1116 = tpu.memref_slice %arg9[%dma_start3A_1113, %dma_start3A_1114, %dma_start3A_1115] : memref<8x128x32xf32, #tpu.memory_space<vmem>> -> memref<1x128x32xf32, #tpu.memory_space<vmem>>
      %dma_start3A_1117 = tpu.memref_squeeze %dma_start3A_1116 : memref<1x128x32xf32, #tpu.memory_space<vmem>> -> memref<128x32xf32, #tpu.memory_space<vmem>>
      %dma_start3A_1118 = arith.constant 0 : i32
      %dma_start3A_1119 = tpu.memref_slice %arg7[%add3A_1112, %dma_start3A_1118] : memref<80x128xi32, #tpu.memory_space<vmem>> -> memref<1x128xi32, #tpu.memory_space<vmem>>
      %dma_start3A_1120 = tpu.memref_squeeze %dma_start3A_1119 : memref<1x128xi32, #tpu.memory_space<vmem>> -> memref<128xi32, #tpu.memory_space<vmem>>
      %dma_start3A_1121 = arith.constant 0 : i32
      %dma_start3A_1122 = arith.constant 0 : i32
      %dma_start3A_1123 = tpu.memref_slice %arg2[%arg0, %dma_start3A_1121, %dma_start3A_1122] : memref<2x10240x32xf32, #tpu.memory_space<hbm>> -> memref<1x10240x32xf32, #tpu.memory_space<hbm>>
      %dma_start3A_1124 = tpu.memref_squeeze %dma_start3A_1123 : memref<1x10240x32xf32, #tpu.memory_space<hbm>> -> memref<10240x32xf32, #tpu.memory_space<hbm>>
      %dma_start3A_1125 = arith.constant 0 : i32
      %dma_start3A_1126 = arith.constant 0 : i32
      %dma_start3A_1127 = tpu.memref_slice %dma_start3A_1124[%dma_start3A_1125, %dma_start3A_1126] : memref<10240x32xf32, #tpu.memory_space<hbm>> -> memref<10240x32xf32, #tpu.memory_space<hbm>>
      tpu.enqueue_indirect_dma source(%dma_start3A_1127 : memref<10240x32xf32, #tpu.memory_space<hbm>>) target(%dma_start3A_1117 : memref<128x32xf32, #tpu.memory_space<vmem>>) offsets(%dma_start3A_1120 : memref<128xi32, #tpu.memory_space<vmem>>) semaphore(%arg11 : memref<!tpu.dma_semaphore, #tpu.memory_space<semaphore_mem>>)
    }
    %scan3A_188 = arith.constant 9 : i32
    %dma_wait3A_189 = arith.constant 0 : i32
    %dma_wait3A_190 = arith.constant 0 : i32
    %dma_wait3A_191 = arith.constant 0 : i32
    %dma_wait3A_192 = arith.constant 0 : i32
    %dma_wait3A_193 = tpu.memref_slice %arg9[%dma_wait3A_190, %dma_wait3A_191, %dma_wait3A_192] : memref<8x128x32xf32, #tpu.memory_space<vmem>> -> memref<1x128x32xf32, #tpu.memory_space<vmem>>
    %dma_wait3A_194 = tpu.memref_squeeze %dma_wait3A_193 : memref<1x128x32xf32, #tpu.memory_space<vmem>> -> memref<128x32xf32, #tpu.memory_space<vmem>>
    %dma_wait3A_195 = arith.constant 0 : i32
    %dma_wait3A_196 = tpu.memref_slice %arg7[%dma_wait3A_189, %dma_wait3A_195] : memref<80x128xi32, #tpu.memory_space<vmem>> -> memref<1x128xi32, #tpu.memory_space<vmem>>
    %dma_wait3A_197 = tpu.memref_squeeze %dma_wait3A_196 : memref<1x128xi32, #tpu.memory_space<vmem>> -> memref<128xi32, #tpu.memory_space<vmem>>
    %dma_wait3A_198 = arith.constant 0 : i32
    %dma_wait3A_199 = arith.constant 0 : i32
    %dma_wait3A_200 = tpu.memref_slice %arg2[%arg0, %dma_wait3A_198, %dma_wait3A_199] : memref<2x10240x32xf32, #tpu.memory_space<hbm>> -> memref<1x10240x32xf32, #tpu.memory_space<hbm>>
    %dma_wait3A_201 = tpu.memref_squeeze %dma_wait3A_200 : memref<1x10240x32xf32, #tpu.memory_space<hbm>> -> memref<10240x32xf32, #tpu.memory_space<hbm>>
    %dma_wait3A_202 = arith.constant 0 : i32
    %dma_wait3A_203 = arith.constant 0 : i32
    %dma_wait3A_204 = tpu.memref_slice %dma_wait3A_201[%dma_wait3A_202, %dma_wait3A_203] : memref<10240x32xf32, #tpu.memory_space<hbm>> -> memref<10240x32xf32, #tpu.memory_space<hbm>>
    tpu.wait_indirect_dma semaphore(%arg11 : memref<!tpu.dma_semaphore, #tpu.memory_space<semaphore_mem>>) src(%dma_wait3A_204 : memref<10240x32xf32, #tpu.memory_space<hbm>>) dst(%dma_wait3A_194 : memref<128x32xf32, #tpu.memory_space<vmem>>)
    %dma_start3A_205 = arith.constant 0 : i32
    %dma_start3A_206 = arith.constant 72 : i32
    %dma_start3A_207 = arith.constant 0 : i32
    %dma_start3A_208 = arith.constant 0 : i32
    %dma_start3A_209 = tpu.memref_slice %arg9[%dma_start3A_205, %dma_start3A_207, %dma_start3A_208] : memref<8x128x32xf32, #tpu.memory_space<vmem>> -> memref<1x128x32xf32, #tpu.memory_space<vmem>>
    %dma_start3A_210 = tpu.memref_squeeze %dma_start3A_209 : memref<1x128x32xf32, #tpu.memory_space<vmem>> -> memref<128x32xf32, #tpu.memory_space<vmem>>
    %dma_start3A_211 = arith.constant 0 : i32
    %dma_start3A_212 = tpu.memref_slice %arg8[%dma_start3A_206, %dma_start3A_211] : memref<80x128xi32, #tpu.memory_space<vmem>> -> memref<1x128xi32, #tpu.memory_space<vmem>>
    %dma_start3A_213 = tpu.memref_squeeze %dma_start3A_212 : memref<1x128xi32, #tpu.memory_space<vmem>> -> memref<128xi32, #tpu.memory_space<vmem>>
    %dma_start3A_214 = arith.constant 0 : i32
    %dma_start3A_215 = arith.constant 0 : i32
    %dma_start3A_216 = tpu.memref_slice %arg10[%select_n3A_7, %dma_start3A_214, %dma_start3A_215] : memref<1x10240x32xf32, #tpu.memory_space<vmem_shared>> -> memref<1x10240x32xf32, #tpu.memory_space<vmem_shared>>
    %dma_start3A_217 = tpu.memref_squeeze %dma_start3A_216 : memref<1x10240x32xf32, #tpu.memory_space<vmem_shared>> -> memref<10240x32xf32, #tpu.memory_space<vmem_shared>>
    %dma_start3A_218 = arith.constant 0 : i32
    %dma_start3A_219 = arith.constant 0 : i32
    %dma_start3A_220 = tpu.memref_slice %dma_start3A_217[%dma_start3A_218, %dma_start3A_219] : memref<10240x32xf32, #tpu.memory_space<vmem_shared>> -> memref<10240x32xf32, #tpu.memory_space<vmem_shared>>
    tpu.enqueue_indirect_dma source(%dma_start3A_210 : memref<128x32xf32, #tpu.memory_space<vmem>>) target(%dma_start3A_220 : memref<10240x32xf32, #tpu.memory_space<vmem_shared>>) offsets(%dma_start3A_213 : memref<128xi32, #tpu.memory_space<vmem>>) semaphore(%arg12 : memref<!tpu.dma_semaphore, #tpu.memory_space<semaphore_mem>>) {add = true}
    %dma_wait3A_221 = arith.constant 0 : i32
    %dma_wait3A_222 = arith.constant 1 : i32
    %dma_wait3A_223 = arith.constant 0 : i32
    %dma_wait3A_224 = arith.constant 0 : i32
    %dma_wait3A_225 = tpu.memref_slice %arg9[%dma_wait3A_222, %dma_wait3A_223, %dma_wait3A_224] : memref<8x128x32xf32, #tpu.memory_space<vmem>> -> memref<1x128x32xf32, #tpu.memory_space<vmem>>
    %dma_wait3A_226 = tpu.memref_squeeze %dma_wait3A_225 : memref<1x128x32xf32, #tpu.memory_space<vmem>> -> memref<128x32xf32, #tpu.memory_space<vmem>>
    %dma_wait3A_227 = arith.constant 0 : i32
    %dma_wait3A_228 = tpu.memref_slice %arg7[%dma_wait3A_221, %dma_wait3A_227] : memref<80x128xi32, #tpu.memory_space<vmem>> -> memref<1x128xi32, #tpu.memory_space<vmem>>
    %dma_wait3A_229 = tpu.memref_squeeze %dma_wait3A_228 : memref<1x128xi32, #tpu.memory_space<vmem>> -> memref<128xi32, #tpu.memory_space<vmem>>
    %dma_wait3A_230 = arith.constant 0 : i32
    %dma_wait3A_231 = arith.constant 0 : i32
    %dma_wait3A_232 = tpu.memref_slice %arg2[%arg0, %dma_wait3A_230, %dma_wait3A_231] : memref<2x10240x32xf32, #tpu.memory_space<hbm>> -> memref<1x10240x32xf32, #tpu.memory_space<hbm>>
    %dma_wait3A_233 = tpu.memref_squeeze %dma_wait3A_232 : memref<1x10240x32xf32, #tpu.memory_space<hbm>> -> memref<10240x32xf32, #tpu.memory_space<hbm>>
    %dma_wait3A_234 = arith.constant 0 : i32
    %dma_wait3A_235 = arith.constant 0 : i32
    %dma_wait3A_236 = tpu.memref_slice %dma_wait3A_233[%dma_wait3A_234, %dma_wait3A_235] : memref<10240x32xf32, #tpu.memory_space<hbm>> -> memref<10240x32xf32, #tpu.memory_space<hbm>>
    tpu.wait_indirect_dma semaphore(%arg11 : memref<!tpu.dma_semaphore, #tpu.memory_space<semaphore_mem>>) src(%dma_wait3A_236 : memref<10240x32xf32, #tpu.memory_space<hbm>>) dst(%dma_wait3A_226 : memref<128x32xf32, #tpu.memory_space<vmem>>)
    %dma_start3A_237 = arith.constant 1 : i32
    %dma_start3A_238 = arith.constant 73 : i32
    %dma_start3A_239 = arith.constant 0 : i32
    %dma_start3A_240 = arith.constant 0 : i32
    %dma_start3A_241 = tpu.memref_slice %arg9[%dma_start3A_237, %dma_start3A_239, %dma_start3A_240] : memref<8x128x32xf32, #tpu.memory_space<vmem>> -> memref<1x128x32xf32, #tpu.memory_space<vmem>>
    %dma_start3A_242 = tpu.memref_squeeze %dma_start3A_241 : memref<1x128x32xf32, #tpu.memory_space<vmem>> -> memref<128x32xf32, #tpu.memory_space<vmem>>
    %dma_start3A_243 = arith.constant 0 : i32
    %dma_start3A_244 = tpu.memref_slice %arg8[%dma_start3A_238, %dma_start3A_243] : memref<80x128xi32, #tpu.memory_space<vmem>> -> memref<1x128xi32, #tpu.memory_space<vmem>>
    %dma_start3A_245 = tpu.memref_squeeze %dma_start3A_244 : memref<1x128xi32, #tpu.memory_space<vmem>> -> memref<128xi32, #tpu.memory_space<vmem>>
    %dma_start3A_246 = arith.constant 0 : i32
    %dma_start3A_247 = arith.constant 0 : i32
    %dma_start3A_248 = tpu.memref_slice %arg10[%select_n3A_7, %dma_start3A_246, %dma_start3A_247] : memref<1x10240x32xf32, #tpu.memory_space<vmem_shared>> -> memref<1x10240x32xf32, #tpu.memory_space<vmem_shared>>
    %dma_start3A_249 = tpu.memref_squeeze %dma_start3A_248 : memref<1x10240x32xf32, #tpu.memory_space<vmem_shared>> -> memref<10240x32xf32, #tpu.memory_space<vmem_shared>>
    %dma_start3A_250 = arith.constant 0 : i32
    %dma_start3A_251 = arith.constant 0 : i32
    %dma_start3A_252 = tpu.memref_slice %dma_start3A_249[%dma_start3A_250, %dma_start3A_251] : memref<10240x32xf32, #tpu.memory_space<vmem_shared>> -> memref<10240x32xf32, #tpu.memory_space<vmem_shared>>
    tpu.enqueue_indirect_dma source(%dma_start3A_242 : memref<128x32xf32, #tpu.memory_space<vmem>>) target(%dma_start3A_252 : memref<10240x32xf32, #tpu.memory_space<vmem_shared>>) offsets(%dma_start3A_245 : memref<128xi32, #tpu.memory_space<vmem>>) semaphore(%arg12 : memref<!tpu.dma_semaphore, #tpu.memory_space<semaphore_mem>>) {add = true}
    %dma_wait3A_253 = arith.constant 0 : i32
    %dma_wait3A_254 = arith.constant 2 : i32
    %dma_wait3A_255 = arith.constant 0 : i32
    %dma_wait3A_256 = arith.constant 0 : i32
    %dma_wait3A_257 = tpu.memref_slice %arg9[%dma_wait3A_254, %dma_wait3A_255, %dma_wait3A_256] : memref<8x128x32xf32, #tpu.memory_space<vmem>> -> memref<1x128x32xf32, #tpu.memory_space<vmem>>
    %dma_wait3A_258 = tpu.memref_squeeze %dma_wait3A_257 : memref<1x128x32xf32, #tpu.memory_space<vmem>> -> memref<128x32xf32, #tpu.memory_space<vmem>>
    %dma_wait3A_259 = arith.constant 0 : i32
    %dma_wait3A_260 = tpu.memref_slice %arg7[%dma_wait3A_253, %dma_wait3A_259] : memref<80x128xi32, #tpu.memory_space<vmem>> -> memref<1x128xi32, #tpu.memory_space<vmem>>
    %dma_wait3A_261 = tpu.memref_squeeze %dma_wait3A_260 : memref<1x128xi32, #tpu.memory_space<vmem>> -> memref<128xi32, #tpu.memory_space<vmem>>
    %dma_wait3A_262 = arith.constant 0 : i32
    %dma_wait3A_263 = arith.constant 0 : i32
    %dma_wait3A_264 = tpu.memref_slice %arg2[%arg0, %dma_wait3A_262, %dma_wait3A_263] : memref<2x10240x32xf32, #tpu.memory_space<hbm>> -> memref<1x10240x32xf32, #tpu.memory_space<hbm>>
    %dma_wait3A_265 = tpu.memref_squeeze %dma_wait3A_264 : memref<1x10240x32xf32, #tpu.memory_space<hbm>> -> memref<10240x32xf32, #tpu.memory_space<hbm>>
    %dma_wait3A_266 = arith.constant 0 : i32
    %dma_wait3A_267 = arith.constant 0 : i32
    %dma_wait3A_268 = tpu.memref_slice %dma_wait3A_265[%dma_wait3A_266, %dma_wait3A_267] : memref<10240x32xf32, #tpu.memory_space<hbm>> -> memref<10240x32xf32, #tpu.memory_space<hbm>>
    tpu.wait_indirect_dma semaphore(%arg11 : memref<!tpu.dma_semaphore, #tpu.memory_space<semaphore_mem>>) src(%dma_wait3A_268 : memref<10240x32xf32, #tpu.memory_space<hbm>>) dst(%dma_wait3A_258 : memref<128x32xf32, #tpu.memory_space<vmem>>)
    %dma_start3A_269 = arith.constant 2 : i32
    %dma_start3A_270 = arith.constant 74 : i32
    %dma_start3A_271 = arith.constant 0 : i32
    %dma_start3A_272 = arith.constant 0 : i32
    %dma_start3A_273 = tpu.memref_slice %arg9[%dma_start3A_269, %dma_start3A_271, %dma_start3A_272] : memref<8x128x32xf32, #tpu.memory_space<vmem>> -> memref<1x128x32xf32, #tpu.memory_space<vmem>>
    %dma_start3A_274 = tpu.memref_squeeze %dma_start3A_273 : memref<1x128x32xf32, #tpu.memory_space<vmem>> -> memref<128x32xf32, #tpu.memory_space<vmem>>
    %dma_start3A_275 = arith.constant 0 : i32
    %dma_start3A_276 = tpu.memref_slice %arg8[%dma_start3A_270, %dma_start3A_275] : memref<80x128xi32, #tpu.memory_space<vmem>> -> memref<1x128xi32, #tpu.memory_space<vmem>>
    %dma_start3A_277 = tpu.memref_squeeze %dma_start3A_276 : memref<1x128xi32, #tpu.memory_space<vmem>> -> memref<128xi32, #tpu.memory_space<vmem>>
    %dma_start3A_278 = arith.constant 0 : i32
    %dma_start3A_279 = arith.constant 0 : i32
    %dma_start3A_280 = tpu.memref_slice %arg10[%select_n3A_7, %dma_start3A_278, %dma_start3A_279] : memref<1x10240x32xf32, #tpu.memory_space<vmem_shared>> -> memref<1x10240x32xf32, #tpu.memory_space<vmem_shared>>
    %dma_start3A_281 = tpu.memref_squeeze %dma_start3A_280 : memref<1x10240x32xf32, #tpu.memory_space<vmem_shared>> -> memref<10240x32xf32, #tpu.memory_space<vmem_shared>>
    %dma_start3A_282 = arith.constant 0 : i32
    %dma_start3A_283 = arith.constant 0 : i32
    %dma_start3A_284 = tpu.memref_slice %dma_start3A_281[%dma_start3A_282, %dma_start3A_283] : memref<10240x32xf32, #tpu.memory_space<vmem_shared>> -> memref<10240x32xf32, #tpu.memory_space<vmem_shared>>
    tpu.enqueue_indirect_dma source(%dma_start3A_274 : memref<128x32xf32, #tpu.memory_space<vmem>>) target(%dma_start3A_284 : memref<10240x32xf32, #tpu.memory_space<vmem_shared>>) offsets(%dma_start3A_277 : memref<128xi32, #tpu.memory_space<vmem>>) semaphore(%arg12 : memref<!tpu.dma_semaphore, #tpu.memory_space<semaphore_mem>>) {add = true}
    %dma_wait3A_285 = arith.constant 0 : i32
    %dma_wait3A_286 = arith.constant 3 : i32
    %dma_wait3A_287 = arith.constant 0 : i32
    %dma_wait3A_288 = arith.constant 0 : i32
    %dma_wait3A_289 = tpu.memref_slice %arg9[%dma_wait3A_286, %dma_wait3A_287, %dma_wait3A_288] : memref<8x128x32xf32, #tpu.memory_space<vmem>> -> memref<1x128x32xf32, #tpu.memory_space<vmem>>
    %dma_wait3A_290 = tpu.memref_squeeze %dma_wait3A_289 : memref<1x128x32xf32, #tpu.memory_space<vmem>> -> memref<128x32xf32, #tpu.memory_space<vmem>>
    %dma_wait3A_291 = arith.constant 0 : i32
    %dma_wait3A_292 = tpu.memref_slice %arg7[%dma_wait3A_285, %dma_wait3A_291] : memref<80x128xi32, #tpu.memory_space<vmem>> -> memref<1x128xi32, #tpu.memory_space<vmem>>
    %dma_wait3A_293 = tpu.memref_squeeze %dma_wait3A_292 : memref<1x128xi32, #tpu.memory_space<vmem>> -> memref<128xi32, #tpu.memory_space<vmem>>
    %dma_wait3A_294 = arith.constant 0 : i32
    %dma_wait3A_295 = arith.constant 0 : i32
    %dma_wait3A_296 = tpu.memref_slice %arg2[%arg0, %dma_wait3A_294, %dma_wait3A_295] : memref<2x10240x32xf32, #tpu.memory_space<hbm>> -> memref<1x10240x32xf32, #tpu.memory_space<hbm>>
    %dma_wait3A_297 = tpu.memref_squeeze %dma_wait3A_296 : memref<1x10240x32xf32, #tpu.memory_space<hbm>> -> memref<10240x32xf32, #tpu.memory_space<hbm>>
    %dma_wait3A_298 = arith.constant 0 : i32
    %dma_wait3A_299 = arith.constant 0 : i32
    %dma_wait3A_300 = tpu.memref_slice %dma_wait3A_297[%dma_wait3A_298, %dma_wait3A_299] : memref<10240x32xf32, #tpu.memory_space<hbm>> -> memref<10240x32xf32, #tpu.memory_space<hbm>>
    tpu.wait_indirect_dma semaphore(%arg11 : memref<!tpu.dma_semaphore, #tpu.memory_space<semaphore_mem>>) src(%dma_wait3A_300 : memref<10240x32xf32, #tpu.memory_space<hbm>>) dst(%dma_wait3A_290 : memref<128x32xf32, #tpu.memory_space<vmem>>)
    %dma_start3A_301 = arith.constant 3 : i32
    %dma_start3A_302 = arith.constant 75 : i32
    %dma_start3A_303 = arith.constant 0 : i32
    %dma_start3A_304 = arith.constant 0 : i32
    %dma_start3A_305 = tpu.memref_slice %arg9[%dma_start3A_301, %dma_start3A_303, %dma_start3A_304] : memref<8x128x32xf32, #tpu.memory_space<vmem>> -> memref<1x128x32xf32, #tpu.memory_space<vmem>>
    %dma_start3A_306 = tpu.memref_squeeze %dma_start3A_305 : memref<1x128x32xf32, #tpu.memory_space<vmem>> -> memref<128x32xf32, #tpu.memory_space<vmem>>
    %dma_start3A_307 = arith.constant 0 : i32
    %dma_start3A_308 = tpu.memref_slice %arg8[%dma_start3A_302, %dma_start3A_307] : memref<80x128xi32, #tpu.memory_space<vmem>> -> memref<1x128xi32, #tpu.memory_space<vmem>>
    %dma_start3A_309 = tpu.memref_squeeze %dma_start3A_308 : memref<1x128xi32, #tpu.memory_space<vmem>> -> memref<128xi32, #tpu.memory_space<vmem>>
    %dma_start3A_310 = arith.constant 0 : i32
    %dma_start3A_311 = arith.constant 0 : i32
    %dma_start3A_312 = tpu.memref_slice %arg10[%select_n3A_7, %dma_start3A_310, %dma_start3A_311] : memref<1x10240x32xf32, #tpu.memory_space<vmem_shared>> -> memref<1x10240x32xf32, #tpu.memory_space<vmem_shared>>
    %dma_start3A_313 = tpu.memref_squeeze %dma_start3A_312 : memref<1x10240x32xf32, #tpu.memory_space<vmem_shared>> -> memref<10240x32xf32, #tpu.memory_space<vmem_shared>>
    %dma_start3A_314 = arith.constant 0 : i32
    %dma_start3A_315 = arith.constant 0 : i32
    %dma_start3A_316 = tpu.memref_slice %dma_start3A_313[%dma_start3A_314, %dma_start3A_315] : memref<10240x32xf32, #tpu.memory_space<vmem_shared>> -> memref<10240x32xf32, #tpu.memory_space<vmem_shared>>
    tpu.enqueue_indirect_dma source(%dma_start3A_306 : memref<128x32xf32, #tpu.memory_space<vmem>>) target(%dma_start3A_316 : memref<10240x32xf32, #tpu.memory_space<vmem_shared>>) offsets(%dma_start3A_309 : memref<128xi32, #tpu.memory_space<vmem>>) semaphore(%arg12 : memref<!tpu.dma_semaphore, #tpu.memory_space<semaphore_mem>>) {add = true}
    %dma_wait3A_317 = arith.constant 0 : i32
    %dma_wait3A_318 = arith.constant 4 : i32
    %dma_wait3A_319 = arith.constant 0 : i32
    %dma_wait3A_320 = arith.constant 0 : i32
    %dma_wait3A_321 = tpu.memref_slice %arg9[%dma_wait3A_318, %dma_wait3A_319, %dma_wait3A_320] : memref<8x128x32xf32, #tpu.memory_space<vmem>> -> memref<1x128x32xf32, #tpu.memory_space<vmem>>
    %dma_wait3A_322 = tpu.memref_squeeze %dma_wait3A_321 : memref<1x128x32xf32, #tpu.memory_space<vmem>> -> memref<128x32xf32, #tpu.memory_space<vmem>>
    %dma_wait3A_323 = arith.constant 0 : i32
    %dma_wait3A_324 = tpu.memref_slice %arg7[%dma_wait3A_317, %dma_wait3A_323] : memref<80x128xi32, #tpu.memory_space<vmem>> -> memref<1x128xi32, #tpu.memory_space<vmem>>
    %dma_wait3A_325 = tpu.memref_squeeze %dma_wait3A_324 : memref<1x128xi32, #tpu.memory_space<vmem>> -> memref<128xi32, #tpu.memory_space<vmem>>
    %dma_wait3A_326 = arith.constant 0 : i32
    %dma_wait3A_327 = arith.constant 0 : i32
    %dma_wait3A_328 = tpu.memref_slice %arg2[%arg0, %dma_wait3A_326, %dma_wait3A_327] : memref<2x10240x32xf32, #tpu.memory_space<hbm>> -> memref<1x10240x32xf32, #tpu.memory_space<hbm>>
    %dma_wait3A_329 = tpu.memref_squeeze %dma_wait3A_328 : memref<1x10240x32xf32, #tpu.memory_space<hbm>> -> memref<10240x32xf32, #tpu.memory_space<hbm>>
    %dma_wait3A_330 = arith.constant 0 : i32
    %dma_wait3A_331 = arith.constant 0 : i32
    %dma_wait3A_332 = tpu.memref_slice %dma_wait3A_329[%dma_wait3A_330, %dma_wait3A_331] : memref<10240x32xf32, #tpu.memory_space<hbm>> -> memref<10240x32xf32, #tpu.memory_space<hbm>>
    tpu.wait_indirect_dma semaphore(%arg11 : memref<!tpu.dma_semaphore, #tpu.memory_space<semaphore_mem>>) src(%dma_wait3A_332 : memref<10240x32xf32, #tpu.memory_space<hbm>>) dst(%dma_wait3A_322 : memref<128x32xf32, #tpu.memory_space<vmem>>)
    %dma_start3A_333 = arith.constant 4 : i32
    %dma_start3A_334 = arith.constant 76 : i32
    %dma_start3A_335 = arith.constant 0 : i32
    %dma_start3A_336 = arith.constant 0 : i32
    %dma_start3A_337 = tpu.memref_slice %arg9[%dma_start3A_333, %dma_start3A_335, %dma_start3A_336] : memref<8x128x32xf32, #tpu.memory_space<vmem>> -> memref<1x128x32xf32, #tpu.memory_space<vmem>>
    %dma_start3A_338 = tpu.memref_squeeze %dma_start3A_337 : memref<1x128x32xf32, #tpu.memory_space<vmem>> -> memref<128x32xf32, #tpu.memory_space<vmem>>
    %dma_start3A_339 = arith.constant 0 : i32
    %dma_start3A_340 = tpu.memref_slice %arg8[%dma_start3A_334, %dma_start3A_339] : memref<80x128xi32, #tpu.memory_space<vmem>> -> memref<1x128xi32, #tpu.memory_space<vmem>>
    %dma_start3A_341 = tpu.memref_squeeze %dma_start3A_340 : memref<1x128xi32, #tpu.memory_space<vmem>> -> memref<128xi32, #tpu.memory_space<vmem>>
    %dma_start3A_342 = arith.constant 0 : i32
    %dma_start3A_343 = arith.constant 0 : i32
    %dma_start3A_344 = tpu.memref_slice %arg10[%select_n3A_7, %dma_start3A_342, %dma_start3A_343] : memref<1x10240x32xf32, #tpu.memory_space<vmem_shared>> -> memref<1x10240x32xf32, #tpu.memory_space<vmem_shared>>
    %dma_start3A_345 = tpu.memref_squeeze %dma_start3A_344 : memref<1x10240x32xf32, #tpu.memory_space<vmem_shared>> -> memref<10240x32xf32, #tpu.memory_space<vmem_shared>>
    %dma_start3A_346 = arith.constant 0 : i32
    %dma_start3A_347 = arith.constant 0 : i32
    %dma_start3A_348 = tpu.memref_slice %dma_start3A_345[%dma_start3A_346, %dma_start3A_347] : memref<10240x32xf32, #tpu.memory_space<vmem_shared>> -> memref<10240x32xf32, #tpu.memory_space<vmem_shared>>
    tpu.enqueue_indirect_dma source(%dma_start3A_338 : memref<128x32xf32, #tpu.memory_space<vmem>>) target(%dma_start3A_348 : memref<10240x32xf32, #tpu.memory_space<vmem_shared>>) offsets(%dma_start3A_341 : memref<128xi32, #tpu.memory_space<vmem>>) semaphore(%arg12 : memref<!tpu.dma_semaphore, #tpu.memory_space<semaphore_mem>>) {add = true}
    %dma_wait3A_349 = arith.constant 0 : i32
    %dma_wait3A_350 = arith.constant 5 : i32
    %dma_wait3A_351 = arith.constant 0 : i32
    %dma_wait3A_352 = arith.constant 0 : i32
    %dma_wait3A_353 = tpu.memref_slice %arg9[%dma_wait3A_350, %dma_wait3A_351, %dma_wait3A_352] : memref<8x128x32xf32, #tpu.memory_space<vmem>> -> memref<1x128x32xf32, #tpu.memory_space<vmem>>
    %dma_wait3A_354 = tpu.memref_squeeze %dma_wait3A_353 : memref<1x128x32xf32, #tpu.memory_space<vmem>> -> memref<128x32xf32, #tpu.memory_space<vmem>>
    %dma_wait3A_355 = arith.constant 0 : i32
    %dma_wait3A_356 = tpu.memref_slice %arg7[%dma_wait3A_349, %dma_wait3A_355] : memref<80x128xi32, #tpu.memory_space<vmem>> -> memref<1x128xi32, #tpu.memory_space<vmem>>
    %dma_wait3A_357 = tpu.memref_squeeze %dma_wait3A_356 : memref<1x128xi32, #tpu.memory_space<vmem>> -> memref<128xi32, #tpu.memory_space<vmem>>
    %dma_wait3A_358 = arith.constant 0 : i32
    %dma_wait3A_359 = arith.constant 0 : i32
    %dma_wait3A_360 = tpu.memref_slice %arg2[%arg0, %dma_wait3A_358, %dma_wait3A_359] : memref<2x10240x32xf32, #tpu.memory_space<hbm>> -> memref<1x10240x32xf32, #tpu.memory_space<hbm>>
    %dma_wait3A_361 = tpu.memref_squeeze %dma_wait3A_360 : memref<1x10240x32xf32, #tpu.memory_space<hbm>> -> memref<10240x32xf32, #tpu.memory_space<hbm>>
    %dma_wait3A_362 = arith.constant 0 : i32
    %dma_wait3A_363 = arith.constant 0 : i32
    %dma_wait3A_364 = tpu.memref_slice %dma_wait3A_361[%dma_wait3A_362, %dma_wait3A_363] : memref<10240x32xf32, #tpu.memory_space<hbm>> -> memref<10240x32xf32, #tpu.memory_space<hbm>>
    tpu.wait_indirect_dma semaphore(%arg11 : memref<!tpu.dma_semaphore, #tpu.memory_space<semaphore_mem>>) src(%dma_wait3A_364 : memref<10240x32xf32, #tpu.memory_space<hbm>>) dst(%dma_wait3A_354 : memref<128x32xf32, #tpu.memory_space<vmem>>)
    %dma_start3A_365 = arith.constant 5 : i32
    %dma_start3A_366 = arith.constant 77 : i32
    %dma_start3A_367 = arith.constant 0 : i32
    %dma_start3A_368 = arith.constant 0 : i32
    %dma_start3A_369 = tpu.memref_slice %arg9[%dma_start3A_365, %dma_start3A_367, %dma_start3A_368] : memref<8x128x32xf32, #tpu.memory_space<vmem>> -> memref<1x128x32xf32, #tpu.memory_space<vmem>>
    %dma_start3A_370 = tpu.memref_squeeze %dma_start3A_369 : memref<1x128x32xf32, #tpu.memory_space<vmem>> -> memref<128x32xf32, #tpu.memory_space<vmem>>
    %dma_start3A_371 = arith.constant 0 : i32
    %dma_start3A_372 = tpu.memref_slice %arg8[%dma_start3A_366, %dma_start3A_371] : memref<80x128xi32, #tpu.memory_space<vmem>> -> memref<1x128xi32, #tpu.memory_space<vmem>>
    %dma_start3A_373 = tpu.memref_squeeze %dma_start3A_372 : memref<1x128xi32, #tpu.memory_space<vmem>> -> memref<128xi32, #tpu.memory_space<vmem>>
    %dma_start3A_374 = arith.constant 0 : i32
    %dma_start3A_375 = arith.constant 0 : i32
    %dma_start3A_376 = tpu.memref_slice %arg10[%select_n3A_7, %dma_start3A_374, %dma_start3A_375] : memref<1x10240x32xf32, #tpu.memory_space<vmem_shared>> -> memref<1x10240x32xf32, #tpu.memory_space<vmem_shared>>
    %dma_start3A_377 = tpu.memref_squeeze %dma_start3A_376 : memref<1x10240x32xf32, #tpu.memory_space<vmem_shared>> -> memref<10240x32xf32, #tpu.memory_space<vmem_shared>>
    %dma_start3A_378 = arith.constant 0 : i32
    %dma_start3A_379 = arith.constant 0 : i32
    %dma_start3A_380 = tpu.memref_slice %dma_start3A_377[%dma_start3A_378, %dma_start3A_379] : memref<10240x32xf32, #tpu.memory_space<vmem_shared>> -> memref<10240x32xf32, #tpu.memory_space<vmem_shared>>
    tpu.enqueue_indirect_dma source(%dma_start3A_370 : memref<128x32xf32, #tpu.memory_space<vmem>>) target(%dma_start3A_380 : memref<10240x32xf32, #tpu.memory_space<vmem_shared>>) offsets(%dma_start3A_373 : memref<128xi32, #tpu.memory_space<vmem>>) semaphore(%arg12 : memref<!tpu.dma_semaphore, #tpu.memory_space<semaphore_mem>>) {add = true}
    %dma_wait3A_381 = arith.constant 0 : i32
    %dma_wait3A_382 = arith.constant 6 : i32
    %dma_wait3A_383 = arith.constant 0 : i32
    %dma_wait3A_384 = arith.constant 0 : i32
    %dma_wait3A_385 = tpu.memref_slice %arg9[%dma_wait3A_382, %dma_wait3A_383, %dma_wait3A_384] : memref<8x128x32xf32, #tpu.memory_space<vmem>> -> memref<1x128x32xf32, #tpu.memory_space<vmem>>
    %dma_wait3A_386 = tpu.memref_squeeze %dma_wait3A_385 : memref<1x128x32xf32, #tpu.memory_space<vmem>> -> memref<128x32xf32, #tpu.memory_space<vmem>>
    %dma_wait3A_387 = arith.constant 0 : i32
    %dma_wait3A_388 = tpu.memref_slice %arg7[%dma_wait3A_381, %dma_wait3A_387] : memref<80x128xi32, #tpu.memory_space<vmem>> -> memref<1x128xi32, #tpu.memory_space<vmem>>
    %dma_wait3A_389 = tpu.memref_squeeze %dma_wait3A_388 : memref<1x128xi32, #tpu.memory_space<vmem>> -> memref<128xi32, #tpu.memory_space<vmem>>
    %dma_wait3A_390 = arith.constant 0 : i32
    %dma_wait3A_391 = arith.constant 0 : i32
    %dma_wait3A_392 = tpu.memref_slice %arg2[%arg0, %dma_wait3A_390, %dma_wait3A_391] : memref<2x10240x32xf32, #tpu.memory_space<hbm>> -> memref<1x10240x32xf32, #tpu.memory_space<hbm>>
    %dma_wait3A_393 = tpu.memref_squeeze %dma_wait3A_392 : memref<1x10240x32xf32, #tpu.memory_space<hbm>> -> memref<10240x32xf32, #tpu.memory_space<hbm>>
    %dma_wait3A_394 = arith.constant 0 : i32
    %dma_wait3A_395 = arith.constant 0 : i32
    %dma_wait3A_396 = tpu.memref_slice %dma_wait3A_393[%dma_wait3A_394, %dma_wait3A_395] : memref<10240x32xf32, #tpu.memory_space<hbm>> -> memref<10240x32xf32, #tpu.memory_space<hbm>>
    tpu.wait_indirect_dma semaphore(%arg11 : memref<!tpu.dma_semaphore, #tpu.memory_space<semaphore_mem>>) src(%dma_wait3A_396 : memref<10240x32xf32, #tpu.memory_space<hbm>>) dst(%dma_wait3A_386 : memref<128x32xf32, #tpu.memory_space<vmem>>)
    %dma_start3A_397 = arith.constant 6 : i32
    %dma_start3A_398 = arith.constant 78 : i32
    %dma_start3A_399 = arith.constant 0 : i32
    %dma_start3A_400 = arith.constant 0 : i32
    %dma_start3A_401 = tpu.memref_slice %arg9[%dma_start3A_397, %dma_start3A_399, %dma_start3A_400] : memref<8x128x32xf32, #tpu.memory_space<vmem>> -> memref<1x128x32xf32, #tpu.memory_space<vmem>>
    %dma_start3A_402 = tpu.memref_squeeze %dma_start3A_401 : memref<1x128x32xf32, #tpu.memory_space<vmem>> -> memref<128x32xf32, #tpu.memory_space<vmem>>
    %dma_start3A_403 = arith.constant 0 : i32
    %dma_start3A_404 = tpu.memref_slice %arg8[%dma_start3A_398, %dma_start3A_403] : memref<80x128xi32, #tpu.memory_space<vmem>> -> memref<1x128xi32, #tpu.memory_space<vmem>>
    %dma_start3A_405 = tpu.memref_squeeze %dma_start3A_404 : memref<1x128xi32, #tpu.memory_space<vmem>> -> memref<128xi32, #tpu.memory_space<vmem>>
    %dma_start3A_406 = arith.constant 0 : i32
    %dma_start3A_407 = arith.constant 0 : i32
    %dma_start3A_408 = tpu.memref_slice %arg10[%select_n3A_7, %dma_start3A_406, %dma_start3A_407] : memref<1x10240x32xf32, #tpu.memory_space<vmem_shared>> -> memref<1x10240x32xf32, #tpu.memory_space<vmem_shared>>
    %dma_start3A_409 = tpu.memref_squeeze %dma_start3A_408 : memref<1x10240x32xf32, #tpu.memory_space<vmem_shared>> -> memref<10240x32xf32, #tpu.memory_space<vmem_shared>>
    %dma_start3A_410 = arith.constant 0 : i32
    %dma_start3A_411 = arith.constant 0 : i32
    %dma_start3A_412 = tpu.memref_slice %dma_start3A_409[%dma_start3A_410, %dma_start3A_411] : memref<10240x32xf32, #tpu.memory_space<vmem_shared>> -> memref<10240x32xf32, #tpu.memory_space<vmem_shared>>
    tpu.enqueue_indirect_dma source(%dma_start3A_402 : memref<128x32xf32, #tpu.memory_space<vmem>>) target(%dma_start3A_412 : memref<10240x32xf32, #tpu.memory_space<vmem_shared>>) offsets(%dma_start3A_405 : memref<128xi32, #tpu.memory_space<vmem>>) semaphore(%arg12 : memref<!tpu.dma_semaphore, #tpu.memory_space<semaphore_mem>>) {add = true}
    %dma_wait3A_413 = arith.constant 0 : i32
    %dma_wait3A_414 = arith.constant 7 : i32
    %dma_wait3A_415 = arith.constant 0 : i32
    %dma_wait3A_416 = arith.constant 0 : i32
    %dma_wait3A_417 = tpu.memref_slice %arg9[%dma_wait3A_414, %dma_wait3A_415, %dma_wait3A_416] : memref<8x128x32xf32, #tpu.memory_space<vmem>> -> memref<1x128x32xf32, #tpu.memory_space<vmem>>
    %dma_wait3A_418 = tpu.memref_squeeze %dma_wait3A_417 : memref<1x128x32xf32, #tpu.memory_space<vmem>> -> memref<128x32xf32, #tpu.memory_space<vmem>>
    %dma_wait3A_419 = arith.constant 0 : i32
    %dma_wait3A_420 = tpu.memref_slice %arg7[%dma_wait3A_413, %dma_wait3A_419] : memref<80x128xi32, #tpu.memory_space<vmem>> -> memref<1x128xi32, #tpu.memory_space<vmem>>
    %dma_wait3A_421 = tpu.memref_squeeze %dma_wait3A_420 : memref<1x128xi32, #tpu.memory_space<vmem>> -> memref<128xi32, #tpu.memory_space<vmem>>
    %dma_wait3A_422 = arith.constant 0 : i32
    %dma_wait3A_423 = arith.constant 0 : i32
    %dma_wait3A_424 = tpu.memref_slice %arg2[%arg0, %dma_wait3A_422, %dma_wait3A_423] : memref<2x10240x32xf32, #tpu.memory_space<hbm>> -> memref<1x10240x32xf32, #tpu.memory_space<hbm>>
    %dma_wait3A_425 = tpu.memref_squeeze %dma_wait3A_424 : memref<1x10240x32xf32, #tpu.memory_space<hbm>> -> memref<10240x32xf32, #tpu.memory_space<hbm>>
    %dma_wait3A_426 = arith.constant 0 : i32
    %dma_wait3A_427 = arith.constant 0 : i32
    %dma_wait3A_428 = tpu.memref_slice %dma_wait3A_425[%dma_wait3A_426, %dma_wait3A_427] : memref<10240x32xf32, #tpu.memory_space<hbm>> -> memref<10240x32xf32, #tpu.memory_space<hbm>>
    tpu.wait_indirect_dma semaphore(%arg11 : memref<!tpu.dma_semaphore, #tpu.memory_space<semaphore_mem>>) src(%dma_wait3A_428 : memref<10240x32xf32, #tpu.memory_space<hbm>>) dst(%dma_wait3A_418 : memref<128x32xf32, #tpu.memory_space<vmem>>)
    %dma_start3A_429 = arith.constant 7 : i32
    %dma_start3A_430 = arith.constant 79 : i32
    %dma_start3A_431 = arith.constant 0 : i32
    %dma_start3A_432 = arith.constant 0 : i32
    %dma_start3A_433 = tpu.memref_slice %arg9[%dma_start3A_429, %dma_start3A_431, %dma_start3A_432] : memref<8x128x32xf32, #tpu.memory_space<vmem>> -> memref<1x128x32xf32, #tpu.memory_space<vmem>>
    %dma_start3A_434 = tpu.memref_squeeze %dma_start3A_433 : memref<1x128x32xf32, #tpu.memory_space<vmem>> -> memref<128x32xf32, #tpu.memory_space<vmem>>
    %dma_start3A_435 = arith.constant 0 : i32
    %dma_start3A_436 = tpu.memref_slice %arg8[%dma_start3A_430, %dma_start3A_435] : memref<80x128xi32, #tpu.memory_space<vmem>> -> memref<1x128xi32, #tpu.memory_space<vmem>>
    %dma_start3A_437 = tpu.memref_squeeze %dma_start3A_436 : memref<1x128xi32, #tpu.memory_space<vmem>> -> memref<128xi32, #tpu.memory_space<vmem>>
    %dma_start3A_438 = arith.constant 0 : i32
    %dma_start3A_439 = arith.constant 0 : i32
    %dma_start3A_440 = tpu.memref_slice %arg10[%select_n3A_7, %dma_start3A_438, %dma_start3A_439] : memref<1x10240x32xf32, #tpu.memory_space<vmem_shared>> -> memref<1x10240x32xf32, #tpu.memory_space<vmem_shared>>
    %dma_start3A_441 = tpu.memref_squeeze %dma_start3A_440 : memref<1x10240x32xf32, #tpu.memory_space<vmem_shared>> -> memref<10240x32xf32, #tpu.memory_space<vmem_shared>>
    %dma_start3A_442 = arith.constant 0 : i32
    %dma_start3A_443 = arith.constant 0 : i32
    %dma_start3A_444 = tpu.memref_slice %dma_start3A_441[%dma_start3A_442, %dma_start3A_443] : memref<10240x32xf32, #tpu.memory_space<vmem_shared>> -> memref<10240x32xf32, #tpu.memory_space<vmem_shared>>
    tpu.enqueue_indirect_dma source(%dma_start3A_434 : memref<128x32xf32, #tpu.memory_space<vmem>>) target(%dma_start3A_444 : memref<10240x32xf32, #tpu.memory_space<vmem_shared>>) offsets(%dma_start3A_437 : memref<128xi32, #tpu.memory_space<vmem>>) semaphore(%arg12 : memref<!tpu.dma_semaphore, #tpu.memory_space<semaphore_mem>>) {add = true}
    %dma_wait3A_445 = arith.constant 0 : i32
    %dma_wait3A_446 = arith.constant 0 : i32
    %dma_wait3A_447 = arith.constant 0 : i32
    %dma_wait3A_448 = arith.constant 0 : i32
    %dma_wait3A_449 = tpu.memref_slice %arg9[%dma_wait3A_445, %dma_wait3A_447, %dma_wait3A_448] : memref<8x128x32xf32, #tpu.memory_space<vmem>> -> memref<1x128x32xf32, #tpu.memory_space<vmem>>
    %dma_wait3A_450 = tpu.memref_squeeze %dma_wait3A_449 : memref<1x128x32xf32, #tpu.memory_space<vmem>> -> memref<128x32xf32, #tpu.memory_space<vmem>>
    %dma_wait3A_451 = arith.constant 0 : i32
    %dma_wait3A_452 = tpu.memref_slice %arg8[%dma_wait3A_446, %dma_wait3A_451] : memref<80x128xi32, #tpu.memory_space<vmem>> -> memref<1x128xi32, #tpu.memory_space<vmem>>
    %dma_wait3A_453 = tpu.memref_squeeze %dma_wait3A_452 : memref<1x128xi32, #tpu.memory_space<vmem>> -> memref<128xi32, #tpu.memory_space<vmem>>
    %dma_wait3A_454 = arith.constant 0 : i32
    %dma_wait3A_455 = arith.constant 0 : i32
    %dma_wait3A_456 = tpu.memref_slice %arg10[%select_n3A_7, %dma_wait3A_454, %dma_wait3A_455] : memref<1x10240x32xf32, #tpu.memory_space<vmem_shared>> -> memref<1x10240x32xf32, #tpu.memory_space<vmem_shared>>
    %dma_wait3A_457 = tpu.memref_squeeze %dma_wait3A_456 : memref<1x10240x32xf32, #tpu.memory_space<vmem_shared>> -> memref<10240x32xf32, #tpu.memory_space<vmem_shared>>
    %dma_wait3A_458 = arith.constant 0 : i32
    %dma_wait3A_459 = arith.constant 0 : i32
    %dma_wait3A_460 = tpu.memref_slice %dma_wait3A_457[%dma_wait3A_458, %dma_wait3A_459] : memref<10240x32xf32, #tpu.memory_space<vmem_shared>> -> memref<10240x32xf32, #tpu.memory_space<vmem_shared>>
    tpu.wait_indirect_dma semaphore(%arg12 : memref<!tpu.dma_semaphore, #tpu.memory_space<semaphore_mem>>) src(%dma_wait3A_450 : memref<128x32xf32, #tpu.memory_space<vmem>>) dst(%dma_wait3A_460 : memref<10240x32xf32, #tpu.memory_space<vmem_shared>>)
    %dma_wait3A_461 = arith.constant 1 : i32
    %dma_wait3A_462 = arith.constant 0 : i32
    %dma_wait3A_463 = arith.constant 0 : i32
    %dma_wait3A_464 = arith.constant 0 : i32
    %dma_wait3A_465 = tpu.memref_slice %arg9[%dma_wait3A_461, %dma_wait3A_463, %dma_wait3A_464] : memref<8x128x32xf32, #tpu.memory_space<vmem>> -> memref<1x128x32xf32, #tpu.memory_space<vmem>>
    %dma_wait3A_466 = tpu.memref_squeeze %dma_wait3A_465 : memref<1x128x32xf32, #tpu.memory_space<vmem>> -> memref<128x32xf32, #tpu.memory_space<vmem>>
    %dma_wait3A_467 = arith.constant 0 : i32
    %dma_wait3A_468 = tpu.memref_slice %arg8[%dma_wait3A_462, %dma_wait3A_467] : memref<80x128xi32, #tpu.memory_space<vmem>> -> memref<1x128xi32, #tpu.memory_space<vmem>>
    %dma_wait3A_469 = tpu.memref_squeeze %dma_wait3A_468 : memref<1x128xi32, #tpu.memory_space<vmem>> -> memref<128xi32, #tpu.memory_space<vmem>>
    %dma_wait3A_470 = arith.constant 0 : i32
    %dma_wait3A_471 = arith.constant 0 : i32
    %dma_wait3A_472 = tpu.memref_slice %arg10[%select_n3A_7, %dma_wait3A_470, %dma_wait3A_471] : memref<1x10240x32xf32, #tpu.memory_space<vmem_shared>> -> memref<1x10240x32xf32, #tpu.memory_space<vmem_shared>>
    %dma_wait3A_473 = tpu.memref_squeeze %dma_wait3A_472 : memref<1x10240x32xf32, #tpu.memory_space<vmem_shared>> -> memref<10240x32xf32, #tpu.memory_space<vmem_shared>>
    %dma_wait3A_474 = arith.constant 0 : i32
    %dma_wait3A_475 = arith.constant 0 : i32
    %dma_wait3A_476 = tpu.memref_slice %dma_wait3A_473[%dma_wait3A_474, %dma_wait3A_475] : memref<10240x32xf32, #tpu.memory_space<vmem_shared>> -> memref<10240x32xf32, #tpu.memory_space<vmem_shared>>
    tpu.wait_indirect_dma semaphore(%arg12 : memref<!tpu.dma_semaphore, #tpu.memory_space<semaphore_mem>>) src(%dma_wait3A_466 : memref<128x32xf32, #tpu.memory_space<vmem>>) dst(%dma_wait3A_476 : memref<10240x32xf32, #tpu.memory_space<vmem_shared>>)
    %dma_wait3A_477 = arith.constant 2 : i32
    %dma_wait3A_478 = arith.constant 0 : i32
    %dma_wait3A_479 = arith.constant 0 : i32
    %dma_wait3A_480 = arith.constant 0 : i32
    %dma_wait3A_481 = tpu.memref_slice %arg9[%dma_wait3A_477, %dma_wait3A_479, %dma_wait3A_480] : memref<8x128x32xf32, #tpu.memory_space<vmem>> -> memref<1x128x32xf32, #tpu.memory_space<vmem>>
    %dma_wait3A_482 = tpu.memref_squeeze %dma_wait3A_481 : memref<1x128x32xf32, #tpu.memory_space<vmem>> -> memref<128x32xf32, #tpu.memory_space<vmem>>
    %dma_wait3A_483 = arith.constant 0 : i32
    %dma_wait3A_484 = tpu.memref_slice %arg8[%dma_wait3A_478, %dma_wait3A_483] : memref<80x128xi32, #tpu.memory_space<vmem>> -> memref<1x128xi32, #tpu.memory_space<vmem>>
    %dma_wait3A_485 = tpu.memref_squeeze %dma_wait3A_484 : memref<1x128xi32, #tpu.memory_space<vmem>> -> memref<128xi32, #tpu.memory_space<vmem>>
    %dma_wait3A_486 = arith.constant 0 : i32
    %dma_wait3A_487 = arith.constant 0 : i32
    %dma_wait3A_488 = tpu.memref_slice %arg10[%select_n3A_7, %dma_wait3A_486, %dma_wait3A_487] : memref<1x10240x32xf32, #tpu.memory_space<vmem_shared>> -> memref<1x10240x32xf32, #tpu.memory_space<vmem_shared>>
    %dma_wait3A_489 = tpu.memref_squeeze %dma_wait3A_488 : memref<1x10240x32xf32, #tpu.memory_space<vmem_shared>> -> memref<10240x32xf32, #tpu.memory_space<vmem_shared>>
    %dma_wait3A_490 = arith.constant 0 : i32
    %dma_wait3A_491 = arith.constant 0 : i32
    %dma_wait3A_492 = tpu.memref_slice %dma_wait3A_489[%dma_wait3A_490, %dma_wait3A_491] : memref<10240x32xf32, #tpu.memory_space<vmem_shared>> -> memref<10240x32xf32, #tpu.memory_space<vmem_shared>>
    tpu.wait_indirect_dma semaphore(%arg12 : memref<!tpu.dma_semaphore, #tpu.memory_space<semaphore_mem>>) src(%dma_wait3A_482 : memref<128x32xf32, #tpu.memory_space<vmem>>) dst(%dma_wait3A_492 : memref<10240x32xf32, #tpu.memory_space<vmem_shared>>)
    %dma_wait3A_493 = arith.constant 3 : i32
    %dma_wait3A_494 = arith.constant 0 : i32
    %dma_wait3A_495 = arith.constant 0 : i32
    %dma_wait3A_496 = arith.constant 0 : i32
    %dma_wait3A_497 = tpu.memref_slice %arg9[%dma_wait3A_493, %dma_wait3A_495, %dma_wait3A_496] : memref<8x128x32xf32, #tpu.memory_space<vmem>> -> memref<1x128x32xf32, #tpu.memory_space<vmem>>
    %dma_wait3A_498 = tpu.memref_squeeze %dma_wait3A_497 : memref<1x128x32xf32, #tpu.memory_space<vmem>> -> memref<128x32xf32, #tpu.memory_space<vmem>>
    %dma_wait3A_499 = arith.constant 0 : i32
    %dma_wait3A_500 = tpu.memref_slice %arg8[%dma_wait3A_494, %dma_wait3A_499] : memref<80x128xi32, #tpu.memory_space<vmem>> -> memref<1x128xi32, #tpu.memory_space<vmem>>
    %dma_wait3A_501 = tpu.memref_squeeze %dma_wait3A_500 : memref<1x128xi32, #tpu.memory_space<vmem>> -> memref<128xi32, #tpu.memory_space<vmem>>
    %dma_wait3A_502 = arith.constant 0 : i32
    %dma_wait3A_503 = arith.constant 0 : i32
    %dma_wait3A_504 = tpu.memref_slice %arg10[%select_n3A_7, %dma_wait3A_502, %dma_wait3A_503] : memref<1x10240x32xf32, #tpu.memory_space<vmem_shared>> -> memref<1x10240x32xf32, #tpu.memory_space<vmem_shared>>
    %dma_wait3A_505 = tpu.memref_squeeze %dma_wait3A_504 : memref<1x10240x32xf32, #tpu.memory_space<vmem_shared>> -> memref<10240x32xf32, #tpu.memory_space<vmem_shared>>
    %dma_wait3A_506 = arith.constant 0 : i32
    %dma_wait3A_507 = arith.constant 0 : i32
    %dma_wait3A_508 = tpu.memref_slice %dma_wait3A_505[%dma_wait3A_506, %dma_wait3A_507] : memref<10240x32xf32, #tpu.memory_space<vmem_shared>> -> memref<10240x32xf32, #tpu.memory_space<vmem_shared>>
    tpu.wait_indirect_dma semaphore(%arg12 : memref<!tpu.dma_semaphore, #tpu.memory_space<semaphore_mem>>) src(%dma_wait3A_498 : memref<128x32xf32, #tpu.memory_space<vmem>>) dst(%dma_wait3A_508 : memref<10240x32xf32, #tpu.memory_space<vmem_shared>>)
    %dma_wait3A_509 = arith.constant 4 : i32
    %dma_wait3A_510 = arith.constant 0 : i32
    %dma_wait3A_511 = arith.constant 0 : i32
    %dma_wait3A_512 = arith.constant 0 : i32
    %dma_wait3A_513 = tpu.memref_slice %arg9[%dma_wait3A_509, %dma_wait3A_511, %dma_wait3A_512] : memref<8x128x32xf32, #tpu.memory_space<vmem>> -> memref<1x128x32xf32, #tpu.memory_space<vmem>>
    %dma_wait3A_514 = tpu.memref_squeeze %dma_wait3A_513 : memref<1x128x32xf32, #tpu.memory_space<vmem>> -> memref<128x32xf32, #tpu.memory_space<vmem>>
    %dma_wait3A_515 = arith.constant 0 : i32
    %dma_wait3A_516 = tpu.memref_slice %arg8[%dma_wait3A_510, %dma_wait3A_515] : memref<80x128xi32, #tpu.memory_space<vmem>> -> memref<1x128xi32, #tpu.memory_space<vmem>>
    %dma_wait3A_517 = tpu.memref_squeeze %dma_wait3A_516 : memref<1x128xi32, #tpu.memory_space<vmem>> -> memref<128xi32, #tpu.memory_space<vmem>>
    %dma_wait3A_518 = arith.constant 0 : i32
    %dma_wait3A_519 = arith.constant 0 : i32
    %dma_wait3A_520 = tpu.memref_slice %arg10[%select_n3A_7, %dma_wait3A_518, %dma_wait3A_519] : memref<1x10240x32xf32, #tpu.memory_space<vmem_shared>> -> memref<1x10240x32xf32, #tpu.memory_space<vmem_shared>>
    %dma_wait3A_521 = tpu.memref_squeeze %dma_wait3A_520 : memref<1x10240x32xf32, #tpu.memory_space<vmem_shared>> -> memref<10240x32xf32, #tpu.memory_space<vmem_shared>>
    %dma_wait3A_522 = arith.constant 0 : i32
    %dma_wait3A_523 = arith.constant 0 : i32
    %dma_wait3A_524 = tpu.memref_slice %dma_wait3A_521[%dma_wait3A_522, %dma_wait3A_523] : memref<10240x32xf32, #tpu.memory_space<vmem_shared>> -> memref<10240x32xf32, #tpu.memory_space<vmem_shared>>
    tpu.wait_indirect_dma semaphore(%arg12 : memref<!tpu.dma_semaphore, #tpu.memory_space<semaphore_mem>>) src(%dma_wait3A_514 : memref<128x32xf32, #tpu.memory_space<vmem>>) dst(%dma_wait3A_524 : memref<10240x32xf32, #tpu.memory_space<vmem_shared>>)
    %dma_wait3A_525 = arith.constant 5 : i32
    %dma_wait3A_526 = arith.constant 0 : i32
    %dma_wait3A_527 = arith.constant 0 : i32
    %dma_wait3A_528 = arith.constant 0 : i32
    %dma_wait3A_529 = tpu.memref_slice %arg9[%dma_wait3A_525, %dma_wait3A_527, %dma_wait3A_528] : memref<8x128x32xf32, #tpu.memory_space<vmem>> -> memref<1x128x32xf32, #tpu.memory_space<vmem>>
    %dma_wait3A_530 = tpu.memref_squeeze %dma_wait3A_529 : memref<1x128x32xf32, #tpu.memory_space<vmem>> -> memref<128x32xf32, #tpu.memory_space<vmem>>
    %dma_wait3A_531 = arith.constant 0 : i32
    %dma_wait3A_532 = tpu.memref_slice %arg8[%dma_wait3A_526, %dma_wait3A_531] : memref<80x128xi32, #tpu.memory_space<vmem>> -> memref<1x128xi32, #tpu.memory_space<vmem>>
    %dma_wait3A_533 = tpu.memref_squeeze %dma_wait3A_532 : memref<1x128xi32, #tpu.memory_space<vmem>> -> memref<128xi32, #tpu.memory_space<vmem>>
    %dma_wait3A_534 = arith.constant 0 : i32
    %dma_wait3A_535 = arith.constant 0 : i32
    %dma_wait3A_536 = tpu.memref_slice %arg10[%select_n3A_7, %dma_wait3A_534, %dma_wait3A_535] : memref<1x10240x32xf32, #tpu.memory_space<vmem_shared>> -> memref<1x10240x32xf32, #tpu.memory_space<vmem_shared>>
    %dma_wait3A_537 = tpu.memref_squeeze %dma_wait3A_536 : memref<1x10240x32xf32, #tpu.memory_space<vmem_shared>> -> memref<10240x32xf32, #tpu.memory_space<vmem_shared>>
    %dma_wait3A_538 = arith.constant 0 : i32
    %dma_wait3A_539 = arith.constant 0 : i32
    %dma_wait3A_540 = tpu.memref_slice %dma_wait3A_537[%dma_wait3A_538, %dma_wait3A_539] : memref<10240x32xf32, #tpu.memory_space<vmem_shared>> -> memref<10240x32xf32, #tpu.memory_space<vmem_shared>>
    tpu.wait_indirect_dma semaphore(%arg12 : memref<!tpu.dma_semaphore, #tpu.memory_space<semaphore_mem>>) src(%dma_wait3A_530 : memref<128x32xf32, #tpu.memory_space<vmem>>) dst(%dma_wait3A_540 : memref<10240x32xf32, #tpu.memory_space<vmem_shared>>)
    %dma_wait3A_541 = arith.constant 6 : i32
    %dma_wait3A_542 = arith.constant 0 : i32
    %dma_wait3A_543 = arith.constant 0 : i32
    %dma_wait3A_544 = arith.constant 0 : i32
    %dma_wait3A_545 = tpu.memref_slice %arg9[%dma_wait3A_541, %dma_wait3A_543, %dma_wait3A_544] : memref<8x128x32xf32, #tpu.memory_space<vmem>> -> memref<1x128x32xf32, #tpu.memory_space<vmem>>
    %dma_wait3A_546 = tpu.memref_squeeze %dma_wait3A_545 : memref<1x128x32xf32, #tpu.memory_space<vmem>> -> memref<128x32xf32, #tpu.memory_space<vmem>>
    %dma_wait3A_547 = arith.constant 0 : i32
    %dma_wait3A_548 = tpu.memref_slice %arg8[%dma_wait3A_542, %dma_wait3A_547] : memref<80x128xi32, #tpu.memory_space<vmem>> -> memref<1x128xi32, #tpu.memory_space<vmem>>
    %dma_wait3A_549 = tpu.memref_squeeze %dma_wait3A_548 : memref<1x128xi32, #tpu.memory_space<vmem>> -> memref<128xi32, #tpu.memory_space<vmem>>
    %dma_wait3A_550 = arith.constant 0 : i32
    %dma_wait3A_551 = arith.constant 0 : i32
    %dma_wait3A_552 = tpu.memref_slice %arg10[%select_n3A_7, %dma_wait3A_550, %dma_wait3A_551] : memref<1x10240x32xf32, #tpu.memory_space<vmem_shared>> -> memref<1x10240x32xf32, #tpu.memory_space<vmem_shared>>
    %dma_wait3A_553 = tpu.memref_squeeze %dma_wait3A_552 : memref<1x10240x32xf32, #tpu.memory_space<vmem_shared>> -> memref<10240x32xf32, #tpu.memory_space<vmem_shared>>
    %dma_wait3A_554 = arith.constant 0 : i32
    %dma_wait3A_555 = arith.constant 0 : i32
    %dma_wait3A_556 = tpu.memref_slice %dma_wait3A_553[%dma_wait3A_554, %dma_wait3A_555] : memref<10240x32xf32, #tpu.memory_space<vmem_shared>> -> memref<10240x32xf32, #tpu.memory_space<vmem_shared>>
    tpu.wait_indirect_dma semaphore(%arg12 : memref<!tpu.dma_semaphore, #tpu.memory_space<semaphore_mem>>) src(%dma_wait3A_546 : memref<128x32xf32, #tpu.memory_space<vmem>>) dst(%dma_wait3A_556 : memref<10240x32xf32, #tpu.memory_space<vmem_shared>>)
    %dma_wait3A_557 = arith.constant 7 : i32
    %dma_wait3A_558 = arith.constant 0 : i32
    %dma_wait3A_559 = arith.constant 0 : i32
    %dma_wait3A_560 = arith.constant 0 : i32
    %dma_wait3A_561 = tpu.memref_slice %arg9[%dma_wait3A_557, %dma_wait3A_559, %dma_wait3A_560] : memref<8x128x32xf32, #tpu.memory_space<vmem>> -> memref<1x128x32xf32, #tpu.memory_space<vmem>>
    %dma_wait3A_562 = tpu.memref_squeeze %dma_wait3A_561 : memref<1x128x32xf32, #tpu.memory_space<vmem>> -> memref<128x32xf32, #tpu.memory_space<vmem>>
    %dma_wait3A_563 = arith.constant 0 : i32
    %dma_wait3A_564 = tpu.memref_slice %arg8[%dma_wait3A_558, %dma_wait3A_563] : memref<80x128xi32, #tpu.memory_space<vmem>> -> memref<1x128xi32, #tpu.memory_space<vmem>>
    %dma_wait3A_565 = tpu.memref_squeeze %dma_wait3A_564 : memref<1x128xi32, #tpu.memory_space<vmem>> -> memref<128xi32, #tpu.memory_space<vmem>>
    %dma_wait3A_566 = arith.constant 0 : i32
    %dma_wait3A_567 = arith.constant 0 : i32
    %dma_wait3A_568 = tpu.memref_slice %arg10[%select_n3A_7, %dma_wait3A_566, %dma_wait3A_567] : memref<1x10240x32xf32, #tpu.memory_space<vmem_shared>> -> memref<1x10240x32xf32, #tpu.memory_space<vmem_shared>>
    %dma_wait3A_569 = tpu.memref_squeeze %dma_wait3A_568 : memref<1x10240x32xf32, #tpu.memory_space<vmem_shared>> -> memref<10240x32xf32, #tpu.memory_space<vmem_shared>>
    %dma_wait3A_570 = arith.constant 0 : i32
    %dma_wait3A_571 = arith.constant 0 : i32
    %dma_wait3A_572 = tpu.memref_slice %dma_wait3A_569[%dma_wait3A_570, %dma_wait3A_571] : memref<10240x32xf32, #tpu.memory_space<vmem_shared>> -> memref<10240x32xf32, #tpu.memory_space<vmem_shared>>
    tpu.wait_indirect_dma semaphore(%arg12 : memref<!tpu.dma_semaphore, #tpu.memory_space<semaphore_mem>>) src(%dma_wait3A_562 : memref<128x32xf32, #tpu.memory_space<vmem>>) dst(%dma_wait3A_572 : memref<10240x32xf32, #tpu.memory_space<vmem_shared>>)
    %barrier3A_573 = arith.constant 0 : index
    tpu.barrier barrier_id(%barrier3A_573)
    %mul3A_574 = arith.constant 640 : i32
    %mul3A_575 = arith.muli %arg1, %mul3A_574 : i32
    %mul3A_576 = arith.constant 640 : i32
    %mul3A_577 = arith.muli %arg1, %mul3A_576 : i32
    %run_scoped3A = arith.constant 0 : i32
    %run_scoped3A_578 = arith.constant 0 : i32
    "tpu.region"() ({
      %run_scoped3A_579 = tpu.sem_alloc : memref<!tpu.dma_semaphore, #tpu.memory_space<semaphore_mem>>
      %dma_start3A_580 = arith.constant 0 : i32
      %dma_start3A_581 = tpu.memref_slice %arg6[%arg0, %run_scoped3A_578, %mul3A_577, %dma_start3A_580] : memref<2x1x10240x32xf32, #tpu.memory_space<hbm>> -> memref<1x1x640x32xf32, #tpu.memory_space<hbm>>
      %dma_start3A_582 = tpu.memref_squeeze %dma_start3A_581 : memref<1x1x640x32xf32, #tpu.memory_space<hbm>> -> memref<640x32xf32, #tpu.memory_space<hbm>>
      %dma_start3A_583 = arith.constant 0 : i32
      %dma_start3A_584 = tpu.memref_slice %arg10[%run_scoped3A, %mul3A_575, %dma_start3A_583] : memref<1x10240x32xf32, #tpu.memory_space<vmem_shared>> -> memref<1x640x32xf32, #tpu.memory_space<vmem_shared>>
      %dma_start3A_585 = tpu.memref_squeeze %dma_start3A_584 : memref<1x640x32xf32, #tpu.memory_space<vmem_shared>> -> memref<640x32xf32, #tpu.memory_space<vmem_shared>>
      tpu.enqueue_dma source(%dma_start3A_585 : memref<640x32xf32, #tpu.memory_space<vmem_shared>>) target(%dma_start3A_582 : memref<640x32xf32, #tpu.memory_space<hbm>>) target_semaphore(%run_scoped3A_579 : memref<!tpu.dma_semaphore, #tpu.memory_space<semaphore_mem>>)
      %dma_wait3A_586 = arith.constant 0 : i32
      %dma_wait3A_587 = tpu.memref_slice %arg6[%arg0, %run_scoped3A_578, %mul3A_577, %dma_wait3A_586] : memref<2x1x10240x32xf32, #tpu.memory_space<hbm>> -> memref<1x1x640x32xf32, #tpu.memory_space<hbm>>
      %dma_wait3A_588 = tpu.memref_squeeze %dma_wait3A_587 : memref<1x1x640x32xf32, #tpu.memory_space<hbm>> -> memref<640x32xf32, #tpu.memory_space<hbm>>
      %dma_wait3A_589 = arith.constant 0 : i32
      %dma_wait3A_590 = tpu.memref_slice %arg10[%run_scoped3A, %mul3A_575, %dma_wait3A_589] : memref<1x10240x32xf32, #tpu.memory_space<vmem_shared>> -> memref<1x640x32xf32, #tpu.memory_space<vmem_shared>>
      %dma_wait3A_591 = tpu.memref_squeeze %dma_wait3A_590 : memref<1x640x32xf32, #tpu.memory_space<vmem_shared>> -> memref<640x32xf32, #tpu.memory_space<vmem_shared>>
      tpu.wait_dma2 semaphore(%run_scoped3A_579 : memref<!tpu.dma_semaphore, #tpu.memory_space<semaphore_mem>>) src(%dma_wait3A_591 : memref<640x32xf32, #tpu.memory_space<vmem_shared>>) dst(%dma_wait3A_588 : memref<640x32xf32, #tpu.memory_space<hbm>>)
      tpu.yield
    }) : () -> ()
    return
  }
}

#map = affine_map<(d0, d1) -> (0, 0, 0)>
#map1 = affine_map<(d0, d1) -> (0, 0)>
module attributes {stable_mosaic.version = 14 : i64} {
  func.func @deg(%arg0: i32, %arg1: i32, %arg2: memref<32x40x128xi32, #tpu.memory_space<hbm>>, %arg3: memref<128x16xf32, #tpu.memory_space<hbm>>, %arg4: memref<10240x16xf32, #tpu.memory_space<hbm>>, %arg5: memref<2x10240x16xf32, #tpu.memory_space<hbm>>, %arg6: memref<40x128xi32, #tpu.memory_space<vmem>>, %arg7: memref<128x16xf32, #tpu.memory_space<vmem>>, %arg8: memref<10240x16xf32, #tpu.memory_space<vmem_shared>>) attributes {dimension_semantics = [#tpu.dimension_semantics<core_parallel>, #tpu.dimension_semantics<subcore_parallel>], iteration_bounds = array<i64: 2, 16>, scalar_prefetch = 0 : i64, scratch_operands = 3 : i64, tpu.core_type = #tpu.core_type<sc_vector_subcore>, window_params = [{transform_indices = #map}, {transform_indices = #map1}, {transform_indices = #map1}, {transform_indices = #map}]} {
    %mul3A = arith.constant 2 : i32
    %mul3A_0 = arith.muli %arg1, %mul3A : i32
    %add3A = arith.addi %mul3A_0, %arg0 : i32
    "tpu.region"() ({
      %run_scoped3A = tpu.sem_alloc : memref<!tpu.dma_semaphore, #tpu.memory_space<semaphore_mem>>
      %dma_start3A = arith.constant 0 : i32
      %dma_start3A_15 = arith.constant 0 : i32
      %dma_start3A_16 = tpu.memref_slice %arg2[%add3A, %dma_start3A, %dma_start3A_15] : memref<32x40x128xi32, #tpu.memory_space<hbm>> -> memref<1x40x128xi32, #tpu.memory_space<hbm>>
      %dma_start3A_17 = tpu.memref_squeeze %dma_start3A_16 : memref<1x40x128xi32, #tpu.memory_space<hbm>> -> memref<40x128xi32, #tpu.memory_space<hbm>>
      %dma_start3A_18 = arith.constant 0 : i32
      %dma_start3A_19 = arith.constant 0 : i32
      %dma_start3A_20 = tpu.memref_slice %arg2[%add3A, %dma_start3A_18, %dma_start3A_19] : memref<32x40x128xi32, #tpu.memory_space<hbm>> -> memref<1x40x128xi32, #tpu.memory_space<hbm>>
      %dma_start3A_21 = tpu.memref_squeeze %dma_start3A_20 : memref<1x40x128xi32, #tpu.memory_space<hbm>> -> memref<40x128xi32, #tpu.memory_space<hbm>>
      tpu.enqueue_dma source(%dma_start3A_21 : memref<40x128xi32, #tpu.memory_space<hbm>>) target(%arg6 : memref<40x128xi32, #tpu.memory_space<vmem>>) target_semaphore(%run_scoped3A : memref<!tpu.dma_semaphore, #tpu.memory_space<semaphore_mem>>)
      %dma_wait3A = arith.constant 0 : i32
      %dma_wait3A_22 = arith.constant 0 : i32
      %dma_wait3A_23 = tpu.memref_slice %arg2[%add3A, %dma_wait3A, %dma_wait3A_22] : memref<32x40x128xi32, #tpu.memory_space<hbm>> -> memref<1x40x128xi32, #tpu.memory_space<hbm>>
      %dma_wait3A_24 = tpu.memref_squeeze %dma_wait3A_23 : memref<1x40x128xi32, #tpu.memory_space<hbm>> -> memref<40x128xi32, #tpu.memory_space<hbm>>
      %dma_wait3A_25 = arith.constant 0 : i32
      %dma_wait3A_26 = arith.constant 0 : i32
      %dma_wait3A_27 = tpu.memref_slice %arg2[%add3A, %dma_wait3A_25, %dma_wait3A_26] : memref<32x40x128xi32, #tpu.memory_space<hbm>> -> memref<1x40x128xi32, #tpu.memory_space<hbm>>
      %dma_wait3A_28 = tpu.memref_squeeze %dma_wait3A_27 : memref<1x40x128xi32, #tpu.memory_space<hbm>> -> memref<40x128xi32, #tpu.memory_space<hbm>>
      tpu.wait_dma2 semaphore(%run_scoped3A : memref<!tpu.dma_semaphore, #tpu.memory_space<semaphore_mem>>) src(%dma_wait3A_28 : memref<40x128xi32, #tpu.memory_space<hbm>>) dst(%arg6 : memref<40x128xi32, #tpu.memory_space<vmem>>)
      tpu.yield
    }) : () -> ()
    "tpu.region"() ({
      %run_scoped3A = tpu.sem_alloc : memref<!tpu.dma_semaphore, #tpu.memory_space<semaphore_mem>>
      tpu.enqueue_dma source(%arg3 : memref<128x16xf32, #tpu.memory_space<hbm>>) target(%arg7 : memref<128x16xf32, #tpu.memory_space<vmem>>) target_semaphore(%run_scoped3A : memref<!tpu.dma_semaphore, #tpu.memory_space<semaphore_mem>>)
      tpu.wait_dma2 semaphore(%run_scoped3A : memref<!tpu.dma_semaphore, #tpu.memory_space<semaphore_mem>>) src(%arg3 : memref<128x16xf32, #tpu.memory_space<hbm>>) dst(%arg7 : memref<128x16xf32, #tpu.memory_space<vmem>>)
      tpu.yield
    }) : () -> ()
    %mul3A_1 = arith.constant 640 : i32
    %mul3A_2 = arith.muli %arg1, %mul3A_1 : i32
    %mul3A_3 = arith.constant 640 : i32
    %mul3A_4 = arith.muli %arg1, %mul3A_3 : i32
    "tpu.region"() ({
      %run_scoped3A = tpu.sem_alloc : memref<!tpu.dma_semaphore, #tpu.memory_space<semaphore_mem>>
      %dma_start3A = arith.constant 0 : i32
      %dma_start3A_15 = tpu.memref_slice %arg8[%mul3A_4, %dma_start3A] : memref<10240x16xf32, #tpu.memory_space<vmem_shared>> -> memref<640x16xf32, #tpu.memory_space<vmem_shared>>
      %dma_start3A_16 = arith.constant 0 : i32
      %dma_start3A_17 = tpu.memref_slice %arg4[%mul3A_2, %dma_start3A_16] : memref<10240x16xf32, #tpu.memory_space<hbm>> -> memref<640x16xf32, #tpu.memory_space<hbm>>
      tpu.enqueue_dma source(%dma_start3A_17 : memref<640x16xf32, #tpu.memory_space<hbm>>) target(%dma_start3A_15 : memref<640x16xf32, #tpu.memory_space<vmem_shared>>) target_semaphore(%run_scoped3A : memref<!tpu.dma_semaphore, #tpu.memory_space<semaphore_mem>>)
      %dma_wait3A = arith.constant 0 : i32
      %dma_wait3A_18 = tpu.memref_slice %arg8[%mul3A_4, %dma_wait3A] : memref<10240x16xf32, #tpu.memory_space<vmem_shared>> -> memref<640x16xf32, #tpu.memory_space<vmem_shared>>
      %dma_wait3A_19 = arith.constant 0 : i32
      %dma_wait3A_20 = tpu.memref_slice %arg4[%mul3A_2, %dma_wait3A_19] : memref<10240x16xf32, #tpu.memory_space<hbm>> -> memref<640x16xf32, #tpu.memory_space<hbm>>
      tpu.wait_dma2 semaphore(%run_scoped3A : memref<!tpu.dma_semaphore, #tpu.memory_space<semaphore_mem>>) src(%dma_wait3A_20 : memref<640x16xf32, #tpu.memory_space<hbm>>) dst(%dma_wait3A_18 : memref<640x16xf32, #tpu.memory_space<vmem_shared>>)
      tpu.yield
    }) : () -> ()
    %barrier3A = arith.constant 0 : index
    tpu.barrier barrier_id(%barrier3A)
    %scan3A = arith.constant 0 : i32
    %scan3A_5 = arith.constant 0 : i32
    %scan3A_6 = arith.constant 40 : i32
    %scan3A_7 = arith.addi %scan3A_5, %scan3A_6 : i32
    %scan3A_8 = arith.constant 1 : i32
    scf.for %scan3A_15 = %scan3A_5 to %scan3A_7 step %scan3A_8  : i32 {
      "tpu.region"() ({
        %run_scoped3A = tpu.sem_alloc : memref<!tpu.dma_semaphore, #tpu.memory_space<semaphore_mem>>
        %dma_start3A = arith.constant 0 : i32
        %dma_start3A_16 = tpu.memref_slice %arg6[%scan3A_15, %dma_start3A] : memref<40x128xi32, #tpu.memory_space<vmem>> -> memref<1x128xi32, #tpu.memory_space<vmem>>
        %dma_start3A_17 = tpu.memref_squeeze %dma_start3A_16 : memref<1x128xi32, #tpu.memory_space<vmem>> -> memref<128xi32, #tpu.memory_space<vmem>>
        %dma_start3A_18 = arith.constant 0 : i32
        %dma_start3A_19 = arith.constant 0 : i32
        %dma_start3A_20 = tpu.memref_slice %arg8[%dma_start3A_18, %dma_start3A_19] : memref<10240x16xf32, #tpu.memory_space<vmem_shared>> -> memref<10240x16xf32, #tpu.memory_space<vmem_shared>>
        tpu.enqueue_indirect_dma source(%arg7 : memref<128x16xf32, #tpu.memory_space<vmem>>) target(%dma_start3A_20 : memref<10240x16xf32, #tpu.memory_space<vmem_shared>>) offsets(%dma_start3A_17 : memref<128xi32, #tpu.memory_space<vmem>>) semaphore(%run_scoped3A : memref<!tpu.dma_semaphore, #tpu.memory_space<semaphore_mem>>) {add = true}
        %dma_wait3A = arith.constant 0 : i32
        %dma_wait3A_21 = tpu.memref_slice %arg6[%scan3A_15, %dma_wait3A] : memref<40x128xi32, #tpu.memory_space<vmem>> -> memref<1x128xi32, #tpu.memory_space<vmem>>
        %dma_wait3A_22 = tpu.memref_squeeze %dma_wait3A_21 : memref<1x128xi32, #tpu.memory_space<vmem>> -> memref<128xi32, #tpu.memory_space<vmem>>
        %dma_wait3A_23 = arith.constant 0 : i32
        %dma_wait3A_24 = arith.constant 0 : i32
        %dma_wait3A_25 = tpu.memref_slice %arg8[%dma_wait3A_23, %dma_wait3A_24] : memref<10240x16xf32, #tpu.memory_space<vmem_shared>> -> memref<10240x16xf32, #tpu.memory_space<vmem_shared>>
        tpu.wait_indirect_dma semaphore(%run_scoped3A : memref<!tpu.dma_semaphore, #tpu.memory_space<semaphore_mem>>) src(%arg7 : memref<128x16xf32, #tpu.memory_space<vmem>>) dst(%dma_wait3A_25 : memref<10240x16xf32, #tpu.memory_space<vmem_shared>>)
        tpu.yield
      }) : () -> ()
    }
    %scan3A_9 = arith.constant 40 : i32
    %barrier3A_10 = arith.constant 0 : index
    tpu.barrier barrier_id(%barrier3A_10)
    %mul3A_11 = arith.constant 640 : i32
    %mul3A_12 = arith.muli %arg1, %mul3A_11 : i32
    %mul3A_13 = arith.constant 640 : i32
    %mul3A_14 = arith.muli %arg1, %mul3A_13 : i32
    "tpu.region"() ({
      %run_scoped3A = tpu.sem_alloc : memref<!tpu.dma_semaphore, #tpu.memory_space<semaphore_mem>>
      %dma_start3A = arith.constant 0 : i32
      %dma_start3A_15 = tpu.memref_slice %arg5[%arg0, %mul3A_14, %dma_start3A] : memref<2x10240x16xf32, #tpu.memory_space<hbm>> -> memref<1x640x16xf32, #tpu.memory_space<hbm>>
      %dma_start3A_16 = tpu.memref_squeeze %dma_start3A_15 : memref<1x640x16xf32, #tpu.memory_space<hbm>> -> memref<640x16xf32, #tpu.memory_space<hbm>>
      %dma_start3A_17 = arith.constant 0 : i32
      %dma_start3A_18 = tpu.memref_slice %arg8[%mul3A_12, %dma_start3A_17] : memref<10240x16xf32, #tpu.memory_space<vmem_shared>> -> memref<640x16xf32, #tpu.memory_space<vmem_shared>>
      tpu.enqueue_dma source(%dma_start3A_18 : memref<640x16xf32, #tpu.memory_space<vmem_shared>>) target(%dma_start3A_16 : memref<640x16xf32, #tpu.memory_space<hbm>>) target_semaphore(%run_scoped3A : memref<!tpu.dma_semaphore, #tpu.memory_space<semaphore_mem>>)
      %dma_wait3A = arith.constant 0 : i32
      %dma_wait3A_19 = tpu.memref_slice %arg5[%arg0, %mul3A_14, %dma_wait3A] : memref<2x10240x16xf32, #tpu.memory_space<hbm>> -> memref<1x640x16xf32, #tpu.memory_space<hbm>>
      %dma_wait3A_20 = tpu.memref_squeeze %dma_wait3A_19 : memref<1x640x16xf32, #tpu.memory_space<hbm>> -> memref<640x16xf32, #tpu.memory_space<hbm>>
      %dma_wait3A_21 = arith.constant 0 : i32
      %dma_wait3A_22 = tpu.memref_slice %arg8[%mul3A_12, %dma_wait3A_21] : memref<10240x16xf32, #tpu.memory_space<vmem_shared>> -> memref<640x16xf32, #tpu.memory_space<vmem_shared>>
      tpu.wait_dma2 semaphore(%run_scoped3A : memref<!tpu.dma_semaphore, #tpu.memory_space<semaphore_mem>>) src(%dma_wait3A_22 : memref<640x16xf32, #tpu.memory_space<vmem_shared>>) dst(%dma_wait3A_20 : memref<640x16xf32, #tpu.memory_space<hbm>>)
      tpu.yield
    }) : () -> ()
    return
  }
}

#map = affine_map<(d0, d1) -> (0, 0, 0)>
#map1 = affine_map<(d0, d1) -> (0, 0)>
#map2 = affine_map<(d0, d1) -> (0, 0, 0, 0)>
module attributes {stable_mosaic.version = 14 : i64} {
  func.func @scat(%arg0: i32, %arg1: i32, %arg2: memref<2x10240x64xf32, #tpu.memory_space<hbm>>, %arg3: memref<16x80x128xi32, #tpu.memory_space<hbm>>, %arg4: memref<16x80x128xi32, #tpu.memory_space<hbm>>, %arg5: memref<10240x64xf32, #tpu.memory_space<hbm>>, %arg6: memref<2x1x10240x64xf32, #tpu.memory_space<hbm>>, %arg7: memref<80x128xi32, #tpu.memory_space<vmem>>, %arg8: memref<80x128xi32, #tpu.memory_space<vmem>>, %arg9: memref<5x128x64xf32, #tpu.memory_space<vmem>>, %arg10: memref<1x10240x64xf32, #tpu.memory_space<vmem_shared>>, %arg11: memref<!tpu.dma_semaphore, #tpu.memory_space<semaphore_mem>>, %arg12: memref<!tpu.dma_semaphore, #tpu.memory_space<semaphore_mem>>, %arg13: memref<!tpu.dma_semaphore, #tpu.memory_space<semaphore_mem>>) attributes {dimension_semantics = [#tpu.dimension_semantics<core_parallel>, #tpu.dimension_semantics<subcore_parallel>], iteration_bounds = array<i64: 2, 16>, scalar_prefetch = 0 : i64, scratch_operands = 7 : i64, tpu.core_type = #tpu.core_type<sc_vector_subcore>, window_params = [{transform_indices = #map}, {transform_indices = #map}, {transform_indices = #map}, {transform_indices = #map1}, {transform_indices = #map2}]} {
    %jit3A = arith.constant 1 : i32
    %eq3A = arith.constant 0 : i32
    %eq3A_0 = arith.cmpi eq, %jit3A, %eq3A : i32
    %jit3A_1 = arith.constant 1 : i32
    %select_n3A = arith.select %eq3A_0, %jit3A_1, %jit3A : i32
    %rem3A = arith.remsi %arg1, %select_n3A : i32
    %ne3A = arith.constant 0 : i32
    %ne3A_2 = arith.cmpi ne, %rem3A, %ne3A : i32
    %lt3A = arith.constant 0 : i32
    %lt3A_3 = arith.cmpi slt, %rem3A, %lt3A : i32
    %lt3A_4 = arith.constant 0 : i32
    %lt3A_5 = arith.cmpi slt, %select_n3A, %lt3A_4 : i32
    %ne3A_6 = arith.xori %lt3A_3, %lt3A_5 : i1
    %and3A = arith.andi %ne3A_6, %ne3A_2 : i1
    %add3A = arith.addi %rem3A, %select_n3A : i32
    %select_n3A_7 = arith.select %and3A, %add3A, %rem3A : i32
    %mul3A = arith.constant 640 : i32
    %mul3A_8 = arith.muli %arg1, %mul3A : i32
    %mul3A_9 = arith.constant 640 : i32
    %mul3A_10 = arith.muli %arg1, %mul3A_9 : i32
    %dma_start3A = arith.constant 0 : i32
    %dma_start3A_11 = arith.constant 0 : i32
    %dma_start3A_12 = tpu.memref_slice %arg10[%dma_start3A, %mul3A_10, %dma_start3A_11] : memref<1x10240x64xf32, #tpu.memory_space<vmem_shared>> -> memref<1x640x64xf32, #tpu.memory_space<vmem_shared>>
    %dma_start3A_13 = tpu.memref_squeeze %dma_start3A_12 : memref<1x640x64xf32, #tpu.memory_space<vmem_shared>> -> memref<640x64xf32, #tpu.memory_space<vmem_shared>>
    %dma_start3A_14 = arith.constant 0 : i32
    %dma_start3A_15 = tpu.memref_slice %arg5[%mul3A_8, %dma_start3A_14] : memref<10240x64xf32, #tpu.memory_space<hbm>> -> memref<640x64xf32, #tpu.memory_space<hbm>>
    tpu.enqueue_dma source(%dma_start3A_15 : memref<640x64xf32, #tpu.memory_space<hbm>>) target(%dma_start3A_13 : memref<640x64xf32, #tpu.memory_space<vmem_shared>>) target_semaphore(%arg13 : memref<!tpu.dma_semaphore, #tpu.memory_space<semaphore_mem>>)
    %dma_start3A_16 = arith.constant 0 : i32
    %dma_start3A_17 = arith.constant 0 : i32
    %dma_start3A_18 = tpu.memref_slice %arg3[%arg1, %dma_start3A_16, %dma_start3A_17] : memref<16x80x128xi32, #tpu.memory_space<hbm>> -> memref<1x80x128xi32, #tpu.memory_space<hbm>>
    %dma_start3A_19 = tpu.memref_squeeze %dma_start3A_18 : memref<1x80x128xi32, #tpu.memory_space<hbm>> -> memref<80x128xi32, #tpu.memory_space<hbm>>
    %dma_start3A_20 = arith.constant 0 : i32
    %dma_start3A_21 = arith.constant 0 : i32
    %dma_start3A_22 = tpu.memref_slice %arg3[%arg1, %dma_start3A_20, %dma_start3A_21] : memref<16x80x128xi32, #tpu.memory_space<hbm>> -> memref<1x80x128xi32, #tpu.memory_space<hbm>>
    %dma_start3A_23 = tpu.memref_squeeze %dma_start3A_22 : memref<1x80x128xi32, #tpu.memory_space<hbm>> -> memref<80x128xi32, #tpu.memory_space<hbm>>
    tpu.enqueue_dma source(%dma_start3A_23 : memref<80x128xi32, #tpu.memory_space<hbm>>) target(%arg7 : memref<80x128xi32, #tpu.memory_space<vmem>>) target_semaphore(%arg11 : memref<!tpu.dma_semaphore, #tpu.memory_space<semaphore_mem>>)
    %dma_start3A_24 = arith.constant 0 : i32
    %dma_start3A_25 = arith.constant 0 : i32
    %dma_start3A_26 = tpu.memref_slice %arg4[%arg1, %dma_start3A_24, %dma_start3A_25] : memref<16x80x128xi32, #tpu.memory_space<hbm>> -> memref<1x80x128xi32, #tpu.memory_space<hbm>>
    %dma_start3A_27 = tpu.memref_squeeze %dma_start3A_26 : memref<1x80x128xi32, #tpu.memory_space<hbm>> -> memref<80x128xi32, #tpu.memory_space<hbm>>
    %dma_start3A_28 = arith.constant 0 : i32
    %dma_start3A_29 = arith.constant 0 : i32
    %dma_start3A_30 = tpu.memref_slice %arg4[%arg1, %dma_start3A_28, %dma_start3A_29] : memref<16x80x128xi32, #tpu.memory_space<hbm>> -> memref<1x80x128xi32, #tpu.memory_space<hbm>>
    %dma_start3A_31 = tpu.memref_squeeze %dma_start3A_30 : memref<1x80x128xi32, #tpu.memory_space<hbm>> -> memref<80x128xi32, #tpu.memory_space<hbm>>
    tpu.enqueue_dma source(%dma_start3A_31 : memref<80x128xi32, #tpu.memory_space<hbm>>) target(%arg8 : memref<80x128xi32, #tpu.memory_space<vmem>>) target_semaphore(%arg11 : memref<!tpu.dma_semaphore, #tpu.memory_space<semaphore_mem>>)
    %dma_wait3A = arith.constant 0 : i32
    %dma_wait3A_32 = arith.constant 0 : i32
    %dma_wait3A_33 = tpu.memref_slice %arg3[%arg1, %dma_wait3A, %dma_wait3A_32] : memref<16x80x128xi32, #tpu.memory_space<hbm>> -> memref<1x80x128xi32, #tpu.memory_space<hbm>>
    %dma_wait3A_34 = tpu.memref_squeeze %dma_wait3A_33 : memref<1x80x128xi32, #tpu.memory_space<hbm>> -> memref<80x128xi32, #tpu.memory_space<hbm>>
    %dma_wait3A_35 = arith.constant 0 : i32
    %dma_wait3A_36 = arith.constant 0 : i32
    %dma_wait3A_37 = tpu.memref_slice %arg3[%arg1, %dma_wait3A_35, %dma_wait3A_36] : memref<16x80x128xi32, #tpu.memory_space<hbm>> -> memref<1x80x128xi32, #tpu.memory_space<hbm>>
    %dma_wait3A_38 = tpu.memref_squeeze %dma_wait3A_37 : memref<1x80x128xi32, #tpu.memory_space<hbm>> -> memref<80x128xi32, #tpu.memory_space<hbm>>
    tpu.wait_dma2 semaphore(%arg11 : memref<!tpu.dma_semaphore, #tpu.memory_space<semaphore_mem>>) src(%dma_wait3A_38 : memref<80x128xi32, #tpu.memory_space<hbm>>) dst(%arg7 : memref<80x128xi32, #tpu.memory_space<vmem>>)
    %dma_wait3A_39 = arith.constant 0 : i32
    %dma_wait3A_40 = arith.constant 0 : i32
    %dma_wait3A_41 = tpu.memref_slice %arg4[%arg1, %dma_wait3A_39, %dma_wait3A_40] : memref<16x80x128xi32, #tpu.memory_space<hbm>> -> memref<1x80x128xi32, #tpu.memory_space<hbm>>
    %dma_wait3A_42 = tpu.memref_squeeze %dma_wait3A_41 : memref<1x80x128xi32, #tpu.memory_space<hbm>> -> memref<80x128xi32, #tpu.memory_space<hbm>>
    %dma_wait3A_43 = arith.constant 0 : i32
    %dma_wait3A_44 = arith.constant 0 : i32
    %dma_wait3A_45 = tpu.memref_slice %arg4[%arg1, %dma_wait3A_43, %dma_wait3A_44] : memref<16x80x128xi32, #tpu.memory_space<hbm>> -> memref<1x80x128xi32, #tpu.memory_space<hbm>>
    %dma_wait3A_46 = tpu.memref_squeeze %dma_wait3A_45 : memref<1x80x128xi32, #tpu.memory_space<hbm>> -> memref<80x128xi32, #tpu.memory_space<hbm>>
    tpu.wait_dma2 semaphore(%arg11 : memref<!tpu.dma_semaphore, #tpu.memory_space<semaphore_mem>>) src(%dma_wait3A_46 : memref<80x128xi32, #tpu.memory_space<hbm>>) dst(%arg8 : memref<80x128xi32, #tpu.memory_space<vmem>>)
    %dma_start3A_47 = arith.constant 0 : i32
    %dma_start3A_48 = arith.constant 0 : i32
    %dma_start3A_49 = arith.constant 0 : i32
    %dma_start3A_50 = arith.constant 0 : i32
    %dma_start3A_51 = tpu.memref_slice %arg9[%dma_start3A_48, %dma_start3A_49, %dma_start3A_50] : memref<5x128x64xf32, #tpu.memory_space<vmem>> -> memref<1x128x64xf32, #tpu.memory_space<vmem>>
    %dma_start3A_52 = tpu.memref_squeeze %dma_start3A_51 : memref<1x128x64xf32, #tpu.memory_space<vmem>> -> memref<128x64xf32, #tpu.memory_space<vmem>>
    %dma_start3A_53 = arith.constant 0 : i32
    %dma_start3A_54 = tpu.memref_slice %arg7[%dma_start3A_47, %dma_start3A_53] : memref<80x128xi32, #tpu.memory_space<vmem>> -> memref<1x128xi32, #tpu.memory_space<vmem>>
    %dma_start3A_55 = tpu.memref_squeeze %dma_start3A_54 : memref<1x128xi32, #tpu.memory_space<vmem>> -> memref<128xi32, #tpu.memory_space<vmem>>
    %dma_start3A_56 = arith.constant 0 : i32
    %dma_start3A_57 = arith.constant 0 : i32
    %dma_start3A_58 = tpu.memref_slice %arg2[%arg0, %dma_start3A_56, %dma_start3A_57] : memref<2x10240x64xf32, #tpu.memory_space<hbm>> -> memref<1x10240x64xf32, #tpu.memory_space<hbm>>
    %dma_start3A_59 = tpu.memref_squeeze %dma_start3A_58 : memref<1x10240x64xf32, #tpu.memory_space<hbm>> -> memref<10240x64xf32, #tpu.memory_space<hbm>>
    %dma_start3A_60 = arith.constant 0 : i32
    %dma_start3A_61 = arith.constant 0 : i32
    %dma_start3A_62 = tpu.memref_slice %dma_start3A_59[%dma_start3A_60, %dma_start3A_61] : memref<10240x64xf32, #tpu.memory_space<hbm>> -> memref<10240x64xf32, #tpu.memory_space<hbm>>
    tpu.enqueue_indirect_dma source(%dma_start3A_62 : memref<10240x64xf32, #tpu.memory_space<hbm>>) target(%dma_start3A_52 : memref<128x64xf32, #tpu.memory_space<vmem>>) offsets(%dma_start3A_55 : memref<128xi32, #tpu.memory_space<vmem>>) semaphore(%arg11 : memref<!tpu.dma_semaphore, #tpu.memory_space<semaphore_mem>>)
    %dma_start3A_63 = arith.constant 1 : i32
    %dma_start3A_64 = arith.constant 1 : i32
    %dma_start3A_65 = arith.constant 0 : i32
    %dma_start3A_66 = arith.constant 0 : i32
    %dma_start3A_67 = tpu.memref_slice %arg9[%dma_start3A_64, %dma_start3A_65, %dma_start3A_66] : memref<5x128x64xf32, #tpu.memory_space<vmem>> -> memref<1x128x64xf32, #tpu.memory_space<vmem>>
    %dma_start3A_68 = tpu.memref_squeeze %dma_start3A_67 : memref<1x128x64xf32, #tpu.memory_space<vmem>> -> memref<128x64xf32, #tpu.memory_space<vmem>>
    %dma_start3A_69 = arith.constant 0 : i32
    %dma_start3A_70 = tpu.memref_slice %arg7[%dma_start3A_63, %dma_start3A_69] : memref<80x128xi32, #tpu.memory_space<vmem>> -> memref<1x128xi32, #tpu.memory_space<vmem>>
    %dma_start3A_71 = tpu.memref_squeeze %dma_start3A_70 : memref<1x128xi32, #tpu.memory_space<vmem>> -> memref<128xi32, #tpu.memory_space<vmem>>
    %dma_start3A_72 = arith.constant 0 : i32
    %dma_start3A_73 = arith.constant 0 : i32
    %dma_start3A_74 = tpu.memref_slice %arg2[%arg0, %dma_start3A_72, %dma_start3A_73] : memref<2x10240x64xf32, #tpu.memory_space<hbm>> -> memref<1x10240x64xf32, #tpu.memory_space<hbm>>
    %dma_start3A_75 = tpu.memref_squeeze %dma_start3A_74 : memref<1x10240x64xf32, #tpu.memory_space<hbm>> -> memref<10240x64xf32, #tpu.memory_space<hbm>>
    %dma_start3A_76 = arith.constant 0 : i32
    %dma_start3A_77 = arith.constant 0 : i32
    %dma_start3A_78 = tpu.memref_slice %dma_start3A_75[%dma_start3A_76, %dma_start3A_77] : memref<10240x64xf32, #tpu.memory_space<hbm>> -> memref<10240x64xf32, #tpu.memory_space<hbm>>
    tpu.enqueue_indirect_dma source(%dma_start3A_78 : memref<10240x64xf32, #tpu.memory_space<hbm>>) target(%dma_start3A_68 : memref<128x64xf32, #tpu.memory_space<vmem>>) offsets(%dma_start3A_71 : memref<128xi32, #tpu.memory_space<vmem>>) semaphore(%arg11 : memref<!tpu.dma_semaphore, #tpu.memory_space<semaphore_mem>>)
    %dma_start3A_79 = arith.constant 2 : i32
    %dma_start3A_80 = arith.constant 2 : i32
    %dma_start3A_81 = arith.constant 0 : i32
    %dma_start3A_82 = arith.constant 0 : i32
    %dma_start3A_83 = tpu.memref_slice %arg9[%dma_start3A_80, %dma_start3A_81, %dma_start3A_82] : memref<5x128x64xf32, #tpu.memory_space<vmem>> -> memref<1x128x64xf32, #tpu.memory_space<vmem>>
    %dma_start3A_84 = tpu.memref_squeeze %dma_start3A_83 : memref<1x128x64xf32, #tpu.memory_space<vmem>> -> memref<128x64xf32, #tpu.memory_space<vmem>>
    %dma_start3A_85 = arith.constant 0 : i32
    %dma_start3A_86 = tpu.memref_slice %arg7[%dma_start3A_79, %dma_start3A_85] : memref<80x128xi32, #tpu.memory_space<vmem>> -> memref<1x128xi32, #tpu.memory_space<vmem>>
    %dma_start3A_87 = tpu.memref_squeeze %dma_start3A_86 : memref<1x128xi32, #tpu.memory_space<vmem>> -> memref<128xi32, #tpu.memory_space<vmem>>
    %dma_start3A_88 = arith.constant 0 : i32
    %dma_start3A_89 = arith.constant 0 : i32
    %dma_start3A_90 = tpu.memref_slice %arg2[%arg0, %dma_start3A_88, %dma_start3A_89] : memref<2x10240x64xf32, #tpu.memory_space<hbm>> -> memref<1x10240x64xf32, #tpu.memory_space<hbm>>
    %dma_start3A_91 = tpu.memref_squeeze %dma_start3A_90 : memref<1x10240x64xf32, #tpu.memory_space<hbm>> -> memref<10240x64xf32, #tpu.memory_space<hbm>>
    %dma_start3A_92 = arith.constant 0 : i32
    %dma_start3A_93 = arith.constant 0 : i32
    %dma_start3A_94 = tpu.memref_slice %dma_start3A_91[%dma_start3A_92, %dma_start3A_93] : memref<10240x64xf32, #tpu.memory_space<hbm>> -> memref<10240x64xf32, #tpu.memory_space<hbm>>
    tpu.enqueue_indirect_dma source(%dma_start3A_94 : memref<10240x64xf32, #tpu.memory_space<hbm>>) target(%dma_start3A_84 : memref<128x64xf32, #tpu.memory_space<vmem>>) offsets(%dma_start3A_87 : memref<128xi32, #tpu.memory_space<vmem>>) semaphore(%arg11 : memref<!tpu.dma_semaphore, #tpu.memory_space<semaphore_mem>>)
    %dma_start3A_95 = arith.constant 3 : i32
    %dma_start3A_96 = arith.constant 3 : i32
    %dma_start3A_97 = arith.constant 0 : i32
    %dma_start3A_98 = arith.constant 0 : i32
    %dma_start3A_99 = tpu.memref_slice %arg9[%dma_start3A_96, %dma_start3A_97, %dma_start3A_98] : memref<5x128x64xf32, #tpu.memory_space<vmem>> -> memref<1x128x64xf32, #tpu.memory_space<vmem>>
    %dma_start3A_100 = tpu.memref_squeeze %dma_start3A_99 : memref<1x128x64xf32, #tpu.memory_space<vmem>> -> memref<128x64xf32, #tpu.memory_space<vmem>>
    %dma_start3A_101 = arith.constant 0 : i32
    %dma_start3A_102 = tpu.memref_slice %arg7[%dma_start3A_95, %dma_start3A_101] : memref<80x128xi32, #tpu.memory_space<vmem>> -> memref<1x128xi32, #tpu.memory_space<vmem>>
    %dma_start3A_103 = tpu.memref_squeeze %dma_start3A_102 : memref<1x128xi32, #tpu.memory_space<vmem>> -> memref<128xi32, #tpu.memory_space<vmem>>
    %dma_start3A_104 = arith.constant 0 : i32
    %dma_start3A_105 = arith.constant 0 : i32
    %dma_start3A_106 = tpu.memref_slice %arg2[%arg0, %dma_start3A_104, %dma_start3A_105] : memref<2x10240x64xf32, #tpu.memory_space<hbm>> -> memref<1x10240x64xf32, #tpu.memory_space<hbm>>
    %dma_start3A_107 = tpu.memref_squeeze %dma_start3A_106 : memref<1x10240x64xf32, #tpu.memory_space<hbm>> -> memref<10240x64xf32, #tpu.memory_space<hbm>>
    %dma_start3A_108 = arith.constant 0 : i32
    %dma_start3A_109 = arith.constant 0 : i32
    %dma_start3A_110 = tpu.memref_slice %dma_start3A_107[%dma_start3A_108, %dma_start3A_109] : memref<10240x64xf32, #tpu.memory_space<hbm>> -> memref<10240x64xf32, #tpu.memory_space<hbm>>
    tpu.enqueue_indirect_dma source(%dma_start3A_110 : memref<10240x64xf32, #tpu.memory_space<hbm>>) target(%dma_start3A_100 : memref<128x64xf32, #tpu.memory_space<vmem>>) offsets(%dma_start3A_103 : memref<128xi32, #tpu.memory_space<vmem>>) semaphore(%arg11 : memref<!tpu.dma_semaphore, #tpu.memory_space<semaphore_mem>>)
    %dma_start3A_111 = arith.constant 4 : i32
    %dma_start3A_112 = arith.constant 4 : i32
    %dma_start3A_113 = arith.constant 0 : i32
    %dma_start3A_114 = arith.constant 0 : i32
    %dma_start3A_115 = tpu.memref_slice %arg9[%dma_start3A_112, %dma_start3A_113, %dma_start3A_114] : memref<5x128x64xf32, #tpu.memory_space<vmem>> -> memref<1x128x64xf32, #tpu.memory_space<vmem>>
    %dma_start3A_116 = tpu.memref_squeeze %dma_start3A_115 : memref<1x128x64xf32, #tpu.memory_space<vmem>> -> memref<128x64xf32, #tpu.memory_space<vmem>>
    %dma_start3A_117 = arith.constant 0 : i32
    %dma_start3A_118 = tpu.memref_slice %arg7[%dma_start3A_111, %dma_start3A_117] : memref<80x128xi32, #tpu.memory_space<vmem>> -> memref<1x128xi32, #tpu.memory_space<vmem>>
    %dma_start3A_119 = tpu.memref_squeeze %dma_start3A_118 : memref<1x128xi32, #tpu.memory_space<vmem>> -> memref<128xi32, #tpu.memory_space<vmem>>
    %dma_start3A_120 = arith.constant 0 : i32
    %dma_start3A_121 = arith.constant 0 : i32
    %dma_start3A_122 = tpu.memref_slice %arg2[%arg0, %dma_start3A_120, %dma_start3A_121] : memref<2x10240x64xf32, #tpu.memory_space<hbm>> -> memref<1x10240x64xf32, #tpu.memory_space<hbm>>
    %dma_start3A_123 = tpu.memref_squeeze %dma_start3A_122 : memref<1x10240x64xf32, #tpu.memory_space<hbm>> -> memref<10240x64xf32, #tpu.memory_space<hbm>>
    %dma_start3A_124 = arith.constant 0 : i32
    %dma_start3A_125 = arith.constant 0 : i32
    %dma_start3A_126 = tpu.memref_slice %dma_start3A_123[%dma_start3A_124, %dma_start3A_125] : memref<10240x64xf32, #tpu.memory_space<hbm>> -> memref<10240x64xf32, #tpu.memory_space<hbm>>
    tpu.enqueue_indirect_dma source(%dma_start3A_126 : memref<10240x64xf32, #tpu.memory_space<hbm>>) target(%dma_start3A_116 : memref<128x64xf32, #tpu.memory_space<vmem>>) offsets(%dma_start3A_119 : memref<128xi32, #tpu.memory_space<vmem>>) semaphore(%arg11 : memref<!tpu.dma_semaphore, #tpu.memory_space<semaphore_mem>>)
    %mul3A_127 = arith.constant 640 : i32
    %mul3A_128 = arith.muli %arg1, %mul3A_127 : i32
    %mul3A_129 = arith.constant 640 : i32
    %mul3A_130 = arith.muli %arg1, %mul3A_129 : i32
    %dma_wait3A_131 = arith.constant 0 : i32
    %dma_wait3A_132 = arith.constant 0 : i32
    %dma_wait3A_133 = tpu.memref_slice %arg10[%dma_wait3A_131, %mul3A_130, %dma_wait3A_132] : memref<1x10240x64xf32, #tpu.memory_space<vmem_shared>> -> memref<1x640x64xf32, #tpu.memory_space<vmem_shared>>
    %dma_wait3A_134 = tpu.memref_squeeze %dma_wait3A_133 : memref<1x640x64xf32, #tpu.memory_space<vmem_shared>> -> memref<640x64xf32, #tpu.memory_space<vmem_shared>>
    %dma_wait3A_135 = arith.constant 0 : i32
    %dma_wait3A_136 = tpu.memref_slice %arg5[%mul3A_128, %dma_wait3A_135] : memref<10240x64xf32, #tpu.memory_space<hbm>> -> memref<640x64xf32, #tpu.memory_space<hbm>>
    tpu.wait_dma2 semaphore(%arg13 : memref<!tpu.dma_semaphore, #tpu.memory_space<semaphore_mem>>) src(%dma_wait3A_136 : memref<640x64xf32, #tpu.memory_space<hbm>>) dst(%dma_wait3A_134 : memref<640x64xf32, #tpu.memory_space<vmem_shared>>)
    %barrier3A = arith.constant 0 : index
    tpu.barrier barrier_id(%barrier3A)
    %scan3A = arith.constant 0 : i32
    %scan3A_137 = arith.constant 15 : i32
    %scan3A_138 = arith.addi %scan3A, %scan3A_137 : i32
    %scan3A_139 = arith.constant 1 : i32
    scf.for %scan3A_387 = %scan3A to %scan3A_138 step %scan3A_139  : i32 {
      %mul3A_388 = arith.constant 5 : i32
      %mul3A_389 = arith.muli %scan3A_387, %mul3A_388 : i32
      %add3A_390 = arith.constant 0 : i32
      %add3A_391 = arith.addi %add3A_390, %mul3A_389 : i32
      %dma_wait3A_392 = arith.constant 0 : i32
      %dma_wait3A_393 = arith.constant 0 : i32
      %dma_wait3A_394 = arith.constant 0 : i32
      %dma_wait3A_395 = arith.constant 0 : i32
      %dma_wait3A_396 = tpu.memref_slice %arg9[%dma_wait3A_393, %dma_wait3A_394, %dma_wait3A_395] : memref<5x128x64xf32, #tpu.memory_space<vmem>> -> memref<1x128x64xf32, #tpu.memory_space<vmem>>
      %dma_wait3A_397 = tpu.memref_squeeze %dma_wait3A_396 : memref<1x128x64xf32, #tpu.memory_space<vmem>> -> memref<128x64xf32, #tpu.memory_space<vmem>>
      %dma_wait3A_398 = arith.constant 0 : i32
      %dma_wait3A_399 = tpu.memref_slice %arg7[%dma_wait3A_392, %dma_wait3A_398] : memref<80x128xi32, #tpu.memory_space<vmem>> -> memref<1x128xi32, #tpu.memory_space<vmem>>
      %dma_wait3A_400 = tpu.memref_squeeze %dma_wait3A_399 : memref<1x128xi32, #tpu.memory_space<vmem>> -> memref<128xi32, #tpu.memory_space<vmem>>
      %dma_wait3A_401 = arith.constant 0 : i32
      %dma_wait3A_402 = arith.constant 0 : i32
      %dma_wait3A_403 = tpu.memref_slice %arg2[%arg0, %dma_wait3A_401, %dma_wait3A_402] : memref<2x10240x64xf32, #tpu.memory_space<hbm>> -> memref<1x10240x64xf32, #tpu.memory_space<hbm>>
      %dma_wait3A_404 = tpu.memref_squeeze %dma_wait3A_403 : memref<1x10240x64xf32, #tpu.memory_space<hbm>> -> memref<10240x64xf32, #tpu.memory_space<hbm>>
      %dma_wait3A_405 = arith.constant 0 : i32
      %dma_wait3A_406 = arith.constant 0 : i32
      %dma_wait3A_407 = tpu.memref_slice %dma_wait3A_404[%dma_wait3A_405, %dma_wait3A_406] : memref<10240x64xf32, #tpu.memory_space<hbm>> -> memref<10240x64xf32, #tpu.memory_space<hbm>>
      tpu.wait_indirect_dma semaphore(%arg11 : memref<!tpu.dma_semaphore, #tpu.memory_space<semaphore_mem>>) src(%dma_wait3A_407 : memref<10240x64xf32, #tpu.memory_space<hbm>>) dst(%dma_wait3A_397 : memref<128x64xf32, #tpu.memory_space<vmem>>)
      %add3A_408 = arith.constant 0 : i32
      %add3A_409 = arith.addi %add3A_391, %add3A_408 : i32
      %dma_start3A_410 = arith.constant 0 : i32
      %dma_start3A_411 = arith.constant 0 : i32
      %dma_start3A_412 = arith.constant 0 : i32
      %dma_start3A_413 = tpu.memref_slice %arg9[%dma_start3A_410, %dma_start3A_411, %dma_start3A_412] : memref<5x128x64xf32, #tpu.memory_space<vmem>> -> memref<1x128x64xf32, #tpu.memory_space<vmem>>
      %dma_start3A_414 = tpu.memref_squeeze %dma_start3A_413 : memref<1x128x64xf32, #tpu.memory_space<vmem>> -> memref<128x64xf32, #tpu.memory_space<vmem>>
      %dma_start3A_415 = arith.constant 0 : i32
      %dma_start3A_416 = tpu.memref_slice %arg8[%add3A_409, %dma_start3A_415] : memref<80x128xi32, #tpu.memory_space<vmem>> -> memref<1x128xi32, #tpu.memory_space<vmem>>
      %dma_start3A_417 = tpu.memref_squeeze %dma_start3A_416 : memref<1x128xi32, #tpu.memory_space<vmem>> -> memref<128xi32, #tpu.memory_space<vmem>>
      %dma_start3A_418 = arith.constant 0 : i32
      %dma_start3A_419 = arith.constant 0 : i32
      %dma_start3A_420 = tpu.memref_slice %arg10[%select_n3A_7, %dma_start3A_418, %dma_start3A_419] : memref<1x10240x64xf32, #tpu.memory_space<vmem_shared>> -> memref<1x10240x64xf32, #tpu.memory_space<vmem_shared>>
      %dma_start3A_421 = tpu.memref_squeeze %dma_start3A_420 : memref<1x10240x64xf32, #tpu.memory_space<vmem_shared>> -> memref<10240x64xf32, #tpu.memory_space<vmem_shared>>
      %dma_start3A_422 = arith.constant 0 : i32
      %dma_start3A_423 = arith.constant 0 : i32
      %dma_start3A_424 = tpu.memref_slice %dma_start3A_421[%dma_start3A_422, %dma_start3A_423] : memref<10240x64xf32, #tpu.memory_space<vmem_shared>> -> memref<10240x64xf32, #tpu.memory_space<vmem_shared>>
      tpu.enqueue_indirect_dma source(%dma_start3A_414 : memref<128x64xf32, #tpu.memory_space<vmem>>) target(%dma_start3A_424 : memref<10240x64xf32, #tpu.memory_space<vmem_shared>>) offsets(%dma_start3A_417 : memref<128xi32, #tpu.memory_space<vmem>>) semaphore(%arg12 : memref<!tpu.dma_semaphore, #tpu.memory_space<semaphore_mem>>) {add = true}
      %dma_wait3A_425 = arith.constant 0 : i32
      %dma_wait3A_426 = arith.constant 1 : i32
      %dma_wait3A_427 = arith.constant 0 : i32
      %dma_wait3A_428 = arith.constant 0 : i32
      %dma_wait3A_429 = tpu.memref_slice %arg9[%dma_wait3A_426, %dma_wait3A_427, %dma_wait3A_428] : memref<5x128x64xf32, #tpu.memory_space<vmem>> -> memref<1x128x64xf32, #tpu.memory_space<vmem>>
      %dma_wait3A_430 = tpu.memref_squeeze %dma_wait3A_429 : memref<1x128x64xf32, #tpu.memory_space<vmem>> -> memref<128x64xf32, #tpu.memory_space<vmem>>
      %dma_wait3A_431 = arith.constant 0 : i32
      %dma_wait3A_432 = tpu.memref_slice %arg7[%dma_wait3A_425, %dma_wait3A_431] : memref<80x128xi32, #tpu.memory_space<vmem>> -> memref<1x128xi32, #tpu.memory_space<vmem>>
      %dma_wait3A_433 = tpu.memref_squeeze %dma_wait3A_432 : memref<1x128xi32, #tpu.memory_space<vmem>> -> memref<128xi32, #tpu.memory_space<vmem>>
      %dma_wait3A_434 = arith.constant 0 : i32
      %dma_wait3A_435 = arith.constant 0 : i32
      %dma_wait3A_436 = tpu.memref_slice %arg2[%arg0, %dma_wait3A_434, %dma_wait3A_435] : memref<2x10240x64xf32, #tpu.memory_space<hbm>> -> memref<1x10240x64xf32, #tpu.memory_space<hbm>>
      %dma_wait3A_437 = tpu.memref_squeeze %dma_wait3A_436 : memref<1x10240x64xf32, #tpu.memory_space<hbm>> -> memref<10240x64xf32, #tpu.memory_space<hbm>>
      %dma_wait3A_438 = arith.constant 0 : i32
      %dma_wait3A_439 = arith.constant 0 : i32
      %dma_wait3A_440 = tpu.memref_slice %dma_wait3A_437[%dma_wait3A_438, %dma_wait3A_439] : memref<10240x64xf32, #tpu.memory_space<hbm>> -> memref<10240x64xf32, #tpu.memory_space<hbm>>
      tpu.wait_indirect_dma semaphore(%arg11 : memref<!tpu.dma_semaphore, #tpu.memory_space<semaphore_mem>>) src(%dma_wait3A_440 : memref<10240x64xf32, #tpu.memory_space<hbm>>) dst(%dma_wait3A_430 : memref<128x64xf32, #tpu.memory_space<vmem>>)
      %add3A_441 = arith.constant 1 : i32
      %add3A_442 = arith.addi %add3A_391, %add3A_441 : i32
      %dma_start3A_443 = arith.constant 1 : i32
      %dma_start3A_444 = arith.constant 0 : i32
      %dma_start3A_445 = arith.constant 0 : i32
      %dma_start3A_446 = tpu.memref_slice %arg9[%dma_start3A_443, %dma_start3A_444, %dma_start3A_445] : memref<5x128x64xf32, #tpu.memory_space<vmem>> -> memref<1x128x64xf32, #tpu.memory_space<vmem>>
      %dma_start3A_447 = tpu.memref_squeeze %dma_start3A_446 : memref<1x128x64xf32, #tpu.memory_space<vmem>> -> memref<128x64xf32, #tpu.memory_space<vmem>>
      %dma_start3A_448 = arith.constant 0 : i32
      %dma_start3A_449 = tpu.memref_slice %arg8[%add3A_442, %dma_start3A_448] : memref<80x128xi32, #tpu.memory_space<vmem>> -> memref<1x128xi32, #tpu.memory_space<vmem>>
      %dma_start3A_450 = tpu.memref_squeeze %dma_start3A_449 : memref<1x128xi32, #tpu.memory_space<vmem>> -> memref<128xi32, #tpu.memory_space<vmem>>
      %dma_start3A_451 = arith.constant 0 : i32
      %dma_start3A_452 = arith.constant 0 : i32
      %dma_start3A_453 = tpu.memref_slice %arg10[%select_n3A_7, %dma_start3A_451, %dma_start3A_452] : memref<1x10240x64xf32, #tpu.memory_space<vmem_shared>> -> memref<1x10240x64xf32, #tpu.memory_space<vmem_shared>>
      %dma_start3A_454 = tpu.memref_squeeze %dma_start3A_453 : memref<1x10240x64xf32, #tpu.memory_space<vmem_shared>> -> memref<10240x64xf32, #tpu.memory_space<vmem_shared>>
      %dma_start3A_455 = arith.constant 0 : i32
      %dma_start3A_456 = arith.constant 0 : i32
      %dma_start3A_457 = tpu.memref_slice %dma_start3A_454[%dma_start3A_455, %dma_start3A_456] : memref<10240x64xf32, #tpu.memory_space<vmem_shared>> -> memref<10240x64xf32, #tpu.memory_space<vmem_shared>>
      tpu.enqueue_indirect_dma source(%dma_start3A_447 : memref<128x64xf32, #tpu.memory_space<vmem>>) target(%dma_start3A_457 : memref<10240x64xf32, #tpu.memory_space<vmem_shared>>) offsets(%dma_start3A_450 : memref<128xi32, #tpu.memory_space<vmem>>) semaphore(%arg12 : memref<!tpu.dma_semaphore, #tpu.memory_space<semaphore_mem>>) {add = true}
      %dma_wait3A_458 = arith.constant 0 : i32
      %dma_wait3A_459 = arith.constant 2 : i32
      %dma_wait3A_460 = arith.constant 0 : i32
      %dma_wait3A_461 = arith.constant 0 : i32
      %dma_wait3A_462 = tpu.memref_slice %arg9[%dma_wait3A_459, %dma_wait3A_460, %dma_wait3A_461] : memref<5x128x64xf32, #tpu.memory_space<vmem>> -> memref<1x128x64xf32, #tpu.memory_space<vmem>>
      %dma_wait3A_463 = tpu.memref_squeeze %dma_wait3A_462 : memref<1x128x64xf32, #tpu.memory_space<vmem>> -> memref<128x64xf32, #tpu.memory_space<vmem>>
      %dma_wait3A_464 = arith.constant 0 : i32
      %dma_wait3A_465 = tpu.memref_slice %arg7[%dma_wait3A_458, %dma_wait3A_464] : memref<80x128xi32, #tpu.memory_space<vmem>> -> memref<1x128xi32, #tpu.memory_space<vmem>>
      %dma_wait3A_466 = tpu.memref_squeeze %dma_wait3A_465 : memref<1x128xi32, #tpu.memory_space<vmem>> -> memref<128xi32, #tpu.memory_space<vmem>>
      %dma_wait3A_467 = arith.constant 0 : i32
      %dma_wait3A_468 = arith.constant 0 : i32
      %dma_wait3A_469 = tpu.memref_slice %arg2[%arg0, %dma_wait3A_467, %dma_wait3A_468] : memref<2x10240x64xf32, #tpu.memory_space<hbm>> -> memref<1x10240x64xf32, #tpu.memory_space<hbm>>
      %dma_wait3A_470 = tpu.memref_squeeze %dma_wait3A_469 : memref<1x10240x64xf32, #tpu.memory_space<hbm>> -> memref<10240x64xf32, #tpu.memory_space<hbm>>
      %dma_wait3A_471 = arith.constant 0 : i32
      %dma_wait3A_472 = arith.constant 0 : i32
      %dma_wait3A_473 = tpu.memref_slice %dma_wait3A_470[%dma_wait3A_471, %dma_wait3A_472] : memref<10240x64xf32, #tpu.memory_space<hbm>> -> memref<10240x64xf32, #tpu.memory_space<hbm>>
      tpu.wait_indirect_dma semaphore(%arg11 : memref<!tpu.dma_semaphore, #tpu.memory_space<semaphore_mem>>) src(%dma_wait3A_473 : memref<10240x64xf32, #tpu.memory_space<hbm>>) dst(%dma_wait3A_463 : memref<128x64xf32, #tpu.memory_space<vmem>>)
      %add3A_474 = arith.constant 2 : i32
      %add3A_475 = arith.addi %add3A_391, %add3A_474 : i32
      %dma_start3A_476 = arith.constant 2 : i32
      %dma_start3A_477 = arith.constant 0 : i32
      %dma_start3A_478 = arith.constant 0 : i32
      %dma_start3A_479 = tpu.memref_slice %arg9[%dma_start3A_476, %dma_start3A_477, %dma_start3A_478] : memref<5x128x64xf32, #tpu.memory_space<vmem>> -> memref<1x128x64xf32, #tpu.memory_space<vmem>>
      %dma_start3A_480 = tpu.memref_squeeze %dma_start3A_479 : memref<1x128x64xf32, #tpu.memory_space<vmem>> -> memref<128x64xf32, #tpu.memory_space<vmem>>
      %dma_start3A_481 = arith.constant 0 : i32
      %dma_start3A_482 = tpu.memref_slice %arg8[%add3A_475, %dma_start3A_481] : memref<80x128xi32, #tpu.memory_space<vmem>> -> memref<1x128xi32, #tpu.memory_space<vmem>>
      %dma_start3A_483 = tpu.memref_squeeze %dma_start3A_482 : memref<1x128xi32, #tpu.memory_space<vmem>> -> memref<128xi32, #tpu.memory_space<vmem>>
      %dma_start3A_484 = arith.constant 0 : i32
      %dma_start3A_485 = arith.constant 0 : i32
      %dma_start3A_486 = tpu.memref_slice %arg10[%select_n3A_7, %dma_start3A_484, %dma_start3A_485] : memref<1x10240x64xf32, #tpu.memory_space<vmem_shared>> -> memref<1x10240x64xf32, #tpu.memory_space<vmem_shared>>
      %dma_start3A_487 = tpu.memref_squeeze %dma_start3A_486 : memref<1x10240x64xf32, #tpu.memory_space<vmem_shared>> -> memref<10240x64xf32, #tpu.memory_space<vmem_shared>>
      %dma_start3A_488 = arith.constant 0 : i32
      %dma_start3A_489 = arith.constant 0 : i32
      %dma_start3A_490 = tpu.memref_slice %dma_start3A_487[%dma_start3A_488, %dma_start3A_489] : memref<10240x64xf32, #tpu.memory_space<vmem_shared>> -> memref<10240x64xf32, #tpu.memory_space<vmem_shared>>
      tpu.enqueue_indirect_dma source(%dma_start3A_480 : memref<128x64xf32, #tpu.memory_space<vmem>>) target(%dma_start3A_490 : memref<10240x64xf32, #tpu.memory_space<vmem_shared>>) offsets(%dma_start3A_483 : memref<128xi32, #tpu.memory_space<vmem>>) semaphore(%arg12 : memref<!tpu.dma_semaphore, #tpu.memory_space<semaphore_mem>>) {add = true}
      %dma_wait3A_491 = arith.constant 0 : i32
      %dma_wait3A_492 = arith.constant 3 : i32
      %dma_wait3A_493 = arith.constant 0 : i32
      %dma_wait3A_494 = arith.constant 0 : i32
      %dma_wait3A_495 = tpu.memref_slice %arg9[%dma_wait3A_492, %dma_wait3A_493, %dma_wait3A_494] : memref<5x128x64xf32, #tpu.memory_space<vmem>> -> memref<1x128x64xf32, #tpu.memory_space<vmem>>
      %dma_wait3A_496 = tpu.memref_squeeze %dma_wait3A_495 : memref<1x128x64xf32, #tpu.memory_space<vmem>> -> memref<128x64xf32, #tpu.memory_space<vmem>>
      %dma_wait3A_497 = arith.constant 0 : i32
      %dma_wait3A_498 = tpu.memref_slice %arg7[%dma_wait3A_491, %dma_wait3A_497] : memref<80x128xi32, #tpu.memory_space<vmem>> -> memref<1x128xi32, #tpu.memory_space<vmem>>
      %dma_wait3A_499 = tpu.memref_squeeze %dma_wait3A_498 : memref<1x128xi32, #tpu.memory_space<vmem>> -> memref<128xi32, #tpu.memory_space<vmem>>
      %dma_wait3A_500 = arith.constant 0 : i32
      %dma_wait3A_501 = arith.constant 0 : i32
      %dma_wait3A_502 = tpu.memref_slice %arg2[%arg0, %dma_wait3A_500, %dma_wait3A_501] : memref<2x10240x64xf32, #tpu.memory_space<hbm>> -> memref<1x10240x64xf32, #tpu.memory_space<hbm>>
      %dma_wait3A_503 = tpu.memref_squeeze %dma_wait3A_502 : memref<1x10240x64xf32, #tpu.memory_space<hbm>> -> memref<10240x64xf32, #tpu.memory_space<hbm>>
      %dma_wait3A_504 = arith.constant 0 : i32
      %dma_wait3A_505 = arith.constant 0 : i32
      %dma_wait3A_506 = tpu.memref_slice %dma_wait3A_503[%dma_wait3A_504, %dma_wait3A_505] : memref<10240x64xf32, #tpu.memory_space<hbm>> -> memref<10240x64xf32, #tpu.memory_space<hbm>>
      tpu.wait_indirect_dma semaphore(%arg11 : memref<!tpu.dma_semaphore, #tpu.memory_space<semaphore_mem>>) src(%dma_wait3A_506 : memref<10240x64xf32, #tpu.memory_space<hbm>>) dst(%dma_wait3A_496 : memref<128x64xf32, #tpu.memory_space<vmem>>)
      %add3A_507 = arith.constant 3 : i32
      %add3A_508 = arith.addi %add3A_391, %add3A_507 : i32
      %dma_start3A_509 = arith.constant 3 : i32
      %dma_start3A_510 = arith.constant 0 : i32
      %dma_start3A_511 = arith.constant 0 : i32
      %dma_start3A_512 = tpu.memref_slice %arg9[%dma_start3A_509, %dma_start3A_510, %dma_start3A_511] : memref<5x128x64xf32, #tpu.memory_space<vmem>> -> memref<1x128x64xf32, #tpu.memory_space<vmem>>
      %dma_start3A_513 = tpu.memref_squeeze %dma_start3A_512 : memref<1x128x64xf32, #tpu.memory_space<vmem>> -> memref<128x64xf32, #tpu.memory_space<vmem>>
      %dma_start3A_514 = arith.constant 0 : i32
      %dma_start3A_515 = tpu.memref_slice %arg8[%add3A_508, %dma_start3A_514] : memref<80x128xi32, #tpu.memory_space<vmem>> -> memref<1x128xi32, #tpu.memory_space<vmem>>
      %dma_start3A_516 = tpu.memref_squeeze %dma_start3A_515 : memref<1x128xi32, #tpu.memory_space<vmem>> -> memref<128xi32, #tpu.memory_space<vmem>>
      %dma_start3A_517 = arith.constant 0 : i32
      %dma_start3A_518 = arith.constant 0 : i32
      %dma_start3A_519 = tpu.memref_slice %arg10[%select_n3A_7, %dma_start3A_517, %dma_start3A_518] : memref<1x10240x64xf32, #tpu.memory_space<vmem_shared>> -> memref<1x10240x64xf32, #tpu.memory_space<vmem_shared>>
      %dma_start3A_520 = tpu.memref_squeeze %dma_start3A_519 : memref<1x10240x64xf32, #tpu.memory_space<vmem_shared>> -> memref<10240x64xf32, #tpu.memory_space<vmem_shared>>
      %dma_start3A_521 = arith.constant 0 : i32
      %dma_start3A_522 = arith.constant 0 : i32
      %dma_start3A_523 = tpu.memref_slice %dma_start3A_520[%dma_start3A_521, %dma_start3A_522] : memref<10240x64xf32, #tpu.memory_space<vmem_shared>> -> memref<10240x64xf32, #tpu.memory_space<vmem_shared>>
      tpu.enqueue_indirect_dma source(%dma_start3A_513 : memref<128x64xf32, #tpu.memory_space<vmem>>) target(%dma_start3A_523 : memref<10240x64xf32, #tpu.memory_space<vmem_shared>>) offsets(%dma_start3A_516 : memref<128xi32, #tpu.memory_space<vmem>>) semaphore(%arg12 : memref<!tpu.dma_semaphore, #tpu.memory_space<semaphore_mem>>) {add = true}
      %dma_wait3A_524 = arith.constant 0 : i32
      %dma_wait3A_525 = arith.constant 4 : i32
      %dma_wait3A_526 = arith.constant 0 : i32
      %dma_wait3A_527 = arith.constant 0 : i32
      %dma_wait3A_528 = tpu.memref_slice %arg9[%dma_wait3A_525, %dma_wait3A_526, %dma_wait3A_527] : memref<5x128x64xf32, #tpu.memory_space<vmem>> -> memref<1x128x64xf32, #tpu.memory_space<vmem>>
      %dma_wait3A_529 = tpu.memref_squeeze %dma_wait3A_528 : memref<1x128x64xf32, #tpu.memory_space<vmem>> -> memref<128x64xf32, #tpu.memory_space<vmem>>
      %dma_wait3A_530 = arith.constant 0 : i32
      %dma_wait3A_531 = tpu.memref_slice %arg7[%dma_wait3A_524, %dma_wait3A_530] : memref<80x128xi32, #tpu.memory_space<vmem>> -> memref<1x128xi32, #tpu.memory_space<vmem>>
      %dma_wait3A_532 = tpu.memref_squeeze %dma_wait3A_531 : memref<1x128xi32, #tpu.memory_space<vmem>> -> memref<128xi32, #tpu.memory_space<vmem>>
      %dma_wait3A_533 = arith.constant 0 : i32
      %dma_wait3A_534 = arith.constant 0 : i32
      %dma_wait3A_535 = tpu.memref_slice %arg2[%arg0, %dma_wait3A_533, %dma_wait3A_534] : memref<2x10240x64xf32, #tpu.memory_space<hbm>> -> memref<1x10240x64xf32, #tpu.memory_space<hbm>>
      %dma_wait3A_536 = tpu.memref_squeeze %dma_wait3A_535 : memref<1x10240x64xf32, #tpu.memory_space<hbm>> -> memref<10240x64xf32, #tpu.memory_space<hbm>>
      %dma_wait3A_537 = arith.constant 0 : i32
      %dma_wait3A_538 = arith.constant 0 : i32
      %dma_wait3A_539 = tpu.memref_slice %dma_wait3A_536[%dma_wait3A_537, %dma_wait3A_538] : memref<10240x64xf32, #tpu.memory_space<hbm>> -> memref<10240x64xf32, #tpu.memory_space<hbm>>
      tpu.wait_indirect_dma semaphore(%arg11 : memref<!tpu.dma_semaphore, #tpu.memory_space<semaphore_mem>>) src(%dma_wait3A_539 : memref<10240x64xf32, #tpu.memory_space<hbm>>) dst(%dma_wait3A_529 : memref<128x64xf32, #tpu.memory_space<vmem>>)
      %add3A_540 = arith.constant 4 : i32
      %add3A_541 = arith.addi %add3A_391, %add3A_540 : i32
      %dma_start3A_542 = arith.constant 4 : i32
      %dma_start3A_543 = arith.constant 0 : i32
      %dma_start3A_544 = arith.constant 0 : i32
      %dma_start3A_545 = tpu.memref_slice %arg9[%dma_start3A_542, %dma_start3A_543, %dma_start3A_544] : memref<5x128x64xf32, #tpu.memory_space<vmem>> -> memref<1x128x64xf32, #tpu.memory_space<vmem>>
      %dma_start3A_546 = tpu.memref_squeeze %dma_start3A_545 : memref<1x128x64xf32, #tpu.memory_space<vmem>> -> memref<128x64xf32, #tpu.memory_space<vmem>>
      %dma_start3A_547 = arith.constant 0 : i32
      %dma_start3A_548 = tpu.memref_slice %arg8[%add3A_541, %dma_start3A_547] : memref<80x128xi32, #tpu.memory_space<vmem>> -> memref<1x128xi32, #tpu.memory_space<vmem>>
      %dma_start3A_549 = tpu.memref_squeeze %dma_start3A_548 : memref<1x128xi32, #tpu.memory_space<vmem>> -> memref<128xi32, #tpu.memory_space<vmem>>
      %dma_start3A_550 = arith.constant 0 : i32
      %dma_start3A_551 = arith.constant 0 : i32
      %dma_start3A_552 = tpu.memref_slice %arg10[%select_n3A_7, %dma_start3A_550, %dma_start3A_551] : memref<1x10240x64xf32, #tpu.memory_space<vmem_shared>> -> memref<1x10240x64xf32, #tpu.memory_space<vmem_shared>>
      %dma_start3A_553 = tpu.memref_squeeze %dma_start3A_552 : memref<1x10240x64xf32, #tpu.memory_space<vmem_shared>> -> memref<10240x64xf32, #tpu.memory_space<vmem_shared>>
      %dma_start3A_554 = arith.constant 0 : i32
      %dma_start3A_555 = arith.constant 0 : i32
      %dma_start3A_556 = tpu.memref_slice %dma_start3A_553[%dma_start3A_554, %dma_start3A_555] : memref<10240x64xf32, #tpu.memory_space<vmem_shared>> -> memref<10240x64xf32, #tpu.memory_space<vmem_shared>>
      tpu.enqueue_indirect_dma source(%dma_start3A_546 : memref<128x64xf32, #tpu.memory_space<vmem>>) target(%dma_start3A_556 : memref<10240x64xf32, #tpu.memory_space<vmem_shared>>) offsets(%dma_start3A_549 : memref<128xi32, #tpu.memory_space<vmem>>) semaphore(%arg12 : memref<!tpu.dma_semaphore, #tpu.memory_space<semaphore_mem>>) {add = true}
      %dma_wait3A_557 = arith.constant 0 : i32
      %dma_wait3A_558 = arith.constant 0 : i32
      %dma_wait3A_559 = arith.constant 0 : i32
      %dma_wait3A_560 = arith.constant 0 : i32
      %dma_wait3A_561 = tpu.memref_slice %arg9[%dma_wait3A_557, %dma_wait3A_559, %dma_wait3A_560] : memref<5x128x64xf32, #tpu.memory_space<vmem>> -> memref<1x128x64xf32, #tpu.memory_space<vmem>>
      %dma_wait3A_562 = tpu.memref_squeeze %dma_wait3A_561 : memref<1x128x64xf32, #tpu.memory_space<vmem>> -> memref<128x64xf32, #tpu.memory_space<vmem>>
      %dma_wait3A_563 = arith.constant 0 : i32
      %dma_wait3A_564 = tpu.memref_slice %arg8[%dma_wait3A_558, %dma_wait3A_563] : memref<80x128xi32, #tpu.memory_space<vmem>> -> memref<1x128xi32, #tpu.memory_space<vmem>>
      %dma_wait3A_565 = tpu.memref_squeeze %dma_wait3A_564 : memref<1x128xi32, #tpu.memory_space<vmem>> -> memref<128xi32, #tpu.memory_space<vmem>>
      %dma_wait3A_566 = arith.constant 0 : i32
      %dma_wait3A_567 = arith.constant 0 : i32
      %dma_wait3A_568 = tpu.memref_slice %arg10[%select_n3A_7, %dma_wait3A_566, %dma_wait3A_567] : memref<1x10240x64xf32, #tpu.memory_space<vmem_shared>> -> memref<1x10240x64xf32, #tpu.memory_space<vmem_shared>>
      %dma_wait3A_569 = tpu.memref_squeeze %dma_wait3A_568 : memref<1x10240x64xf32, #tpu.memory_space<vmem_shared>> -> memref<10240x64xf32, #tpu.memory_space<vmem_shared>>
      %dma_wait3A_570 = arith.constant 0 : i32
      %dma_wait3A_571 = arith.constant 0 : i32
      %dma_wait3A_572 = tpu.memref_slice %dma_wait3A_569[%dma_wait3A_570, %dma_wait3A_571] : memref<10240x64xf32, #tpu.memory_space<vmem_shared>> -> memref<10240x64xf32, #tpu.memory_space<vmem_shared>>
      tpu.wait_indirect_dma semaphore(%arg12 : memref<!tpu.dma_semaphore, #tpu.memory_space<semaphore_mem>>) src(%dma_wait3A_562 : memref<128x64xf32, #tpu.memory_space<vmem>>) dst(%dma_wait3A_572 : memref<10240x64xf32, #tpu.memory_space<vmem_shared>>)
      %add3A_573 = arith.constant 5 : i32
      %add3A_574 = arith.addi %add3A_391, %add3A_573 : i32
      %add3A_575 = arith.constant 0 : i32
      %add3A_576 = arith.addi %add3A_574, %add3A_575 : i32
      %dma_start3A_577 = arith.constant 0 : i32
      %dma_start3A_578 = arith.constant 0 : i32
      %dma_start3A_579 = arith.constant 0 : i32
      %dma_start3A_580 = tpu.memref_slice %arg9[%dma_start3A_577, %dma_start3A_578, %dma_start3A_579] : memref<5x128x64xf32, #tpu.memory_space<vmem>> -> memref<1x128x64xf32, #tpu.memory_space<vmem>>
      %dma_start3A_581 = tpu.memref_squeeze %dma_start3A_580 : memref<1x128x64xf32, #tpu.memory_space<vmem>> -> memref<128x64xf32, #tpu.memory_space<vmem>>
      %dma_start3A_582 = arith.constant 0 : i32
      %dma_start3A_583 = tpu.memref_slice %arg7[%add3A_576, %dma_start3A_582] : memref<80x128xi32, #tpu.memory_space<vmem>> -> memref<1x128xi32, #tpu.memory_space<vmem>>
      %dma_start3A_584 = tpu.memref_squeeze %dma_start3A_583 : memref<1x128xi32, #tpu.memory_space<vmem>> -> memref<128xi32, #tpu.memory_space<vmem>>
      %dma_start3A_585 = arith.constant 0 : i32
      %dma_start3A_586 = arith.constant 0 : i32
      %dma_start3A_587 = tpu.memref_slice %arg2[%arg0, %dma_start3A_585, %dma_start3A_586] : memref<2x10240x64xf32, #tpu.memory_space<hbm>> -> memref<1x10240x64xf32, #tpu.memory_space<hbm>>
      %dma_start3A_588 = tpu.memref_squeeze %dma_start3A_587 : memref<1x10240x64xf32, #tpu.memory_space<hbm>> -> memref<10240x64xf32, #tpu.memory_space<hbm>>
      %dma_start3A_589 = arith.constant 0 : i32
      %dma_start3A_590 = arith.constant 0 : i32
      %dma_start3A_591 = tpu.memref_slice %dma_start3A_588[%dma_start3A_589, %dma_start3A_590] : memref<10240x64xf32, #tpu.memory_space<hbm>> -> memref<10240x64xf32, #tpu.memory_space<hbm>>
      tpu.enqueue_indirect_dma source(%dma_start3A_591 : memref<10240x64xf32, #tpu.memory_space<hbm>>) target(%dma_start3A_581 : memref<128x64xf32, #tpu.memory_space<vmem>>) offsets(%dma_start3A_584 : memref<128xi32, #tpu.memory_space<vmem>>) semaphore(%arg11 : memref<!tpu.dma_semaphore, #tpu.memory_space<semaphore_mem>>)
      %dma_wait3A_592 = arith.constant 1 : i32
      %dma_wait3A_593 = arith.constant 0 : i32
      %dma_wait3A_594 = arith.constant 0 : i32
      %dma_wait3A_595 = arith.constant 0 : i32
      %dma_wait3A_596 = tpu.memref_slice %arg9[%dma_wait3A_592, %dma_wait3A_594, %dma_wait3A_595] : memref<5x128x64xf32, #tpu.memory_space<vmem>> -> memref<1x128x64xf32, #tpu.memory_space<vmem>>
      %dma_wait3A_597 = tpu.memref_squeeze %dma_wait3A_596 : memref<1x128x64xf32, #tpu.memory_space<vmem>> -> memref<128x64xf32, #tpu.memory_space<vmem>>
      %dma_wait3A_598 = arith.constant 0 : i32
      %dma_wait3A_599 = tpu.memref_slice %arg8[%dma_wait3A_593, %dma_wait3A_598] : memref<80x128xi32, #tpu.memory_space<vmem>> -> memref<1x128xi32, #tpu.memory_space<vmem>>
      %dma_wait3A_600 = tpu.memref_squeeze %dma_wait3A_599 : memref<1x128xi32, #tpu.memory_space<vmem>> -> memref<128xi32, #tpu.memory_space<vmem>>
      %dma_wait3A_601 = arith.constant 0 : i32
      %dma_wait3A_602 = arith.constant 0 : i32
      %dma_wait3A_603 = tpu.memref_slice %arg10[%select_n3A_7, %dma_wait3A_601, %dma_wait3A_602] : memref<1x10240x64xf32, #tpu.memory_space<vmem_shared>> -> memref<1x10240x64xf32, #tpu.memory_space<vmem_shared>>
      %dma_wait3A_604 = tpu.memref_squeeze %dma_wait3A_603 : memref<1x10240x64xf32, #tpu.memory_space<vmem_shared>> -> memref<10240x64xf32, #tpu.memory_space<vmem_shared>>
      %dma_wait3A_605 = arith.constant 0 : i32
      %dma_wait3A_606 = arith.constant 0 : i32
      %dma_wait3A_607 = tpu.memref_slice %dma_wait3A_604[%dma_wait3A_605, %dma_wait3A_606] : memref<10240x64xf32, #tpu.memory_space<vmem_shared>> -> memref<10240x64xf32, #tpu.memory_space<vmem_shared>>
      tpu.wait_indirect_dma semaphore(%arg12 : memref<!tpu.dma_semaphore, #tpu.memory_space<semaphore_mem>>) src(%dma_wait3A_597 : memref<128x64xf32, #tpu.memory_space<vmem>>) dst(%dma_wait3A_607 : memref<10240x64xf32, #tpu.memory_space<vmem_shared>>)
      %add3A_608 = arith.constant 5 : i32
      %add3A_609 = arith.addi %add3A_391, %add3A_608 : i32
      %add3A_610 = arith.constant 1 : i32
      %add3A_611 = arith.addi %add3A_609, %add3A_610 : i32
      %dma_start3A_612 = arith.constant 1 : i32
      %dma_start3A_613 = arith.constant 0 : i32
      %dma_start3A_614 = arith.constant 0 : i32
      %dma_start3A_615 = tpu.memref_slice %arg9[%dma_start3A_612, %dma_start3A_613, %dma_start3A_614] : memref<5x128x64xf32, #tpu.memory_space<vmem>> -> memref<1x128x64xf32, #tpu.memory_space<vmem>>
      %dma_start3A_616 = tpu.memref_squeeze %dma_start3A_615 : memref<1x128x64xf32, #tpu.memory_space<vmem>> -> memref<128x64xf32, #tpu.memory_space<vmem>>
      %dma_start3A_617 = arith.constant 0 : i32
      %dma_start3A_618 = tpu.memref_slice %arg7[%add3A_611, %dma_start3A_617] : memref<80x128xi32, #tpu.memory_space<vmem>> -> memref<1x128xi32, #tpu.memory_space<vmem>>
      %dma_start3A_619 = tpu.memref_squeeze %dma_start3A_618 : memref<1x128xi32, #tpu.memory_space<vmem>> -> memref<128xi32, #tpu.memory_space<vmem>>
      %dma_start3A_620 = arith.constant 0 : i32
      %dma_start3A_621 = arith.constant 0 : i32
      %dma_start3A_622 = tpu.memref_slice %arg2[%arg0, %dma_start3A_620, %dma_start3A_621] : memref<2x10240x64xf32, #tpu.memory_space<hbm>> -> memref<1x10240x64xf32, #tpu.memory_space<hbm>>
      %dma_start3A_623 = tpu.memref_squeeze %dma_start3A_622 : memref<1x10240x64xf32, #tpu.memory_space<hbm>> -> memref<10240x64xf32, #tpu.memory_space<hbm>>
      %dma_start3A_624 = arith.constant 0 : i32
      %dma_start3A_625 = arith.constant 0 : i32
      %dma_start3A_626 = tpu.memref_slice %dma_start3A_623[%dma_start3A_624, %dma_start3A_625] : memref<10240x64xf32, #tpu.memory_space<hbm>> -> memref<10240x64xf32, #tpu.memory_space<hbm>>
      tpu.enqueue_indirect_dma source(%dma_start3A_626 : memref<10240x64xf32, #tpu.memory_space<hbm>>) target(%dma_start3A_616 : memref<128x64xf32, #tpu.memory_space<vmem>>) offsets(%dma_start3A_619 : memref<128xi32, #tpu.memory_space<vmem>>) semaphore(%arg11 : memref<!tpu.dma_semaphore, #tpu.memory_space<semaphore_mem>>)
      %dma_wait3A_627 = arith.constant 2 : i32
      %dma_wait3A_628 = arith.constant 0 : i32
      %dma_wait3A_629 = arith.constant 0 : i32
      %dma_wait3A_630 = arith.constant 0 : i32
      %dma_wait3A_631 = tpu.memref_slice %arg9[%dma_wait3A_627, %dma_wait3A_629, %dma_wait3A_630] : memref<5x128x64xf32, #tpu.memory_space<vmem>> -> memref<1x128x64xf32, #tpu.memory_space<vmem>>
      %dma_wait3A_632 = tpu.memref_squeeze %dma_wait3A_631 : memref<1x128x64xf32, #tpu.memory_space<vmem>> -> memref<128x64xf32, #tpu.memory_space<vmem>>
      %dma_wait3A_633 = arith.constant 0 : i32
      %dma_wait3A_634 = tpu.memref_slice %arg8[%dma_wait3A_628, %dma_wait3A_633] : memref<80x128xi32, #tpu.memory_space<vmem>> -> memref<1x128xi32, #tpu.memory_space<vmem>>
      %dma_wait3A_635 = tpu.memref_squeeze %dma_wait3A_634 : memref<1x128xi32, #tpu.memory_space<vmem>> -> memref<128xi32, #tpu.memory_space<vmem>>
      %dma_wait3A_636 = arith.constant 0 : i32
      %dma_wait3A_637 = arith.constant 0 : i32
      %dma_wait3A_638 = tpu.memref_slice %arg10[%select_n3A_7, %dma_wait3A_636, %dma_wait3A_637] : memref<1x10240x64xf32, #tpu.memory_space<vmem_shared>> -> memref<1x10240x64xf32, #tpu.memory_space<vmem_shared>>
      %dma_wait3A_639 = tpu.memref_squeeze %dma_wait3A_638 : memref<1x10240x64xf32, #tpu.memory_space<vmem_shared>> -> memref<10240x64xf32, #tpu.memory_space<vmem_shared>>
      %dma_wait3A_640 = arith.constant 0 : i32
      %dma_wait3A_641 = arith.constant 0 : i32
      %dma_wait3A_642 = tpu.memref_slice %dma_wait3A_639[%dma_wait3A_640, %dma_wait3A_641] : memref<10240x64xf32, #tpu.memory_space<vmem_shared>> -> memref<10240x64xf32, #tpu.memory_space<vmem_shared>>
      tpu.wait_indirect_dma semaphore(%arg12 : memref<!tpu.dma_semaphore, #tpu.memory_space<semaphore_mem>>) src(%dma_wait3A_632 : memref<128x64xf32, #tpu.memory_space<vmem>>) dst(%dma_wait3A_642 : memref<10240x64xf32, #tpu.memory_space<vmem_shared>>)
      %add3A_643 = arith.constant 5 : i32
      %add3A_644 = arith.addi %add3A_391, %add3A_643 : i32
      %add3A_645 = arith.constant 2 : i32
      %add3A_646 = arith.addi %add3A_644, %add3A_645 : i32
      %dma_start3A_647 = arith.constant 2 : i32
      %dma_start3A_648 = arith.constant 0 : i32
      %dma_start3A_649 = arith.constant 0 : i32
      %dma_start3A_650 = tpu.memref_slice %arg9[%dma_start3A_647, %dma_start3A_648, %dma_start3A_649] : memref<5x128x64xf32, #tpu.memory_space<vmem>> -> memref<1x128x64xf32, #tpu.memory_space<vmem>>
      %dma_start3A_651 = tpu.memref_squeeze %dma_start3A_650 : memref<1x128x64xf32, #tpu.memory_space<vmem>> -> memref<128x64xf32, #tpu.memory_space<vmem>>
      %dma_start3A_652 = arith.constant 0 : i32
      %dma_start3A_653 = tpu.memref_slice %arg7[%add3A_646, %dma_start3A_652] : memref<80x128xi32, #tpu.memory_space<vmem>> -> memref<1x128xi32, #tpu.memory_space<vmem>>
      %dma_start3A_654 = tpu.memref_squeeze %dma_start3A_653 : memref<1x128xi32, #tpu.memory_space<vmem>> -> memref<128xi32, #tpu.memory_space<vmem>>
      %dma_start3A_655 = arith.constant 0 : i32
      %dma_start3A_656 = arith.constant 0 : i32
      %dma_start3A_657 = tpu.memref_slice %arg2[%arg0, %dma_start3A_655, %dma_start3A_656] : memref<2x10240x64xf32, #tpu.memory_space<hbm>> -> memref<1x10240x64xf32, #tpu.memory_space<hbm>>
      %dma_start3A_658 = tpu.memref_squeeze %dma_start3A_657 : memref<1x10240x64xf32, #tpu.memory_space<hbm>> -> memref<10240x64xf32, #tpu.memory_space<hbm>>
      %dma_start3A_659 = arith.constant 0 : i32
      %dma_start3A_660 = arith.constant 0 : i32
      %dma_start3A_661 = tpu.memref_slice %dma_start3A_658[%dma_start3A_659, %dma_start3A_660] : memref<10240x64xf32, #tpu.memory_space<hbm>> -> memref<10240x64xf32, #tpu.memory_space<hbm>>
      tpu.enqueue_indirect_dma source(%dma_start3A_661 : memref<10240x64xf32, #tpu.memory_space<hbm>>) target(%dma_start3A_651 : memref<128x64xf32, #tpu.memory_space<vmem>>) offsets(%dma_start3A_654 : memref<128xi32, #tpu.memory_space<vmem>>) semaphore(%arg11 : memref<!tpu.dma_semaphore, #tpu.memory_space<semaphore_mem>>)
      %dma_wait3A_662 = arith.constant 3 : i32
      %dma_wait3A_663 = arith.constant 0 : i32
      %dma_wait3A_664 = arith.constant 0 : i32
      %dma_wait3A_665 = arith.constant 0 : i32
      %dma_wait3A_666 = tpu.memref_slice %arg9[%dma_wait3A_662, %dma_wait3A_664, %dma_wait3A_665] : memref<5x128x64xf32, #tpu.memory_space<vmem>> -> memref<1x128x64xf32, #tpu.memory_space<vmem>>
      %dma_wait3A_667 = tpu.memref_squeeze %dma_wait3A_666 : memref<1x128x64xf32, #tpu.memory_space<vmem>> -> memref<128x64xf32, #tpu.memory_space<vmem>>
      %dma_wait3A_668 = arith.constant 0 : i32
      %dma_wait3A_669 = tpu.memref_slice %arg8[%dma_wait3A_663, %dma_wait3A_668] : memref<80x128xi32, #tpu.memory_space<vmem>> -> memref<1x128xi32, #tpu.memory_space<vmem>>
      %dma_wait3A_670 = tpu.memref_squeeze %dma_wait3A_669 : memref<1x128xi32, #tpu.memory_space<vmem>> -> memref<128xi32, #tpu.memory_space<vmem>>
      %dma_wait3A_671 = arith.constant 0 : i32
      %dma_wait3A_672 = arith.constant 0 : i32
      %dma_wait3A_673 = tpu.memref_slice %arg10[%select_n3A_7, %dma_wait3A_671, %dma_wait3A_672] : memref<1x10240x64xf32, #tpu.memory_space<vmem_shared>> -> memref<1x10240x64xf32, #tpu.memory_space<vmem_shared>>
      %dma_wait3A_674 = tpu.memref_squeeze %dma_wait3A_673 : memref<1x10240x64xf32, #tpu.memory_space<vmem_shared>> -> memref<10240x64xf32, #tpu.memory_space<vmem_shared>>
      %dma_wait3A_675 = arith.constant 0 : i32
      %dma_wait3A_676 = arith.constant 0 : i32
      %dma_wait3A_677 = tpu.memref_slice %dma_wait3A_674[%dma_wait3A_675, %dma_wait3A_676] : memref<10240x64xf32, #tpu.memory_space<vmem_shared>> -> memref<10240x64xf32, #tpu.memory_space<vmem_shared>>
      tpu.wait_indirect_dma semaphore(%arg12 : memref<!tpu.dma_semaphore, #tpu.memory_space<semaphore_mem>>) src(%dma_wait3A_667 : memref<128x64xf32, #tpu.memory_space<vmem>>) dst(%dma_wait3A_677 : memref<10240x64xf32, #tpu.memory_space<vmem_shared>>)
      %add3A_678 = arith.constant 5 : i32
      %add3A_679 = arith.addi %add3A_391, %add3A_678 : i32
      %add3A_680 = arith.constant 3 : i32
      %add3A_681 = arith.addi %add3A_679, %add3A_680 : i32
      %dma_start3A_682 = arith.constant 3 : i32
      %dma_start3A_683 = arith.constant 0 : i32
      %dma_start3A_684 = arith.constant 0 : i32
      %dma_start3A_685 = tpu.memref_slice %arg9[%dma_start3A_682, %dma_start3A_683, %dma_start3A_684] : memref<5x128x64xf32, #tpu.memory_space<vmem>> -> memref<1x128x64xf32, #tpu.memory_space<vmem>>
      %dma_start3A_686 = tpu.memref_squeeze %dma_start3A_685 : memref<1x128x64xf32, #tpu.memory_space<vmem>> -> memref<128x64xf32, #tpu.memory_space<vmem>>
      %dma_start3A_687 = arith.constant 0 : i32
      %dma_start3A_688 = tpu.memref_slice %arg7[%add3A_681, %dma_start3A_687] : memref<80x128xi32, #tpu.memory_space<vmem>> -> memref<1x128xi32, #tpu.memory_space<vmem>>
      %dma_start3A_689 = tpu.memref_squeeze %dma_start3A_688 : memref<1x128xi32, #tpu.memory_space<vmem>> -> memref<128xi32, #tpu.memory_space<vmem>>
      %dma_start3A_690 = arith.constant 0 : i32
      %dma_start3A_691 = arith.constant 0 : i32
      %dma_start3A_692 = tpu.memref_slice %arg2[%arg0, %dma_start3A_690, %dma_start3A_691] : memref<2x10240x64xf32, #tpu.memory_space<hbm>> -> memref<1x10240x64xf32, #tpu.memory_space<hbm>>
      %dma_start3A_693 = tpu.memref_squeeze %dma_start3A_692 : memref<1x10240x64xf32, #tpu.memory_space<hbm>> -> memref<10240x64xf32, #tpu.memory_space<hbm>>
      %dma_start3A_694 = arith.constant 0 : i32
      %dma_start3A_695 = arith.constant 0 : i32
      %dma_start3A_696 = tpu.memref_slice %dma_start3A_693[%dma_start3A_694, %dma_start3A_695] : memref<10240x64xf32, #tpu.memory_space<hbm>> -> memref<10240x64xf32, #tpu.memory_space<hbm>>
      tpu.enqueue_indirect_dma source(%dma_start3A_696 : memref<10240x64xf32, #tpu.memory_space<hbm>>) target(%dma_start3A_686 : memref<128x64xf32, #tpu.memory_space<vmem>>) offsets(%dma_start3A_689 : memref<128xi32, #tpu.memory_space<vmem>>) semaphore(%arg11 : memref<!tpu.dma_semaphore, #tpu.memory_space<semaphore_mem>>)
      %dma_wait3A_697 = arith.constant 4 : i32
      %dma_wait3A_698 = arith.constant 0 : i32
      %dma_wait3A_699 = arith.constant 0 : i32
      %dma_wait3A_700 = arith.constant 0 : i32
      %dma_wait3A_701 = tpu.memref_slice %arg9[%dma_wait3A_697, %dma_wait3A_699, %dma_wait3A_700] : memref<5x128x64xf32, #tpu.memory_space<vmem>> -> memref<1x128x64xf32, #tpu.memory_space<vmem>>
      %dma_wait3A_702 = tpu.memref_squeeze %dma_wait3A_701 : memref<1x128x64xf32, #tpu.memory_space<vmem>> -> memref<128x64xf32, #tpu.memory_space<vmem>>
      %dma_wait3A_703 = arith.constant 0 : i32
      %dma_wait3A_704 = tpu.memref_slice %arg8[%dma_wait3A_698, %dma_wait3A_703] : memref<80x128xi32, #tpu.memory_space<vmem>> -> memref<1x128xi32, #tpu.memory_space<vmem>>
      %dma_wait3A_705 = tpu.memref_squeeze %dma_wait3A_704 : memref<1x128xi32, #tpu.memory_space<vmem>> -> memref<128xi32, #tpu.memory_space<vmem>>
      %dma_wait3A_706 = arith.constant 0 : i32
      %dma_wait3A_707 = arith.constant 0 : i32
      %dma_wait3A_708 = tpu.memref_slice %arg10[%select_n3A_7, %dma_wait3A_706, %dma_wait3A_707] : memref<1x10240x64xf32, #tpu.memory_space<vmem_shared>> -> memref<1x10240x64xf32, #tpu.memory_space<vmem_shared>>
      %dma_wait3A_709 = tpu.memref_squeeze %dma_wait3A_708 : memref<1x10240x64xf32, #tpu.memory_space<vmem_shared>> -> memref<10240x64xf32, #tpu.memory_space<vmem_shared>>
      %dma_wait3A_710 = arith.constant 0 : i32
      %dma_wait3A_711 = arith.constant 0 : i32
      %dma_wait3A_712 = tpu.memref_slice %dma_wait3A_709[%dma_wait3A_710, %dma_wait3A_711] : memref<10240x64xf32, #tpu.memory_space<vmem_shared>> -> memref<10240x64xf32, #tpu.memory_space<vmem_shared>>
      tpu.wait_indirect_dma semaphore(%arg12 : memref<!tpu.dma_semaphore, #tpu.memory_space<semaphore_mem>>) src(%dma_wait3A_702 : memref<128x64xf32, #tpu.memory_space<vmem>>) dst(%dma_wait3A_712 : memref<10240x64xf32, #tpu.memory_space<vmem_shared>>)
      %add3A_713 = arith.constant 5 : i32
      %add3A_714 = arith.addi %add3A_391, %add3A_713 : i32
      %add3A_715 = arith.constant 4 : i32
      %add3A_716 = arith.addi %add3A_714, %add3A_715 : i32
      %dma_start3A_717 = arith.constant 4 : i32
      %dma_start3A_718 = arith.constant 0 : i32
      %dma_start3A_719 = arith.constant 0 : i32
      %dma_start3A_720 = tpu.memref_slice %arg9[%dma_start3A_717, %dma_start3A_718, %dma_start3A_719] : memref<5x128x64xf32, #tpu.memory_space<vmem>> -> memref<1x128x64xf32, #tpu.memory_space<vmem>>
      %dma_start3A_721 = tpu.memref_squeeze %dma_start3A_720 : memref<1x128x64xf32, #tpu.memory_space<vmem>> -> memref<128x64xf32, #tpu.memory_space<vmem>>
      %dma_start3A_722 = arith.constant 0 : i32
      %dma_start3A_723 = tpu.memref_slice %arg7[%add3A_716, %dma_start3A_722] : memref<80x128xi32, #tpu.memory_space<vmem>> -> memref<1x128xi32, #tpu.memory_space<vmem>>
      %dma_start3A_724 = tpu.memref_squeeze %dma_start3A_723 : memref<1x128xi32, #tpu.memory_space<vmem>> -> memref<128xi32, #tpu.memory_space<vmem>>
      %dma_start3A_725 = arith.constant 0 : i32
      %dma_start3A_726 = arith.constant 0 : i32
      %dma_start3A_727 = tpu.memref_slice %arg2[%arg0, %dma_start3A_725, %dma_start3A_726] : memref<2x10240x64xf32, #tpu.memory_space<hbm>> -> memref<1x10240x64xf32, #tpu.memory_space<hbm>>
      %dma_start3A_728 = tpu.memref_squeeze %dma_start3A_727 : memref<1x10240x64xf32, #tpu.memory_space<hbm>> -> memref<10240x64xf32, #tpu.memory_space<hbm>>
      %dma_start3A_729 = arith.constant 0 : i32
      %dma_start3A_730 = arith.constant 0 : i32
      %dma_start3A_731 = tpu.memref_slice %dma_start3A_728[%dma_start3A_729, %dma_start3A_730] : memref<10240x64xf32, #tpu.memory_space<hbm>> -> memref<10240x64xf32, #tpu.memory_space<hbm>>
      tpu.enqueue_indirect_dma source(%dma_start3A_731 : memref<10240x64xf32, #tpu.memory_space<hbm>>) target(%dma_start3A_721 : memref<128x64xf32, #tpu.memory_space<vmem>>) offsets(%dma_start3A_724 : memref<128xi32, #tpu.memory_space<vmem>>) semaphore(%arg11 : memref<!tpu.dma_semaphore, #tpu.memory_space<semaphore_mem>>)
    }
    %scan3A_140 = arith.constant 15 : i32
    %dma_wait3A_141 = arith.constant 0 : i32
    %dma_wait3A_142 = arith.constant 0 : i32
    %dma_wait3A_143 = arith.constant 0 : i32
    %dma_wait3A_144 = arith.constant 0 : i32
    %dma_wait3A_145 = tpu.memref_slice %arg9[%dma_wait3A_142, %dma_wait3A_143, %dma_wait3A_144] : memref<5x128x64xf32, #tpu.memory_space<vmem>> -> memref<1x128x64xf32, #tpu.memory_space<vmem>>
    %dma_wait3A_146 = tpu.memref_squeeze %dma_wait3A_145 : memref<1x128x64xf32, #tpu.memory_space<vmem>> -> memref<128x64xf32, #tpu.memory_space<vmem>>
    %dma_wait3A_147 = arith.constant 0 : i32
    %dma_wait3A_148 = tpu.memref_slice %arg7[%dma_wait3A_141, %dma_wait3A_147] : memref<80x128xi32, #tpu.memory_space<vmem>> -> memref<1x128xi32, #tpu.memory_space<vmem>>
    %dma_wait3A_149 = tpu.memref_squeeze %dma_wait3A_148 : memref<1x128xi32, #tpu.memory_space<vmem>> -> memref<128xi32, #tpu.memory_space<vmem>>
    %dma_wait3A_150 = arith.constant 0 : i32
    %dma_wait3A_151 = arith.constant 0 : i32
    %dma_wait3A_152 = tpu.memref_slice %arg2[%arg0, %dma_wait3A_150, %dma_wait3A_151] : memref<2x10240x64xf32, #tpu.memory_space<hbm>> -> memref<1x10240x64xf32, #tpu.memory_space<hbm>>
    %dma_wait3A_153 = tpu.memref_squeeze %dma_wait3A_152 : memref<1x10240x64xf32, #tpu.memory_space<hbm>> -> memref<10240x64xf32, #tpu.memory_space<hbm>>
    %dma_wait3A_154 = arith.constant 0 : i32
    %dma_wait3A_155 = arith.constant 0 : i32
    %dma_wait3A_156 = tpu.memref_slice %dma_wait3A_153[%dma_wait3A_154, %dma_wait3A_155] : memref<10240x64xf32, #tpu.memory_space<hbm>> -> memref<10240x64xf32, #tpu.memory_space<hbm>>
    tpu.wait_indirect_dma semaphore(%arg11 : memref<!tpu.dma_semaphore, #tpu.memory_space<semaphore_mem>>) src(%dma_wait3A_156 : memref<10240x64xf32, #tpu.memory_space<hbm>>) dst(%dma_wait3A_146 : memref<128x64xf32, #tpu.memory_space<vmem>>)
    %dma_start3A_157 = arith.constant 0 : i32
    %dma_start3A_158 = arith.constant 75 : i32
    %dma_start3A_159 = arith.constant 0 : i32
    %dma_start3A_160 = arith.constant 0 : i32
    %dma_start3A_161 = tpu.memref_slice %arg9[%dma_start3A_157, %dma_start3A_159, %dma_start3A_160] : memref<5x128x64xf32, #tpu.memory_space<vmem>> -> memref<1x128x64xf32, #tpu.memory_space<vmem>>
    %dma_start3A_162 = tpu.memref_squeeze %dma_start3A_161 : memref<1x128x64xf32, #tpu.memory_space<vmem>> -> memref<128x64xf32, #tpu.memory_space<vmem>>
    %dma_start3A_163 = arith.constant 0 : i32
    %dma_start3A_164 = tpu.memref_slice %arg8[%dma_start3A_158, %dma_start3A_163] : memref<80x128xi32, #tpu.memory_space<vmem>> -> memref<1x128xi32, #tpu.memory_space<vmem>>
    %dma_start3A_165 = tpu.memref_squeeze %dma_start3A_164 : memref<1x128xi32, #tpu.memory_space<vmem>> -> memref<128xi32, #tpu.memory_space<vmem>>
    %dma_start3A_166 = arith.constant 0 : i32
    %dma_start3A_167 = arith.constant 0 : i32
    %dma_start3A_168 = tpu.memref_slice %arg10[%select_n3A_7, %dma_start3A_166, %dma_start3A_167] : memref<1x10240x64xf32, #tpu.memory_space<vmem_shared>> -> memref<1x10240x64xf32, #tpu.memory_space<vmem_shared>>
    %dma_start3A_169 = tpu.memref_squeeze %dma_start3A_168 : memref<1x10240x64xf32, #tpu.memory_space<vmem_shared>> -> memref<10240x64xf32, #tpu.memory_space<vmem_shared>>
    %dma_start3A_170 = arith.constant 0 : i32
    %dma_start3A_171 = arith.constant 0 : i32
    %dma_start3A_172 = tpu.memref_slice %dma_start3A_169[%dma_start3A_170, %dma_start3A_171] : memref<10240x64xf32, #tpu.memory_space<vmem_shared>> -> memref<10240x64xf32, #tpu.memory_space<vmem_shared>>
    tpu.enqueue_indirect_dma source(%dma_start3A_162 : memref<128x64xf32, #tpu.memory_space<vmem>>) target(%dma_start3A_172 : memref<10240x64xf32, #tpu.memory_space<vmem_shared>>) offsets(%dma_start3A_165 : memref<128xi32, #tpu.memory_space<vmem>>) semaphore(%arg12 : memref<!tpu.dma_semaphore, #tpu.memory_space<semaphore_mem>>) {add = true}
    %dma_wait3A_173 = arith.constant 0 : i32
    %dma_wait3A_174 = arith.constant 1 : i32
    %dma_wait3A_175 = arith.constant 0 : i32
    %dma_wait3A_176 = arith.constant 0 : i32
    %dma_wait3A_177 = tpu.memref_slice %arg9[%dma_wait3A_174, %dma_wait3A_175, %dma_wait3A_176] : memref<5x128x64xf32, #tpu.memory_space<vmem>> -> memref<1x128x64xf32, #tpu.memory_space<vmem>>
    %dma_wait3A_178 = tpu.memref_squeeze %dma_wait3A_177 : memref<1x128x64xf32, #tpu.memory_space<vmem>> -> memref<128x64xf32, #tpu.memory_space<vmem>>
    %dma_wait3A_179 = arith.constant 0 : i32
    %dma_wait3A_180 = tpu.memref_slice %arg7[%dma_wait3A_173, %dma_wait3A_179] : memref<80x128xi32, #tpu.memory_space<vmem>> -> memref<1x128xi32, #tpu.memory_space<vmem>>
    %dma_wait3A_181 = tpu.memref_squeeze %dma_wait3A_180 : memref<1x128xi32, #tpu.memory_space<vmem>> -> memref<128xi32, #tpu.memory_space<vmem>>
    %dma_wait3A_182 = arith.constant 0 : i32
    %dma_wait3A_183 = arith.constant 0 : i32
    %dma_wait3A_184 = tpu.memref_slice %arg2[%arg0, %dma_wait3A_182, %dma_wait3A_183] : memref<2x10240x64xf32, #tpu.memory_space<hbm>> -> memref<1x10240x64xf32, #tpu.memory_space<hbm>>
    %dma_wait3A_185 = tpu.memref_squeeze %dma_wait3A_184 : memref<1x10240x64xf32, #tpu.memory_space<hbm>> -> memref<10240x64xf32, #tpu.memory_space<hbm>>
    %dma_wait3A_186 = arith.constant 0 : i32
    %dma_wait3A_187 = arith.constant 0 : i32
    %dma_wait3A_188 = tpu.memref_slice %dma_wait3A_185[%dma_wait3A_186, %dma_wait3A_187] : memref<10240x64xf32, #tpu.memory_space<hbm>> -> memref<10240x64xf32, #tpu.memory_space<hbm>>
    tpu.wait_indirect_dma semaphore(%arg11 : memref<!tpu.dma_semaphore, #tpu.memory_space<semaphore_mem>>) src(%dma_wait3A_188 : memref<10240x64xf32, #tpu.memory_space<hbm>>) dst(%dma_wait3A_178 : memref<128x64xf32, #tpu.memory_space<vmem>>)
    %dma_start3A_189 = arith.constant 1 : i32
    %dma_start3A_190 = arith.constant 76 : i32
    %dma_start3A_191 = arith.constant 0 : i32
    %dma_start3A_192 = arith.constant 0 : i32
    %dma_start3A_193 = tpu.memref_slice %arg9[%dma_start3A_189, %dma_start3A_191, %dma_start3A_192] : memref<5x128x64xf32, #tpu.memory_space<vmem>> -> memref<1x128x64xf32, #tpu.memory_space<vmem>>
    %dma_start3A_194 = tpu.memref_squeeze %dma_start3A_193 : memref<1x128x64xf32, #tpu.memory_space<vmem>> -> memref<128x64xf32, #tpu.memory_space<vmem>>
    %dma_start3A_195 = arith.constant 0 : i32
    %dma_start3A_196 = tpu.memref_slice %arg8[%dma_start3A_190, %dma_start3A_195] : memref<80x128xi32, #tpu.memory_space<vmem>> -> memref<1x128xi32, #tpu.memory_space<vmem>>
    %dma_start3A_197 = tpu.memref_squeeze %dma_start3A_196 : memref<1x128xi32, #tpu.memory_space<vmem>> -> memref<128xi32, #tpu.memory_space<vmem>>
    %dma_start3A_198 = arith.constant 0 : i32
    %dma_start3A_199 = arith.constant 0 : i32
    %dma_start3A_200 = tpu.memref_slice %arg10[%select_n3A_7, %dma_start3A_198, %dma_start3A_199] : memref<1x10240x64xf32, #tpu.memory_space<vmem_shared>> -> memref<1x10240x64xf32, #tpu.memory_space<vmem_shared>>
    %dma_start3A_201 = tpu.memref_squeeze %dma_start3A_200 : memref<1x10240x64xf32, #tpu.memory_space<vmem_shared>> -> memref<10240x64xf32, #tpu.memory_space<vmem_shared>>
    %dma_start3A_202 = arith.constant 0 : i32
    %dma_start3A_203 = arith.constant 0 : i32
    %dma_start3A_204 = tpu.memref_slice %dma_start3A_201[%dma_start3A_202, %dma_start3A_203] : memref<10240x64xf32, #tpu.memory_space<vmem_shared>> -> memref<10240x64xf32, #tpu.memory_space<vmem_shared>>
    tpu.enqueue_indirect_dma source(%dma_start3A_194 : memref<128x64xf32, #tpu.memory_space<vmem>>) target(%dma_start3A_204 : memref<10240x64xf32, #tpu.memory_space<vmem_shared>>) offsets(%dma_start3A_197 : memref<128xi32, #tpu.memory_space<vmem>>) semaphore(%arg12 : memref<!tpu.dma_semaphore, #tpu.memory_space<semaphore_mem>>) {add = true}
    %dma_wait3A_205 = arith.constant 0 : i32
    %dma_wait3A_206 = arith.constant 2 : i32
    %dma_wait3A_207 = arith.constant 0 : i32
    %dma_wait3A_208 = arith.constant 0 : i32
    %dma_wait3A_209 = tpu.memref_slice %arg9[%dma_wait3A_206, %dma_wait3A_207, %dma_wait3A_208] : memref<5x128x64xf32, #tpu.memory_space<vmem>> -> memref<1x128x64xf32, #tpu.memory_space<vmem>>
    %dma_wait3A_210 = tpu.memref_squeeze %dma_wait3A_209 : memref<1x128x64xf32, #tpu.memory_space<vmem>> -> memref<128x64xf32, #tpu.memory_space<vmem>>
    %dma_wait3A_211 = arith.constant 0 : i32
    %dma_wait3A_212 = tpu.memref_slice %arg7[%dma_wait3A_205, %dma_wait3A_211] : memref<80x128xi32, #tpu.memory_space<vmem>> -> memref<1x128xi32, #tpu.memory_space<vmem>>
    %dma_wait3A_213 = tpu.memref_squeeze %dma_wait3A_212 : memref<1x128xi32, #tpu.memory_space<vmem>> -> memref<128xi32, #tpu.memory_space<vmem>>
    %dma_wait3A_214 = arith.constant 0 : i32
    %dma_wait3A_215 = arith.constant 0 : i32
    %dma_wait3A_216 = tpu.memref_slice %arg2[%arg0, %dma_wait3A_214, %dma_wait3A_215] : memref<2x10240x64xf32, #tpu.memory_space<hbm>> -> memref<1x10240x64xf32, #tpu.memory_space<hbm>>
    %dma_wait3A_217 = tpu.memref_squeeze %dma_wait3A_216 : memref<1x10240x64xf32, #tpu.memory_space<hbm>> -> memref<10240x64xf32, #tpu.memory_space<hbm>>
    %dma_wait3A_218 = arith.constant 0 : i32
    %dma_wait3A_219 = arith.constant 0 : i32
    %dma_wait3A_220 = tpu.memref_slice %dma_wait3A_217[%dma_wait3A_218, %dma_wait3A_219] : memref<10240x64xf32, #tpu.memory_space<hbm>> -> memref<10240x64xf32, #tpu.memory_space<hbm>>
    tpu.wait_indirect_dma semaphore(%arg11 : memref<!tpu.dma_semaphore, #tpu.memory_space<semaphore_mem>>) src(%dma_wait3A_220 : memref<10240x64xf32, #tpu.memory_space<hbm>>) dst(%dma_wait3A_210 : memref<128x64xf32, #tpu.memory_space<vmem>>)
    %dma_start3A_221 = arith.constant 2 : i32
    %dma_start3A_222 = arith.constant 77 : i32
    %dma_start3A_223 = arith.constant 0 : i32
    %dma_start3A_224 = arith.constant 0 : i32
    %dma_start3A_225 = tpu.memref_slice %arg9[%dma_start3A_221, %dma_start3A_223, %dma_start3A_224] : memref<5x128x64xf32, #tpu.memory_space<vmem>> -> memref<1x128x64xf32, #tpu.memory_space<vmem>>
    %dma_start3A_226 = tpu.memref_squeeze %dma_start3A_225 : memref<1x128x64xf32, #tpu.memory_space<vmem>> -> memref<128x64xf32, #tpu.memory_space<vmem>>
    %dma_start3A_227 = arith.constant 0 : i32
    %dma_start3A_228 = tpu.memref_slice %arg8[%dma_start3A_222, %dma_start3A_227] : memref<80x128xi32, #tpu.memory_space<vmem>> -> memref<1x128xi32, #tpu.memory_space<vmem>>
    %dma_start3A_229 = tpu.memref_squeeze %dma_start3A_228 : memref<1x128xi32, #tpu.memory_space<vmem>> -> memref<128xi32, #tpu.memory_space<vmem>>
    %dma_start3A_230 = arith.constant 0 : i32
    %dma_start3A_231 = arith.constant 0 : i32
    %dma_start3A_232 = tpu.memref_slice %arg10[%select_n3A_7, %dma_start3A_230, %dma_start3A_231] : memref<1x10240x64xf32, #tpu.memory_space<vmem_shared>> -> memref<1x10240x64xf32, #tpu.memory_space<vmem_shared>>
    %dma_start3A_233 = tpu.memref_squeeze %dma_start3A_232 : memref<1x10240x64xf32, #tpu.memory_space<vmem_shared>> -> memref<10240x64xf32, #tpu.memory_space<vmem_shared>>
    %dma_start3A_234 = arith.constant 0 : i32
    %dma_start3A_235 = arith.constant 0 : i32
    %dma_start3A_236 = tpu.memref_slice %dma_start3A_233[%dma_start3A_234, %dma_start3A_235] : memref<10240x64xf32, #tpu.memory_space<vmem_shared>> -> memref<10240x64xf32, #tpu.memory_space<vmem_shared>>
    tpu.enqueue_indirect_dma source(%dma_start3A_226 : memref<128x64xf32, #tpu.memory_space<vmem>>) target(%dma_start3A_236 : memref<10240x64xf32, #tpu.memory_space<vmem_shared>>) offsets(%dma_start3A_229 : memref<128xi32, #tpu.memory_space<vmem>>) semaphore(%arg12 : memref<!tpu.dma_semaphore, #tpu.memory_space<semaphore_mem>>) {add = true}
    %dma_wait3A_237 = arith.constant 0 : i32
    %dma_wait3A_238 = arith.constant 3 : i32
    %dma_wait3A_239 = arith.constant 0 : i32
    %dma_wait3A_240 = arith.constant 0 : i32
    %dma_wait3A_241 = tpu.memref_slice %arg9[%dma_wait3A_238, %dma_wait3A_239, %dma_wait3A_240] : memref<5x128x64xf32, #tpu.memory_space<vmem>> -> memref<1x128x64xf32, #tpu.memory_space<vmem>>
    %dma_wait3A_242 = tpu.memref_squeeze %dma_wait3A_241 : memref<1x128x64xf32, #tpu.memory_space<vmem>> -> memref<128x64xf32, #tpu.memory_space<vmem>>
    %dma_wait3A_243 = arith.constant 0 : i32
    %dma_wait3A_244 = tpu.memref_slice %arg7[%dma_wait3A_237, %dma_wait3A_243] : memref<80x128xi32, #tpu.memory_space<vmem>> -> memref<1x128xi32, #tpu.memory_space<vmem>>
    %dma_wait3A_245 = tpu.memref_squeeze %dma_wait3A_244 : memref<1x128xi32, #tpu.memory_space<vmem>> -> memref<128xi32, #tpu.memory_space<vmem>>
    %dma_wait3A_246 = arith.constant 0 : i32
    %dma_wait3A_247 = arith.constant 0 : i32
    %dma_wait3A_248 = tpu.memref_slice %arg2[%arg0, %dma_wait3A_246, %dma_wait3A_247] : memref<2x10240x64xf32, #tpu.memory_space<hbm>> -> memref<1x10240x64xf32, #tpu.memory_space<hbm>>
    %dma_wait3A_249 = tpu.memref_squeeze %dma_wait3A_248 : memref<1x10240x64xf32, #tpu.memory_space<hbm>> -> memref<10240x64xf32, #tpu.memory_space<hbm>>
    %dma_wait3A_250 = arith.constant 0 : i32
    %dma_wait3A_251 = arith.constant 0 : i32
    %dma_wait3A_252 = tpu.memref_slice %dma_wait3A_249[%dma_wait3A_250, %dma_wait3A_251] : memref<10240x64xf32, #tpu.memory_space<hbm>> -> memref<10240x64xf32, #tpu.memory_space<hbm>>
    tpu.wait_indirect_dma semaphore(%arg11 : memref<!tpu.dma_semaphore, #tpu.memory_space<semaphore_mem>>) src(%dma_wait3A_252 : memref<10240x64xf32, #tpu.memory_space<hbm>>) dst(%dma_wait3A_242 : memref<128x64xf32, #tpu.memory_space<vmem>>)
    %dma_start3A_253 = arith.constant 3 : i32
    %dma_start3A_254 = arith.constant 78 : i32
    %dma_start3A_255 = arith.constant 0 : i32
    %dma_start3A_256 = arith.constant 0 : i32
    %dma_start3A_257 = tpu.memref_slice %arg9[%dma_start3A_253, %dma_start3A_255, %dma_start3A_256] : memref<5x128x64xf32, #tpu.memory_space<vmem>> -> memref<1x128x64xf32, #tpu.memory_space<vmem>>
    %dma_start3A_258 = tpu.memref_squeeze %dma_start3A_257 : memref<1x128x64xf32, #tpu.memory_space<vmem>> -> memref<128x64xf32, #tpu.memory_space<vmem>>
    %dma_start3A_259 = arith.constant 0 : i32
    %dma_start3A_260 = tpu.memref_slice %arg8[%dma_start3A_254, %dma_start3A_259] : memref<80x128xi32, #tpu.memory_space<vmem>> -> memref<1x128xi32, #tpu.memory_space<vmem>>
    %dma_start3A_261 = tpu.memref_squeeze %dma_start3A_260 : memref<1x128xi32, #tpu.memory_space<vmem>> -> memref<128xi32, #tpu.memory_space<vmem>>
    %dma_start3A_262 = arith.constant 0 : i32
    %dma_start3A_263 = arith.constant 0 : i32
    %dma_start3A_264 = tpu.memref_slice %arg10[%select_n3A_7, %dma_start3A_262, %dma_start3A_263] : memref<1x10240x64xf32, #tpu.memory_space<vmem_shared>> -> memref<1x10240x64xf32, #tpu.memory_space<vmem_shared>>
    %dma_start3A_265 = tpu.memref_squeeze %dma_start3A_264 : memref<1x10240x64xf32, #tpu.memory_space<vmem_shared>> -> memref<10240x64xf32, #tpu.memory_space<vmem_shared>>
    %dma_start3A_266 = arith.constant 0 : i32
    %dma_start3A_267 = arith.constant 0 : i32
    %dma_start3A_268 = tpu.memref_slice %dma_start3A_265[%dma_start3A_266, %dma_start3A_267] : memref<10240x64xf32, #tpu.memory_space<vmem_shared>> -> memref<10240x64xf32, #tpu.memory_space<vmem_shared>>
    tpu.enqueue_indirect_dma source(%dma_start3A_258 : memref<128x64xf32, #tpu.memory_space<vmem>>) target(%dma_start3A_268 : memref<10240x64xf32, #tpu.memory_space<vmem_shared>>) offsets(%dma_start3A_261 : memref<128xi32, #tpu.memory_space<vmem>>) semaphore(%arg12 : memref<!tpu.dma_semaphore, #tpu.memory_space<semaphore_mem>>) {add = true}
    %dma_wait3A_269 = arith.constant 0 : i32
    %dma_wait3A_270 = arith.constant 4 : i32
    %dma_wait3A_271 = arith.constant 0 : i32
    %dma_wait3A_272 = arith.constant 0 : i32
    %dma_wait3A_273 = tpu.memref_slice %arg9[%dma_wait3A_270, %dma_wait3A_271, %dma_wait3A_272] : memref<5x128x64xf32, #tpu.memory_space<vmem>> -> memref<1x128x64xf32, #tpu.memory_space<vmem>>
    %dma_wait3A_274 = tpu.memref_squeeze %dma_wait3A_273 : memref<1x128x64xf32, #tpu.memory_space<vmem>> -> memref<128x64xf32, #tpu.memory_space<vmem>>
    %dma_wait3A_275 = arith.constant 0 : i32
    %dma_wait3A_276 = tpu.memref_slice %arg7[%dma_wait3A_269, %dma_wait3A_275] : memref<80x128xi32, #tpu.memory_space<vmem>> -> memref<1x128xi32, #tpu.memory_space<vmem>>
    %dma_wait3A_277 = tpu.memref_squeeze %dma_wait3A_276 : memref<1x128xi32, #tpu.memory_space<vmem>> -> memref<128xi32, #tpu.memory_space<vmem>>
    %dma_wait3A_278 = arith.constant 0 : i32
    %dma_wait3A_279 = arith.constant 0 : i32
    %dma_wait3A_280 = tpu.memref_slice %arg2[%arg0, %dma_wait3A_278, %dma_wait3A_279] : memref<2x10240x64xf32, #tpu.memory_space<hbm>> -> memref<1x10240x64xf32, #tpu.memory_space<hbm>>
    %dma_wait3A_281 = tpu.memref_squeeze %dma_wait3A_280 : memref<1x10240x64xf32, #tpu.memory_space<hbm>> -> memref<10240x64xf32, #tpu.memory_space<hbm>>
    %dma_wait3A_282 = arith.constant 0 : i32
    %dma_wait3A_283 = arith.constant 0 : i32
    %dma_wait3A_284 = tpu.memref_slice %dma_wait3A_281[%dma_wait3A_282, %dma_wait3A_283] : memref<10240x64xf32, #tpu.memory_space<hbm>> -> memref<10240x64xf32, #tpu.memory_space<hbm>>
    tpu.wait_indirect_dma semaphore(%arg11 : memref<!tpu.dma_semaphore, #tpu.memory_space<semaphore_mem>>) src(%dma_wait3A_284 : memref<10240x64xf32, #tpu.memory_space<hbm>>) dst(%dma_wait3A_274 : memref<128x64xf32, #tpu.memory_space<vmem>>)
    %dma_start3A_285 = arith.constant 4 : i32
    %dma_start3A_286 = arith.constant 79 : i32
    %dma_start3A_287 = arith.constant 0 : i32
    %dma_start3A_288 = arith.constant 0 : i32
    %dma_start3A_289 = tpu.memref_slice %arg9[%dma_start3A_285, %dma_start3A_287, %dma_start3A_288] : memref<5x128x64xf32, #tpu.memory_space<vmem>> -> memref<1x128x64xf32, #tpu.memory_space<vmem>>
    %dma_start3A_290 = tpu.memref_squeeze %dma_start3A_289 : memref<1x128x64xf32, #tpu.memory_space<vmem>> -> memref<128x64xf32, #tpu.memory_space<vmem>>
    %dma_start3A_291 = arith.constant 0 : i32
    %dma_start3A_292 = tpu.memref_slice %arg8[%dma_start3A_286, %dma_start3A_291] : memref<80x128xi32, #tpu.memory_space<vmem>> -> memref<1x128xi32, #tpu.memory_space<vmem>>
    %dma_start3A_293 = tpu.memref_squeeze %dma_start3A_292 : memref<1x128xi32, #tpu.memory_space<vmem>> -> memref<128xi32, #tpu.memory_space<vmem>>
    %dma_start3A_294 = arith.constant 0 : i32
    %dma_start3A_295 = arith.constant 0 : i32
    %dma_start3A_296 = tpu.memref_slice %arg10[%select_n3A_7, %dma_start3A_294, %dma_start3A_295] : memref<1x10240x64xf32, #tpu.memory_space<vmem_shared>> -> memref<1x10240x64xf32, #tpu.memory_space<vmem_shared>>
    %dma_start3A_297 = tpu.memref_squeeze %dma_start3A_296 : memref<1x10240x64xf32, #tpu.memory_space<vmem_shared>> -> memref<10240x64xf32, #tpu.memory_space<vmem_shared>>
    %dma_start3A_298 = arith.constant 0 : i32
    %dma_start3A_299 = arith.constant 0 : i32
    %dma_start3A_300 = tpu.memref_slice %dma_start3A_297[%dma_start3A_298, %dma_start3A_299] : memref<10240x64xf32, #tpu.memory_space<vmem_shared>> -> memref<10240x64xf32, #tpu.memory_space<vmem_shared>>
    tpu.enqueue_indirect_dma source(%dma_start3A_290 : memref<128x64xf32, #tpu.memory_space<vmem>>) target(%dma_start3A_300 : memref<10240x64xf32, #tpu.memory_space<vmem_shared>>) offsets(%dma_start3A_293 : memref<128xi32, #tpu.memory_space<vmem>>) semaphore(%arg12 : memref<!tpu.dma_semaphore, #tpu.memory_space<semaphore_mem>>) {add = true}
    %dma_wait3A_301 = arith.constant 0 : i32
    %dma_wait3A_302 = arith.constant 0 : i32
    %dma_wait3A_303 = arith.constant 0 : i32
    %dma_wait3A_304 = arith.constant 0 : i32
    %dma_wait3A_305 = tpu.memref_slice %arg9[%dma_wait3A_301, %dma_wait3A_303, %dma_wait3A_304] : memref<5x128x64xf32, #tpu.memory_space<vmem>> -> memref<1x128x64xf32, #tpu.memory_space<vmem>>
    %dma_wait3A_306 = tpu.memref_squeeze %dma_wait3A_305 : memref<1x128x64xf32, #tpu.memory_space<vmem>> -> memref<128x64xf32, #tpu.memory_space<vmem>>
    %dma_wait3A_307 = arith.constant 0 : i32
    %dma_wait3A_308 = tpu.memref_slice %arg8[%dma_wait3A_302, %dma_wait3A_307] : memref<80x128xi32, #tpu.memory_space<vmem>> -> memref<1x128xi32, #tpu.memory_space<vmem>>
    %dma_wait3A_309 = tpu.memref_squeeze %dma_wait3A_308 : memref<1x128xi32, #tpu.memory_space<vmem>> -> memref<128xi32, #tpu.memory_space<vmem>>
    %dma_wait3A_310 = arith.constant 0 : i32
    %dma_wait3A_311 = arith.constant 0 : i32
    %dma_wait3A_312 = tpu.memref_slice %arg10[%select_n3A_7, %dma_wait3A_310, %dma_wait3A_311] : memref<1x10240x64xf32, #tpu.memory_space<vmem_shared>> -> memref<1x10240x64xf32, #tpu.memory_space<vmem_shared>>
    %dma_wait3A_313 = tpu.memref_squeeze %dma_wait3A_312 : memref<1x10240x64xf32, #tpu.memory_space<vmem_shared>> -> memref<10240x64xf32, #tpu.memory_space<vmem_shared>>
    %dma_wait3A_314 = arith.constant 0 : i32
    %dma_wait3A_315 = arith.constant 0 : i32
    %dma_wait3A_316 = tpu.memref_slice %dma_wait3A_313[%dma_wait3A_314, %dma_wait3A_315] : memref<10240x64xf32, #tpu.memory_space<vmem_shared>> -> memref<10240x64xf32, #tpu.memory_space<vmem_shared>>
    tpu.wait_indirect_dma semaphore(%arg12 : memref<!tpu.dma_semaphore, #tpu.memory_space<semaphore_mem>>) src(%dma_wait3A_306 : memref<128x64xf32, #tpu.memory_space<vmem>>) dst(%dma_wait3A_316 : memref<10240x64xf32, #tpu.memory_space<vmem_shared>>)
    %dma_wait3A_317 = arith.constant 1 : i32
    %dma_wait3A_318 = arith.constant 0 : i32
    %dma_wait3A_319 = arith.constant 0 : i32
    %dma_wait3A_320 = arith.constant 0 : i32
    %dma_wait3A_321 = tpu.memref_slice %arg9[%dma_wait3A_317, %dma_wait3A_319, %dma_wait3A_320] : memref<5x128x64xf32, #tpu.memory_space<vmem>> -> memref<1x128x64xf32, #tpu.memory_space<vmem>>
    %dma_wait3A_322 = tpu.memref_squeeze %dma_wait3A_321 : memref<1x128x64xf32, #tpu.memory_space<vmem>> -> memref<128x64xf32, #tpu.memory_space<vmem>>
    %dma_wait3A_323 = arith.constant 0 : i32
    %dma_wait3A_324 = tpu.memref_slice %arg8[%dma_wait3A_318, %dma_wait3A_323] : memref<80x128xi32, #tpu.memory_space<vmem>> -> memref<1x128xi32, #tpu.memory_space<vmem>>
    %dma_wait3A_325 = tpu.memref_squeeze %dma_wait3A_324 : memref<1x128xi32, #tpu.memory_space<vmem>> -> memref<128xi32, #tpu.memory_space<vmem>>
    %dma_wait3A_326 = arith.constant 0 : i32
    %dma_wait3A_327 = arith.constant 0 : i32
    %dma_wait3A_328 = tpu.memref_slice %arg10[%select_n3A_7, %dma_wait3A_326, %dma_wait3A_327] : memref<1x10240x64xf32, #tpu.memory_space<vmem_shared>> -> memref<1x10240x64xf32, #tpu.memory_space<vmem_shared>>
    %dma_wait3A_329 = tpu.memref_squeeze %dma_wait3A_328 : memref<1x10240x64xf32, #tpu.memory_space<vmem_shared>> -> memref<10240x64xf32, #tpu.memory_space<vmem_shared>>
    %dma_wait3A_330 = arith.constant 0 : i32
    %dma_wait3A_331 = arith.constant 0 : i32
    %dma_wait3A_332 = tpu.memref_slice %dma_wait3A_329[%dma_wait3A_330, %dma_wait3A_331] : memref<10240x64xf32, #tpu.memory_space<vmem_shared>> -> memref<10240x64xf32, #tpu.memory_space<vmem_shared>>
    tpu.wait_indirect_dma semaphore(%arg12 : memref<!tpu.dma_semaphore, #tpu.memory_space<semaphore_mem>>) src(%dma_wait3A_322 : memref<128x64xf32, #tpu.memory_space<vmem>>) dst(%dma_wait3A_332 : memref<10240x64xf32, #tpu.memory_space<vmem_shared>>)
    %dma_wait3A_333 = arith.constant 2 : i32
    %dma_wait3A_334 = arith.constant 0 : i32
    %dma_wait3A_335 = arith.constant 0 : i32
    %dma_wait3A_336 = arith.constant 0 : i32
    %dma_wait3A_337 = tpu.memref_slice %arg9[%dma_wait3A_333, %dma_wait3A_335, %dma_wait3A_336] : memref<5x128x64xf32, #tpu.memory_space<vmem>> -> memref<1x128x64xf32, #tpu.memory_space<vmem>>
    %dma_wait3A_338 = tpu.memref_squeeze %dma_wait3A_337 : memref<1x128x64xf32, #tpu.memory_space<vmem>> -> memref<128x64xf32, #tpu.memory_space<vmem>>
    %dma_wait3A_339 = arith.constant 0 : i32
    %dma_wait3A_340 = tpu.memref_slice %arg8[%dma_wait3A_334, %dma_wait3A_339] : memref<80x128xi32, #tpu.memory_space<vmem>> -> memref<1x128xi32, #tpu.memory_space<vmem>>
    %dma_wait3A_341 = tpu.memref_squeeze %dma_wait3A_340 : memref<1x128xi32, #tpu.memory_space<vmem>> -> memref<128xi32, #tpu.memory_space<vmem>>
    %dma_wait3A_342 = arith.constant 0 : i32
    %dma_wait3A_343 = arith.constant 0 : i32
    %dma_wait3A_344 = tpu.memref_slice %arg10[%select_n3A_7, %dma_wait3A_342, %dma_wait3A_343] : memref<1x10240x64xf32, #tpu.memory_space<vmem_shared>> -> memref<1x10240x64xf32, #tpu.memory_space<vmem_shared>>
    %dma_wait3A_345 = tpu.memref_squeeze %dma_wait3A_344 : memref<1x10240x64xf32, #tpu.memory_space<vmem_shared>> -> memref<10240x64xf32, #tpu.memory_space<vmem_shared>>
    %dma_wait3A_346 = arith.constant 0 : i32
    %dma_wait3A_347 = arith.constant 0 : i32
    %dma_wait3A_348 = tpu.memref_slice %dma_wait3A_345[%dma_wait3A_346, %dma_wait3A_347] : memref<10240x64xf32, #tpu.memory_space<vmem_shared>> -> memref<10240x64xf32, #tpu.memory_space<vmem_shared>>
    tpu.wait_indirect_dma semaphore(%arg12 : memref<!tpu.dma_semaphore, #tpu.memory_space<semaphore_mem>>) src(%dma_wait3A_338 : memref<128x64xf32, #tpu.memory_space<vmem>>) dst(%dma_wait3A_348 : memref<10240x64xf32, #tpu.memory_space<vmem_shared>>)
    %dma_wait3A_349 = arith.constant 3 : i32
    %dma_wait3A_350 = arith.constant 0 : i32
    %dma_wait3A_351 = arith.constant 0 : i32
    %dma_wait3A_352 = arith.constant 0 : i32
    %dma_wait3A_353 = tpu.memref_slice %arg9[%dma_wait3A_349, %dma_wait3A_351, %dma_wait3A_352] : memref<5x128x64xf32, #tpu.memory_space<vmem>> -> memref<1x128x64xf32, #tpu.memory_space<vmem>>
    %dma_wait3A_354 = tpu.memref_squeeze %dma_wait3A_353 : memref<1x128x64xf32, #tpu.memory_space<vmem>> -> memref<128x64xf32, #tpu.memory_space<vmem>>
    %dma_wait3A_355 = arith.constant 0 : i32
    %dma_wait3A_356 = tpu.memref_slice %arg8[%dma_wait3A_350, %dma_wait3A_355] : memref<80x128xi32, #tpu.memory_space<vmem>> -> memref<1x128xi32, #tpu.memory_space<vmem>>
    %dma_wait3A_357 = tpu.memref_squeeze %dma_wait3A_356 : memref<1x128xi32, #tpu.memory_space<vmem>> -> memref<128xi32, #tpu.memory_space<vmem>>
    %dma_wait3A_358 = arith.constant 0 : i32
    %dma_wait3A_359 = arith.constant 0 : i32
    %dma_wait3A_360 = tpu.memref_slice %arg10[%select_n3A_7, %dma_wait3A_358, %dma_wait3A_359] : memref<1x10240x64xf32, #tpu.memory_space<vmem_shared>> -> memref<1x10240x64xf32, #tpu.memory_space<vmem_shared>>
    %dma_wait3A_361 = tpu.memref_squeeze %dma_wait3A_360 : memref<1x10240x64xf32, #tpu.memory_space<vmem_shared>> -> memref<10240x64xf32, #tpu.memory_space<vmem_shared>>
    %dma_wait3A_362 = arith.constant 0 : i32
    %dma_wait3A_363 = arith.constant 0 : i32
    %dma_wait3A_364 = tpu.memref_slice %dma_wait3A_361[%dma_wait3A_362, %dma_wait3A_363] : memref<10240x64xf32, #tpu.memory_space<vmem_shared>> -> memref<10240x64xf32, #tpu.memory_space<vmem_shared>>
    tpu.wait_indirect_dma semaphore(%arg12 : memref<!tpu.dma_semaphore, #tpu.memory_space<semaphore_mem>>) src(%dma_wait3A_354 : memref<128x64xf32, #tpu.memory_space<vmem>>) dst(%dma_wait3A_364 : memref<10240x64xf32, #tpu.memory_space<vmem_shared>>)
    %dma_wait3A_365 = arith.constant 4 : i32
    %dma_wait3A_366 = arith.constant 0 : i32
    %dma_wait3A_367 = arith.constant 0 : i32
    %dma_wait3A_368 = arith.constant 0 : i32
    %dma_wait3A_369 = tpu.memref_slice %arg9[%dma_wait3A_365, %dma_wait3A_367, %dma_wait3A_368] : memref<5x128x64xf32, #tpu.memory_space<vmem>> -> memref<1x128x64xf32, #tpu.memory_space<vmem>>
    %dma_wait3A_370 = tpu.memref_squeeze %dma_wait3A_369 : memref<1x128x64xf32, #tpu.memory_space<vmem>> -> memref<128x64xf32, #tpu.memory_space<vmem>>
    %dma_wait3A_371 = arith.constant 0 : i32
    %dma_wait3A_372 = tpu.memref_slice %arg8[%dma_wait3A_366, %dma_wait3A_371] : memref<80x128xi32, #tpu.memory_space<vmem>> -> memref<1x128xi32, #tpu.memory_space<vmem>>
    %dma_wait3A_373 = tpu.memref_squeeze %dma_wait3A_372 : memref<1x128xi32, #tpu.memory_space<vmem>> -> memref<128xi32, #tpu.memory_space<vmem>>
    %dma_wait3A_374 = arith.constant 0 : i32
    %dma_wait3A_375 = arith.constant 0 : i32
    %dma_wait3A_376 = tpu.memref_slice %arg10[%select_n3A_7, %dma_wait3A_374, %dma_wait3A_375] : memref<1x10240x64xf32, #tpu.memory_space<vmem_shared>> -> memref<1x10240x64xf32, #tpu.memory_space<vmem_shared>>
    %dma_wait3A_377 = tpu.memref_squeeze %dma_wait3A_376 : memref<1x10240x64xf32, #tpu.memory_space<vmem_shared>> -> memref<10240x64xf32, #tpu.memory_space<vmem_shared>>
    %dma_wait3A_378 = arith.constant 0 : i32
    %dma_wait3A_379 = arith.constant 0 : i32
    %dma_wait3A_380 = tpu.memref_slice %dma_wait3A_377[%dma_wait3A_378, %dma_wait3A_379] : memref<10240x64xf32, #tpu.memory_space<vmem_shared>> -> memref<10240x64xf32, #tpu.memory_space<vmem_shared>>
    tpu.wait_indirect_dma semaphore(%arg12 : memref<!tpu.dma_semaphore, #tpu.memory_space<semaphore_mem>>) src(%dma_wait3A_370 : memref<128x64xf32, #tpu.memory_space<vmem>>) dst(%dma_wait3A_380 : memref<10240x64xf32, #tpu.memory_space<vmem_shared>>)
    %barrier3A_381 = arith.constant 0 : index
    tpu.barrier barrier_id(%barrier3A_381)
    %mul3A_382 = arith.constant 640 : i32
    %mul3A_383 = arith.muli %arg1, %mul3A_382 : i32
    %mul3A_384 = arith.constant 640 : i32
    %mul3A_385 = arith.muli %arg1, %mul3A_384 : i32
    %run_scoped3A = arith.constant 0 : i32
    %run_scoped3A_386 = arith.constant 0 : i32
    "tpu.region"() ({
      %run_scoped3A_387 = tpu.sem_alloc : memref<!tpu.dma_semaphore, #tpu.memory_space<semaphore_mem>>
      %dma_start3A_388 = arith.constant 0 : i32
      %dma_start3A_389 = tpu.memref_slice %arg6[%arg0, %run_scoped3A_386, %mul3A_385, %dma_start3A_388] : memref<2x1x10240x64xf32, #tpu.memory_space<hbm>> -> memref<1x1x640x64xf32, #tpu.memory_space<hbm>>
      %dma_start3A_390 = tpu.memref_squeeze %dma_start3A_389 : memref<1x1x640x64xf32, #tpu.memory_space<hbm>> -> memref<640x64xf32, #tpu.memory_space<hbm>>
      %dma_start3A_391 = arith.constant 0 : i32
      %dma_start3A_392 = tpu.memref_slice %arg10[%run_scoped3A, %mul3A_383, %dma_start3A_391] : memref<1x10240x64xf32, #tpu.memory_space<vmem_shared>> -> memref<1x640x64xf32, #tpu.memory_space<vmem_shared>>
      %dma_start3A_393 = tpu.memref_squeeze %dma_start3A_392 : memref<1x640x64xf32, #tpu.memory_space<vmem_shared>> -> memref<640x64xf32, #tpu.memory_space<vmem_shared>>
      tpu.enqueue_dma source(%dma_start3A_393 : memref<640x64xf32, #tpu.memory_space<vmem_shared>>) target(%dma_start3A_390 : memref<640x64xf32, #tpu.memory_space<hbm>>) target_semaphore(%run_scoped3A_387 : memref<!tpu.dma_semaphore, #tpu.memory_space<semaphore_mem>>)
      %dma_wait3A_394 = arith.constant 0 : i32
      %dma_wait3A_395 = tpu.memref_slice %arg6[%arg0, %run_scoped3A_386, %mul3A_385, %dma_wait3A_394] : memref<2x1x10240x64xf32, #tpu.memory_space<hbm>> -> memref<1x1x640x64xf32, #tpu.memory_space<hbm>>
      %dma_wait3A_396 = tpu.memref_squeeze %dma_wait3A_395 : memref<1x1x640x64xf32, #tpu.memory_space<hbm>> -> memref<640x64xf32, #tpu.memory_space<hbm>>
      %dma_wait3A_397 = arith.constant 0 : i32
      %dma_wait3A_398 = tpu.memref_slice %arg10[%run_scoped3A, %mul3A_383, %dma_wait3A_397] : memref<1x10240x64xf32, #tpu.memory_space<vmem_shared>> -> memref<1x640x64xf32, #tpu.memory_space<vmem_shared>>
      %dma_wait3A_399 = tpu.memref_squeeze %dma_wait3A_398 : memref<1x640x64xf32, #tpu.memory_space<vmem_shared>> -> memref<640x64xf32, #tpu.memory_space<vmem_shared>>
      tpu.wait_dma2 semaphore(%run_scoped3A_387 : memref<!tpu.dma_semaphore, #tpu.memory_space<semaphore_mem>>) src(%dma_wait3A_399 : memref<640x64xf32, #tpu.memory_space<vmem_shared>>) dst(%dma_wait3A_396 : memref<640x64xf32, #tpu.memory_space<hbm>>)
      tpu.yield
    }) : () -> ()
    return
  }
}

module attributes {stable_mosaic.version = 14 : i64} {
  func.func @_tc1_body(%arg0: i32, %arg1: memref<1024x256xf32, #tpu.memory_space<vmem>>, %arg2: memref<256x64xf32, #tpu.memory_space<vmem>>, %arg3: memref<1024x1xf32, #tpu.memory_space<vmem>>, %arg4: memref<1024x1xf32, #tpu.memory_space<vmem>>, %arg5: memref<2x1024x32xf32, #tpu.memory_space<vmem>>) attributes {dimension_semantics = [#tpu.dimension_semantics<arbitrary>], iteration_bounds = array<i64: 10>, scalar_prefetch = 0 : i64, scratch_operands = 0 : i64, tpu.core_type = #tpu.core_type<tc>, window_params = [{transform_indices = @transform_0, window_bounds = array<i64: 1024, 256>}, {pipeline_mode = #tpu.pipeline_mode<synchronous>, transform_indices = @transform_1, window_bounds = array<i64: 256, 64>}, {transform_indices = @transform_2, window_bounds = array<i64: 1024, 1>}, {transform_indices = @transform_3, window_bounds = array<i64: 1024, 1>}, {transform_indices = @transform_4, window_bounds = array<i64: 2, 1024, 32>}]} {
    %get3A = arith.constant 0 : index
    %get3A_0 = arith.constant 0 : index
    %get3A_1 = vector.load %arg3[%get3A, %get3A_0] : memref<1024x1xf32, #tpu.memory_space<vmem>>, vector<1024x1xf32>
    %add3A = arith.constant 1.000000e+00 : f32
    %add3A_2 = vector.broadcast %add3A : f32 to vector<1024x1xf32>
    %add3A_3 = arith.addf %add3A_2, %get3A_1 : vector<1024x1xf32>
    %get3A_4 = arith.constant 0 : index
    %get3A_5 = arith.constant 0 : index
    %get3A_6 = vector.load %arg4[%get3A_4, %get3A_5] : memref<1024x1xf32, #tpu.memory_space<vmem>>, vector<1024x1xf32>
    %add3A_7 = arith.addf %add3A_3, %get3A_6 : vector<1024x1xf32>
    %rsqrt3A = math.rsqrt %add3A_7 : vector<1024x1xf32>
    %get3A_8 = arith.constant 0 : index
    %get3A_9 = arith.constant 0 : index
    %get3A_10 = vector.load %arg1[%get3A_8, %get3A_9] : memref<1024x256xf32, #tpu.memory_space<vmem>>, vector<1024x256xf32>
    %get3A_11 = arith.constant 0 : index
    %get3A_12 = arith.constant 0 : index
    %get3A_13 = vector.load %arg2[%get3A_11, %get3A_12] : memref<256x64xf32, #tpu.memory_space<vmem>>, vector<256x64xf32>
    %dot_general3A = arith.constant dense<0.000000e+00> : vector<1024x64xf32>
    %dot_general3A_14 = tpu.matmul %get3A_10, %get3A_13, %dot_general3A {dimension_numbers = #tpu.dot_dimension_numbers<[1], [0], [0], [1], [0, 0, 1, 1], [], []>, transpose_lhs_hint = false} : vector<1024x256xf32>, vector<256x64xf32>, vector<1024x64xf32> -> vector<1024x64xf32>
    %mul3A = vector.broadcast %rsqrt3A : vector<1024x1xf32> to vector<1024x64xf32>
    %mul3A_15 = arith.mulf %mul3A, %dot_general3A_14 : vector<1024x64xf32>
    %slice3A = vector.extract_strided_slice %mul3A_15 {offsets = [0, 0], sizes = [1024, 32], strides = [1, 1]} : vector<1024x64xf32> to vector<1024x32xf32>
    %swap3A = arith.constant 0 : index
    %swap3A_16 = arith.constant 0 : index
    %swap3A_17 = arith.constant 0 : index
    %swap3A_18 = vector.load %arg5[%swap3A, %swap3A_16, %swap3A_17] : memref<2x1024x32xf32, #tpu.memory_space<vmem>>, vector<1x1024x32xf32>
    %swap3A_19 = vector.shape_cast %swap3A_18 : vector<1x1024x32xf32> to vector<1024x32xf32>
    %swap3A_20 = vector.shape_cast %slice3A : vector<1024x32xf32> to vector<1x1024x32xf32>
    tpu.vector_store %arg5[%swap3A, %swap3A_16, %swap3A_17], %swap3A_20 {strides = array<i32>} : memref<2x1024x32xf32, #tpu.memory_space<vmem>>, vector<1x1024x32xf32>,
    %slice3A_21 = vector.extract_strided_slice %mul3A_15 {offsets = [0, 32], sizes = [1024, 32], strides = [1, 1]} : vector<1024x64xf32> to vector<1024x32xf32>
    %swap3A_22 = arith.constant 1 : index
    %swap3A_23 = arith.constant 0 : index
    %swap3A_24 = arith.constant 0 : index
    %swap3A_25 = vector.load %arg5[%swap3A_22, %swap3A_23, %swap3A_24] : memref<2x1024x32xf32, #tpu.memory_space<vmem>>, vector<1x1024x32xf32>
    %swap3A_26 = vector.shape_cast %swap3A_25 : vector<1x1024x32xf32> to vector<1024x32xf32>
    %swap3A_27 = vector.shape_cast %slice3A_21 : vector<1024x32xf32> to vector<1x1024x32xf32>
    tpu.vector_store %arg5[%swap3A_22, %swap3A_23, %swap3A_24], %swap3A_27 {strides = array<i32>} : memref<2x1024x32xf32, #tpu.memory_space<vmem>>, vector<1x1024x32xf32>,
    return
  }
  func.func @transform_0(%arg0: i32) -> (i32, i32) {
    %c0_i32 = arith.constant 0 : i32
    %c0_i32_0 = arith.constant 0 : i32
    return %arg0, %c0_i32 : i32, i32
  }
  func.func @transform_1(%arg0: i32) -> (i32, i32) {
    %c0_i32 = arith.constant 0 : i32
    %c0_i32_0 = arith.constant 0 : i32
    %c0_i32_1 = arith.constant 0 : i32
    return %c0_i32, %c0_i32_0 : i32, i32
  }
  func.func @transform_2(%arg0: i32) -> (i32, i32) {
    %c0_i32 = arith.constant 0 : i32
    %c0_i32_0 = arith.constant 0 : i32
    return %arg0, %c0_i32 : i32, i32
  }
  func.func @transform_3(%arg0: i32) -> (i32, i32) {
    %c0_i32 = arith.constant 0 : i32
    %c0_i32_0 = arith.constant 0 : i32
    return %arg0, %c0_i32 : i32, i32
  }
  func.func @transform_4(%arg0: i32) -> (i32, i32, i32) {
    %c0_i32 = arith.constant 0 : i32
    %c0_i32_0 = arith.constant 0 : i32
    %c0_i32_1 = arith.constant 0 : i32
    return %c0_i32, %arg0, %c0_i32_0 : i32, i32, i32
  }
}

module attributes {stable_mosaic.version = 14 : i64} {
  func.func @_tc2_body(%arg0: i32, %arg1: memref<2x1x1024x32xf32, #tpu.memory_space<vmem>>, %arg2: memref<2x1024x32xf32, #tpu.memory_space<vmem>>, %arg3: memref<1024x1xf32, #tpu.memory_space<vmem>>, %arg4: memref<1024x1xf32, #tpu.memory_space<vmem>>, %arg5: memref<64x128xf32, #tpu.memory_space<vmem>>, %arg6: memref<1x64xf32, #tpu.memory_space<vmem>>, %arg7: memref<2x1024x64xf32, #tpu.memory_space<vmem>>) attributes {dimension_semantics = [#tpu.dimension_semantics<arbitrary>], iteration_bounds = array<i64: 10>, scalar_prefetch = 0 : i64, scratch_operands = 0 : i64, tpu.core_type = #tpu.core_type<tc>, window_params = [{transform_indices = @transform_0, window_bounds = array<i64: 2, 1, 1024, 32>}, {transform_indices = @transform_1, window_bounds = array<i64: 2, 1024, 32>}, {transform_indices = @transform_2, window_bounds = array<i64: 1024, 1>}, {transform_indices = @transform_3, window_bounds = array<i64: 1024, 1>}, {pipeline_mode = #tpu.pipeline_mode<synchronous>, transform_indices = @transform_4, window_bounds = array<i64: 64, 128>}, {pipeline_mode = #tpu.pipeline_mode<synchronous>, transform_indices = @transform_5, window_bounds = array<i64: 1, 64>}, {transform_indices = @transform_6, window_bounds = array<i64: 2, 1024, 64>}]} {
    %get3A = arith.constant 0 : index
    %get3A_0 = arith.constant 0 : index
    %get3A_1 = vector.load %arg3[%get3A, %get3A_0] : memref<1024x1xf32, #tpu.memory_space<vmem>>, vector<1024x1xf32>
    %add3A = arith.constant 1.000000e+00 : f32
    %add3A_2 = vector.broadcast %add3A : f32 to vector<1024x1xf32>
    %add3A_3 = arith.addf %add3A_2, %get3A_1 : vector<1024x1xf32>
    %get3A_4 = arith.constant 0 : index
    %get3A_5 = arith.constant 0 : index
    %get3A_6 = vector.load %arg4[%get3A_4, %get3A_5] : memref<1024x1xf32, #tpu.memory_space<vmem>>, vector<1024x1xf32>
    %add3A_7 = arith.addf %add3A_3, %get3A_6 : vector<1024x1xf32>
    %rsqrt3A = math.rsqrt %add3A_7 : vector<1024x1xf32>
    %get3A_8 = arith.constant 0 : index
    %get3A_9 = arith.constant 0 : index
    %get3A_10 = arith.constant 0 : index
    %get3A_11 = arith.constant 0 : index
    %get3A_12 = vector.load %arg1[%get3A_8, %get3A_9, %get3A_10, %get3A_11] : memref<2x1x1024x32xf32, #tpu.memory_space<vmem>>, vector<2x1x1024x32xf32>
    %get3A_13 = arith.constant 0 : index
    %get3A_14 = arith.constant 0 : index
    %get3A_15 = arith.constant 0 : index
    %get3A_16 = vector.load %arg2[%get3A_13, %get3A_14, %get3A_15] : memref<2x1024x32xf32, #tpu.memory_space<vmem>>, vector<2x1024x32xf32>
    %squeeze3A = vector.shape_cast %get3A_12 : vector<2x1x1024x32xf32> to vector<2x1024x32xf32>
    %add3A_17 = arith.addf %get3A_16, %squeeze3A : vector<2x1024x32xf32>
    %slice3A = vector.extract_strided_slice %add3A_17 {offsets = [0, 0, 0], sizes = [1, 1024, 32], strides = [1, 1, 1]} : vector<2x1024x32xf32> to vector<1x1024x32xf32>
    %squeeze3A_18 = vector.shape_cast %slice3A : vector<1x1024x32xf32> to vector<1024x32xf32>
    %slice3A_19 = vector.extract_strided_slice %add3A_17 {offsets = [1, 0, 0], sizes = [1, 1024, 32], strides = [1, 1, 1]} : vector<2x1024x32xf32> to vector<1x1024x32xf32>
    %squeeze3A_20 = vector.shape_cast %slice3A_19 : vector<1x1024x32xf32> to vector<1024x32xf32>
    %concatenate3A = tpu.concatenate %squeeze3A_18, %squeeze3A_20 in 1 : vector<1024x32xf32>, vector<1024x32xf32> -> vector<1024x64xf32>
    %mul3A = vector.broadcast %rsqrt3A : vector<1024x1xf32> to vector<1024x64xf32>
    %mul3A_21 = arith.mulf %mul3A, %concatenate3A : vector<1024x64xf32>
    %get3A_22 = arith.constant 0 : index
    %get3A_23 = arith.constant 0 : index
    %get3A_24 = vector.load %arg6[%get3A_22, %get3A_23] : memref<1x64xf32, #tpu.memory_space<vmem>>, vector<1x64xf32>
    %add3A_25 = vector.broadcast %get3A_24 : vector<1x64xf32> to vector<1024x64xf32>
    %add3A_26 = arith.addf %mul3A_21, %add3A_25 : vector<1024x64xf32>
    %max3A = arith.constant 0.000000e+00 : f32
    %max3A_27 = vector.broadcast %max3A : f32 to vector<1024x64xf32>
    %max3A_28 = arith.maximumf %add3A_26, %max3A_27 : vector<1024x64xf32>
    %get3A_29 = arith.constant 0 : index
    %get3A_30 = arith.constant 0 : index
    %get3A_31 = vector.load %arg5[%get3A_29, %get3A_30] : memref<64x128xf32, #tpu.memory_space<vmem>>, vector<64x128xf32>
    %dot_general3A = arith.constant dense<0.000000e+00> : vector<1024x128xf32>
    %dot_general3A_32 = tpu.matmul %max3A_28, %get3A_31, %dot_general3A {dimension_numbers = #tpu.dot_dimension_numbers<[1], [0], [0], [1], [0, 0, 1, 1], [], []>, transpose_lhs_hint = false} : vector<1024x64xf32>, vector<64x128xf32>, vector<1024x128xf32> -> vector<1024x128xf32>
    %mul3A_33 = vector.broadcast %rsqrt3A : vector<1024x1xf32> to vector<1024x128xf32>
    %mul3A_34 = arith.mulf %mul3A_33, %dot_general3A_32 : vector<1024x128xf32>
    %slice3A_35 = vector.extract_strided_slice %mul3A_34 {offsets = [0, 0], sizes = [1024, 64], strides = [1, 1]} : vector<1024x128xf32> to vector<1024x64xf32>
    %swap3A = arith.constant 0 : index
    %swap3A_36 = arith.constant 0 : index
    %swap3A_37 = arith.constant 0 : index
    %swap3A_38 = vector.load %arg7[%swap3A, %swap3A_36, %swap3A_37] : memref<2x1024x64xf32, #tpu.memory_space<vmem>>, vector<1x1024x64xf32>
    %swap3A_39 = vector.shape_cast %swap3A_38 : vector<1x1024x64xf32> to vector<1024x64xf32>
    %swap3A_40 = vector.shape_cast %slice3A_35 : vector<1024x64xf32> to vector<1x1024x64xf32>
    tpu.vector_store %arg7[%swap3A, %swap3A_36, %swap3A_37], %swap3A_40 {strides = array<i32>} : memref<2x1024x64xf32, #tpu.memory_space<vmem>>, vector<1x1024x64xf32>,
    %slice3A_41 = vector.extract_strided_slice %mul3A_34 {offsets = [0, 64], sizes = [1024, 64], strides = [1, 1]} : vector<1024x128xf32> to vector<1024x64xf32>
    %swap3A_42 = arith.constant 1 : index
    %swap3A_43 = arith.constant 0 : index
    %swap3A_44 = arith.constant 0 : index
    %swap3A_45 = vector.load %arg7[%swap3A_42, %swap3A_43, %swap3A_44] : memref<2x1024x64xf32, #tpu.memory_space<vmem>>, vector<1x1024x64xf32>
    %swap3A_46 = vector.shape_cast %swap3A_45 : vector<1x1024x64xf32> to vector<1024x64xf32>
    %swap3A_47 = vector.shape_cast %slice3A_41 : vector<1024x64xf32> to vector<1x1024x64xf32>
    tpu.vector_store %arg7[%swap3A_42, %swap3A_43, %swap3A_44], %swap3A_47 {strides = array<i32>} : memref<2x1024x64xf32, #tpu.memory_space<vmem>>, vector<1x1024x64xf32>,
    return
  }
  func.func @transform_0(%arg0: i32) -> (i32, i32, i32, i32) {
    %c0_i32 = arith.constant 0 : i32
    %c0_i32_0 = arith.constant 0 : i32
    %c0_i32_1 = arith.constant 0 : i32
    %c0_i32_2 = arith.constant 0 : i32
    return %c0_i32, %c0_i32_0, %arg0, %c0_i32_1 : i32, i32, i32, i32
  }
  func.func @transform_1(%arg0: i32) -> (i32, i32, i32) {
    %c0_i32 = arith.constant 0 : i32
    %c0_i32_0 = arith.constant 0 : i32
    %c0_i32_1 = arith.constant 0 : i32
    return %c0_i32, %arg0, %c0_i32_0 : i32, i32, i32
  }
  func.func @transform_2(%arg0: i32) -> (i32, i32) {
    %c0_i32 = arith.constant 0 : i32
    %c0_i32_0 = arith.constant 0 : i32
    return %arg0, %c0_i32 : i32, i32
  }
  func.func @transform_3(%arg0: i32) -> (i32, i32) {
    %c0_i32 = arith.constant 0 : i32
    %c0_i32_0 = arith.constant 0 : i32
    return %arg0, %c0_i32 : i32, i32
  }
  func.func @transform_4(%arg0: i32) -> (i32, i32) {
    %c0_i32 = arith.constant 0 : i32
    %c0_i32_0 = arith.constant 0 : i32
    %c0_i32_1 = arith.constant 0 : i32
    return %c0_i32, %c0_i32_0 : i32, i32
  }
  func.func @transform_5(%arg0: i32) -> (i32, i32) {
    %c0_i32 = arith.constant 0 : i32
    %c0_i32_0 = arith.constant 0 : i32
    %c0_i32_1 = arith.constant 0 : i32
    return %c0_i32, %c0_i32_0 : i32, i32
  }
  func.func @transform_6(%arg0: i32) -> (i32, i32, i32) {
    %c0_i32 = arith.constant 0 : i32
    %c0_i32_0 = arith.constant 0 : i32
    %c0_i32_1 = arith.constant 0 : i32
    return %c0_i32, %arg0, %c0_i32_0 : i32, i32, i32
  }
}

module attributes {stable_mosaic.version = 14 : i64} {
  func.func @_tc3_body(%arg0: i32, %arg1: memref<2x1x1024x64xf32, #tpu.memory_space<vmem>>, %arg2: memref<2x1024x64xf32, #tpu.memory_space<vmem>>, %arg3: memref<1024x1xf32, #tpu.memory_space<vmem>>, %arg4: memref<1024x1xf32, #tpu.memory_space<vmem>>, %arg5: memref<1x128xf32, #tpu.memory_space<vmem>>, %arg6: memref<1024x1xi32, #tpu.memory_space<vmem>>, %arg7: memref<128x10xf32, #tpu.memory_space<vmem>>, %arg8: memref<1x10xf32, #tpu.memory_space<vmem>>, %arg9: memref<64x10xf32, #tpu.memory_space<vmem>>, %arg10: memref<64x128xf32, #tpu.memory_space<vmem>>, %arg11: memref<64x1xf32, #tpu.memory_space<vmem>>) attributes {dimension_semantics = [#tpu.dimension_semantics<arbitrary>], iteration_bounds = array<i64: 10>, scalar_prefetch = 0 : i64, scratch_operands = 2 : i64, tpu.core_type = #tpu.core_type<tc>, window_params = [{transform_indices = @transform_0, window_bounds = array<i64: 2, 1, 1024, 64>}, {transform_indices = @transform_1, window_bounds = array<i64: 2, 1024, 64>}, {transform_indices = @transform_2, window_bounds = array<i64: 1024, 1>}, {transform_indices = @transform_3, window_bounds = array<i64: 1024, 1>}, {pipeline_mode = #tpu.pipeline_mode<synchronous>, transform_indices = @transform_4, window_bounds = array<i64: 1, 128>}, {transform_indices = @transform_5, window_bounds = array<i64: 1024, 1>}, {pipeline_mode = #tpu.pipeline_mode<synchronous>, transform_indices = @transform_6, window_bounds = array<i64: 128, 10>}, {pipeline_mode = #tpu.pipeline_mode<synchronous>, transform_indices = @transform_7, window_bounds = array<i64: 1, 10>}, {pipeline_mode = #tpu.pipeline_mode<synchronous>, transform_indices = @transform_8, window_bounds = array<i64: 64, 10>}]} {
    %eq3A = arith.constant 0 : i32
    %eq3A_0 = arith.cmpi eq, %arg0, %eq3A : i32
    %convert_element_type3A = arith.extui %eq3A_0 : i1 to i32
    %cond3A = arith.constant 0 : i32
    %cond3A_1 = arith.cmpi ne, %convert_element_type3A, %cond3A : i32
    scf.if %cond3A_1 {
      %broadcast_in_dim3A_60 = arith.constant 0.000000e+00 : f32
      %broadcast_in_dim3A_61 = vector.broadcast %broadcast_in_dim3A_60 : f32 to vector<64x128xf32>
      %swap3A_62 = arith.constant 0 : index
      %swap3A_63 = arith.constant 0 : index
      %swap3A_64 = vector.load %arg10[%swap3A_62, %swap3A_63] : memref<64x128xf32, #tpu.memory_space<vmem>>, vector<64x128xf32>
      tpu.vector_store %arg10[%swap3A_62, %swap3A_63], %broadcast_in_dim3A_61 {strides = array<i32>} : memref<64x128xf32, #tpu.memory_space<vmem>>, vector<64x128xf32>,
      %broadcast_in_dim3A_65 = arith.constant 0.000000e+00 : f32
      %broadcast_in_dim3A_66 = vector.broadcast %broadcast_in_dim3A_65 : f32 to vector<64x1xf32>
      %swap3A_67 = arith.constant 0 : index
      %swap3A_68 = arith.constant 0 : index
      %swap3A_69 = vector.load %arg11[%swap3A_67, %swap3A_68] : memref<64x1xf32, #tpu.memory_space<vmem>>, vector<64x1xf32>
      tpu.vector_store %arg11[%swap3A_67, %swap3A_68], %broadcast_in_dim3A_66 {strides = array<i32>} : memref<64x1xf32, #tpu.memory_space<vmem>>, vector<64x1xf32>,
    } else {
    }
    %get3A = arith.constant 0 : index
    %get3A_2 = arith.constant 0 : index
    %get3A_3 = vector.load %arg3[%get3A, %get3A_2] : memref<1024x1xf32, #tpu.memory_space<vmem>>, vector<1024x1xf32>
    %add3A = arith.constant 1.000000e+00 : f32
    %add3A_4 = vector.broadcast %add3A : f32 to vector<1024x1xf32>
    %add3A_5 = arith.addf %add3A_4, %get3A_3 : vector<1024x1xf32>
    %get3A_6 = arith.constant 0 : index
    %get3A_7 = arith.constant 0 : index
    %get3A_8 = vector.load %arg4[%get3A_6, %get3A_7] : memref<1024x1xf32, #tpu.memory_space<vmem>>, vector<1024x1xf32>
    %add3A_9 = arith.addf %add3A_5, %get3A_8 : vector<1024x1xf32>
    %rsqrt3A = math.rsqrt %add3A_9 : vector<1024x1xf32>
    %get3A_10 = arith.constant 0 : index
    %get3A_11 = arith.constant 0 : index
    %get3A_12 = arith.constant 0 : index
    %get3A_13 = arith.constant 0 : index
    %get3A_14 = vector.load %arg1[%get3A_10, %get3A_11, %get3A_12, %get3A_13] : memref<2x1x1024x64xf32, #tpu.memory_space<vmem>>, vector<2x1x1024x64xf32>
    %get3A_15 = arith.constant 0 : index
    %get3A_16 = arith.constant 0 : index
    %get3A_17 = arith.constant 0 : index
    %get3A_18 = vector.load %arg2[%get3A_15, %get3A_16, %get3A_17] : memref<2x1024x64xf32, #tpu.memory_space<vmem>>, vector<2x1024x64xf32>
    %squeeze3A = vector.shape_cast %get3A_14 : vector<2x1x1024x64xf32> to vector<2x1024x64xf32>
    %add3A_19 = arith.addf %get3A_18, %squeeze3A : vector<2x1024x64xf32>
    %slice3A = vector.extract_strided_slice %add3A_19 {offsets = [0, 0, 0], sizes = [1, 1024, 64], strides = [1, 1, 1]} : vector<2x1024x64xf32> to vector<1x1024x64xf32>
    %squeeze3A_20 = vector.shape_cast %slice3A : vector<1x1024x64xf32> to vector<1024x64xf32>
    %slice3A_21 = vector.extract_strided_slice %add3A_19 {offsets = [1, 0, 0], sizes = [1, 1024, 64], strides = [1, 1, 1]} : vector<2x1024x64xf32> to vector<1x1024x64xf32>
    %squeeze3A_22 = vector.shape_cast %slice3A_21 : vector<1x1024x64xf32> to vector<1024x64xf32>
    %concatenate3A = tpu.concatenate %squeeze3A_20, %squeeze3A_22 in 1 : vector<1024x64xf32>, vector<1024x64xf32> -> vector<1024x128xf32>
    %mul3A = vector.broadcast %rsqrt3A : vector<1024x1xf32> to vector<1024x128xf32>
    %mul3A_23 = arith.mulf %mul3A, %concatenate3A : vector<1024x128xf32>
    %get3A_24 = arith.constant 0 : index
    %get3A_25 = arith.constant 0 : index
    %get3A_26 = vector.load %arg5[%get3A_24, %get3A_25] : memref<1x128xf32, #tpu.memory_space<vmem>>, vector<1x128xf32>
    %add3A_27 = vector.broadcast %get3A_26 : vector<1x128xf32> to vector<1024x128xf32>
    %add3A_28 = arith.addf %mul3A_23, %add3A_27 : vector<1024x128xf32>
    %max3A = arith.constant 0.000000e+00 : f32
    %max3A_29 = vector.broadcast %max3A : f32 to vector<1024x128xf32>
    %max3A_30 = arith.maximumf %add3A_28, %max3A_29 : vector<1024x128xf32>
    %get3A_31 = arith.constant 0 : index
    %get3A_32 = arith.constant 0 : index
    %get3A_33 = vector.load %arg6[%get3A_31, %get3A_32] : memref<1024x1xi32, #tpu.memory_space<vmem>>, vector<1024x1xi32>
    %iota3A = tpu.iota {dimensions = array<i32: 1>} : vector<1024x64xi32>
    %eq3A_34 = vector.broadcast %get3A_33 : vector<1024x1xi32> to vector<1024x64xi32>
    %eq3A_35 = arith.cmpi eq, %eq3A_34, %iota3A : vector<1024x64xi32>
    %convert_element_type3A_36 = arith.extui %eq3A_35 : vector<1024x64xi1> to vector<1024x64xi32>
    %convert_element_type3A_37 = arith.sitofp %convert_element_type3A_36 : vector<1024x64xi32> to vector<1024x64xf32>
    %get3A_38 = arith.constant 0 : index
    %get3A_39 = arith.constant 0 : index
    %get3A_40 = vector.load %arg10[%get3A_38, %get3A_39] : memref<64x128xf32, #tpu.memory_space<vmem>>, vector<64x128xf32>
    %dot_general3A = arith.constant dense<0.000000e+00> : vector<64x128xf32>
    %dot_general3A_41 = tpu.matmul %convert_element_type3A_37, %max3A_30, %dot_general3A {dimension_numbers = #tpu.dot_dimension_numbers<[0], [0], [1], [1], [0, 1, 1, 1], [], []>, transpose_lhs_hint = false} : vector<1024x64xf32>, vector<1024x128xf32>, vector<64x128xf32> -> vector<64x128xf32>
    %add3A_42 = arith.addf %get3A_40, %dot_general3A_41 : vector<64x128xf32>
    %swap3A = arith.constant 0 : index
    %swap3A_43 = arith.constant 0 : index
    %swap3A_44 = vector.load %arg10[%swap3A, %swap3A_43] : memref<64x128xf32, #tpu.memory_space<vmem>>, vector<64x128xf32>
    tpu.vector_store %arg10[%swap3A, %swap3A_43], %add3A_42 {strides = array<i32>} : memref<64x128xf32, #tpu.memory_space<vmem>>, vector<64x128xf32>,
    %get3A_45 = arith.constant 0 : index
    %get3A_46 = arith.constant 0 : index
    %get3A_47 = vector.load %arg11[%get3A_45, %get3A_46] : memref<64x1xf32, #tpu.memory_space<vmem>>, vector<64x1xf32>
    %broadcast_in_dim3A = arith.constant 1.000000e+00 : f32
    %broadcast_in_dim3A_48 = vector.broadcast %broadcast_in_dim3A : f32 to vector<1024x1xf32>
    %dot_general3A_49 = arith.constant dense<0.000000e+00> : vector<64x1xf32>
    %dot_general3A_50 = tpu.matmul %convert_element_type3A_37, %broadcast_in_dim3A_48, %dot_general3A_49 {dimension_numbers = #tpu.dot_dimension_numbers<[0], [0], [1], [1], [0, 1, 1, 1], [], []>, transpose_lhs_hint = false} : vector<1024x64xf32>, vector<1024x1xf32>, vector<64x1xf32> -> vector<64x1xf32>
    %add3A_51 = arith.addf %get3A_47, %dot_general3A_50 : vector<64x1xf32>
    %swap3A_52 = arith.constant 0 : index
    %swap3A_53 = arith.constant 0 : index
    %swap3A_54 = vector.load %arg11[%swap3A_52, %swap3A_53] : memref<64x1xf32, #tpu.memory_space<vmem>>, vector<64x1xf32>
    tpu.vector_store %arg11[%swap3A_52, %swap3A_53], %add3A_51 {strides = array<i32>} : memref<64x1xf32, #tpu.memory_space<vmem>>, vector<64x1xf32>,
    %eq3A_55 = arith.constant 9 : i32
    %eq3A_56 = arith.cmpi eq, %arg0, %eq3A_55 : i32
    %convert_element_type3A_57 = arith.extui %eq3A_56 : i1 to i32
    %cond3A_58 = arith.constant 0 : i32
    %cond3A_59 = arith.cmpi ne, %convert_element_type3A_57, %cond3A_58 : i32
    scf.if %cond3A_59 {
      %get3A_60 = arith.constant 0 : index
      %get3A_61 = arith.constant 0 : index
      %get3A_62 = vector.load %arg10[%get3A_60, %get3A_61] : memref<64x128xf32, #tpu.memory_space<vmem>>, vector<64x128xf32>
      %get3A_63 = arith.constant 0 : index
      %get3A_64 = arith.constant 0 : index
      %get3A_65 = vector.load %arg11[%get3A_63, %get3A_64] : memref<64x1xf32, #tpu.memory_space<vmem>>, vector<64x1xf32>
      %max3A_66 = arith.constant 1.000000e+00 : f32
      %max3A_67 = vector.broadcast %max3A_66 : f32 to vector<64x1xf32>
      %max3A_68 = arith.maximumf %get3A_65, %max3A_67 : vector<64x1xf32>
      %div3A = vector.broadcast %max3A_68 : vector<64x1xf32> to vector<64x128xf32>
      %div3A_69 = arith.divf %get3A_62, %div3A : vector<64x128xf32>
      %get3A_70 = arith.constant 0 : index
      %get3A_71 = arith.constant 0 : index
      %get3A_72 = vector.load %arg7[%get3A_70, %get3A_71] : memref<128x10xf32, #tpu.memory_space<vmem>>, vector<128x10xf32>
      %dot_general3A_73 = arith.constant dense<0.000000e+00> : vector<64x10xf32>
      %dot_general3A_74 = tpu.matmul %div3A_69, %get3A_72, %dot_general3A_73 {dimension_numbers = #tpu.dot_dimension_numbers<[1], [0], [0], [1], [0, 0, 1, 1], [], []>, transpose_lhs_hint = false} : vector<64x128xf32>, vector<128x10xf32>, vector<64x10xf32> -> vector<64x10xf32>
      %get3A_75 = arith.constant 0 : index
      %get3A_76 = arith.constant 0 : index
      %get3A_77 = vector.load %arg8[%get3A_75, %get3A_76] : memref<1x10xf32, #tpu.memory_space<vmem>>, vector<1x10xf32>
      %add3A_78 = vector.broadcast %get3A_77 : vector<1x10xf32> to vector<64x10xf32>
      %add3A_79 = arith.addf %dot_general3A_74, %add3A_78 : vector<64x10xf32>
      %reduce_max3A = arith.constant dense<0xFF800000> : vector<64xf32>
      %reduce_max3A_80 = vector.multi_reduction <maximumf>, %add3A_79, %reduce_max3A [1] : vector<64x10xf32> to vector<64xf32>
      %broadcast_in_dim3A_81 = vector.shape_cast %reduce_max3A_80 : vector<64xf32> to vector<64x1xf32>
      %sub3A = vector.broadcast %broadcast_in_dim3A_81 : vector<64x1xf32> to vector<64x10xf32>
      %sub3A_82 = arith.subf %add3A_79, %sub3A : vector<64x10xf32>
      %exp3A = math.exp %sub3A_82 : vector<64x10xf32>
      %reduce_sum3A = arith.constant dense<0.000000e+00> : vector<64xf32>
      %reduce_sum3A_83 = vector.multi_reduction <add>, %exp3A, %reduce_sum3A [1] : vector<64x10xf32> to vector<64xf32>
      %broadcast_in_dim3A_84 = vector.shape_cast %reduce_sum3A_83 : vector<64xf32> to vector<64x1xf32>
      %log3A = math.log %broadcast_in_dim3A_84 : vector<64x1xf32>
      %sub3A_85 = vector.broadcast %log3A : vector<64x1xf32> to vector<64x10xf32>
      %sub3A_86 = arith.subf %sub3A_82, %sub3A_85 : vector<64x10xf32>
      %swap3A_87 = arith.constant 0 : index
      %swap3A_88 = arith.constant 0 : index
      %swap3A_89 = vector.load %arg9[%swap3A_87, %swap3A_88] : memref<64x10xf32, #tpu.memory_space<vmem>>, vector<64x10xf32>
      tpu.vector_store %arg9[%swap3A_87, %swap3A_88], %sub3A_86 {strides = array<i32>} : memref<64x10xf32, #tpu.memory_space<vmem>>, vector<64x10xf32>,
    } else {
    }
    return
  }
  func.func @transform_0(%arg0: i32) -> (i32, i32, i32, i32) {
    %c0_i32 = arith.constant 0 : i32
    %c0_i32_0 = arith.constant 0 : i32
    %c0_i32_1 = arith.constant 0 : i32
    %c0_i32_2 = arith.constant 0 : i32
    return %c0_i32, %c0_i32_0, %arg0, %c0_i32_1 : i32, i32, i32, i32
  }
  func.func @transform_1(%arg0: i32) -> (i32, i32, i32) {
    %c0_i32 = arith.constant 0 : i32
    %c0_i32_0 = arith.constant 0 : i32
    %c0_i32_1 = arith.constant 0 : i32
    return %c0_i32, %arg0, %c0_i32_0 : i32, i32, i32
  }
  func.func @transform_2(%arg0: i32) -> (i32, i32) {
    %c0_i32 = arith.constant 0 : i32
    %c0_i32_0 = arith.constant 0 : i32
    return %arg0, %c0_i32 : i32, i32
  }
  func.func @transform_3(%arg0: i32) -> (i32, i32) {
    %c0_i32 = arith.constant 0 : i32
    %c0_i32_0 = arith.constant 0 : i32
    return %arg0, %c0_i32 : i32, i32
  }
  func.func @transform_4(%arg0: i32) -> (i32, i32) {
    %c0_i32 = arith.constant 0 : i32
    %c0_i32_0 = arith.constant 0 : i32
    %c0_i32_1 = arith.constant 0 : i32
    return %c0_i32, %c0_i32_0 : i32, i32
  }
  func.func @transform_5(%arg0: i32) -> (i32, i32) {
    %c0_i32 = arith.constant 0 : i32
    %c0_i32_0 = arith.constant 0 : i32
    return %arg0, %c0_i32 : i32, i32
  }
  func.func @transform_6(%arg0: i32) -> (i32, i32) {
    %c0_i32 = arith.constant 0 : i32
    %c0_i32_0 = arith.constant 0 : i32
    %c0_i32_1 = arith.constant 0 : i32
    return %c0_i32, %c0_i32_0 : i32, i32
  }
  func.func @transform_7(%arg0: i32) -> (i32, i32) {
    %c0_i32 = arith.constant 0 : i32
    %c0_i32_0 = arith.constant 0 : i32
    %c0_i32_1 = arith.constant 0 : i32
    return %c0_i32, %c0_i32_0 : i32, i32
  }
  func.func @transform_8(%arg0: i32) -> (i32, i32) {
    %c0_i32 = arith.constant 0 : i32
    %c0_i32_0 = arith.constant 0 : i32
    %c0_i32_1 = arith.constant 0 : i32
    return %c0_i32, %c0_i32_0 : i32, i32
  }
}

</mosaic_0001>

<sc_bundles>
// kernel: kernel.11.cloned.1.call-start
scs
__scs_entry_jumppad:
0x0: {  	(pc) =	sbr.rel $0x88, $3  }
0x1: {  	(tag) =	ssettag $0x0;
	lr =	simm.s32 $0x1  }
0x2: {  	[smem:$0x3F98] =	sst lr;
	_ =	strace $0xD0000000  }
0x3: {  	_ = 	snop  }
0x4: {  	_ = 	snop  }
0x5: {  	_ = 	snop  }
0x6: {  	_ = 	snop  }
0x7: {  	_ = 	snop  }
__scs_overlays_trampoline_lowered:
0x8: {  	[smem:$0x3FA7] =	sst s0  }
0x9: {  	[smem:$0x3FA8] =	sst s1  }
0xa: {  	[smem:$0x3FA9] =	sst s2  }
0xb: {  	[smem:$0x3FAA] =	sst s3  }
0xc: {  	[smem:$0x3FAB] =	sst s4  }
0xd: {  	[smem:$0x3FAC] =	sst s5  }
0xe: {  	[smem:$0x3FAD] =	sst s6  }
0xf: {  	[smem:$0x3FAE] =	sst s7  }
0x10: {  	[smem:$0x3FAF] =	sst s8  }
0x11: {  	[smem:$0x3FB0] =	sst s9;
	s0 =	simm.s32 @!p0 $0x0  }
0x12: {  	s1 =	sld [smem:$0x3F96];
	s0 =	simm.s32 @p0 $0x1  }
0x13: {  	[smem:$0x3FB1] =	sst s0;
	s0 =	simm.s32 @!p1 $0x0  }
0x14: {  	s2 =	sld [smem:$0x3F95];
	s0 =	simm.s32 @p1 $0x1  }
0x15: {  	[smem:$0x3FB2] =	sst s0;
	s0 =	simm.s32 @!p2 $0x0  }
0x16: {  	s3 =	sld [smem:$0x3FDB];
	s0 =	simm.s32 @p2 $0x1  }
0x17: {  	s4 =	simm.s32 $0x1BF5;
	[smem:$0x3FB4] =	sst s0  }
0x18: {  	s0 =	sld [smem:$0x3F97];
	_ =	swait.ge [sflag:s4], $0x0  }
0x19: {  	s7 =	sld [smem:$0x3F98]  }
0x1a: {  	s8 =	sadd.s32 $0xFFFFE003, lr  }
0x1b: {  	s9 =	sadd.s32 $0xFFFFFEF7, lr;
	s5 =	simm.s32 $0xFFFFFFFF;
	p2 =	slt.u32 s8, $0xFFFFF086  }
0x1c: {  	p1 =	slt.u32 s9, $0xF7A;
	s5 =	simm.s32 @!p2 $0x0  }
0x1d: {  	s5 =	simm.s32 @p1 $0x1;
	p0 =	seq.s32 s7, s2  }
0x1e: {  	s7 =	smul.u32 @!p0 $0xF7A, s2;
	p2 =	seq.s32 @!p0 s5, $0x0  }
0x1f: {  	s9 =	smul.u32 $0xF7A, s1;
	s8 =	simm.s32 @!p0 $0x1BF5;
	p2 =	por !p2, p0  }
0x20: {  	[sflag:s8] =	ssyncset.s32 @!p0 $0xFFFFF086;
	s6 =	sadd.s32 @!p0 s3, s7;
	s7 =	simm.s32 @!p0 $0x108  }
0x21: {  	s3 =	sadd.s32 s3, s9;
	s6 =	sadd.s32 @!p0 $0x88, s6;
	s7 =	simm.s32 @p2 $0x1082  }
0x22: {  	[simem:s7], [sflag:s8] =	dma.local @!p0 [hbm:s6], $0xF7A  }
0x23: {  	s9 =	sor.u32 $0xD0000000, s2;
	s6 =	simm.s32 $0x108;
	_ =	swait.ge @!p0 [sflag:s8], $0x0  }
0x24: {  	s3 =	sadd.s32 $0x88, s3;
	s6 =	simm.s32 @!p1 $0x1082;
	[sflag:s4] =	ssyncset.s32 $0xFFFFF086  }
0x25: {  	[simem:s6], [sflag:s4] =	dma.local [hbm:s3], $0xF7A  }
0x26: {  	[smem:$0x3F98] =	sst s1;
	(tag) =	ssettag s2;
	_ =	strace s9  }
0x27: {  	s1 =	sld [smem:$0x3FA8]  }
0x28: {  	s2 =	sld [smem:$0x3FA9]  }
0x29: {  	s4 =	sld [smem:$0x3FAB]  }
0x2a: {  	p0 =	seq.s32 s5, $0x0;
	s5 =	sld [smem:$0x3FAC]  }
0x2b: {  	s6 =	sld [smem:$0x3FAD]  }
0x2c: {  	s7 =	sld [smem:$0x3FAE]  }
0x2d: {  	s3 =	simm.s32 $0x108;
	s8 =	sld [smem:$0x3FAF]  }
0x2e: {  	s3 =	simm.s32 @!p0 $0x1082;
	s9 =	sld [smem:$0x3FB0]  }
0x2f: {  	lr =	sadd.s32 s0, s3;
	s0 =	sld [smem:$0x3FA7]  }
0x30: {  	s3 =	sld [smem:$0x3FAA]  }
0x31: {  	[smem:$0x3FB3] =	sst s10  }
0x32: {  	s10 =	sld [smem:$0x3FB1];
	_ =	sdelay $0x3  }
0x33: {  	p0 =	seq.s32 s10, $0x1;
	s10 =	sld [smem:$0x3FB3];
	_ =	sdelay $0x3  }
0x34: {  	[smem:$0x3FB3] =	sst s10  }
0x35: {  	s10 =	sld [smem:$0x3FB2];
	_ =	sdelay $0x3  }
0x36: {  	p1 =	seq.s32 s10, $0x1;
	s10 =	sld [smem:$0x3FB3];
	_ =	sdelay $0x3  }
0x37: {  	[smem:$0x3FB3] =	sst s10  }
0x38: {  	s10 =	sld [smem:$0x3FB4]  }
0x39: {  	_ = 	snop;
	(pc) =	sbr.ind lr, $3  }
0x3a: {  	_ = 	snop  }
0x3b: {  	_ = 	snop  }
0x3c: {  	p2 =	seq.s32 s10, $0x1;
	s10 =	sld [smem:$0x3FB3]  }
0x3d: {  	_ =	shalt  }
0x3e: {  	_ =	shalt  }
0x3f: {  	_ =	shalt  }
0x40: {  	_ =	shalt  }
0x41: {  	_ =	shalt  }
0x42: {  	_ =	shalt  }
0x43: {  	_ =	shalt  }
0x44: {  	_ =	shalt  }
0x45: {  	_ =	shalt  }
0x46: {  	_ =	shalt  }
0x47: {  	_ =	shalt  }
0x48: {  	_ =	shalt  }
0x49: {  	_ =	shalt  }
0x4a: {  	_ =	shalt  }
0x4b: {  	_ =	shalt  }
0x4c: {  	_ =	shalt  }
0x4d: {  	_ =	shalt  }
0x4e: {  	_ =	shalt  }
0x4f: {  	_ =	shalt  }
0x50: {  	_ =	shalt  }
0x51: {  	_ =	shalt  }
0x52: {  	_ =	shalt  }
0x53: {  	_ =	shalt  }
0x54: {  	_ =	shalt  }
0x55: {  	_ =	shalt  }
0x56: {  	_ =	shalt  }
0x57: {  	_ =	shalt  }
0x58: {  	_ =	shalt  }
0x59: {  	_ =	shalt  }
0x5a: {  	_ =	shalt  }
0x5b: {  	_ =	shalt  }
0x5c: {  	_ =	shalt  }
0x5d: {  	_ =	shalt  }
0x5e: {  	_ =	shalt  }
0x5f: {  	_ =	shalt  }
0x60: {  	_ =	shalt  }
0x61: {  	_ =	shalt  }
0x62: {  	_ =	shalt  }
0x63: {  	_ =	shalt  }
0x64: {  	_ =	shalt  }
0x65: {  	_ =	shalt  }
0x66: {  	_ =	shalt  }
0x67: {  	_ =	shalt  }
0x68: {  	_ =	shalt  }
0x69: {  	_ =	shalt  }
0x6a: {  	_ =	shalt  }
0x6b: {  	_ =	shalt  }
0x6c: {  	_ =	shalt  }
0x6d: {  	_ =	shalt  }
0x6e: {  	_ =	shalt  }
0x6f: {  	_ =	shalt  }
0x70: {  	_ =	shalt  }
0x71: {  	_ =	shalt  }
0x72: {  	_ =	shalt  }
0x73: {  	_ =	shalt  }
0x74: {  	_ =	shalt  }
0x75: {  	_ =	shalt  }
0x76: {  	_ =	shalt  }
0x77: {  	_ =	shalt  }
0x78: {  	_ =	shalt  }
0x79: {  	_ =	shalt  }
0x7a: {  	_ =	shalt  }
0x7b: {  	_ =	shalt  }
0x7c: {  	_ =	shalt  }
0x7d: {  	_ =	shalt  }
0x7e: {  	_ =	shalt  }
0x7f: {  	_ =	shalt  }
0x80: {  	_ =	shalt  }
0x81: {  	_ =	shalt  }
0x82: {  	_ =	shalt  }
0x83: {  	_ =	shalt  }
0x84: {  	_ =	shalt  }
0x85: {  	_ =	shalt  }
0x86: {  	_ =	shalt  }
0x87: {  	_ =	shalt  }
.Lfunc_end0:
.L_simem_size_0:
called_computation.1_lowered:
.L_overlay_start_0:
0x88: {  	s2 =	sld [smem:$0x3FD9]  }
0x89: {  	s3 =	sld [smem:$0x3FFE];
	_ =	sdelay $0x1  }
0x8a: {  	s1 =	srdreg.scid  }
0x8b: {  	s0 =	sand.u32 $0x1, s1  }
0x8c: {  	s16 =	sshll.u32 s0, $0xA;
	s2 =	sadd.s32 s3, s2  }
0x8d: {  	s2 =	sadd.s32 s2, s16  }
0x8e: {  	[smem:$0x3FBF] =	sst s2  }
0x8f: {  	_ = 	snop  }
0x90: {  	(tm) =	ssettm $0x1  }
0x91: {  	s17 =	sld [smem:$0x3FFB];
	_ =	sdelay $0x3  }
0x92: {  	_ =	strace s17  }
0x93: {  	s2 =	sld [smem:$0x3FFC];
	_ =	sdelay $0x3  }
0x94: {  	_ =	strace s2  }
0x95: {  	s2 =	sld [smem:$0x3FFD];
	_ =	sdelay $0x3  }
0x96: {  	_ =	strace s2  }
0x97: {  	_ =	strace $0x8FFFFFFF  }
0x98: {  	s18 =	sld [smem:$0x3FDB];
	_ =	sdelay $0x1  }
0x99: {  	s19 =	simm.s32 $_scs_section_size  }
0x9a: {  	s4 =	simm.s32 $_size__tile_overlayer_lowered;
	s5 =	simm.s32 $_tile_overlayer_lowered  }
0x9b: {  	s22 =	simm.s32 $0x1BFF;
	s21 =	sshll.u32 s5, $0x1;
	s2 =	sadd.s32 s19, s18  }
0x9c: {  	s6 =	simm.s32 $0x0;
	s20 =	sshll.u32 s4, $0x1;
	s4 =	sadd.s32 s21, s2  }
0x9d: {  	[timem:s6], [sflag:s22] =	dma.local [hbm:s4], s20  }
0x9e: {  	_ =	swait.ge [sflag:s22], s20  }
0x9f: {  	s3 =	ssub.s32 $0x0, s20;
	[sflag:s22] =	ssyncset.done $0x0  }
0xa0: {  	[sflag:s22] =	ssyncadd.s32 s3;
	_ =	sdelay $0x1  }
0xa1: {  	s23 =	simm.s32 $0x1B8B  }
0xa2: {  	_ =	swait.ge [sflag:s23], $0x1  }
0xa3: {  	[sflag:s23] =	ssyncset.done $0x0  }
0xa4: {  	s25 =	simm.s32 $0x1B8E;
	s24 =	sld [smem:$0x3FFE];
	[sflag:s23] =	ssyncadd.s32 $0xFFFFFFFF  }
0xa5: {  	s26 =	simm.s32 $execute0_lowered;
	[smem:$0x3FD2] =	sst s25  }
0xa6: {  	s4 =	sshll.u32 s26, $0x1;
	_ =	strace $0x80000049;
	[dreg:$0x1] =	wrdreg $0xFFFFFFFF  }
0xa7: {  	s28 =	simm.s32 $_size_execute0_lowered;
	s2 =	sadd.s32 s2, s4;
	[dreg:$0x0] =	wrdreg $0x0  }
0xa8: {  	s4 =	sshll.u32 s28, $0x1;
	[dreg:$0x2] =	wrdreg s2  }
0xa9: {  	[dreg:$0x3] =	wrdreg s4  }
0xaa: {  	[dreg:$0x4] =	wrdreg $0xC0  }
0xab: {  	_ =	task [dreg:s6], $0x5FFFF  }
0xac: {  	[dreg:$0x1] =	wrdreg $0xFFFFFFFF  }
0xad: {  	[dreg:$0x0] =	wrdreg $0x60  }
0xae: {  	[dreg:$0x2] =	wrdreg s24  }
0xaf: {  	[dreg:$0x3] =	wrdreg $0xD0000  }
0xb0: {  	[dreg:$0x4] =	wrdreg $0x9  }
0xb1: {  	_ =	task.clear_ibuf [dreg:s6], $0x5FFFF;
	_ =	strace $0x90000049  }
0xb2: {  	s29 =	simm.s32 $0x9;
	_ =	strace $0x8000004B  }
0xb3: {  	_ =	swait.ge [sflag:s29], $0x1  }
0xb4: {  	[sflag:s29] =	ssyncadd.s32 $0xFFFFFFFF  }
0xb5: {  	_ =	strace $0x9000004B  }
0xb6: {  	_ =	sfence  }
0xb7: {  	s30 =	sld [smem:$0x0];
	_ =	sdelay $0x2  }
0xb8: {  	s31 =	sshll.u32 s1, $0xD;
	s1 =	sshrl.u32 s1, $0x2  }
0xb9: {  	s3 =	sand.u32 $0x4000, s31;
	s1 =	sadd.s32 s1, s30  }
0xba: {  	s0 =	sor.u32 s3, s0;
	s1 =	sshll.u32 s1, $0x11  }
0xbb: {  	s0 =	sor.u32 s1, s0  }
0xbc: {  	s0 =	sadd.s32 $0x8F2B, s0  }
0xbd: {  	[sflag:s0] =	ssyncadd.remote.s32 $0x1  }
0xbe: {  	_ =	sfence.sel $0xFFFF  }
0xbf: {  	[dreg:$0x0] =	wrdreg $0xFFFFFFFF;
	(pc) =	sbr.abs _section_cstart, $3  }
0xc0: {  	[dreg:$0x1] =	wrdreg $0xFFFFFFFF  }
0xc1: {  	_ =	task.clear_ibuf [dreg:s6], $0x2FFFF;
	_ =	strace $0x9FFFFFFF  }
0xc2: {  	(tm) =	ssettm $0x7FFFFFFF  }
0xc3: {  	_ =	shalt  }
tec
execute0_lowered:
.L_overlay_start_1:
0x0: {  	(tag) =	ssettag $0x1  }
0x1: {  	s0 =	rddreg [dreg:$0x0];
	s1 =	srdreg.scid  }
0x2: {  	s2 =	rddreg [dreg:$0x1];
	s10 =	stileid.u32  }
0x3: {  	s3 =	simm.s32 $0x0;
	s14 =	simm.s32 $0x1;
	s15 =	simm.s32 $0x80  }
0x4: {  	s16 =	simm.s32 $0x5000;
	s17 =	simm.s32 $0x6000;
	s19 =	simm.s32 $0x7000  }
0x5: {  	s21 =	simm.s32 $0x8000;
	s23 =	simm.s32 $0x9000;
	s28 =	simm.s32 $0xB000  }
0x6: {  	s30 =	simm.s32 $0xC000;
	s31 =	simm.s32 $0x3;
	s24 =	simm.s32 $0x4E80  }
0x7: {  	s29 =	simm.s32 $0x4F80;
	s13 =	simm.s32 $0x0;
	s5 =	smul.u32 $0x500, s10  }
0x8: {  	s1 =	sand.u32 $0x1, s1;
	[smem:$0x7FF] =	sst s3;
	s7 =	smul.u32 $0x5000, s10  }
0x9: {  	s4 =	smul.u32 $0x50000, s1;
	_ =	strace $0x8000004A;
	s1 =	ssub.s32 $0x2, s1  }
0xa: {  	s8 =	sadd.s32 s5, s0;
	s25 =	sshrl.u32 s7, $0x3;
	s26 =	sshrl.u32 s1, $0x1  }
0xb: {  	s12 =	sadd.s32 s7, s2;
	s6 =	sshrl.u32 s4, $0x3;
	s4 =	sadd.s32 s7, s4  }
0xc: {  	s5 =	sadd.s32 s25, s0;
	s1 =	ssub.s32 s1, s26;
	s7 =	sadd.s32 $0x66E00, s8  }
0xd: {  	s8 =	sadd.s32 $0x2E00, s8;
	s12 =	sshrl.u32 s12, $0x3;
	s25 =	simm.s32 $0xA000  }
0xe: {  	s26 =	simm.s32 $0x4F00;
	s9 =	sadd.s32 s6, s0;
	s4 =	sshrl.u32 s4, $0x3  }
0xf: {  	s11 =	smax.u32 s1, $0x1;
	s1 =	simm.s32 $0x4;
	s0 =	sadd.s32 s4, s0  }
0x10: {  	s4 =	sadd.s32 $0x57E00, s5;
	s5 =	sshll.u32 s10, $0x6;
	s9 =	sadd.s32 $0xBBE00, s9  }
0x11: {  	s6 =	sor.u32 $0x1C03, s5;
	s10 =	sadd.s32 $0xCFE00, s0;
	s0 =	simm.s32 $0x2  }
.LBB2_1:
0x12: {  	[spmem:s12], [sflag:s6] =	dma.local [hbm:s4], $0xA00  }
0x13: {  	[tilespmem:s3], [sflag:$0x1] =	stream.linear.gather [hbm4b:s7+s3], $0x2800, $0x38;
	[tilespmem:$0x12000] =	vst v63  }
0x14: {  	s18 =	simm.s32 $0x2800  }
0x15: {  	[tilespmem:s18], [sflag:$0x1] =	stream.linear.gather [hbm4b:s8+s3], $0x2800, $0x38;
	[tilespmem:$0x12000] =	vst v63  }
0x16: {  	_ =	swait.ge [sflag:s14], $0x2800  }
0x17: {  	[sflag:s14] =	ssyncset.done $0x0  }
0x18: {  	[sflag:s14] =	ssyncadd.s32 $0xFFFFD800  }
0x19: {  	_ =	swait.ge [sflag:s14], $0x2800  }
0x1a: {  	[sflag:s14] =	ssyncset.done $0x0  }
0x1b: {  	[sflag:s14] =	ssyncadd.s32 $0xFFFFD800  }
0x1c: {  	[tilespmem:s16], [sflag:$0x1] =	stream.indirect.gather [hbm4b:s9+s15], $0x20, s3, s15, $0xb8;
	[tilespmem:$0x12000] =	vst v63  }
0x1d: {  	_ = 	snop  }
0x1e: {  	[tilespmem:s17], [sflag:$0x1] =	stream.indirect.gather [hbm4b:s9+s15], $0x20, s15, s15, $0xb8;
	[tilespmem:$0x12000] =	vst v63  }
0x1f: {  	s22 =	simm.s32 $0x100  }
0x20: {  	[tilespmem:s19], [sflag:$0x1] =	stream.indirect.gather [hbm4b:s9+s15], $0x20, s22, s15, $0xb8;
	[tilespmem:$0x12000] =	vst v63  }
0x21: {  	s20 =	simm.s32 $0x180  }
0x22: {  	[tilespmem:s21], [sflag:$0x1] =	stream.indirect.gather [hbm4b:s9+s15], $0x20, s20, s15, $0xb8;
	[tilespmem:$0x12000] =	vst v63  }
0x23: {  	s22 =	simm.s32 $0x200  }
0x24: {  	[tilespmem:s23], [sflag:$0x1] =	stream.indirect.gather [hbm4b:s9+s15], $0x20, s22, s15, $0xb8;
	[tilespmem:$0x12000] =	vst v63  }
0x25: {  	s20 =	simm.s32 $0x280  }
0x26: {  	[tilespmem:s25], [sflag:$0x1] =	stream.indirect.gather [hbm4b:s9+s15], $0x20, s20, s15, $0xb8;
	[tilespmem:$0x12000] =	vst v63  }
0x27: {  	s22 =	simm.s32 $0x300  }
0x28: {  	[tilespmem:s28], [sflag:$0x1] =	stream.indirect.gather [hbm4b:s9+s15], $0x20, s22, s15, $0xb8;
	[tilespmem:$0x12000] =	vst v63  }
0x29: {  	s20 =	simm.s32 $0x380  }
0x2a: {  	[tilespmem:s30], [sflag:$0x1] =	stream.indirect.gather [hbm4b:s9+s15], $0x20, s20, s15, $0xb8;
	[tilespmem:$0x12000] =	vst v63  }
0x2b: {  	_ =	swait.ge [sflag:s31], $0xA00  }
0x2c: {  	[sflag:s31] =	ssyncset.done $0x0  }
0x2d: {  	[sflag:s31] =	ssyncadd.s32 $0xFFFFF600  }
0x2e: {  	[bflag:$0x0] =	sbarrier.arrive $0xFFFF  }
0x2f: {  	_ =	swait.ge [sflag:s14], $0x1000  }
0x30: {  	[sflag:s14] =	ssyncset.done $0x0  }
0x31: {  	s22 =	simm.s32 $0x2800;
	[sflag:s14] =	ssyncadd.s32 $0xFFFFF000  }
0x32: {  	[spmem:s2] =	stream.indirect.scatter.add.f32 [tilespmem:s16], [sflag:$0x2], $0x20, s22, s15, $0xb8;
	[tilespmem:$0x12000] =	vst v63  }
0x33: {  	_ =	swait.ge [sflag:s14], $0x1000  }
0x34: {  	[sflag:s14] =	ssyncset.done $0x0  }
0x35: {  	s20 =	simm.s32 $0x2880;
	[sflag:s14] =	ssyncadd.s32 $0xFFFFF000  }
0x36: {  	[spmem:s2] =	stream.indirect.scatter.add.f32 [tilespmem:s17], [sflag:$0x2], $0x20, s20, s15, $0xb8;
	[tilespmem:$0x12000] =	vst v63  }
0x37: {  	_ =	swait.ge [sflag:s14], $0x1000  }
0x38: {  	[sflag:s14] =	ssyncset.done $0x0  }
0x39: {  	s22 =	simm.s32 $0x2900;
	[sflag:s14] =	ssyncadd.s32 $0xFFFFF000  }
0x3a: {  	[spmem:s2] =	stream.indirect.scatter.add.f32 [tilespmem:s19], [sflag:$0x2], $0x20, s22, s15, $0xb8;
	[tilespmem:$0x12000] =	vst v63  }
0x3b: {  	_ =	swait.ge [sflag:s14], $0x1000  }
0x3c: {  	[sflag:s14] =	ssyncset.done $0x0  }
0x3d: {  	s20 =	simm.s32 $0x2980;
	[sflag:s14] =	ssyncadd.s32 $0xFFFFF000  }
0x3e: {  	[spmem:s2] =	stream.indirect.scatter.add.f32 [tilespmem:s21], [sflag:$0x2], $0x20, s20, s15, $0xb8;
	[tilespmem:$0x12000] =	vst v63  }
0x3f: {  	_ =	swait.ge [sflag:s14], $0x1000  }
0x40: {  	[sflag:s14] =	ssyncset.done $0x0  }
0x41: {  	s22 =	simm.s32 $0x2A00;
	[sflag:s14] =	ssyncadd.s32 $0xFFFFF000  }
0x42: {  	[spmem:s2] =	stream.indirect.scatter.add.f32 [tilespmem:s23], [sflag:$0x2], $0x20, s22, s15, $0xb8;
	[tilespmem:$0x12000] =	vst v63  }
0x43: {  	_ =	swait.ge [sflag:s14], $0x1000  }
0x44: {  	[sflag:s14] =	ssyncset.done $0x0  }
0x45: {  	s20 =	simm.s32 $0x2A80;
	[sflag:s14] =	ssyncadd.s32 $0xFFFFF000  }
0x46: {  	[spmem:s2] =	stream.indirect.scatter.add.f32 [tilespmem:s25], [sflag:$0x2], $0x20, s20, s15, $0xb8;
	[tilespmem:$0x12000] =	vst v63  }
0x47: {  	_ =	swait.ge [sflag:s14], $0x1000  }
0x48: {  	[sflag:s14] =	ssyncset.done $0x0  }
0x49: {  	s22 =	simm.s32 $0x2B00;
	[sflag:s14] =	ssyncadd.s32 $0xFFFFF000  }
0x4a: {  	[spmem:s2] =	stream.indirect.scatter.add.f32 [tilespmem:s28], [sflag:$0x2], $0x20, s22, s15, $0xb8;
	[tilespmem:$0x12000] =	vst v63  }
0x4b: {  	_ =	swait.ge [sflag:s14], $0x1000  }
0x4c: {  	[sflag:s14] =	ssyncset.done $0x0  }
0x4d: {  	s20 =	simm.s32 $0x2B80;
	[sflag:s14] =	ssyncadd.s32 $0xFFFFF000  }
0x4e: {  	[spmem:s2] =	stream.indirect.scatter.add.f32 [tilespmem:s30], [sflag:$0x2], $0x20, s20, s15, $0xb8;
	[tilespmem:$0x12000] =	vst v63  }
0x4f: {  	_ =	swait.ge [sflag:s0], $0x1000  }
0x50: {  	[sflag:s0] =	ssyncset.done $0x0  }
0x51: {  	s22 =	simm.s32 $0x400;
	[sflag:s0] =	ssyncadd.s32 $0xFFFFF000  }
0x52: {  	[tilespmem:s16], [sflag:$0x1] =	stream.indirect.gather [hbm4b:s9+s15], $0x20, s22, s15, $0xb8;
	[tilespmem:$0x12000] =	vst v63  }
0x53: {  	_ =	swait.ge [sflag:s0], $0x1000  }
0x54: {  	[sflag:s0] =	ssyncset.done $0x0  }
0x55: {  	s20 =	simm.s32 $0x480;
	[sflag:s0] =	ssyncadd.s32 $0xFFFFF000  }
0x56: {  	[tilespmem:s17], [sflag:$0x1] =	stream.indirect.gather [hbm4b:s9+s15], $0x20, s20, s15, $0xb8;
	[tilespmem:$0x12000] =	vst v63  }
0x57: {  	_ =	swait.ge [sflag:s0], $0x1000  }
0x58: {  	[sflag:s0] =	ssyncset.done $0x0  }
0x59: {  	s22 =	simm.s32 $0x500;
	[sflag:s0] =	ssyncadd.s32 $0xFFFFF000  }
0x5a: {  	[tilespmem:s19], [sflag:$0x1] =	stream.indirect.gather [hbm4b:s9+s15], $0x20, s22, s15, $0xb8;
	[tilespmem:$0x12000] =	vst v63  }
0x5b: {  	_ =	swait.ge [sflag:s0], $0x1000  }
0x5c: {  	[sflag:s0] =	ssyncset.done $0x0  }
0x5d: {  	s20 =	simm.s32 $0x580;
	[sflag:s0] =	ssyncadd.s32 $0xFFFFF000  }
0x5e: {  	[tilespmem:s21], [sflag:$0x1] =	stream.indirect.gather [hbm4b:s9+s15], $0x20, s20, s15, $0xb8;
	[tilespmem:$0x12000] =	vst v63  }
0x5f: {  	_ =	swait.ge [sflag:s0], $0x1000  }
0x60: {  	[sflag:s0] =	ssyncset.done $0x0  }
0x61: {  	s22 =	simm.s32 $0x600;
	[sflag:s0] =	ssyncadd.s32 $0xFFFFF000  }
0x62: {  	[tilespmem:s23], [sflag:$0x1] =	stream.indirect.gather [hbm4b:s9+s15], $0x20, s22, s15, $0xb8;
	[tilespmem:$0x12000] =	vst v63  }
0x63: {  	_ =	swait.ge [sflag:s0], $0x1000  }
0x64: {  	[sflag:s0] =	ssyncset.done $0x0  }
0x65: {  	s20 =	simm.s32 $0x680;
	[sflag:s0] =	ssyncadd.s32 $0xFFFFF000  }
0x66: {  	[tilespmem:s25], [sflag:$0x1] =	stream.indirect.gather [hbm4b:s9+s15], $0x20, s20, s15, $0xb8;
	[tilespmem:$0x12000] =	vst v63  }
0x67: {  	_ =	swait.ge [sflag:s0], $0x1000  }
0x68: {  	[sflag:s0] =	ssyncset.done $0x0  }
0x69: {  	s22 =	simm.s32 $0x700;
	[sflag:s0] =	ssyncadd.s32 $0xFFFFF000  }
0x6a: {  	[tilespmem:s28], [sflag:$0x1] =	stream.indirect.gather [hbm4b:s9+s15], $0x20, s22, s15, $0xb8;
	[tilespmem:$0x12000] =	vst v63  }
0x6b: {  	_ =	swait.ge [sflag:s0], $0x1000  }
0x6c: {  	[sflag:s0] =	ssyncset.done $0x0  }
0x6d: {  	s18 =	simm.s32 $0x1000;
	s20 =	simm.s32 $0x780;
	[sflag:s0] =	ssyncadd.s32 $0xFFFFF000  }
.LBB2_2:
0x6e: {  	[tilespmem:s30], [sflag:$0x1] =	stream.indirect.gather [hbm4b:s9+s15], $0x20, s20, s15, $0xb8;
	[tilespmem:$0x12000] =	vst v63  }
0x6f: {  	s20 =	smov.u32 s18  }
0x70: {  	p0 =	sne.s32 s18, $0x8000;
	s18 =	sadd.s32 $0x1000, s18;
	_ =	swait.ge [sflag:s14], $0x1000  }
0x71: {  	s20 =	sshra.s32 s20, $0x2;
	[sflag:s14] =	ssyncset.done $0x0  }
0x72: {  	s22 =	sadd.s32 $0x2800, s20;
	[sflag:s14] =	ssyncadd.s32 $0xFFFFF000  }
0x73: {  	[spmem:s2] =	stream.indirect.scatter.add.f32 [tilespmem:s16], [sflag:$0x2], $0x20, s22, s15, $0xb8;
	[tilespmem:$0x12000] =	vst v63  }
0x74: {  	_ =	swait.ge [sflag:s14], $0x1000  }
0x75: {  	[sflag:s14] =	ssyncset.done $0x0  }
0x76: {  	s22 =	sadd.s32 $0x2880, s20;
	[sflag:s14] =	ssyncadd.s32 $0xFFFFF000  }
0x77: {  	[spmem:s2] =	stream.indirect.scatter.add.f32 [tilespmem:s17], [sflag:$0x2], $0x20, s22, s15, $0xb8;
	[tilespmem:$0x12000] =	vst v63  }
0x78: {  	_ =	swait.ge [sflag:s14], $0x1000  }
0x79: {  	[sflag:s14] =	ssyncset.done $0x0  }
0x7a: {  	s22 =	sadd.s32 $0x2900, s20;
	[sflag:s14] =	ssyncadd.s32 $0xFFFFF000  }
0x7b: {  	[spmem:s2] =	stream.indirect.scatter.add.f32 [tilespmem:s19], [sflag:$0x2], $0x20, s22, s15, $0xb8;
	[tilespmem:$0x12000] =	vst v63  }
0x7c: {  	_ =	swait.ge [sflag:s14], $0x1000  }
0x7d: {  	[sflag:s14] =	ssyncset.done $0x0  }
0x7e: {  	s22 =	sadd.s32 $0x2980, s20;
	[sflag:s14] =	ssyncadd.s32 $0xFFFFF000  }
0x7f: {  	[spmem:s2] =	stream.indirect.scatter.add.f32 [tilespmem:s21], [sflag:$0x2], $0x20, s22, s15, $0xb8;
	[tilespmem:$0x12000] =	vst v63  }
0x80: {  	_ =	swait.ge [sflag:s14], $0x1000  }
0x81: {  	[sflag:s14] =	ssyncset.done $0x0  }
0x82: {  	s22 =	sadd.s32 $0x2A00, s20;
	[sflag:s14] =	ssyncadd.s32 $0xFFFFF000  }
0x83: {  	[spmem:s2] =	stream.indirect.scatter.add.f32 [tilespmem:s23], [sflag:$0x2], $0x20, s22, s15, $0xb8;
	[tilespmem:$0x12000] =	vst v63  }
0x84: {  	_ =	swait.ge [sflag:s14], $0x1000  }
0x85: {  	[sflag:s14] =	ssyncset.done $0x0  }
0x86: {  	s22 =	sadd.s32 $0x2A80, s20;
	[sflag:s14] =	ssyncadd.s32 $0xFFFFF000  }
0x87: {  	[spmem:s2] =	stream.indirect.scatter.add.f32 [tilespmem:s25], [sflag:$0x2], $0x20, s22, s15, $0xb8;
	[tilespmem:$0x12000] =	vst v63  }
0x88: {  	_ =	swait.ge [sflag:s14], $0x1000  }
0x89: {  	[sflag:s14] =	ssyncset.done $0x0  }
0x8a: {  	s22 =	sadd.s32 $0x2B00, s20;
	[sflag:s14] =	ssyncadd.s32 $0xFFFFF000  }
0x8b: {  	[spmem:s2] =	stream.indirect.scatter.add.f32 [tilespmem:s28], [sflag:$0x2], $0x20, s22, s15, $0xb8;
	[tilespmem:$0x12000] =	vst v63  }
0x8c: {  	_ =	swait.ge [sflag:s14], $0x1000  }
0x8d: {  	[sflag:s14] =	ssyncset.done $0x0  }
0x8e: {  	s22 =	sadd.s32 $0x2B80, s20;
	[sflag:s14] =	ssyncadd.s32 $0xFFFFF000  }
0x8f: {  	[spmem:s2] =	stream.indirect.scatter.add.f32 [tilespmem:s30], [sflag:$0x2], $0x20, s22, s15, $0xb8;
	[tilespmem:$0x12000] =	vst v63  }
0x90: {  	_ =	swait.ge [sflag:s0], $0x1000  }
0x91: {  	[sflag:s0] =	ssyncset.done $0x0  }
0x92: {  	s22 =	sadd.s32 $0x400, s20;
	[sflag:s0] =	ssyncadd.s32 $0xFFFFF000  }
0x93: {  	[tilespmem:s16], [sflag:$0x1] =	stream.indirect.gather [hbm4b:s9+s15], $0x20, s22, s15, $0xb8;
	[tilespmem:$0x12000] =	vst v63  }
0x94: {  	_ =	swait.ge [sflag:s0], $0x1000  }
0x95: {  	[sflag:s0] =	ssyncset.done $0x0  }
0x96: {  	s22 =	sadd.s32 $0x480, s20;
	[sflag:s0] =	ssyncadd.s32 $0xFFFFF000  }
0x97: {  	[tilespmem:s17], [sflag:$0x1] =	stream.indirect.gather [hbm4b:s9+s15], $0x20, s22, s15, $0xb8;
	[tilespmem:$0x12000] =	vst v63  }
0x98: {  	_ =	swait.ge [sflag:s0], $0x1000  }
0x99: {  	[sflag:s0] =	ssyncset.done $0x0  }
0x9a: {  	s22 =	sadd.s32 $0x500, s20;
	[sflag:s0] =	ssyncadd.s32 $0xFFFFF000  }
0x9b: {  	[tilespmem:s19], [sflag:$0x1] =	stream.indirect.gather [hbm4b:s9+s15], $0x20, s22, s15, $0xb8;
	[tilespmem:$0x12000] =	vst v63  }
0x9c: {  	_ =	swait.ge [sflag:s0], $0x1000  }
0x9d: {  	[sflag:s0] =	ssyncset.done $0x0  }
0x9e: {  	s22 =	sadd.s32 $0x580, s20;
	[sflag:s0] =	ssyncadd.s32 $0xFFFFF000  }
0x9f: {  	[tilespmem:s21], [sflag:$0x1] =	stream.indirect.gather [hbm4b:s9+s15], $0x20, s22, s15, $0xb8;
	[tilespmem:$0x12000] =	vst v63  }
0xa0: {  	_ =	swait.ge [sflag:s0], $0x1000  }
0xa1: {  	[sflag:s0] =	ssyncset.done $0x0  }
0xa2: {  	s22 =	sadd.s32 $0x600, s20;
	[sflag:s0] =	ssyncadd.s32 $0xFFFFF000  }
0xa3: {  	[tilespmem:s23], [sflag:$0x1] =	stream.indirect.gather [hbm4b:s9+s15], $0x20, s22, s15, $0xb8;
	[tilespmem:$0x12000] =	vst v63  }
0xa4: {  	_ =	swait.ge [sflag:s0], $0x1000  }
0xa5: {  	[sflag:s0] =	ssyncset.done $0x0  }
0xa6: {  	s22 =	sadd.s32 $0x680, s20;
	[sflag:s0] =	ssyncadd.s32 $0xFFFFF000  }
0xa7: {  	[tilespmem:s25], [sflag:$0x1] =	stream.indirect.gather [hbm4b:s9+s15], $0x20, s22, s15, $0xb8;
	[tilespmem:$0x12000] =	vst v63  }
0xa8: {  	_ =	swait.ge [sflag:s0], $0x1000  }
0xa9: {  	[sflag:s0] =	ssyncset.done $0x0  }
.Ltmp0:
0xaa: {  	s22 =	sadd.s32 $0x700, s20;
	[sflag:s0] =	ssyncadd.s32 $0xFFFFF000;
	(pc) =	sbr.rel @p0 .LBB2_2-.Ltmp0, $4  }
0xab: {  	[tilespmem:s28], [sflag:$0x1] =	stream.indirect.gather [hbm4b:s9+s15], $0x20, s22, s15, $0xb8;
	[tilespmem:$0x12000] =	vst v63  }
0xac: {  	_ =	swait.ge [sflag:s0], $0x1000  }
0xad: {  	[sflag:s0] =	ssyncset.done $0x0  }
0xae: {  	s20 =	sadd.s32 $0x780, s20;
	[sflag:s0] =	ssyncadd.s32 $0xFFFFF000  }
0xaf: {  	[tilespmem:s30], [sflag:$0x1] =	stream.indirect.gather [hbm4b:s9+s15], $0x20, s20, s15, $0xb8;
	[tilespmem:$0x12000] =	vst v63  }
0xb0: {  	_ =	swait.ge [sflag:s14], $0x1000  }
0xb1: {  	[sflag:s14] =	ssyncset.done $0x0  }
0xb2: {  	s18 =	simm.s32 $0x4C00;
	[sflag:s14] =	ssyncadd.s32 $0xFFFFF000  }
0xb3: {  	[spmem:s2] =	stream.indirect.scatter.add.f32 [tilespmem:s16], [sflag:$0x2], $0x20, s18, s15, $0xb8;
	[tilespmem:$0x12000] =	vst v63  }
0xb4: {  	_ =	swait.ge [sflag:s14], $0x1000  }
0xb5: {  	[sflag:s14] =	ssyncset.done $0x0  }
0xb6: {  	s22 =	simm.s32 $0x4C80;
	[sflag:s14] =	ssyncadd.s32 $0xFFFFF000  }
0xb7: {  	[spmem:s2] =	stream.indirect.scatter.add.f32 [tilespmem:s17], [sflag:$0x2], $0x20, s22, s15, $0xb8;
	[tilespmem:$0x12000] =	vst v63  }
0xb8: {  	_ =	swait.ge [sflag:s14], $0x1000  }
0xb9: {  	[sflag:s14] =	ssyncset.done $0x0  }
0xba: {  	s20 =	simm.s32 $0x4D00;
	[sflag:s14] =	ssyncadd.s32 $0xFFFFF000  }
0xbb: {  	[spmem:s2] =	stream.indirect.scatter.add.f32 [tilespmem:s19], [sflag:$0x2], $0x20, s20, s15, $0xb8;
	[tilespmem:$0x12000] =	vst v63  }
0xbc: {  	_ =	swait.ge [sflag:s14], $0x1000  }
0xbd: {  	[sflag:s14] =	ssyncset.done $0x0  }
0xbe: {  	s22 =	simm.s32 $0x4D80;
	[sflag:s14] =	ssyncadd.s32 $0xFFFFF000  }
0xbf: {  	[spmem:s2] =	stream.indirect.scatter.add.f32 [tilespmem:s21], [sflag:$0x2], $0x20, s22, s15, $0xb8;
	[tilespmem:$0x12000] =	vst v63  }
0xc0: {  	_ =	swait.ge [sflag:s14], $0x1000  }
0xc1: {  	[sflag:s14] =	ssyncset.done $0x0  }
0xc2: {  	s20 =	simm.s32 $0x4E00;
	[sflag:s14] =	ssyncadd.s32 $0xFFFFF000  }
0xc3: {  	[spmem:s2] =	stream.indirect.scatter.add.f32 [tilespmem:s23], [sflag:$0x2], $0x20, s20, s15, $0xb8;
	[tilespmem:$0x12000] =	vst v63  }
0xc4: {  	_ =	swait.ge [sflag:s14], $0x1000  }
0xc5: {  	[sflag:s14] =	ssyncset.done $0x0  }
0xc6: {  	[sflag:s14] =	ssyncadd.s32 $0xFFFFF000  }
0xc7: {  	[spmem:s2] =	stream.indirect.scatter.add.f32 [tilespmem:s25], [sflag:$0x2], $0x20, s24, s15, $0xb8;
	[tilespmem:$0x12000] =	vst v63  }
0xc8: {  	_ =	swait.ge [sflag:s14], $0x1000  }
0xc9: {  	[sflag:s14] =	ssyncset.done $0x0  }
0xca: {  	[sflag:s14] =	ssyncadd.s32 $0xFFFFF000  }
0xcb: {  	[spmem:s2] =	stream.indirect.scatter.add.f32 [tilespmem:s28], [sflag:$0x2], $0x20, s26, s15, $0xb8;
	[tilespmem:$0x12000] =	vst v63  }
0xcc: {  	_ =	swait.ge [sflag:s14], $0x1000  }
0xcd: {  	[sflag:s14] =	ssyncset.done $0x0  }
0xce: {  	[sflag:s14] =	ssyncadd.s32 $0xFFFFF000  }
0xcf: {  	[spmem:s2] =	stream.indirect.scatter.add.f32 [tilespmem:s30], [sflag:$0x2], $0x20, s29, s15, $0xb8;
	[tilespmem:$0x12000] =	vst v63  }
0xd0: {  	_ =	swait.ge [sflag:s0], $0x1000  }
0xd1: {  	[sflag:s0] =	ssyncset.done $0x0  }
0xd2: {  	[sflag:s0] =	ssyncadd.s32 $0xFFFFF000  }
0xd3: {  	_ =	swait.ge [sflag:s0], $0x1000  }
0xd4: {  	[sflag:s0] =	ssyncset.done $0x0  }
0xd5: {  	[sflag:s0] =	ssyncadd.s32 $0xFFFFF000  }
0xd6: {  	_ =	swait.ge [sflag:s0], $0x1000  }
0xd7: {  	[sflag:s0] =	ssyncset.done $0x0  }
0xd8: {  	[sflag:s0] =	ssyncadd.s32 $0xFFFFF000  }
0xd9: {  	_ =	swait.ge [sflag:s0], $0x1000  }
0xda: {  	[sflag:s0] =	ssyncset.done $0x0  }
0xdb: {  	[sflag:s0] =	ssyncadd.s32 $0xFFFFF000  }
0xdc: {  	_ =	swait.ge [sflag:s0], $0x1000  }
0xdd: {  	[sflag:s0] =	ssyncset.done $0x0  }
0xde: {  	[sflag:s0] =	ssyncadd.s32 $0xFFFFF000  }
0xdf: {  	_ =	swait.ge [sflag:s0], $0x1000  }
0xe0: {  	[sflag:s0] =	ssyncset.done $0x0  }
0xe1: {  	[sflag:s0] =	ssyncadd.s32 $0xFFFFF000  }
0xe2: {  	_ =	swait.ge [sflag:s0], $0x1000  }
0xe3: {  	[sflag:s0] =	ssyncset.done $0x0  }
0xe4: {  	[sflag:s0] =	ssyncadd.s32 $0xFFFFF000  }
0xe5: {  	_ =	swait.ge [sflag:s0], $0x1000  }
0xe6: {  	s13 =	sadd.s32 $0x1, s13;
	[sflag:s0] =	ssyncset.done $0x0  }
0xe7: {  	p0 =	sne.s32 s13, s11;
	[sflag:s0] =	ssyncadd.s32 $0xFFFFF000  }
.Ltmp1:
0xe8: {  	s22 =	sor.u32 $0x1C04, s5;
	[bflag:$0x0] =	sbarrier.arrive $0xFFFF;
	(pc) =	sbr.rel @p0 .LBB2_1-.Ltmp1, $4  }
0xe9: {  	[hbm:s10], [sflag:s22] =	dma.local [spmem:s12], $0xA00  }
0xea: {  	_ =	swait.ge [sflag:s1], $0xA00  }
0xeb: {  	[sflag:s1] =	ssyncset.done $0x0  }
0xec: {  	[sflag:s1] =	ssyncadd.s32 $0xFFFFF600  }
0xed: {  	_ =	sfence.sel $0x180000  }
0xee: {  	[bflag:$0x0] =	sbarrier.arrive $0xFFFF  }
0xef: {  	_ =	strace $0x9000004A  }
0xf0: {  	s0 =	stileid.u32;
	[bflag:$0x2] =	sbarrier.arrive $0xFFFF  }
0xf1: {  	p0 =	sne.s32 s0, $0x0;
	s0 =	rddreg [dreg:$0x2]  }
0xf2: {  	s0 =	sadd.s32 @!p0 $0x100000, s0  }
0xf3: {  	[sflag:s0] =	ssyncadd.tile.s32 @!p0 $0x1;
	_ =	shalt  }
.Lfunc_end2:
_tile_overlayer_lowered:
.L_overlay_start_2:
0xf4: {  	(tag) =	ssettag $0x2  }
0xf5: {  	s0 =	rddreg [dreg:$0x0];
	s2 =	stileid.u32  }
0xf6: {  	s1 =	rddreg [dreg:$0x1];
	p0 =	sne.s32 s2, $0x0  }
0xf7: {  	s3 =	rddreg [dreg:$0x2];
	[bflag:$0x3] =	sbarrier.arrive $0xFFFF;
	s2 =	simm.s32 @!p0 $0x1C04  }
0xf8: {  	[timem:s3], [sflag:s2] =	dma.local @!p0 [hbm:s0], s1  }
0xf9: {  	s0 =	simm.s32 @!p0 $0x4  }
0xfa: {  	_ =	swait.ge @!p0 [sflag:s0], s1  }
0xfb: {  	s1 =	ssub.s32 @!p0 $0x0, s1;
	[sflag:s0] =	ssyncset.done @!p0 $0x0  }
0xfc: {  	[sflag:s0] =	ssyncadd.s32 @!p0 s1  }
0xfd: {  	[bflag:$0x3] =	sbarrier.arrive $0xFFFF  }
0xfe: {  	_ =	shalt  }

// kernel: kernel.14.cloned.1.call-start
scs
__scs_entry_jumppad:
0x0: {  	(pc) =	sbr.rel $0x88, $3  }
0x1: {  	(tag) =	ssettag $0x0;
	lr =	simm.s32 $0x1  }
0x2: {  	[smem:$0x3F98] =	sst lr;
	_ =	strace $0xD0000000  }
0x3: {  	_ = 	snop  }
0x4: {  	_ = 	snop  }
0x5: {  	_ = 	snop  }
0x6: {  	_ = 	snop  }
0x7: {  	_ = 	snop  }
__scs_overlays_trampoline_lowered:
0x8: {  	[smem:$0x3FA7] =	sst s0  }
0x9: {  	[smem:$0x3FA8] =	sst s1  }
0xa: {  	[smem:$0x3FA9] =	sst s2  }
0xb: {  	[smem:$0x3FAA] =	sst s3  }
0xc: {  	[smem:$0x3FAB] =	sst s4  }
0xd: {  	[smem:$0x3FAC] =	sst s5  }
0xe: {  	[smem:$0x3FAD] =	sst s6  }
0xf: {  	[smem:$0x3FAE] =	sst s7  }
0x10: {  	[smem:$0x3FAF] =	sst s8  }
0x11: {  	[smem:$0x3FB0] =	sst s9;
	s0 =	simm.s32 @!p0 $0x0  }
0x12: {  	s1 =	sld [smem:$0x3F96];
	s0 =	simm.s32 @p0 $0x1  }
0x13: {  	[smem:$0x3FB1] =	sst s0;
	s0 =	simm.s32 @!p1 $0x0  }
0x14: {  	s2 =	sld [smem:$0x3F95];
	s0 =	simm.s32 @p1 $0x1  }
0x15: {  	[smem:$0x3FB2] =	sst s0;
	s0 =	simm.s32 @!p2 $0x0  }
0x16: {  	s3 =	sld [smem:$0x3FDB];
	s0 =	simm.s32 @p2 $0x1  }
0x17: {  	s4 =	simm.s32 $0x1BF5;
	[smem:$0x3FB4] =	sst s0  }
0x18: {  	s0 =	sld [smem:$0x3F97];
	_ =	swait.ge [sflag:s4], $0x0  }
0x19: {  	s7 =	sld [smem:$0x3F98]  }
0x1a: {  	s8 =	sadd.s32 $0xFFFFE003, lr  }
0x1b: {  	s9 =	sadd.s32 $0xFFFFFEF7, lr;
	s5 =	simm.s32 $0xFFFFFFFF;
	p2 =	slt.u32 s8, $0xFFFFF086  }
0x1c: {  	p1 =	slt.u32 s9, $0xF7A;
	s5 =	simm.s32 @!p2 $0x0  }
0x1d: {  	s5 =	simm.s32 @p1 $0x1;
	p0 =	seq.s32 s7, s2  }
0x1e: {  	s7 =	smul.u32 @!p0 $0xF7A, s2;
	p2 =	seq.s32 @!p0 s5, $0x0  }
0x1f: {  	s9 =	smul.u32 $0xF7A, s1;
	s8 =	simm.s32 @!p0 $0x1BF5;
	p2 =	por !p2, p0  }
0x20: {  	[sflag:s8] =	ssyncset.s32 @!p0 $0xFFFFF086;
	s6 =	sadd.s32 @!p0 s3, s7;
	s7 =	simm.s32 @!p0 $0x108  }
0x21: {  	s3 =	sadd.s32 s3, s9;
	s6 =	sadd.s32 @!p0 $0x88, s6;
	s7 =	simm.s32 @p2 $0x1082  }
0x22: {  	[simem:s7], [sflag:s8] =	dma.local @!p0 [hbm:s6], $0xF7A  }
0x23: {  	s9 =	sor.u32 $0xD0000000, s2;
	s6 =	simm.s32 $0x108;
	_ =	swait.ge @!p0 [sflag:s8], $0x0  }
0x24: {  	s3 =	sadd.s32 $0x88, s3;
	s6 =	simm.s32 @!p1 $0x1082;
	[sflag:s4] =	ssyncset.s32 $0xFFFFF086  }
0x25: {  	[simem:s6], [sflag:s4] =	dma.local [hbm:s3], $0xF7A  }
0x26: {  	[smem:$0x3F98] =	sst s1;
	(tag) =	ssettag s2;
	_ =	strace s9  }
0x27: {  	s1 =	sld [smem:$0x3FA8]  }
0x28: {  	s2 =	sld [smem:$0x3FA9]  }
0x29: {  	s4 =	sld [smem:$0x3FAB]  }
0x2a: {  	p0 =	seq.s32 s5, $0x0;
	s5 =	sld [smem:$0x3FAC]  }
0x2b: {  	s6 =	sld [smem:$0x3FAD]  }
0x2c: {  	s7 =	sld [smem:$0x3FAE]  }
0x2d: {  	s3 =	simm.s32 $0x108;
	s8 =	sld [smem:$0x3FAF]  }
0x2e: {  	s3 =	simm.s32 @!p0 $0x1082;
	s9 =	sld [smem:$0x3FB0]  }
0x2f: {  	lr =	sadd.s32 s0, s3;
	s0 =	sld [smem:$0x3FA7]  }
0x30: {  	s3 =	sld [smem:$0x3FAA]  }
0x31: {  	[smem:$0x3FB3] =	sst s10  }
0x32: {  	s10 =	sld [smem:$0x3FB1];
	_ =	sdelay $0x3  }
0x33: {  	p0 =	seq.s32 s10, $0x1;
	s10 =	sld [smem:$0x3FB3];
	_ =	sdelay $0x3  }
0x34: {  	[smem:$0x3FB3] =	sst s10  }
0x35: {  	s10 =	sld [smem:$0x3FB2];
	_ =	sdelay $0x3  }
0x36: {  	p1 =	seq.s32 s10, $0x1;
	s10 =	sld [smem:$0x3FB3];
	_ =	sdelay $0x3  }
0x37: {  	[smem:$0x3FB3] =	sst s10  }
0x38: {  	s10 =	sld [smem:$0x3FB4]  }
0x39: {  	_ = 	snop;
	(pc) =	sbr.ind lr, $3  }
0x3a: {  	_ = 	snop  }
0x3b: {  	_ = 	snop  }
0x3c: {  	p2 =	seq.s32 s10, $0x1;
	s10 =	sld [smem:$0x3FB3]  }
0x3d: {  	_ =	shalt  }
0x3e: {  	_ =	shalt  }
0x3f: {  	_ =	shalt  }
0x40: {  	_ =	shalt  }
0x41: {  	_ =	shalt  }
0x42: {  	_ =	shalt  }
0x43: {  	_ =	shalt  }
0x44: {  	_ =	shalt  }
0x45: {  	_ =	shalt  }
0x46: {  	_ =	shalt  }
0x47: {  	_ =	shalt  }
0x48: {  	_ =	shalt  }
0x49: {  	_ =	shalt  }
0x4a: {  	_ =	shalt  }
0x4b: {  	_ =	shalt  }
0x4c: {  	_ =	shalt  }
0x4d: {  	_ =	shalt  }
0x4e: {  	_ =	shalt  }
0x4f: {  	_ =	shalt  }
0x50: {  	_ =	shalt  }
0x51: {  	_ =	shalt  }
0x52: {  	_ =	shalt  }
0x53: {  	_ =	shalt  }
0x54: {  	_ =	shalt  }
0x55: {  	_ =	shalt  }
0x56: {  	_ =	shalt  }
0x57: {  	_ =	shalt  }
0x58: {  	_ =	shalt  }
0x59: {  	_ =	shalt  }
0x5a: {  	_ =	shalt  }
0x5b: {  	_ =	shalt  }
0x5c: {  	_ =	shalt  }
0x5d: {  	_ =	shalt  }
0x5e: {  	_ =	shalt  }
0x5f: {  	_ =	shalt  }
0x60: {  	_ =	shalt  }
0x61: {  	_ =	shalt  }
0x62: {  	_ =	shalt  }
0x63: {  	_ =	shalt  }
0x64: {  	_ =	shalt  }
0x65: {  	_ =	shalt  }
0x66: {  	_ =	shalt  }
0x67: {  	_ =	shalt  }
0x68: {  	_ =	shalt  }
0x69: {  	_ =	shalt  }
0x6a: {  	_ =	shalt  }
0x6b: {  	_ =	shalt  }
0x6c: {  	_ =	shalt  }
0x6d: {  	_ =	shalt  }
0x6e: {  	_ =	shalt  }
0x6f: {  	_ =	shalt  }
0x70: {  	_ =	shalt  }
0x71: {  	_ =	shalt  }
0x72: {  	_ =	shalt  }
0x73: {  	_ =	shalt  }
0x74: {  	_ =	shalt  }
0x75: {  	_ =	shalt  }
0x76: {  	_ =	shalt  }
0x77: {  	_ =	shalt  }
0x78: {  	_ =	shalt  }
0x79: {  	_ =	shalt  }
0x7a: {  	_ =	shalt  }
0x7b: {  	_ =	shalt  }
0x7c: {  	_ =	shalt  }
0x7d: {  	_ =	shalt  }
0x7e: {  	_ =	shalt  }
0x7f: {  	_ =	shalt  }
0x80: {  	_ =	shalt  }
0x81: {  	_ =	shalt  }
0x82: {  	_ =	shalt  }
0x83: {  	_ =	shalt  }
0x84: {  	_ =	shalt  }
0x85: {  	_ =	shalt  }
0x86: {  	_ =	shalt  }
0x87: {  	_ =	shalt  }
.Lfunc_end0:
.L_simem_size_0:
called_computation.2_lowered:
.L_overlay_start_0:
0x88: {  	s2 =	sld [smem:$0x3FD9]  }
0x89: {  	s3 =	sld [smem:$0x3FFE];
	_ =	sdelay $0x1  }
0x8a: {  	s1 =	srdreg.scid  }
0x8b: {  	s0 =	sand.u32 $0x1, s1  }
0x8c: {  	s16 =	sshll.u32 s0, $0xA;
	s2 =	sadd.s32 s3, s2  }
0x8d: {  	s2 =	sadd.s32 s2, s16  }
0x8e: {  	[smem:$0x3FBF] =	sst s2  }
0x8f: {  	_ = 	snop  }
0x90: {  	(tm) =	ssettm $0x1  }
0x91: {  	s17 =	sld [smem:$0x3FFB];
	_ =	sdelay $0x3  }
0x92: {  	_ =	strace s17  }
0x93: {  	s2 =	sld [smem:$0x3FFC];
	_ =	sdelay $0x3  }
0x94: {  	_ =	strace s2  }
0x95: {  	s2 =	sld [smem:$0x3FFD];
	_ =	sdelay $0x3  }
0x96: {  	_ =	strace s2  }
0x97: {  	_ =	strace $0x8FFFFFFF  }
0x98: {  	s18 =	sld [smem:$0x3FDB];
	_ =	sdelay $0x1  }
0x99: {  	s19 =	simm.s32 $_scs_section_size  }
0x9a: {  	s4 =	simm.s32 $_size__tile_overlayer_lowered;
	s5 =	simm.s32 $_tile_overlayer_lowered  }
0x9b: {  	s22 =	simm.s32 $0x1BFF;
	s21 =	sshll.u32 s5, $0x1;
	s2 =	sadd.s32 s19, s18  }
0x9c: {  	s6 =	simm.s32 $0x0;
	s20 =	sshll.u32 s4, $0x1;
	s4 =	sadd.s32 s21, s2  }
0x9d: {  	[timem:s6], [sflag:s22] =	dma.local [hbm:s4], s20  }
0x9e: {  	_ =	swait.ge [sflag:s22], s20  }
0x9f: {  	s3 =	ssub.s32 $0x0, s20;
	[sflag:s22] =	ssyncset.done $0x0  }
0xa0: {  	[sflag:s22] =	ssyncadd.s32 s3;
	_ =	sdelay $0x1  }
0xa1: {  	s23 =	simm.s32 $0x1B8B  }
0xa2: {  	_ =	swait.ge [sflag:s23], $0x1  }
0xa3: {  	[sflag:s23] =	ssyncset.done $0x0  }
0xa4: {  	s25 =	simm.s32 $0x1B8E;
	s24 =	sld [smem:$0x3FFE];
	[sflag:s23] =	ssyncadd.s32 $0xFFFFFFFF  }
0xa5: {  	s26 =	simm.s32 $execute0_lowered;
	[smem:$0x3FD2] =	sst s25  }
0xa6: {  	s4 =	sshll.u32 s26, $0x1;
	_ =	strace $0x8000004C;
	[dreg:$0x1] =	wrdreg $0xFFFFFFFF  }
0xa7: {  	s28 =	simm.s32 $_size_execute0_lowered;
	s2 =	sadd.s32 s2, s4;
	[dreg:$0x0] =	wrdreg $0x0  }
0xa8: {  	s4 =	sshll.u32 s28, $0x1;
	[dreg:$0x2] =	wrdreg s2  }
0xa9: {  	[dreg:$0x3] =	wrdreg s4  }
0xaa: {  	[dreg:$0x4] =	wrdreg $0xC0  }
0xab: {  	_ =	task [dreg:s6], $0x5FFFF  }
0xac: {  	[dreg:$0x1] =	wrdreg $0xFFFFFFFF  }
0xad: {  	[dreg:$0x0] =	wrdreg $0x60  }
0xae: {  	[dreg:$0x2] =	wrdreg s24  }
0xaf: {  	[dreg:$0x3] =	wrdreg $0xF0000  }
0xb0: {  	[dreg:$0x4] =	wrdreg $0x9  }
0xb1: {  	_ =	task.clear_ibuf [dreg:s6], $0x5FFFF;
	_ =	strace $0x9000004C  }
0xb2: {  	s29 =	simm.s32 $0x9;
	_ =	strace $0x8000004E  }
0xb3: {  	_ =	swait.ge [sflag:s29], $0x1  }
0xb4: {  	[sflag:s29] =	ssyncadd.s32 $0xFFFFFFFF  }
0xb5: {  	_ =	strace $0x9000004E  }
0xb6: {  	_ =	sfence  }
0xb7: {  	s30 =	sld [smem:$0x0];
	_ =	sdelay $0x2  }
0xb8: {  	s31 =	sshll.u32 s1, $0xD;
	s1 =	sshrl.u32 s1, $0x2  }
0xb9: {  	s3 =	sand.u32 $0x4000, s31;
	s1 =	sadd.s32 s1, s30  }
0xba: {  	s0 =	sor.u32 s3, s0;
	s1 =	sshll.u32 s1, $0x11  }
0xbb: {  	s0 =	sor.u32 s1, s0  }
0xbc: {  	s0 =	sadd.s32 $0x8F2B, s0  }
0xbd: {  	[sflag:s0] =	ssyncadd.remote.s32 $0x1  }
0xbe: {  	_ =	sfence.sel $0xFFFF  }
0xbf: {  	[dreg:$0x0] =	wrdreg $0xFFFFFFFF;
	(pc) =	sbr.abs _section_cstart, $3  }
0xc0: {  	[dreg:$0x1] =	wrdreg $0xFFFFFFFF  }
0xc1: {  	_ =	task.clear_ibuf [dreg:s6], $0x2FFFF;
	_ =	strace $0x9FFFFFFF  }
0xc2: {  	(tm) =	ssettm $0x7FFFFFFF  }
0xc3: {  	_ =	shalt  }
tec
execute0_lowered:
.L_overlay_start_1:
0x0: {  	(tag) =	ssettag $0x1  }
0x1: {  	s0 =	rddreg [dreg:$0x0];
	s1 =	srdreg.scid  }
0x2: {  	s2 =	rddreg [dreg:$0x1];
	s10 =	stileid.u32  }
0x3: {  	s3 =	simm.s32 $0x0;
	s14 =	simm.s32 $0x1;
	s15 =	simm.s32 $0x80  }
0x4: {  	s16 =	simm.s32 $0x5000;
	s17 =	simm.s32 $0x7000;
	s19 =	simm.s32 $0x9000  }
0x5: {  	s21 =	simm.s32 $0xB000;
	s22 =	simm.s32 $0x200;
	s23 =	simm.s32 $0xD000  }
0x6: {  	s24 =	simm.s32 $0x3;
	s28 =	simm.s32 $0x4E00;
	s29 =	simm.s32 $0x4E80  }
0x7: {  	s30 =	simm.s32 $0x4F00;
	s31 =	simm.s32 $0x4F80;
	s5 =	smul.u32 $0x500, s10  }
0x8: {  	s1 =	sand.u32 $0x1, s1;
	[smem:$0x7FF] =	sst s3;
	s7 =	smul.u32 $0xA000, s10  }
0x9: {  	s4 =	smul.u32 $0xA0000, s1;
	_ =	strace $0x8000004D;
	s1 =	ssub.s32 $0x2, s1  }
0xa: {  	s8 =	sadd.s32 s5, s0;
	s25 =	sshrl.u32 s7, $0x3;
	s26 =	sshrl.u32 s1, $0x1  }
0xb: {  	s12 =	sadd.s32 s7, s2;
	s6 =	sshrl.u32 s4, $0x3;
	s4 =	sadd.s32 s7, s4  }
0xc: {  	s5 =	sadd.s32 s25, s0;
	s1 =	ssub.s32 s1, s26;
	s7 =	sadd.s32 $0x66E00, s8  }
0xd: {  	s8 =	sadd.s32 $0x2E00, s8;
	s12 =	sshrl.u32 s12, $0x3;
	s25 =	simm.s32 $0x2  }
0xe: {  	s26 =	simm.s32 $0x4D80;
	s9 =	sadd.s32 s6, s0;
	s4 =	sshrl.u32 s4, $0x3  }
0xf: {  	s11 =	smax.u32 s1, $0x1;
	s1 =	simm.s32 $0x0;
	s0 =	sadd.s32 s4, s0  }
0x10: {  	s4 =	sadd.s32 $0xE3E00, s5;
	s5 =	sshll.u32 s10, $0x6;
	s9 =	sadd.s32 $0xBBE00, s9  }
0x11: {  	s6 =	sor.u32 $0x1C03, s5;
	s10 =	sadd.s32 $0xF7E00, s0;
	s0 =	simm.s32 $0x4  }
.LBB2_1:
0x12: {  	[spmem:s12], [sflag:s6] =	dma.local [hbm:s4], $0x1400  }
0x13: {  	[tilespmem:s3], [sflag:$0x1] =	stream.linear.gather [hbm4b:s7+s3], $0x2800, $0x38;
	[tilespmem:$0x19000] =	vst v63  }
0x14: {  	s13 =	simm.s32 $0x2800  }
0x15: {  	[tilespmem:s13], [sflag:$0x1] =	stream.linear.gather [hbm4b:s8+s3], $0x2800, $0x38;
	[tilespmem:$0x19000] =	vst v63  }
0x16: {  	_ =	swait.ge [sflag:s14], $0x2800  }
0x17: {  	[sflag:s14] =	ssyncset.done $0x0  }
0x18: {  	[sflag:s14] =	ssyncadd.s32 $0xFFFFD800  }
0x19: {  	_ =	swait.ge [sflag:s14], $0x2800  }
0x1a: {  	[sflag:s14] =	ssyncset.done $0x0  }
0x1b: {  	[sflag:s14] =	ssyncadd.s32 $0xFFFFD800  }
0x1c: {  	[tilespmem:s16], [sflag:$0x1] =	stream.indirect.gather [hbm4b:s9+s15], $0x40, s3, s15, $0xb8;
	[tilespmem:$0x19000] =	vst v63  }
0x1d: {  	_ = 	snop  }
0x1e: {  	[tilespmem:s17], [sflag:$0x1] =	stream.indirect.gather [hbm4b:s9+s15], $0x40, s15, s15, $0xb8;
	[tilespmem:$0x19000] =	vst v63  }
0x1f: {  	s20 =	simm.s32 $0x100  }
0x20: {  	[tilespmem:s19], [sflag:$0x1] =	stream.indirect.gather [hbm4b:s9+s15], $0x40, s20, s15, $0xb8;
	[tilespmem:$0x19000] =	vst v63  }
0x21: {  	s18 =	simm.s32 $0x180  }
0x22: {  	[tilespmem:s21], [sflag:$0x1] =	stream.indirect.gather [hbm4b:s9+s15], $0x40, s18, s15, $0xb8;
	[tilespmem:$0x19000] =	vst v63  }
0x23: {  	_ = 	snop  }
0x24: {  	[tilespmem:s23], [sflag:$0x1] =	stream.indirect.gather [hbm4b:s9+s15], $0x40, s22, s15, $0xb8;
	[tilespmem:$0x19000] =	vst v63  }
0x25: {  	_ =	swait.ge [sflag:s24], $0x1400  }
0x26: {  	[sflag:s24] =	ssyncset.done $0x0  }
0x27: {  	[sflag:s24] =	ssyncadd.s32 $0xFFFFEC00  }
0x28: {  	[bflag:$0x0] =	sbarrier.arrive $0xFFFF  }
0x29: {  	_ =	swait.ge [sflag:s14], $0x2000  }
0x2a: {  	[sflag:s14] =	ssyncset.done $0x0  }
0x2b: {  	s20 =	simm.s32 $0x2800;
	[sflag:s14] =	ssyncadd.s32 $0xFFFFE000  }
0x2c: {  	[spmem:s2] =	stream.indirect.scatter.add.f32 [tilespmem:s16], [sflag:$0x2], $0x40, s20, s15, $0xb8;
	[tilespmem:$0x19000] =	vst v63  }
0x2d: {  	_ =	swait.ge [sflag:s14], $0x2000  }
0x2e: {  	[sflag:s14] =	ssyncset.done $0x0  }
0x2f: {  	s18 =	simm.s32 $0x2880;
	[sflag:s14] =	ssyncadd.s32 $0xFFFFE000  }
0x30: {  	[spmem:s2] =	stream.indirect.scatter.add.f32 [tilespmem:s17], [sflag:$0x2], $0x40, s18, s15, $0xb8;
	[tilespmem:$0x19000] =	vst v63  }
0x31: {  	_ =	swait.ge [sflag:s14], $0x2000  }
0x32: {  	[sflag:s14] =	ssyncset.done $0x0  }
0x33: {  	s20 =	simm.s32 $0x2900;
	[sflag:s14] =	ssyncadd.s32 $0xFFFFE000  }
0x34: {  	[spmem:s2] =	stream.indirect.scatter.add.f32 [tilespmem:s19], [sflag:$0x2], $0x40, s20, s15, $0xb8;
	[tilespmem:$0x19000] =	vst v63  }
0x35: {  	_ =	swait.ge [sflag:s14], $0x2000  }
0x36: {  	[sflag:s14] =	ssyncset.done $0x0  }
0x37: {  	s18 =	simm.s32 $0x2980;
	[sflag:s14] =	ssyncadd.s32 $0xFFFFE000  }
0x38: {  	[spmem:s2] =	stream.indirect.scatter.add.f32 [tilespmem:s21], [sflag:$0x2], $0x40, s18, s15, $0xb8;
	[tilespmem:$0x19000] =	vst v63  }
0x39: {  	_ =	swait.ge [sflag:s14], $0x2000  }
0x3a: {  	[sflag:s14] =	ssyncset.done $0x0  }
0x3b: {  	s20 =	simm.s32 $0x2A00;
	[sflag:s14] =	ssyncadd.s32 $0xFFFFE000  }
0x3c: {  	[spmem:s2] =	stream.indirect.scatter.add.f32 [tilespmem:s23], [sflag:$0x2], $0x40, s20, s15, $0xb8;
	[tilespmem:$0x19000] =	vst v63  }
0x3d: {  	_ =	swait.ge [sflag:s25], $0x2000  }
0x3e: {  	[sflag:s25] =	ssyncset.done $0x0  }
0x3f: {  	s18 =	simm.s32 $0x280;
	[sflag:s25] =	ssyncadd.s32 $0xFFFFE000  }
0x40: {  	[tilespmem:s16], [sflag:$0x1] =	stream.indirect.gather [hbm4b:s9+s15], $0x40, s18, s15, $0xb8;
	[tilespmem:$0x19000] =	vst v63  }
0x41: {  	_ =	swait.ge [sflag:s25], $0x2000  }
0x42: {  	[sflag:s25] =	ssyncset.done $0x0  }
0x43: {  	s20 =	simm.s32 $0x300;
	[sflag:s25] =	ssyncadd.s32 $0xFFFFE000  }
0x44: {  	[tilespmem:s17], [sflag:$0x1] =	stream.indirect.gather [hbm4b:s9+s15], $0x40, s20, s15, $0xb8;
	[tilespmem:$0x19000] =	vst v63  }
0x45: {  	_ =	swait.ge [sflag:s25], $0x2000  }
0x46: {  	[sflag:s25] =	ssyncset.done $0x0  }
0x47: {  	s18 =	simm.s32 $0x380;
	[sflag:s25] =	ssyncadd.s32 $0xFFFFE000  }
0x48: {  	[tilespmem:s19], [sflag:$0x1] =	stream.indirect.gather [hbm4b:s9+s15], $0x40, s18, s15, $0xb8;
	[tilespmem:$0x19000] =	vst v63  }
0x49: {  	_ =	swait.ge [sflag:s25], $0x2000  }
0x4a: {  	[sflag:s25] =	ssyncset.done $0x0  }
0x4b: {  	s20 =	simm.s32 $0x400;
	[sflag:s25] =	ssyncadd.s32 $0xFFFFE000  }
0x4c: {  	[tilespmem:s21], [sflag:$0x1] =	stream.indirect.gather [hbm4b:s9+s15], $0x40, s20, s15, $0xb8;
	[tilespmem:$0x19000] =	vst v63  }
0x4d: {  	_ =	swait.ge [sflag:s25], $0x2000  }
0x4e: {  	[sflag:s25] =	ssyncset.done $0x0  }
0x4f: {  	s13 =	simm.s32 $0xA00;
	s18 =	simm.s32 $0x480;
	[sflag:s25] =	ssyncadd.s32 $0xFFFFE000  }
.LBB2_2:
0x50: {  	[tilespmem:s23], [sflag:$0x1] =	stream.indirect.gather [hbm4b:s9+s15], $0x40, s18, s15, $0xb8;
	[tilespmem:$0x19000] =	vst v63  }
0x51: {  	s18 =	smov.u32 s13  }
0x52: {  	p0 =	sne.s32 s13, $0x8C00;
	s13 =	sadd.s32 $0xA00, s13;
	_ =	swait.ge [sflag:s14], $0x2000  }
0x53: {  	s18 =	sshra.s32 s18, $0x2;
	[sflag:s14] =	ssyncset.done $0x0  }
0x54: {  	s20 =	sadd.s32 $0x2800, s18;
	[sflag:s14] =	ssyncadd.s32 $0xFFFFE000  }
0x55: {  	[spmem:s2] =	stream.indirect.scatter.add.f32 [tilespmem:s16], [sflag:$0x2], $0x40, s20, s15, $0xb8;
	[tilespmem:$0x19000] =	vst v63  }
0x56: {  	_ =	swait.ge [sflag:s14], $0x2000  }
0x57: {  	[sflag:s14] =	ssyncset.done $0x0  }
0x58: {  	s20 =	sadd.s32 $0x2880, s18;
	[sflag:s14] =	ssyncadd.s32 $0xFFFFE000  }
0x59: {  	[spmem:s2] =	stream.indirect.scatter.add.f32 [tilespmem:s17], [sflag:$0x2], $0x40, s20, s15, $0xb8;
	[tilespmem:$0x19000] =	vst v63  }
0x5a: {  	_ =	swait.ge [sflag:s14], $0x2000  }
0x5b: {  	[sflag:s14] =	ssyncset.done $0x0  }
0x5c: {  	s20 =	sadd.s32 $0x2900, s18;
	[sflag:s14] =	ssyncadd.s32 $0xFFFFE000  }
0x5d: {  	[spmem:s2] =	stream.indirect.scatter.add.f32 [tilespmem:s19], [sflag:$0x2], $0x40, s20, s15, $0xb8;
	[tilespmem:$0x19000] =	vst v63  }
0x5e: {  	_ =	swait.ge [sflag:s14], $0x2000  }
0x5f: {  	[sflag:s14] =	ssyncset.done $0x0  }
0x60: {  	s20 =	sadd.s32 $0x2980, s18;
	[sflag:s14] =	ssyncadd.s32 $0xFFFFE000  }
0x61: {  	[spmem:s2] =	stream.indirect.scatter.add.f32 [tilespmem:s21], [sflag:$0x2], $0x40, s20, s15, $0xb8;
	[tilespmem:$0x19000] =	vst v63  }
0x62: {  	_ =	swait.ge [sflag:s14], $0x2000  }
0x63: {  	[sflag:s14] =	ssyncset.done $0x0  }
0x64: {  	s20 =	sadd.s32 $0x2A00, s18;
	[sflag:s14] =	ssyncadd.s32 $0xFFFFE000  }
0x65: {  	[spmem:s2] =	stream.indirect.scatter.add.f32 [tilespmem:s23], [sflag:$0x2], $0x40, s20, s15, $0xb8;
	[tilespmem:$0x19000] =	vst v63  }
0x66: {  	_ =	swait.ge [sflag:s25], $0x2000  }
0x67: {  	[sflag:s25] =	ssyncset.done $0x0  }
0x68: {  	s20 =	sadd.s32 $0x280, s18;
	[sflag:s25] =	ssyncadd.s32 $0xFFFFE000  }
0x69: {  	[tilespmem:s16], [sflag:$0x1] =	stream.indirect.gather [hbm4b:s9+s15], $0x40, s20, s15, $0xb8;
	[tilespmem:$0x19000] =	vst v63  }
0x6a: {  	_ =	swait.ge [sflag:s25], $0x2000  }
0x6b: {  	[sflag:s25] =	ssyncset.done $0x0  }
0x6c: {  	s20 =	sadd.s32 $0x300, s18;
	[sflag:s25] =	ssyncadd.s32 $0xFFFFE000  }
0x6d: {  	[tilespmem:s17], [sflag:$0x1] =	stream.indirect.gather [hbm4b:s9+s15], $0x40, s20, s15, $0xb8;
	[tilespmem:$0x19000] =	vst v63  }
0x6e: {  	_ =	swait.ge [sflag:s25], $0x2000  }
0x6f: {  	[sflag:s25] =	ssyncset.done $0x0  }
0x70: {  	s20 =	sadd.s32 $0x380, s18;
	[sflag:s25] =	ssyncadd.s32 $0xFFFFE000  }
0x71: {  	[tilespmem:s19], [sflag:$0x1] =	stream.indirect.gather [hbm4b:s9+s15], $0x40, s20, s15, $0xb8;
	[tilespmem:$0x19000] =	vst v63  }
0x72: {  	_ =	swait.ge [sflag:s25], $0x2000  }
0x73: {  	[sflag:s25] =	ssyncset.done $0x0  }
.Ltmp0:
0x74: {  	s20 =	sadd.s32 $0x400, s18;
	[sflag:s25] =	ssyncadd.s32 $0xFFFFE000;
	(pc) =	sbr.rel @p0 .LBB2_2-.Ltmp0, $4  }
0x75: {  	[tilespmem:s21], [sflag:$0x1] =	stream.indirect.gather [hbm4b:s9+s15], $0x40, s20, s15, $0xb8;
	[tilespmem:$0x19000] =	vst v63  }
0x76: {  	_ =	swait.ge [sflag:s25], $0x2000  }
0x77: {  	[sflag:s25] =	ssyncset.done $0x0  }
0x78: {  	s18 =	sadd.s32 $0x480, s18;
	[sflag:s25] =	ssyncadd.s32 $0xFFFFE000  }
0x79: {  	[tilespmem:s23], [sflag:$0x1] =	stream.indirect.gather [hbm4b:s9+s15], $0x40, s18, s15, $0xb8;
	[tilespmem:$0x19000] =	vst v63  }
0x7a: {  	_ =	swait.ge [sflag:s14], $0x2000  }
0x7b: {  	[sflag:s14] =	ssyncset.done $0x0  }
0x7c: {  	[sflag:s14] =	ssyncadd.s32 $0xFFFFE000  }
0x7d: {  	[spmem:s2] =	stream.indirect.scatter.add.f32 [tilespmem:s16], [sflag:$0x2], $0x40, s26, s15, $0xb8;
	[tilespmem:$0x19000] =	vst v63  }
0x7e: {  	_ =	swait.ge [sflag:s14], $0x2000  }
0x7f: {  	[sflag:s14] =	ssyncset.done $0x0  }
0x80: {  	[sflag:s14] =	ssyncadd.s32 $0xFFFFE000  }
0x81: {  	[spmem:s2] =	stream.indirect.scatter.add.f32 [tilespmem:s17], [sflag:$0x2], $0x40, s28, s15, $0xb8;
	[tilespmem:$0x19000] =	vst v63  }
0x82: {  	_ =	swait.ge [sflag:s14], $0x2000  }
0x83: {  	[sflag:s14] =	ssyncset.done $0x0  }
0x84: {  	[sflag:s14] =	ssyncadd.s32 $0xFFFFE000  }
0x85: {  	[spmem:s2] =	stream.indirect.scatter.add.f32 [tilespmem:s19], [sflag:$0x2], $0x40, s29, s15, $0xb8;
	[tilespmem:$0x19000] =	vst v63  }
0x86: {  	_ =	swait.ge [sflag:s14], $0x2000  }
0x87: {  	[sflag:s14] =	ssyncset.done $0x0  }
0x88: {  	[sflag:s14] =	ssyncadd.s32 $0xFFFFE000  }
0x89: {  	[spmem:s2] =	stream.indirect.scatter.add.f32 [tilespmem:s21], [sflag:$0x2], $0x40, s30, s15, $0xb8;
	[tilespmem:$0x19000] =	vst v63  }
0x8a: {  	_ =	swait.ge [sflag:s14], $0x2000  }
0x8b: {  	[sflag:s14] =	ssyncset.done $0x0  }
0x8c: {  	[sflag:s14] =	ssyncadd.s32 $0xFFFFE000  }
0x8d: {  	[spmem:s2] =	stream.indirect.scatter.add.f32 [tilespmem:s23], [sflag:$0x2], $0x40, s31, s15, $0xb8;
	[tilespmem:$0x19000] =	vst v63  }
0x8e: {  	_ =	swait.ge [sflag:s25], $0x2000  }
0x8f: {  	[sflag:s25] =	ssyncset.done $0x0  }
0x90: {  	[sflag:s25] =	ssyncadd.s32 $0xFFFFE000  }
0x91: {  	_ =	swait.ge [sflag:s25], $0x2000  }
0x92: {  	[sflag:s25] =	ssyncset.done $0x0  }
0x93: {  	[sflag:s25] =	ssyncadd.s32 $0xFFFFE000  }
0x94: {  	_ =	swait.ge [sflag:s25], $0x2000  }
0x95: {  	[sflag:s25] =	ssyncset.done $0x0  }
0x96: {  	[sflag:s25] =	ssyncadd.s32 $0xFFFFE000  }
0x97: {  	_ =	swait.ge [sflag:s25], $0x2000  }
0x98: {  	[sflag:s25] =	ssyncset.done $0x0  }
0x99: {  	[sflag:s25] =	ssyncadd.s32 $0xFFFFE000  }
0x9a: {  	_ =	swait.ge [sflag:s25], $0x2000  }
0x9b: {  	s1 =	sadd.s32 $0x1, s1;
	[sflag:s25] =	ssyncset.done $0x0  }
0x9c: {  	p0 =	sne.s32 s1, s11;
	[sflag:s25] =	ssyncadd.s32 $0xFFFFE000  }
.Ltmp1:
0x9d: {  	s13 =	sor.u32 $0x1C04, s5;
	[bflag:$0x0] =	sbarrier.arrive $0xFFFF;
	(pc) =	sbr.rel @p0 .LBB2_1-.Ltmp1, $4  }
0x9e: {  	[hbm:s10], [sflag:s13] =	dma.local [spmem:s12], $0x1400  }
0x9f: {  	_ =	swait.ge [sflag:s0], $0x1400  }
0xa0: {  	[sflag:s0] =	ssyncset.done $0x0  }
0xa1: {  	[sflag:s0] =	ssyncadd.s32 $0xFFFFEC00  }
0xa2: {  	_ =	sfence.sel $0x180000  }
0xa3: {  	[bflag:$0x0] =	sbarrier.arrive $0xFFFF  }
0xa4: {  	_ =	strace $0x9000004D  }
0xa5: {  	s0 =	stileid.u32;
	[bflag:$0x2] =	sbarrier.arrive $0xFFFF  }
0xa6: {  	p0 =	sne.s32 s0, $0x0;
	s0 =	rddreg [dreg:$0x2]  }
0xa7: {  	s0 =	sadd.s32 @!p0 $0x100000, s0  }
0xa8: {  	[sflag:s0] =	ssyncadd.tile.s32 @!p0 $0x1;
	_ =	shalt  }
.Lfunc_end2:
_tile_overlayer_lowered:
.L_overlay_start_2:
0xa9: {  	(tag) =	ssettag $0x2  }
0xaa: {  	s0 =	rddreg [dreg:$0x0];
	s2 =	stileid.u32  }
0xab: {  	s1 =	rddreg [dreg:$0x1];
	p0 =	sne.s32 s2, $0x0  }
0xac: {  	s3 =	rddreg [dreg:$0x2];
	[bflag:$0x3] =	sbarrier.arrive $0xFFFF;
	s2 =	simm.s32 @!p0 $0x1C04  }
0xad: {  	[timem:s3], [sflag:s2] =	dma.local @!p0 [hbm:s0], s1  }
0xae: {  	s0 =	simm.s32 @!p0 $0x4  }
0xaf: {  	_ =	swait.ge @!p0 [sflag:s0], s1  }
0xb0: {  	s1 =	ssub.s32 @!p0 $0x0, s1;
	[sflag:s0] =	ssyncset.done @!p0 $0x0  }
0xb1: {  	[sflag:s0] =	ssyncadd.s32 @!p0 s1  }
0xb2: {  	[bflag:$0x3] =	sbarrier.arrive $0xFFFF  }
0xb3: {  	_ =	shalt  }

// kernel: kernel.8.cloned.1.call-start
scs
__scs_entry_jumppad:
0x0: {  	(pc) =	sbr.rel $0x88, $3  }
0x1: {  	(tag) =	ssettag $0x0;
	lr =	simm.s32 $0x1  }
0x2: {  	[smem:$0x3F98] =	sst lr;
	_ =	strace $0xD0000000  }
0x3: {  	_ = 	snop  }
0x4: {  	_ = 	snop  }
0x5: {  	_ = 	snop  }
0x6: {  	_ = 	snop  }
0x7: {  	_ = 	snop  }
__scs_overlays_trampoline_lowered:
0x8: {  	[smem:$0x3FA7] =	sst s0  }
0x9: {  	[smem:$0x3FA8] =	sst s1  }
0xa: {  	[smem:$0x3FA9] =	sst s2  }
0xb: {  	[smem:$0x3FAA] =	sst s3  }
0xc: {  	[smem:$0x3FAB] =	sst s4  }
0xd: {  	[smem:$0x3FAC] =	sst s5  }
0xe: {  	[smem:$0x3FAD] =	sst s6  }
0xf: {  	[smem:$0x3FAE] =	sst s7  }
0x10: {  	[smem:$0x3FAF] =	sst s8  }
0x11: {  	[smem:$0x3FB0] =	sst s9;
	s0 =	simm.s32 @!p0 $0x0  }
0x12: {  	s1 =	sld [smem:$0x3F96];
	s0 =	simm.s32 @p0 $0x1  }
0x13: {  	[smem:$0x3FB1] =	sst s0;
	s0 =	simm.s32 @!p1 $0x0  }
0x14: {  	s2 =	sld [smem:$0x3F95];
	s0 =	simm.s32 @p1 $0x1  }
0x15: {  	[smem:$0x3FB2] =	sst s0;
	s0 =	simm.s32 @!p2 $0x0  }
0x16: {  	s3 =	sld [smem:$0x3FDB];
	s0 =	simm.s32 @p2 $0x1  }
0x17: {  	s4 =	simm.s32 $0x1BF5;
	[smem:$0x3FB4] =	sst s0  }
0x18: {  	s0 =	sld [smem:$0x3F97];
	_ =	swait.ge [sflag:s4], $0x0  }
0x19: {  	s7 =	sld [smem:$0x3F98]  }
0x1a: {  	s8 =	sadd.s32 $0xFFFFE003, lr  }
0x1b: {  	s9 =	sadd.s32 $0xFFFFFEF7, lr;
	s5 =	simm.s32 $0xFFFFFFFF;
	p2 =	slt.u32 s8, $0xFFFFF086  }
0x1c: {  	p1 =	slt.u32 s9, $0xF7A;
	s5 =	simm.s32 @!p2 $0x0  }
0x1d: {  	s5 =	simm.s32 @p1 $0x1;
	p0 =	seq.s32 s7, s2  }
0x1e: {  	s7 =	smul.u32 @!p0 $0xF7A, s2;
	p2 =	seq.s32 @!p0 s5, $0x0  }
0x1f: {  	s9 =	smul.u32 $0xF7A, s1;
	s8 =	simm.s32 @!p0 $0x1BF5;
	p2 =	por !p2, p0  }
0x20: {  	[sflag:s8] =	ssyncset.s32 @!p0 $0xFFFFF086;
	s6 =	sadd.s32 @!p0 s3, s7;
	s7 =	simm.s32 @!p0 $0x108  }
0x21: {  	s3 =	sadd.s32 s3, s9;
	s6 =	sadd.s32 @!p0 $0x88, s6;
	s7 =	simm.s32 @p2 $0x1082  }
0x22: {  	[simem:s7], [sflag:s8] =	dma.local @!p0 [hbm:s6], $0xF7A  }
0x23: {  	s9 =	sor.u32 $0xD0000000, s2;
	s6 =	simm.s32 $0x108;
	_ =	swait.ge @!p0 [sflag:s8], $0x0  }
0x24: {  	s3 =	sadd.s32 $0x88, s3;
	s6 =	simm.s32 @!p1 $0x1082;
	[sflag:s4] =	ssyncset.s32 $0xFFFFF086  }
0x25: {  	[simem:s6], [sflag:s4] =	dma.local [hbm:s3], $0xF7A  }
0x26: {  	[smem:$0x3F98] =	sst s1;
	(tag) =	ssettag s2;
	_ =	strace s9  }
0x27: {  	s1 =	sld [smem:$0x3FA8]  }
0x28: {  	s2 =	sld [smem:$0x3FA9]  }
0x29: {  	s4 =	sld [smem:$0x3FAB]  }
0x2a: {  	p0 =	seq.s32 s5, $0x0;
	s5 =	sld [smem:$0x3FAC]  }
0x2b: {  	s6 =	sld [smem:$0x3FAD]  }
0x2c: {  	s7 =	sld [smem:$0x3FAE]  }
0x2d: {  	s3 =	simm.s32 $0x108;
	s8 =	sld [smem:$0x3FAF]  }
0x2e: {  	s3 =	simm.s32 @!p0 $0x1082;
	s9 =	sld [smem:$0x3FB0]  }
0x2f: {  	lr =	sadd.s32 s0, s3;
	s0 =	sld [smem:$0x3FA7]  }
0x30: {  	s3 =	sld [smem:$0x3FAA]  }
0x31: {  	[smem:$0x3FB3] =	sst s10  }
0x32: {  	s10 =	sld [smem:$0x3FB1];
	_ =	sdelay $0x3  }
0x33: {  	p0 =	seq.s32 s10, $0x1;
	s10 =	sld [smem:$0x3FB3];
	_ =	sdelay $0x3  }
0x34: {  	[smem:$0x3FB3] =	sst s10  }
0x35: {  	s10 =	sld [smem:$0x3FB2];
	_ =	sdelay $0x3  }
0x36: {  	p1 =	seq.s32 s10, $0x1;
	s10 =	sld [smem:$0x3FB3];
	_ =	sdelay $0x3  }
0x37: {  	[smem:$0x3FB3] =	sst s10  }
0x38: {  	s10 =	sld [smem:$0x3FB4]  }
0x39: {  	_ = 	snop;
	(pc) =	sbr.ind lr, $3  }
0x3a: {  	_ = 	snop  }
0x3b: {  	_ = 	snop  }
0x3c: {  	p2 =	seq.s32 s10, $0x1;
	s10 =	sld [smem:$0x3FB3]  }
0x3d: {  	_ =	shalt  }
0x3e: {  	_ =	shalt  }
0x3f: {  	_ =	shalt  }
0x40: {  	_ =	shalt  }
0x41: {  	_ =	shalt  }
0x42: {  	_ =	shalt  }
0x43: {  	_ =	shalt  }
0x44: {  	_ =	shalt  }
0x45: {  	_ =	shalt  }
0x46: {  	_ =	shalt  }
0x47: {  	_ =	shalt  }
0x48: {  	_ =	shalt  }
0x49: {  	_ =	shalt  }
0x4a: {  	_ =	shalt  }
0x4b: {  	_ =	shalt  }
0x4c: {  	_ =	shalt  }
0x4d: {  	_ =	shalt  }
0x4e: {  	_ =	shalt  }
0x4f: {  	_ =	shalt  }
0x50: {  	_ =	shalt  }
0x51: {  	_ =	shalt  }
0x52: {  	_ =	shalt  }
0x53: {  	_ =	shalt  }
0x54: {  	_ =	shalt  }
0x55: {  	_ =	shalt  }
0x56: {  	_ =	shalt  }
0x57: {  	_ =	shalt  }
0x58: {  	_ =	shalt  }
0x59: {  	_ =	shalt  }
0x5a: {  	_ =	shalt  }
0x5b: {  	_ =	shalt  }
0x5c: {  	_ =	shalt  }
0x5d: {  	_ =	shalt  }
0x5e: {  	_ =	shalt  }
0x5f: {  	_ =	shalt  }
0x60: {  	_ =	shalt  }
0x61: {  	_ =	shalt  }
0x62: {  	_ =	shalt  }
0x63: {  	_ =	shalt  }
0x64: {  	_ =	shalt  }
0x65: {  	_ =	shalt  }
0x66: {  	_ =	shalt  }
0x67: {  	_ =	shalt  }
0x68: {  	_ =	shalt  }
0x69: {  	_ =	shalt  }
0x6a: {  	_ =	shalt  }
0x6b: {  	_ =	shalt  }
0x6c: {  	_ =	shalt  }
0x6d: {  	_ =	shalt  }
0x6e: {  	_ =	shalt  }
0x6f: {  	_ =	shalt  }
0x70: {  	_ =	shalt  }
0x71: {  	_ =	shalt  }
0x72: {  	_ =	shalt  }
0x73: {  	_ =	shalt  }
0x74: {  	_ =	shalt  }
0x75: {  	_ =	shalt  }
0x76: {  	_ =	shalt  }
0x77: {  	_ =	shalt  }
0x78: {  	_ =	shalt  }
0x79: {  	_ =	shalt  }
0x7a: {  	_ =	shalt  }
0x7b: {  	_ =	shalt  }
0x7c: {  	_ =	shalt  }
0x7d: {  	_ =	shalt  }
0x7e: {  	_ =	shalt  }
0x7f: {  	_ =	shalt  }
0x80: {  	_ =	shalt  }
0x81: {  	_ =	shalt  }
0x82: {  	_ =	shalt  }
0x83: {  	_ =	shalt  }
0x84: {  	_ =	shalt  }
0x85: {  	_ =	shalt  }
0x86: {  	_ =	shalt  }
0x87: {  	_ =	shalt  }
.Lfunc_end0:
.L_simem_size_0:
called_computation_lowered:
.L_overlay_start_0:
0x88: {  	s2 =	sld [smem:$0x3FD9]  }
0x89: {  	s3 =	sld [smem:$0x3FFE];
	_ =	sdelay $0x1  }
0x8a: {  	s1 =	srdreg.scid  }
0x8b: {  	s0 =	sand.u32 $0x1, s1  }
0x8c: {  	s17 =	sshll.u32 s0, $0xA;
	s2 =	sadd.s32 s3, s2  }
0x8d: {  	s2 =	sadd.s32 s2, s17  }
0x8e: {  	[smem:$0x3FBF] =	sst s2  }
0x8f: {  	_ = 	snop  }
0x90: {  	s2 =	sld [smem:$0x3FD0];
	(tm) =	ssettm $0x1  }
0x91: {  	s18 =	sld [smem:$0x3FFB];
	_ =	sdelay $0x3  }
0x92: {  	_ =	strace s18  }
0x93: {  	s3 =	sld [smem:$0x3FFC];
	_ =	sdelay $0x3  }
0x94: {  	_ =	strace s3  }
0x95: {  	s3 =	sld [smem:$0x3FFD];
	_ =	sdelay $0x3  }
0x96: {  	_ =	strace s3  }
0x97: {  	_ =	strace $0x8FFFFFFF  }
0x98: {  	s19 =	sld [smem:$0x3FDB];
	_ =	sdelay $0x1  }
0x99: {  	s4 =	simm.s32 $_scs_section_size  }
0x9a: {  	s5 =	simm.s32 $_size__tile_overlayer_lowered;
	s6 =	simm.s32 $_tile_overlayer_lowered  }
0x9b: {  	s22 =	simm.s32 $0x1BFF;
	s21 =	sshll.u32 s6, $0x1;
	s3 =	sadd.s32 s4, s19  }
0x9c: {  	s7 =	simm.s32 $0x0;
	s20 =	sshll.u32 s5, $0x1;
	s5 =	sadd.s32 s21, s3  }
0x9d: {  	[timem:s7], [sflag:s22] =	dma.local [hbm:s5], s20  }
0x9e: {  	_ =	swait.ge [sflag:s22], s20  }
0x9f: {  	s4 =	ssub.s32 $0x0, s20;
	[sflag:s22] =	ssyncset.done $0x0  }
0xa0: {  	[sflag:s22] =	ssyncadd.s32 s4;
	_ =	sdelay $0x1  }
0xa1: {  	s23 =	simm.s32 $0x1B8B  }
0xa2: {  	_ =	swait.ge [sflag:s23], $0x1  }
0xa3: {  	[sflag:s23] =	ssyncset.done $0x0  }
0xa4: {  	s25 =	simm.s32 $0x1B8E;
	s24 =	sld [smem:$0x3FFE];
	[sflag:s23] =	ssyncadd.s32 $0xFFFFFFFF  }
0xa5: {  	s26 =	simm.s32 $execute0_lowered;
	[smem:$0x3FD2] =	sst s25  }
0xa6: {  	s5 =	sshll.u32 s26, $0x1;
	_ =	strace $0x80000046;
	[dreg:$0x1] =	wrdreg $0xFFFFFFFF  }
0xa7: {  	s28 =	simm.s32 $_size_execute0_lowered;
	s3 =	sadd.s32 s3, s5;
	[dreg:$0x0] =	wrdreg $0x0  }
0xa8: {  	s5 =	sshll.u32 s28, $0x1;
	[dreg:$0x2] =	wrdreg s3  }
0xa9: {  	[dreg:$0x3] =	wrdreg s5  }
0xaa: {  	[dreg:$0x4] =	wrdreg $0xC0  }
0xab: {  	_ =	task [dreg:s7], $0x5FFFF  }
0xac: {  	[dreg:$0x1] =	wrdreg $0xFFFFFFFF  }
0xad: {  	[dreg:$0x0] =	wrdreg $0x60  }
0xae: {  	[dreg:$0x2] =	wrdreg s24  }
0xaf: {  	[dreg:$0x3] =	wrdreg s2  }
0xb0: {  	[dreg:$0x4] =	wrdreg $0x1C000  }
0xb1: {  	[dreg:$0x5] =	wrdreg $0x9  }
0xb2: {  	_ =	task.clear_ibuf [dreg:s7], $0x6FFFF;
	_ =	strace $0x90000046  }
0xb3: {  	s29 =	simm.s32 $0x9;
	_ =	strace $0x80000048  }
0xb4: {  	_ =	swait.ge [sflag:s29], $0x1  }
0xb5: {  	[sflag:s29] =	ssyncadd.s32 $0xFFFFFFFF  }
0xb6: {  	_ =	strace $0x90000048  }
0xb7: {  	_ =	sfence  }
0xb8: {  	s30 =	sld [smem:$0x0];
	_ =	sdelay $0x2  }
0xb9: {  	s31 =	sshll.u32 s1, $0xD;
	s1 =	sshrl.u32 s1, $0x2  }
0xba: {  	s3 =	sand.u32 $0x4000, s31;
	s1 =	sadd.s32 s1, s30  }
0xbb: {  	s0 =	sor.u32 s3, s0;
	s1 =	sshll.u32 s1, $0x11  }
0xbc: {  	s0 =	sor.u32 s1, s0  }
0xbd: {  	s0 =	sadd.s32 $0x8F2B, s0  }
0xbe: {  	[sflag:s0] =	ssyncadd.remote.s32 $0x1  }
0xbf: {  	_ =	sfence.sel $0xFFFF  }
0xc0: {  	[dreg:$0x0] =	wrdreg $0xFFFFFFFF;
	(pc) =	sbr.abs _section_cstart, $3  }
0xc1: {  	[dreg:$0x1] =	wrdreg $0xFFFFFFFF  }
0xc2: {  	_ =	task.clear_ibuf [dreg:s7], $0x2FFFF;
	_ =	strace $0x9FFFFFFF  }
0xc3: {  	(tm) =	ssettm $0x7FFFFFFF  }
tec
execute0_lowered:
.L_overlay_start_1:
0x0: {  	(tag) =	ssettag $0x1  }
0x1: {  	s5 =	rddreg [dreg:$0x0]  }
0x2: {  	s1 =	srdreg.scid;
	s2 =	rddreg [dreg:$0x1]  }
0x3: {  	s0 =	stileid.u32;
	s3 =	rddreg [dreg:$0x2];
	s4 =	simm.s32 $0x0  }
0x4: {  	s13 =	simm.s32 $0x80;
	s14 =	simm.s32 $0x0;
	s6 =	sand.u32 $0x1, s1  }
0x5: {  	s30 =	sshll.u32 s0, $0x1;
	s8 =	smul.u32 $0x2800, s0;
	[smem:$0x7FF] =	sst s4  }
0x6: {  	s31 =	sshll.u32 s0, $0x6;
	s1 =	sor.u32 s6, s30;
	s9 =	smul.u32 $0x28000, s6  }
0x7: {  	s6 =	ssub.s32 $0x2, s6;
	s7 =	smul.u32 $0x280, s1;
	s1 =	rddreg [dreg:$0x3]  }
0x8: {  	_ =	strace $0x80000047;
	s10 =	sshrl.u32 s8, $0x3;
	s11 =	sshrl.u32 s6, $0x1  }
0x9: {  	s12 =	sadd.s32 s8, s3;
	s9 =	sadd.s32 s8, s9;
	s10 =	sadd.s32 s10, s5  }
0xa: {  	s11 =	ssub.s32 s6, s11;
	s12 =	sshrl.u32 s12, $0x3;
	s7 =	sadd.s32 s7, s5  }
0xb: {  	s9 =	sshrl.u32 s9, $0x3;
	s6 =	sadd.s32 $0x7E00, s10;
	s8 =	smax.u32 s11, $0x1  }
0xc: {  	s10 =	simm.s32 $0x1400;
	s11 =	sor.u32 $0x1C01, s31;
	s9 =	sadd.s32 s9, s5  }
0xd: {  	s5 =	sadd.s32 $0x2E00, s7;
	s7 =	sadd.s32 $0xCE00, s9;
	s9 =	simm.s32 $0x1  }
.LBB2_1:
0xe: {  	[tilespmem:s4], [sflag:$0x1] =	stream.linear.gather [hbm4b:s5+s4], $0x1400, $0x38;
	[tilespmem:$0x4400] =	vst v63  }
0xf: {  	_ =	swait.ge [sflag:s9], $0x1400  }
0x10: {  	[sflag:s9] =	ssyncset.done $0x0  }
0x11: {  	[sflag:s9] =	ssyncadd.s32 $0xFFFFEC00  }
0x12: {  	[tilespmem:s10], [sflag:$0x1] =	stream.linear.gather [hbm4b:s2+s4], $0x800, $0x38;
	[tilespmem:$0x4400] =	vst v63  }
0x13: {  	_ =	swait.ge [sflag:s9], $0x800  }
0x14: {  	[sflag:s9] =	ssyncset.done $0x0  }
0x15: {  	[sflag:s9] =	ssyncadd.s32 $0xFFFFF800  }
0x16: {  	[spmem:s12], [sflag:s11] =	dma.local [hbm:s6], $0x500  }
0x17: {  	_ =	swait.ge [sflag:s9], $0x500  }
0x18: {  	[sflag:s9] =	ssyncset.done $0x0  }
0x19: {  	[sflag:s9] =	ssyncadd.s32 $0xFFFFFB00  }
0x1a: {  	s15 =	simm.s32 $0x0;
	[bflag:$0x0] =	sbarrier.arrive $0xFFFF  }
0x1b: {  	[spmem:s3] =	stream.indirect.scatter.add.f32 [tilespmem:s10], [sflag:$0x1], $0x10, s15, s13, $0xb8;
	[tilespmem:$0x4400] =	vst v63  }
0x1c: {  	_ =	swait.ge [sflag:s9], $0x800  }
0x1d: {  	s15 =	simm.s32 $0x200;
	[sflag:s9] =	ssyncset.done $0x0  }
.LBB2_2:
0x1e: {  	s16 =	sshra.s32 s15, $0x2;
	[sflag:s9] =	ssyncadd.s32 $0xFFFFF800;
	p0 =	sne.s32 s15, $0x4E00  }
0x1f: {  	[spmem:s3] =	stream.indirect.scatter.add.f32 [tilespmem:s10], [sflag:$0x1], $0x10, s16, s13, $0xb8;
	[tilespmem:$0x4400] =	vst v63  }
.Ltmp0:
0x20: {  	_ = 	snop;
	(pc) =	sbr.rel @p0 .LBB2_2-.Ltmp0, $4  }
0x21: {  	_ = 	snop  }
0x22: {  	s15 =	sadd.s32 $0x200, s15  }
0x23: {  	_ =	swait.ge [sflag:s9], $0x800  }
0x24: {  	[sflag:s9] =	ssyncset.done $0x0  }
0x25: {  	s14 =	sadd.s32 $0x1, s14  }
0x26: {  	[sflag:s9] =	ssyncadd.s32 $0xFFFFF800;
	p0 =	sne.s32 s14, s8  }
.Ltmp1:
0x27: {  	[bflag:$0x0] =	sbarrier.arrive $0xFFFF;
	(pc) =	sbr.rel @p0 .LBB2_1-.Ltmp1, $4  }
0x28: {  	[hbm:s7], [sflag:s11] =	dma.local [spmem:s12], $0x500  }
0x29: {  	_ =	swait.ge [sflag:s9], $0x500  }
0x2a: {  	[sflag:s9] =	ssyncset.done $0x0  }
0x2b: {  	[sflag:s9] =	ssyncadd.s32 $0xFFFFFB00  }
0x2c: {  	_ =	sfence.sel $0x180000  }
0x2d: {  	[bflag:$0x0] =	sbarrier.arrive $0xFFFF  }
0x2e: {  	p0 =	sne.s32 s0, $0x0;
	_ =	strace $0x90000047  }
0x2f: {  	s0 =	sadd.s32 @!p0 $0x100000, s1;
	[bflag:$0x2] =	sbarrier.arrive $0xFFFF  }
0x30: {  	[sflag:s0] =	ssyncadd.tile.s32 @!p0 $0x1;
	_ =	shalt  }
.Lfunc_end2:
_tile_overlayer_lowered:
.L_overlay_start_2:
0x31: {  	(tag) =	ssettag $0x2  }
0x32: {  	s0 =	rddreg [dreg:$0x0];
	s2 =	stileid.u32  }
0x33: {  	s1 =	rddreg [dreg:$0x1];
	p0 =	sne.s32 s2, $0x0  }
0x34: {  	s3 =	rddreg [dreg:$0x2];
	[bflag:$0x3] =	sbarrier.arrive $0xFFFF;
	s2 =	simm.s32 @!p0 $0x1C01  }
0x35: {  	[timem:s3], [sflag:s2] =	dma.local @!p0 [hbm:s0], s1  }
0x36: {  	s0 =	simm.s32 @!p0 $0x1  }
0x37: {  	_ =	swait.ge @!p0 [sflag:s0], s1  }
0x38: {  	s1 =	ssub.s32 @!p0 $0x0, s1;
	[sflag:s0] =	ssyncset.done @!p0 $0x0  }
0x39: {  	[sflag:s0] =	ssyncadd.s32 @!p0 s1  }
0x3a: {  	[bflag:$0x3] =	sbarrier.arrive $0xFFFF  }
0x3b: {  	_ =	shalt  }

</sc_bundles>
